<compile_context>
chip_gen: v7x
topology: tpu7x:2x2x1
jax: 0.10.2.dev20260603
libtpu: 0.0.44.dev20260713+nightly
codegen_flags: <defaults>
</compile_context>

<pallas_src>
import jax
import jax.numpy as jnp
from jax import lax
from jax.experimental import pallas as pl
from jax.experimental.pallas import tpu as pltpu
from jax.experimental.pallas import tpu_sc as plsc

N = 50000
BG = 64
E = 500000
CHUNK = 50
NCHUNK = 625
GROUP = 5
NG = NCHUNK // GROUP
CCHUNK = 125
CNCHUNK = 250
RNG = 12544
NRANGE = 4
N_OUT = NRANGE * RNG
RPT = RNG // 16
AROWS = 12672
ZPT = AROWS // 16
CNT_HALF = 25088
CRPT = CNT_HALF // 16
N_TILE = 2000


def _clamp_to(dstbuf, cidxbuf, lo, width, trash):

    def rbody(r, carry):
        for off in (0, 16, 32, 48, 64, 80, 96, 109):
            d = dstbuf[r, pl.ds(off, 16)]
            ok = jnp.logical_and(d >= lo, d < lo + width)
            cidxbuf[r, pl.ds(off, 16)] = jnp.where(ok, d - lo, trash)
        return carry

    lax.fori_loop(0, CNCHUNK, rbody, 0)



def _sc_agg_body(xs, srcgt, dstgt, zacc,
                 agg_out,
                 acc_sh, srcb, dstb, cidx2, rows, sem0, sem1):
    c = lax.axis_index("c")
    s = lax.axis_index("s")
    rows0 = rows.at[pl.ds(0, CHUNK)]
    rows1 = rows.at[pl.ds(CHUNK, CHUNK)]

    def sidx(j):
        return srcb.at[(j // GROUP) % 2, j % GROUP]

    def cp_body(cp, carry):
        q = c * 2 + cp
        lo = q * RNG
        pltpu.sync_copy(srcgt.at[s, 0], srcb.at[0])
        pltpu.sync_copy(dstgt.at[s, 0], dstb.at[0])
        pltpu.sync_copy(zacc, acc_sh.at[pl.ds(s * ZPT, ZPT)])
        plsc.subcore_barrier()

        pltpu.async_copy(xs.at[sidx(0)], rows0, sem0)

        def body(j, carry2):
            par = j % 2
            g = j // GROUP

            @pl.when(jnp.logical_and(j % GROUP == 0, g < NG - 1))
            def _():
                pltpu.sync_copy(srcgt.at[s, g + 1], srcb.at[(g + 1) % 2])
                pltpu.sync_copy(dstgt.at[s, g + 1], dstb.at[(g + 1) % 2])

            @pl.when(jnp.logical_and(j < NCHUNK - 1, par == 0))
            def _():
                pltpu.async_copy(xs.at[sidx(j + 1)], rows1, sem1)

            @pl.when(jnp.logical_and(j < NCHUNK - 1, par == 1))
            def _():
                pltpu.async_copy(xs.at[sidx(j + 1)], rows0, sem0)

            for off in (0, 16, 32, 34):
                d = dstb[g % 2, j % GROUP, pl.ds(off, 16)]
                ok = jnp.logical_and(d >= lo, d < lo + RNG)
                cidx2[par, pl.ds(off, 16)] = jnp.where(ok, d - lo, RNG)

            @pl.when(par == 0)
            def _():
                pltpu.make_async_copy(xs.at[sidx(j)], rows0, sem0).wait()

            @pl.when(par == 1)
            def _():
                pltpu.make_async_copy(xs.at[sidx(j)], rows1, sem1).wait()

            pltpu.sync_copy(rows.at[pl.ds(par * CHUNK, CHUNK)],
                            acc_sh.at[cidx2.at[par]], add=True)
            return carry2

        lax.fori_loop(0, NCHUNK, body, 0)
        plsc.subcore_barrier()
        pltpu.sync_copy(acc_sh.at[pl.ds(s * RPT, RPT)],
                        agg_out.at[pl.ds(q * RNG + s * RPT, RPT)])
        return carry

    lax.fori_loop(0, 2, cp_body, 0)


_SC_MESH = plsc.VectorSubcoreMesh(
    core_axis_name="c", subcore_axis_name="s", num_cores=2, num_subcores=16)

_IDX_SCRATCH = pltpu.VMEM((CNCHUNK, CCHUNK), jnp.int32)


def _sc_agg(xs, srcgt, dstgt, zacc):
    f = pl.kernel(
        _sc_agg_body,
        out_type=jax.ShapeDtypeStruct((N_OUT, 128), jnp.float32),
        mesh=_SC_MESH,
        scratch_types=[
            pltpu.VMEM_SHARED((AROWS, 128), jnp.float32),
            pltpu.VMEM((2, GROUP, CHUNK), jnp.int32),
            pltpu.VMEM((2, GROUP, CHUNK), jnp.int32),
            pltpu.VMEM((2, CHUNK), jnp.int32),
            pltpu.VMEM((2 * CHUNK, 128), jnp.float32),
            pltpu.SemaphoreType.DMA,
            pltpu.SemaphoreType.DMA,
        ],
    )
    return f(xs, srcgt, dstgt, zacc)



def _sc_cnt_body(dstt_a, dstt_b, zcnt, ones16,
                 out_a, out_b,
                 sh, dbuf, cibuf, onesbuf, sem):
    c = lax.axis_index("c")
    s = lax.axis_index("s")
    half = N // 2

    pltpu.sync_copy(ones16, onesbuf)

    for dstt, out in ((dstt_a, out_a), (dstt_b, out_b)):
        pltpu.sync_copy(dstt.at[s], dbuf)
        _clamp_to(dbuf, cibuf, c * half, half, half)
        pltpu.sync_copy(zcnt, sh.at[pl.ds(s * CRPT, CRPT)])
        plsc.subcore_barrier()

        def body(g, carry):
            pltpu.sync_copy(onesbuf, sh.at[cibuf.at[g]], add=True)
            return carry

        lax.fori_loop(0, CNCHUNK, body, 0)
        plsc.subcore_barrier()
        pltpu.sync_copy(sh.at[pl.ds(s * CRPT, CRPT)],
                        out.at[c].at[pl.ds(s * CRPT, CRPT)])
        plsc.subcore_barrier()


def _sc_counts(dstt_a, dstt_b, zcnt, ones16):
    f = pl.kernel(
        _sc_cnt_body,
        out_type=(jax.ShapeDtypeStruct((2, CNT_HALF, 16), jnp.float32),
                  jax.ShapeDtypeStruct((2, CNT_HALF, 16), jnp.float32)),
        mesh=_SC_MESH,
        scratch_types=[
            pltpu.VMEM_SHARED((CNT_HALF, 16), jnp.float32),
            _IDX_SCRATCH, _IDX_SCRATCH,
            pltpu.VMEM((CCHUNK, 16), jnp.float32),
            pltpu.SemaphoreType.DMA,
        ],
    )
    return f(dstt_a, dstt_b, zcnt, ones16)



def _transform_body(agg_ref, cnt_ref, x_ref, wl_ref, wr_ref, b_ref, o_ref):
    inv = 1.0 / jnp.maximum(cnt_ref[...], 1.0)
    o_ref[...] = jnp.maximum(
        jnp.dot(agg_ref[...] * inv, wl_ref[...],
                preferred_element_type=jnp.float32)
        + jnp.dot(x_ref[...], wr_ref[...], preferred_element_type=jnp.float32)
        + b_ref[...],
        0.0)


def _transform(agg, cnt, x, W_l, W_r, b):
    return pl.pallas_call(
        _transform_body,
        grid=(N // N_TILE,),
        in_specs=[
            pl.BlockSpec((N_TILE, 128), lambda i: (i, 0)),
            pl.BlockSpec((N_TILE, 1), lambda i: (i, 0)),
            pl.BlockSpec((N_TILE, 128), lambda i: (i, 0)),
            pl.BlockSpec((128, 128), lambda i: (0, 0)),
            pl.BlockSpec((128, 128), lambda i: (0, 0)),
            pl.BlockSpec((1, 128), lambda i: (0, 0)),
        ],
        out_specs=pl.BlockSpec((N_TILE, 128), lambda i: (i, 0)),
        out_shape=jax.ShapeDtypeStruct((N, 128), jnp.float32),
    )(agg, cnt, x, W_l, W_r, b.reshape(1, 128))


def _pool_body(agg_ref, cnt_ref, h_ref, bat_ref, r_ref, s_ref, g_ref):
    i = pl.program_id(0)

    @pl.when(i == 0)
    def _():
        r_ref[...] = jnp.zeros_like(r_ref)
        s_ref[...] = jnp.zeros_like(s_ref)
        g_ref[...] = jnp.zeros_like(g_ref)

    inv = 1.0 / jnp.maximum(cnt_ref[...], 1.0)
    iota_g = lax.broadcasted_iota(jnp.int32, (1, BG), 1).astype(jnp.float32)
    oh = (bat_ref[...] == iota_g).astype(jnp.float32)
    dn = (((0,), (0,)), ((), ()))
    r_ref[...] += lax.dot_general(oh, agg_ref[...] * inv, dn,
                                  preferred_element_type=jnp.float32)
    s_ref[...] += lax.dot_general(oh, h_ref[...], dn,
                                  preferred_element_type=jnp.float32)
    g_ref[...] += jnp.sum(oh, axis=0, keepdims=True)


def _pool_reduce(agg2, cnt, h, batchf):
    return pl.pallas_call(
        _pool_body,
        grid=(N // N_TILE,),
        in_specs=[
            pl.BlockSpec((N_TILE, 128), lambda i: (i, 0)),
            pl.BlockSpec((N_TILE, 1), lambda i: (i, 0)),
            pl.BlockSpec((N_TILE, 128), lambda i: (i, 0)),
            pl.BlockSpec((N_TILE, 1), lambda i: (i, 0)),
        ],
        out_specs=[
            pl.BlockSpec((BG, 128), lambda i: (0, 0)),
            pl.BlockSpec((BG, 128), lambda i: (0, 0)),
            pl.BlockSpec((1, BG), lambda i: (0, 0)),
        ],
        out_shape=[
            jax.ShapeDtypeStruct((BG, 128), jnp.float32),
            jax.ShapeDtypeStruct((BG, 128), jnp.float32),
            jax.ShapeDtypeStruct((1, BG), jnp.float32),
        ],
    )(agg2, cnt, h, batchf)



def _prep_edges(edge_index):
    src = edge_index[0].astype(jnp.int32)
    dst = edge_index[1].astype(jnp.int32)
    return (src.reshape(16, NG, GROUP, CHUNK), dst.reshape(16, NG, GROUP, CHUNK),
            dst.reshape(16, CNCHUNK, CCHUNK))


def _splice_cnt(cnt2):
    half = N // 2
    return jnp.concatenate([cnt2[0, :half, 0], cnt2[1, :half, 0]])[:, None]


def kernel(x_user, x_item, edge_index_u2i, edge_index_i2u, batch_user, batch_item,
           W1_ui_l, b1_ui_l, W1_ui_r, W1_iu_l, b1_iu_l, W1_iu_r,
           W2_ui_l, b2_ui_l, W2_ui_r, W2_iu_l, b2_iu_l, W2_iu_r,
           W_lin1, b_lin1, W_lin2, b_lin2):
    zacc = jnp.zeros((ZPT, 128), jnp.float32)
    zcnt = jnp.zeros((CRPT, 16), jnp.float32)
    ones16 = jnp.zeros((CCHUNK, 16), jnp.float32).at[:, 0].set(1.0)

    srcgt_ui, dstgt_ui, dstt_ui = _prep_edges(edge_index_u2i)
    srcgt_iu, dstgt_iu, dstt_iu = _prep_edges(edge_index_i2u)

    ones_e = jnp.ones((E,), jnp.float32)
    cnt_item = jax.ops.segment_sum(
        ones_e, edge_index_u2i[1].astype(jnp.int32), num_segments=N)[:, None]
    cnt_user = jax.ops.segment_sum(
        ones_e, edge_index_i2u[1].astype(jnp.int32), num_segments=N)[:, None]

    def _jagg(xs, ei):
        sidx = ei[0].astype(jnp.int32); didx = ei[1].astype(jnp.int32)
        a = jax.ops.segment_sum(jnp.take(xs, sidx, axis=0), didx, num_segments=N)
        return jnp.pad(a, ((0, N_OUT - N), (0, 0)))
    agg1_item = _jagg(x_user, edge_index_u2i)
    agg1_user = _jagg(x_item, edge_index_i2u)
    h_item = _transform(agg1_item, cnt_item, x_item, W1_ui_l, W1_ui_r, b1_ui_l)
    h_user = _transform(agg1_user, cnt_user, x_user, W1_iu_l, W1_iu_r, b1_iu_l)

    agg2_item = _jagg(h_user, edge_index_u2i)
    agg2_user = _jagg(h_item, edge_index_i2u)

    batchf_item = batch_item.astype(jnp.float32)[:, None]
    batchf_user = batch_user.astype(jnp.float32)[:, None]
    R_i, S_i, G_i = _pool_reduce(agg2_item, cnt_item, h_item, batchf_item)
    R_u, S_u, G_u = _pool_reduce(agg2_user, cnt_user, h_user, batchf_user)

    def head(R, S, G, W_l, b_l, W_r):
        ginv = 1.0 / jnp.maximum(G[0], 1.0)
        return (R * ginv[:, None]) @ W_l + b_l + (S * ginv[:, None]) @ W_r

    p_item = head(R_i, S_i, G_i, W2_ui_l, b2_ui_l, W2_ui_r)
    p_user = head(R_u, S_u, G_u, W2_iu_l, b2_iu_l, W2_iu_r)
    x_pool = jnp.concatenate([p_user, p_item], axis=1)
    x_pool = jax.nn.relu(x_pool @ W_lin1 + b_lin1)
    logits = x_pool @ W_lin2 + b_lin2
    return jax.nn.log_softmax(logits, axis=1)

# --- scband reference (transcript-rebuilt; emitter-appended) ---
"""Pipeline reference for scband-hetero-graph-classification-model-24661702214221 (READ-ONLY COPY).

The authoritative reference and input builder live on the scoring server;
editing this copy changes nothing except your own understanding.
"""

import jax, jax.numpy as jnp
import numpy as np

N_USER = 50000
N_ITEM = 50000
E = 500000
D = 128
H = 128
B = 64
NUM_CLASSES = 10


def _sage_conv(x_src, x_dst, edge_index, W_l, b_l, W_r):
    # PyG SAGEConv with mean aggregation:
    # out = lin_l(mean_{j in N(i)} x_j) + lin_r(x_i)
    src = edge_index[0]
    dst = edge_index[1]
    msg = jnp.take(x_src, src, axis=0)
    agg = jax.ops.segment_sum(msg, dst, num_segments=x_dst.shape[0])
    cnt = jax.ops.segment_sum(jnp.ones((edge_index.shape[1],), dtype=x_src.dtype), dst, num_segments=x_dst.shape[0])
    mean = agg / jnp.maximum(cnt, 1.0)[:, None]
    return mean @ W_l + b_l + x_dst @ W_r


def _global_mean_pool(x, batch, num_graphs):
    s = jax.ops.segment_sum(x, batch, num_segments=num_graphs)
    c = jax.ops.segment_sum(jnp.ones((x.shape[0],), dtype=x.dtype), batch, num_segments=num_graphs)
    return s / jnp.maximum(c, 1.0)[:, None]


def setup_inputs(seed: int = 0) -> dict:
    key = jax.random.key(seed)
    ks = [jax.random.fold_in(key, i) for i in range(32)]
    inp = {}
    inp["x_user"] = jax.random.normal(ks[0], (N_USER, D), dtype=jnp.float32)
    inp["x_item"] = jax.random.normal(ks[1], (N_ITEM, D), dtype=jnp.float32)
    inp["edge_index_u2i"] = jax.random.randint(ks[2], (2, E), 0, N_USER).astype(jnp.int64)
    inp["edge_index_i2u"] = jax.random.randint(ks[3], (2, E), 0, N_ITEM).astype(jnp.int64)
    inp["batch_user"] = jnp.sort(jax.random.randint(ks[4], (N_USER,), 0, B)).astype(jnp.int64)
    inp["batch_item"] = jnp.sort(jax.random.randint(ks[5], (N_ITEM,), 0, B)).astype(jnp.int64)
    sd = 1.0 / np.sqrt(D)
    sh = 1.0 / np.sqrt(H)
    # conv1 weights (one SAGEConv per edge type)
    inp["W1_ui_l"] = jax.random.normal(ks[6], (D, H), dtype=jnp.float32) * sd
    inp["b1_ui_l"] = jnp.zeros((H,), dtype=jnp.float32)
    inp["W1_ui_r"] = jax.random.normal(ks[7], (D, H), dtype=jnp.float32) * sd
    inp["W1_iu_l"] = jax.random.normal(ks[8], (D, H), dtype=jnp.float32) * sd
    inp["b1_iu_l"] = jnp.zeros((H,), dtype=jnp.float32)
    inp["W1_iu_r"] = jax.random.normal(ks[9], (D, H), dtype=jnp.float32) * sd
    # conv2 weights
    inp["W2_ui_l"] = jax.random.normal(ks[10], (H, H), dtype=jnp.float32) * sh
    inp["b2_ui_l"] = jnp.zeros((H,), dtype=jnp.float32)
    inp["W2_ui_r"] = jax.random.normal(ks[11], (H, H), dtype=jnp.float32) * sh
    inp["W2_iu_l"] = jax.random.normal(ks[12], (H, H), dtype=jnp.float32) * sh
    inp["b2_iu_l"] = jnp.zeros((H,), dtype=jnp.float32)
    inp["W2_iu_r"] = jax.random.normal(ks[13], (H, H), dtype=jnp.float32) * sh
    # readout MLP: lin1 in = H * num_node_types = 256
    inp["W_lin1"] = jax.random.normal(ks[14], (2 * H, H), dtype=jnp.float32) * (1.0 / np.sqrt(2 * H))
    inp["b_lin1"] = jnp.zeros((H,), dtype=jnp.float32)
    inp["W_lin2"] = jax.random.normal(ks[15], (H, NUM_CLASSES), dtype=jnp.float32) * sh
    inp["b_lin2"] = jnp.zeros((NUM_CLASSES,), dtype=jnp.float32)
    return inp


def reference(x_user, x_item, edge_index_u2i, edge_index_i2u, batch_user, batch_item,
              W1_ui_l, b1_ui_l, W1_ui_r, W1_iu_l, b1_iu_l, W1_iu_r,
              W2_ui_l, b2_ui_l, W2_ui_r, W2_iu_l, b2_iu_l, W2_iu_r,
              W_lin1, b_lin1, W_lin2, b_lin2):
    # conv1 (HeteroConv): each dst node type receives from exactly one edge type
    h_item = _sage_conv(x_user, x_item, edge_index_u2i, W1_ui_l, b1_ui_l, W1_ui_r)
    h_user = _sage_conv(x_item, x_user, edge_index_i2u, W1_iu_l, b1_iu_l, W1_iu_r)
    h_item = jax.nn.relu(h_item)
    h_user = jax.nn.relu(h_user)
    # conv2
    h_item2 = _sage_conv(h_user, h_item, edge_index_u2i, W2_ui_l, b2_ui_l, W2_ui_r)
    h_user2 = _sage_conv(h_item, h_user, edge_index_i2u, W2_iu_l, b2_iu_l, W2_iu_r)
    # global mean pool per node type, cat in metadata node-type order (user, item)
    p_user = _global_mean_pool(h_user2, batch_user, B)
    p_item = _global_mean_pool(h_item2, batch_item, B)
    x_pool = jnp.concatenate([p_user, p_item], axis=1)
    x_pool = jax.nn.relu(x_pool @ W_lin1 + b_lin1)
    logits = x_pool @ W_lin2 + b_lin2
    return jax.nn.log_softmax(logits, axis=1)

if __name__ == "__main__":
    import jax
    _d = setup_inputs()
    print(jax.jit(kernel)(*tuple(_d.values())))

</pallas_src>

<mosaic_0001>
module attributes {stable_mosaic.version = 14 : i64} {
  func.func @_transform_body(%arg0: i32, %arg1: memref<2000x128xf32, #tpu.memory_space<vmem>>, %arg2: memref<2000x1xf32, #tpu.memory_space<vmem>>, %arg3: memref<2000x128xf32, #tpu.memory_space<vmem>>, %arg4: memref<128x128xf32, #tpu.memory_space<vmem>>, %arg5: memref<128x128xf32, #tpu.memory_space<vmem>>, %arg6: memref<1x128xf32, #tpu.memory_space<vmem>>, %arg7: memref<2000x128xf32, #tpu.memory_space<vmem>>) attributes {dimension_semantics = [#tpu.dimension_semantics<arbitrary>], iteration_bounds = array<i64: 25>, scalar_prefetch = 0 : i64, scratch_operands = 0 : i64, tpu.core_type = #tpu.core_type<tc>, window_params = [{transform_indices = @transform_0, window_bounds = array<i64: 2000, 128>}, {transform_indices = @transform_1, window_bounds = array<i64: 2000, 1>}, {transform_indices = @transform_2, window_bounds = array<i64: 2000, 128>}, {pipeline_mode = #tpu.pipeline_mode<synchronous>, transform_indices = @transform_3, window_bounds = array<i64: 128, 128>}, {pipeline_mode = #tpu.pipeline_mode<synchronous>, transform_indices = @transform_4, window_bounds = array<i64: 128, 128>}, {pipeline_mode = #tpu.pipeline_mode<synchronous>, transform_indices = @transform_5, window_bounds = array<i64: 1, 128>}, {transform_indices = @transform_6, window_bounds = array<i64: 2000, 128>}]} {
    %get3A = arith.constant 0 : index
    %get3A_0 = arith.constant 0 : index
    %get3A_1 = vector.load %arg2[%get3A, %get3A_0] : memref<2000x1xf32, #tpu.memory_space<vmem>>, vector<2000x1xf32>
    %max3A = arith.constant 1.000000e+00 : f32
    %max3A_2 = vector.broadcast %max3A : f32 to vector<2000x1xf32>
    %max3A_3 = arith.maximumf %get3A_1, %max3A_2 : vector<2000x1xf32>
    %div3A = arith.constant 1.000000e+00 : f32
    %div3A_4 = vector.broadcast %div3A : f32 to vector<2000x1xf32>
    %div3A_5 = arith.divf %div3A_4, %max3A_3 : vector<2000x1xf32>
    %get3A_6 = arith.constant 0 : index
    %get3A_7 = arith.constant 0 : index
    %get3A_8 = vector.load %arg1[%get3A_6, %get3A_7] : memref<2000x128xf32, #tpu.memory_space<vmem>>, vector<2000x128xf32>
    %mul3A = vector.broadcast %div3A_5 : vector<2000x1xf32> to vector<2000x128xf32>
    %mul3A_9 = arith.mulf %get3A_8, %mul3A : vector<2000x128xf32>
    %get3A_10 = arith.constant 0 : index
    %get3A_11 = arith.constant 0 : index
    %get3A_12 = vector.load %arg4[%get3A_10, %get3A_11] : memref<128x128xf32, #tpu.memory_space<vmem>>, vector<128x128xf32>
    %dot_general3A = arith.constant dense<0.000000e+00> : vector<2000x128xf32>
    %dot_general3A_13 = tpu.matmul %mul3A_9, %get3A_12, %dot_general3A {dimension_numbers = #tpu.dot_dimension_numbers<[1], [0], [0], [1], [0, 0, 1, 1], [], []>, transpose_lhs_hint = false} : vector<2000x128xf32>, vector<128x128xf32>, vector<2000x128xf32> -> vector<2000x128xf32>
    %get3A_14 = arith.constant 0 : index
    %get3A_15 = arith.constant 0 : index
    %get3A_16 = vector.load %arg3[%get3A_14, %get3A_15] : memref<2000x128xf32, #tpu.memory_space<vmem>>, vector<2000x128xf32>
    %get3A_17 = arith.constant 0 : index
    %get3A_18 = arith.constant 0 : index
    %get3A_19 = vector.load %arg5[%get3A_17, %get3A_18] : memref<128x128xf32, #tpu.memory_space<vmem>>, vector<128x128xf32>
    %dot_general3A_20 = arith.constant dense<0.000000e+00> : vector<2000x128xf32>
    %dot_general3A_21 = tpu.matmul %get3A_16, %get3A_19, %dot_general3A_20 {dimension_numbers = #tpu.dot_dimension_numbers<[1], [0], [0], [1], [0, 0, 1, 1], [], []>, transpose_lhs_hint = false} : vector<2000x128xf32>, vector<128x128xf32>, vector<2000x128xf32> -> vector<2000x128xf32>
    %add3A = arith.addf %dot_general3A_13, %dot_general3A_21 : vector<2000x128xf32>
    %get3A_22 = arith.constant 0 : index
    %get3A_23 = arith.constant 0 : index
    %get3A_24 = vector.load %arg6[%get3A_22, %get3A_23] : memref<1x128xf32, #tpu.memory_space<vmem>>, vector<1x128xf32>
    %add3A_25 = vector.broadcast %get3A_24 : vector<1x128xf32> to vector<2000x128xf32>
    %add3A_26 = arith.addf %add3A, %add3A_25 : vector<2000x128xf32>
    %max3A_27 = arith.constant 0.000000e+00 : f32
    %max3A_28 = vector.broadcast %max3A_27 : f32 to vector<2000x128xf32>
    %max3A_29 = arith.maximumf %add3A_26, %max3A_28 : vector<2000x128xf32>
    %swap3A = arith.constant 0 : index
    %swap3A_30 = arith.constant 0 : index
    %swap3A_31 = vector.load %arg7[%swap3A, %swap3A_30] : memref<2000x128xf32, #tpu.memory_space<vmem>>, vector<2000x128xf32>
    tpu.vector_store %arg7[%swap3A, %swap3A_30], %max3A_29 {strides = array<i32>} : memref<2000x128xf32, #tpu.memory_space<vmem>>, vector<2000x128xf32>,
    return
  }
  func.func @transform_0(%arg0: i32) -> (i32, i32) {
    %c0_i32 = arith.constant 0 : i32
    %c0_i32_0 = arith.constant 0 : i32
    return %arg0, %c0_i32 : i32, i32
  }
  func.func @transform_1(%arg0: i32) -> (i32, i32) {
    %c0_i32 = arith.constant 0 : i32
    %c0_i32_0 = arith.constant 0 : i32
    return %arg0, %c0_i32 : i32, i32
  }
  func.func @transform_2(%arg0: i32) -> (i32, i32) {
    %c0_i32 = arith.constant 0 : i32
    %c0_i32_0 = arith.constant 0 : i32
    return %arg0, %c0_i32 : i32, i32
  }
  func.func @transform_3(%arg0: i32) -> (i32, i32) {
    %c0_i32 = arith.constant 0 : i32
    %c0_i32_0 = arith.constant 0 : i32
    %c0_i32_1 = arith.constant 0 : i32
    return %c0_i32, %c0_i32_0 : i32, i32
  }
  func.func @transform_4(%arg0: i32) -> (i32, i32) {
    %c0_i32 = arith.constant 0 : i32
    %c0_i32_0 = arith.constant 0 : i32
    %c0_i32_1 = arith.constant 0 : i32
    return %c0_i32, %c0_i32_0 : i32, i32
  }
  func.func @transform_5(%arg0: i32) -> (i32, i32) {
    %c0_i32 = arith.constant 0 : i32
    %c0_i32_0 = arith.constant 0 : i32
    %c0_i32_1 = arith.constant 0 : i32
    return %c0_i32, %c0_i32_0 : i32, i32
  }
  func.func @transform_6(%arg0: i32) -> (i32, i32) {
    %c0_i32 = arith.constant 0 : i32
    %c0_i32_0 = arith.constant 0 : i32
    return %arg0, %c0_i32 : i32, i32
  }
}

module attributes {stable_mosaic.version = 14 : i64} {
  func.func @_pool_body(%arg0: i32, %arg1: memref<2000x128xf32, #tpu.memory_space<vmem>>, %arg2: memref<2000x1xf32, #tpu.memory_space<vmem>>, %arg3: memref<2000x128xf32, #tpu.memory_space<vmem>>, %arg4: memref<2000x1xf32, #tpu.memory_space<vmem>>, %arg5: memref<64x128xf32, #tpu.memory_space<vmem>>, %arg6: memref<64x128xf32, #tpu.memory_space<vmem>>, %arg7: memref<1x64xf32, #tpu.memory_space<vmem>>) attributes {dimension_semantics = [#tpu.dimension_semantics<arbitrary>], iteration_bounds = array<i64: 25>, scalar_prefetch = 0 : i64, scratch_operands = 0 : i64, tpu.core_type = #tpu.core_type<tc>, window_params = [{transform_indices = @transform_0, window_bounds = array<i64: 2000, 128>}, {transform_indices = @transform_1, window_bounds = array<i64: 2000, 1>}, {transform_indices = @transform_2, window_bounds = array<i64: 2000, 128>}, {transform_indices = @transform_3, window_bounds = array<i64: 2000, 1>}, {pipeline_mode = #tpu.pipeline_mode<synchronous>, transform_indices = @transform_4, window_bounds = array<i64: 64, 128>}, {pipeline_mode = #tpu.pipeline_mode<synchronous>, transform_indices = @transform_5, window_bounds = array<i64: 64, 128>}, {pipeline_mode = #tpu.pipeline_mode<synchronous>, transform_indices = @transform_6, window_bounds = array<i64: 1, 64>}]} {
    %eq3A = arith.constant 0 : i32
    %eq3A_0 = arith.cmpi eq, %arg0, %eq3A : i32
    %convert_element_type3A = arith.extui %eq3A_0 : i1 to i32
    %cond3A = arith.constant 0 : i32
    %cond3A_1 = arith.cmpi ne, %convert_element_type3A, %cond3A : i32
    scf.if %cond3A_1 {
      %broadcast_in_dim3A_47 = arith.constant 0.000000e+00 : f32
      %broadcast_in_dim3A_48 = vector.broadcast %broadcast_in_dim3A_47 : f32 to vector<64x128xf32>
      %swap3A_49 = arith.constant 0 : index
      %swap3A_50 = arith.constant 0 : index
      %swap3A_51 = vector.load %arg5[%swap3A_49, %swap3A_50] : memref<64x128xf32, #tpu.memory_space<vmem>>, vector<64x128xf32>
      tpu.vector_store %arg5[%swap3A_49, %swap3A_50], %broadcast_in_dim3A_48 {strides = array<i32>} : memref<64x128xf32, #tpu.memory_space<vmem>>, vector<64x128xf32>,
      %broadcast_in_dim3A_52 = arith.constant 0.000000e+00 : f32
      %broadcast_in_dim3A_53 = vector.broadcast %broadcast_in_dim3A_52 : f32 to vector<64x128xf32>
      %swap3A_54 = arith.constant 0 : index
      %swap3A_55 = arith.constant 0 : index
      %swap3A_56 = vector.load %arg6[%swap3A_54, %swap3A_55] : memref<64x128xf32, #tpu.memory_space<vmem>>, vector<64x128xf32>
      tpu.vector_store %arg6[%swap3A_54, %swap3A_55], %broadcast_in_dim3A_53 {strides = array<i32>} : memref<64x128xf32, #tpu.memory_space<vmem>>, vector<64x128xf32>,
      %broadcast_in_dim3A_57 = arith.constant 0.000000e+00 : f32
      %broadcast_in_dim3A_58 = vector.broadcast %broadcast_in_dim3A_57 : f32 to vector<1x64xf32>
      %swap3A_59 = arith.constant 0 : index
      %swap3A_60 = arith.constant 0 : index
      %swap3A_61 = vector.load %arg7[%swap3A_59, %swap3A_60] : memref<1x64xf32, #tpu.memory_space<vmem>>, vector<1x64xf32>
      tpu.vector_store %arg7[%swap3A_59, %swap3A_60], %broadcast_in_dim3A_58 {strides = array<i32>} : memref<1x64xf32, #tpu.memory_space<vmem>>, vector<1x64xf32>,
    } else {
    }
    %get3A = arith.constant 0 : index
    %get3A_2 = arith.constant 0 : index
    %get3A_3 = vector.load %arg2[%get3A, %get3A_2] : memref<2000x1xf32, #tpu.memory_space<vmem>>, vector<2000x1xf32>
    %max3A = arith.constant 1.000000e+00 : f32
    %max3A_4 = vector.broadcast %max3A : f32 to vector<2000x1xf32>
    %max3A_5 = arith.maximumf %get3A_3, %max3A_4 : vector<2000x1xf32>
    %div3A = arith.constant 1.000000e+00 : f32
    %div3A_6 = vector.broadcast %div3A : f32 to vector<2000x1xf32>
    %div3A_7 = arith.divf %div3A_6, %max3A_5 : vector<2000x1xf32>
    %iota3A = tpu.iota {dimensions = array<i32: 1>} : vector<1x64xi32>
    %convert_element_type3A_8 = arith.sitofp %iota3A : vector<1x64xi32> to vector<1x64xf32>
    %get3A_9 = arith.constant 0 : index
    %get3A_10 = arith.constant 0 : index
    %get3A_11 = vector.load %arg4[%get3A_9, %get3A_10] : memref<2000x1xf32, #tpu.memory_space<vmem>>, vector<2000x1xf32>
    %eq3A_12 = vector.broadcast %get3A_11 : vector<2000x1xf32> to vector<2000x64xf32>
    %eq3A_13 = vector.broadcast %convert_element_type3A_8 : vector<1x64xf32> to vector<2000x64xf32>
    %eq3A_14 = arith.cmpf oeq, %eq3A_12, %eq3A_13 : vector<2000x64xf32>
    %convert_element_type3A_15 = arith.extui %eq3A_14 : vector<2000x64xi1> to vector<2000x64xi32>
    %convert_element_type3A_16 = arith.sitofp %convert_element_type3A_15 : vector<2000x64xi32> to vector<2000x64xf32>
    %get3A_17 = arith.constant 0 : index
    %get3A_18 = arith.constant 0 : index
    %get3A_19 = vector.load %arg5[%get3A_17, %get3A_18] : memref<64x128xf32, #tpu.memory_space<vmem>>, vector<64x128xf32>
    %get3A_20 = arith.constant 0 : index
    %get3A_21 = arith.constant 0 : index
    %get3A_22 = vector.load %arg1[%get3A_20, %get3A_21] : memref<2000x128xf32, #tpu.memory_space<vmem>>, vector<2000x128xf32>
    %mul3A = vector.broadcast %div3A_7 : vector<2000x1xf32> to vector<2000x128xf32>
    %mul3A_23 = arith.mulf %get3A_22, %mul3A : vector<2000x128xf32>
    %dot_general3A = arith.constant dense<0.000000e+00> : vector<64x128xf32>
    %dot_general3A_24 = tpu.matmul %convert_element_type3A_16, %mul3A_23, %dot_general3A {dimension_numbers = #tpu.dot_dimension_numbers<[0], [0], [1], [1], [0, 1, 1, 1], [], []>, transpose_lhs_hint = false} : vector<2000x64xf32>, vector<2000x128xf32>, vector<64x128xf32> -> vector<64x128xf32>
    %add3A = arith.addf %get3A_19, %dot_general3A_24 : vector<64x128xf32>
    %swap3A = arith.constant 0 : index
    %swap3A_25 = arith.constant 0 : index
    %swap3A_26 = vector.load %arg5[%swap3A, %swap3A_25] : memref<64x128xf32, #tpu.memory_space<vmem>>, vector<64x128xf32>
    tpu.vector_store %arg5[%swap3A, %swap3A_25], %add3A {strides = array<i32>} : memref<64x128xf32, #tpu.memory_space<vmem>>, vector<64x128xf32>,
    %get3A_27 = arith.constant 0 : index
    %get3A_28 = arith.constant 0 : index
    %get3A_29 = vector.load %arg6[%get3A_27, %get3A_28] : memref<64x128xf32, #tpu.memory_space<vmem>>, vector<64x128xf32>
    %get3A_30 = arith.constant 0 : index
    %get3A_31 = arith.constant 0 : index
    %get3A_32 = vector.load %arg3[%get3A_30, %get3A_31] : memref<2000x128xf32, #tpu.memory_space<vmem>>, vector<2000x128xf32>
    %dot_general3A_33 = arith.constant dense<0.000000e+00> : vector<64x128xf32>
    %dot_general3A_34 = tpu.matmul %convert_element_type3A_16, %get3A_32, %dot_general3A_33 {dimension_numbers = #tpu.dot_dimension_numbers<[0], [0], [1], [1], [0, 1, 1, 1], [], []>, transpose_lhs_hint = false} : vector<2000x64xf32>, vector<2000x128xf32>, vector<64x128xf32> -> vector<64x128xf32>
    %add3A_35 = arith.addf %get3A_29, %dot_general3A_34 : vector<64x128xf32>
    %swap3A_36 = arith.constant 0 : index
    %swap3A_37 = arith.constant 0 : index
    %swap3A_38 = vector.load %arg6[%swap3A_36, %swap3A_37] : memref<64x128xf32, #tpu.memory_space<vmem>>, vector<64x128xf32>
    tpu.vector_store %arg6[%swap3A_36, %swap3A_37], %add3A_35 {strides = array<i32>} : memref<64x128xf32, #tpu.memory_space<vmem>>, vector<64x128xf32>,
    %get3A_39 = arith.constant 0 : index
    %get3A_40 = arith.constant 0 : index
    %get3A_41 = vector.load %arg7[%get3A_39, %get3A_40] : memref<1x64xf32, #tpu.memory_space<vmem>>, vector<1x64xf32>
    %reduce_sum3A = arith.constant dense<0.000000e+00> : vector<64xf32>
    %reduce_sum3A_42 = vector.multi_reduction <add>, %convert_element_type3A_16, %reduce_sum3A [0] : vector<2000x64xf32> to vector<64xf32>
    %broadcast_in_dim3A = vector.shape_cast %reduce_sum3A_42 : vector<64xf32> to vector<1x64xf32>
    %add3A_43 = arith.addf %get3A_41, %broadcast_in_dim3A : vector<1x64xf32>
    %swap3A_44 = arith.constant 0 : index
    %swap3A_45 = arith.constant 0 : index
    %swap3A_46 = vector.load %arg7[%swap3A_44, %swap3A_45] : memref<1x64xf32, #tpu.memory_space<vmem>>, vector<1x64xf32>
    tpu.vector_store %arg7[%swap3A_44, %swap3A_45], %add3A_43 {strides = array<i32>} : memref<1x64xf32, #tpu.memory_space<vmem>>, vector<1x64xf32>,
    return
  }
  func.func @transform_0(%arg0: i32) -> (i32, i32) {
    %c0_i32 = arith.constant 0 : i32
    %c0_i32_0 = arith.constant 0 : i32
    return %arg0, %c0_i32 : i32, i32
  }
  func.func @transform_1(%arg0: i32) -> (i32, i32) {
    %c0_i32 = arith.constant 0 : i32
    %c0_i32_0 = arith.constant 0 : i32
    return %arg0, %c0_i32 : i32, i32
  }
  func.func @transform_2(%arg0: i32) -> (i32, i32) {
    %c0_i32 = arith.constant 0 : i32
    %c0_i32_0 = arith.constant 0 : i32
    return %arg0, %c0_i32 : i32, i32
  }
  func.func @transform_3(%arg0: i32) -> (i32, i32) {
    %c0_i32 = arith.constant 0 : i32
    %c0_i32_0 = arith.constant 0 : i32
    return %arg0, %c0_i32 : i32, i32
  }
  func.func @transform_4(%arg0: i32) -> (i32, i32) {
    %c0_i32 = arith.constant 0 : i32
    %c0_i32_0 = arith.constant 0 : i32
    %c0_i32_1 = arith.constant 0 : i32
    return %c0_i32, %c0_i32_0 : i32, i32
  }
  func.func @transform_5(%arg0: i32) -> (i32, i32) {
    %c0_i32 = arith.constant 0 : i32
    %c0_i32_0 = arith.constant 0 : i32
    %c0_i32_1 = arith.constant 0 : i32
    return %c0_i32, %c0_i32_0 : i32, i32
  }
  func.func @transform_6(%arg0: i32) -> (i32, i32) {
    %c0_i32 = arith.constant 0 : i32
    %c0_i32_0 = arith.constant 0 : i32
    %c0_i32_1 = arith.constant 0 : i32
    return %c0_i32, %c0_i32_0 : i32, i32
  }
}

</mosaic_0001>

<sc_bundles>
// kernel: scatter_offload_async_start.1
scs
__scs_entry_jumppad:
0x0: {  	(pc) =	sbr.rel $0x88, $3  }
0x1: {  	(tag) =	ssettag $0x0;
	lr =	simm.s32 $0x1  }
0x2: {  	[smem:$0x3F8B] =	sst lr;
	_ =	strace $0xD0000000  }
0x3: {  	_ = 	snop  }
0x4: {  	_ = 	snop  }
0x5: {  	_ = 	snop  }
0x6: {  	_ = 	snop  }
0x7: {  	_ = 	snop  }
__scs_overlays_trampoline_lowered:
0x8: {  	[smem:$0x3F9A] =	sst s0  }
0x9: {  	[smem:$0x3F9B] =	sst s1  }
0xa: {  	[smem:$0x3F9C] =	sst s2  }
0xb: {  	[smem:$0x3F9D] =	sst s3  }
0xc: {  	[smem:$0x3F9E] =	sst s4  }
0xd: {  	[smem:$0x3F9F] =	sst s5  }
0xe: {  	[smem:$0x3FA0] =	sst s6  }
0xf: {  	[smem:$0x3FA1] =	sst s7  }
0x10: {  	[smem:$0x3FA2] =	sst s8  }
0x11: {  	[smem:$0x3FA3] =	sst s9;
	s0 =	simm.s32 @!p0 $0x0  }
0x12: {  	s1 =	sld [smem:$0x3F89];
	s0 =	simm.s32 @p0 $0x1  }
0x13: {  	[smem:$0x3FA4] =	sst s0;
	s0 =	simm.s32 @!p1 $0x0  }
0x14: {  	s2 =	sld [smem:$0x3F88];
	s0 =	simm.s32 @p1 $0x1  }
0x15: {  	[smem:$0x3FA5] =	sst s0;
	s0 =	simm.s32 @!p2 $0x0  }
0x16: {  	s3 =	sld [smem:$0x3FDB];
	s0 =	simm.s32 @p2 $0x1  }
0x17: {  	s4 =	simm.s32 $0x1BF5;
	[smem:$0x3FA7] =	sst s0  }
0x18: {  	s0 =	sld [smem:$0x3F8A];
	_ =	swait.ge [sflag:s4], $0x0  }
0x19: {  	s7 =	sld [smem:$0x3F8B]  }
0x1a: {  	s8 =	sadd.s32 $0xFFFFE003, lr  }
0x1b: {  	s9 =	sadd.s32 $0xFFFFFEF7, lr;
	s5 =	simm.s32 $0xFFFFFFFF;
	p2 =	slt.u32 s8, $0xFFFFF086  }
0x1c: {  	p1 =	slt.u32 s9, $0xF7A;
	s5 =	simm.s32 @!p2 $0x0  }
0x1d: {  	s5 =	simm.s32 @p1 $0x1;
	p0 =	seq.s32 s7, s2  }
0x1e: {  	s7 =	smul.u32 @!p0 $0xF7A, s2;
	p2 =	seq.s32 @!p0 s5, $0x0  }
0x1f: {  	s9 =	smul.u32 $0xF7A, s1;
	s8 =	simm.s32 @!p0 $0x1BF5;
	p2 =	por !p2, p0  }
0x20: {  	[sflag:s8] =	ssyncset.s32 @!p0 $0xFFFFF086;
	s6 =	sadd.s32 @!p0 s3, s7;
	s7 =	simm.s32 @!p0 $0x108  }
0x21: {  	s3 =	sadd.s32 s3, s9;
	s6 =	sadd.s32 @!p0 $0x88, s6;
	s7 =	simm.s32 @p2 $0x1082  }
0x22: {  	[simem:s7], [sflag:s8] =	dma.local @!p0 [hbm:s6], $0xF7A  }
0x23: {  	s9 =	sor.u32 $0xD0000000, s2;
	s6 =	simm.s32 $0x108;
	_ =	swait.ge @!p0 [sflag:s8], $0x0  }
0x24: {  	s3 =	sadd.s32 $0x88, s3;
	s6 =	simm.s32 @!p1 $0x1082;
	[sflag:s4] =	ssyncset.s32 $0xFFFFF086  }
0x25: {  	[simem:s6], [sflag:s4] =	dma.local [hbm:s3], $0xF7A  }
0x26: {  	[smem:$0x3F8B] =	sst s1;
	(tag) =	ssettag s2;
	_ =	strace s9  }
0x27: {  	s1 =	sld [smem:$0x3F9B]  }
0x28: {  	s2 =	sld [smem:$0x3F9C]  }
0x29: {  	s4 =	sld [smem:$0x3F9E]  }
0x2a: {  	p0 =	seq.s32 s5, $0x0;
	s5 =	sld [smem:$0x3F9F]  }
0x2b: {  	s6 =	sld [smem:$0x3FA0]  }
0x2c: {  	s7 =	sld [smem:$0x3FA1]  }
0x2d: {  	s3 =	simm.s32 $0x108;
	s8 =	sld [smem:$0x3FA2]  }
0x2e: {  	s3 =	simm.s32 @!p0 $0x1082;
	s9 =	sld [smem:$0x3FA3]  }
0x2f: {  	lr =	sadd.s32 s0, s3;
	s0 =	sld [smem:$0x3F9A]  }
0x30: {  	s3 =	sld [smem:$0x3F9D]  }
0x31: {  	[smem:$0x3FA6] =	sst s10  }
0x32: {  	s10 =	sld [smem:$0x3FA4];
	_ =	sdelay $0x3  }
0x33: {  	p0 =	seq.s32 s10, $0x1;
	s10 =	sld [smem:$0x3FA6];
	_ =	sdelay $0x3  }
0x34: {  	[smem:$0x3FA6] =	sst s10  }
0x35: {  	s10 =	sld [smem:$0x3FA5];
	_ =	sdelay $0x3  }
0x36: {  	p1 =	seq.s32 s10, $0x1;
	s10 =	sld [smem:$0x3FA6];
	_ =	sdelay $0x3  }
0x37: {  	[smem:$0x3FA6] =	sst s10  }
0x38: {  	s10 =	sld [smem:$0x3FA7]  }
0x39: {  	_ = 	snop;
	(pc) =	sbr.ind lr, $3  }
0x3a: {  	_ = 	snop  }
0x3b: {  	_ = 	snop  }
0x3c: {  	p2 =	seq.s32 s10, $0x1;
	s10 =	sld [smem:$0x3FA6]  }
0x3d: {  	_ =	shalt  }
0x3e: {  	_ =	shalt  }
0x3f: {  	_ =	shalt  }
0x40: {  	_ =	shalt  }
0x41: {  	_ =	shalt  }
0x42: {  	_ =	shalt  }
0x43: {  	_ =	shalt  }
0x44: {  	_ =	shalt  }
0x45: {  	_ =	shalt  }
0x46: {  	_ =	shalt  }
0x47: {  	_ =	shalt  }
0x48: {  	_ =	shalt  }
0x49: {  	_ =	shalt  }
0x4a: {  	_ =	shalt  }
0x4b: {  	_ =	shalt  }
0x4c: {  	_ =	shalt  }
0x4d: {  	_ =	shalt  }
0x4e: {  	_ =	shalt  }
0x4f: {  	_ =	shalt  }
0x50: {  	_ =	shalt  }
0x51: {  	_ =	shalt  }
0x52: {  	_ =	shalt  }
0x53: {  	_ =	shalt  }
0x54: {  	_ =	shalt  }
0x55: {  	_ =	shalt  }
0x56: {  	_ =	shalt  }
0x57: {  	_ =	shalt  }
0x58: {  	_ =	shalt  }
0x59: {  	_ =	shalt  }
0x5a: {  	_ =	shalt  }
0x5b: {  	_ =	shalt  }
0x5c: {  	_ =	shalt  }
0x5d: {  	_ =	shalt  }
0x5e: {  	_ =	shalt  }
0x5f: {  	_ =	shalt  }
0x60: {  	_ =	shalt  }
0x61: {  	_ =	shalt  }
0x62: {  	_ =	shalt  }
0x63: {  	_ =	shalt  }
0x64: {  	_ =	shalt  }
0x65: {  	_ =	shalt  }
0x66: {  	_ =	shalt  }
0x67: {  	_ =	shalt  }
0x68: {  	_ =	shalt  }
0x69: {  	_ =	shalt  }
0x6a: {  	_ =	shalt  }
0x6b: {  	_ =	shalt  }
0x6c: {  	_ =	shalt  }
0x6d: {  	_ =	shalt  }
0x6e: {  	_ =	shalt  }
0x6f: {  	_ =	shalt  }
0x70: {  	_ =	shalt  }
0x71: {  	_ =	shalt  }
0x72: {  	_ =	shalt  }
0x73: {  	_ =	shalt  }
0x74: {  	_ =	shalt  }
0x75: {  	_ =	shalt  }
0x76: {  	_ =	shalt  }
0x77: {  	_ =	shalt  }
0x78: {  	_ =	shalt  }
0x79: {  	_ =	shalt  }
0x7a: {  	_ =	shalt  }
0x7b: {  	_ =	shalt  }
0x7c: {  	_ =	shalt  }
0x7d: {  	_ =	shalt  }
0x7e: {  	_ =	shalt  }
0x7f: {  	_ =	shalt  }
0x80: {  	_ =	shalt  }
0x81: {  	_ =	shalt  }
0x82: {  	_ =	shalt  }
0x83: {  	_ =	shalt  }
0x84: {  	_ =	shalt  }
0x85: {  	_ =	shalt  }
0x86: {  	_ =	shalt  }
0x87: {  	_ =	shalt  }
.Lfunc_end0:
.L_simem_size_0:
called_computation.1_lowered:
.L_overlay_start_0:
0x88: {  	s0 =	sld [smem:$0x3FD9]  }
0x89: {  	s1 =	sld [smem:$0x3FFE];
	_ =	sdelay $0x3  }
0x8a: {  	s0 =	sadd.s32 s1, s0  }
0x8b: {  	[smem:$0x3FB2] =	sst s0  }
0x8c: {  	_ = 	snop  }
0x8d: {  	(tm) =	ssettm $0x1  }
0x8e: {  	s15 =	sld [smem:$0x3FFB];
	_ =	sdelay $0x3  }
0x8f: {  	_ =	strace s15  }
0x90: {  	s0 =	sld [smem:$0x3FFC];
	_ =	sdelay $0x3  }
0x91: {  	_ =	strace s0  }
0x92: {  	s0 =	sld [smem:$0x3FFD];
	_ =	sdelay $0x3  }
0x93: {  	_ =	strace s0  }
0x94: {  	_ =	strace $0x8FFFFFFF  }
0x95: {  	s16 =	sld [smem:$0x3FDB];
	_ =	sdelay $0x1  }
0x96: {  	s17 =	simm.s32 $_scs_section_size  }
0x97: {  	s2 =	simm.s32 $_size__tile_overlayer_lowered;
	s3 =	simm.s32 $_tile_overlayer_lowered  }
0x98: {  	s20 =	simm.s32 $0x1BFF;
	s19 =	sshll.u32 s3, $0x1;
	s0 =	sadd.s32 s17, s16  }
0x99: {  	s4 =	simm.s32 $0x0;
	s18 =	sshll.u32 s2, $0x1;
	s2 =	sadd.s32 s19, s0  }
0x9a: {  	[timem:s4], [sflag:s20] =	dma.local [hbm:s2], s18  }
0x9b: {  	_ =	swait.ge [sflag:s20], s18  }
0x9c: {  	s1 =	ssub.s32 $0x0, s18;
	[sflag:s20] =	ssyncset.done $0x0  }
0x9d: {  	[sflag:s20] =	ssyncadd.s32 s1;
	_ =	sdelay $0x1  }
0x9e: {  	s21 =	simm.s32 $0x1B8B  }
0x9f: {  	_ =	swait.ge [sflag:s21], $0x1  }
0xa0: {  	[sflag:s21] =	ssyncset.done $0x0  }
0xa1: {  	s23 =	simm.s32 $0x1B8E;
	s22 =	sld [smem:$0x3FFE];
	[sflag:s21] =	ssyncadd.s32 $0xFFFFFFFF  }
0xa2: {  	s24 =	simm.s32 $execute0_lowered;
	[smem:$0x3FD2] =	sst s23  }
0xa3: {  	s2 =	sshll.u32 s24, $0x1;
	_ =	strace $0x80000052;
	[dreg:$0x1] =	wrdreg $0xFFFFFFFF  }
0xa4: {  	s25 =	simm.s32 $_size_execute0_lowered;
	s0 =	sadd.s32 s0, s2;
	[dreg:$0x0] =	wrdreg $0x0  }
0xa5: {  	s2 =	sshll.u32 s25, $0x1;
	[dreg:$0x2] =	wrdreg s0  }
0xa6: {  	[dreg:$0x3] =	wrdreg s2  }
0xa7: {  	[dreg:$0x4] =	wrdreg $0xC0  }
0xa8: {  	_ =	task [dreg:s4], $0x5FFFF  }
0xa9: {  	[dreg:$0x1] =	wrdreg $0xFFFFFFFF  }
0xaa: {  	[dreg:$0x0] =	wrdreg $0x60  }
0xab: {  	[dreg:$0x2] =	wrdreg s22  }
0xac: {  	[dreg:$0x3] =	wrdreg $0xB  }
0xad: {  	_ =	task.clear_ibuf [dreg:s4], $0x4FFFF;
	_ =	strace $0x90000052  }
0xae: {  	s26 =	simm.s32 $0xB;
	_ =	strace $0x80000054  }
0xaf: {  	_ =	swait.ge [sflag:s26], $0x1  }
0xb0: {  	[sflag:s26] =	ssyncadd.s32 $0xFFFFFFFF  }
0xb1: {  	_ =	strace $0x90000054  }
0xb2: {  	_ =	sfence  }
0xb3: {  	s28 =	sld [smem:$0x0];
	_ =	sdelay $0x1  }
0xb4: {  	s29 =	srdreg.scid  }
0xb5: {  	s30 =	sshll.u32 s29, $0xD;
	s31 =	sshrl.u32 s29, $0x2  }
0xb6: {  	s1 =	sand.u32 $0x1, s29;
	s2 =	sand.u32 $0x4000, s30;
	s0 =	sadd.s32 s31, s28  }
0xb7: {  	s1 =	sor.u32 s2, s1;
	s0 =	sshll.u32 s0, $0x11  }
0xb8: {  	s0 =	sor.u32 s0, s1  }
0xb9: {  	s0 =	sadd.s32 $0x8F2B, s0  }
0xba: {  	[sflag:s0] =	ssyncadd.remote.s32 $0x1  }
0xbb: {  	_ =	sfence.sel $0xFFFF  }
0xbc: {  	[dreg:$0x0] =	wrdreg $0xFFFFFFFF;
	(pc) =	sbr.abs _section_cstart, $3  }
0xbd: {  	[dreg:$0x1] =	wrdreg $0xFFFFFFFF  }
0xbe: {  	_ =	task.clear_ibuf [dreg:s4], $0x2FFFF;
	_ =	strace $0x9FFFFFFF  }
0xbf: {  	(tm) =	ssettm $0x7FFFFFFF  }
tec
execute0_lowered:
.L_overlay_start_1:
0x0: {  	(tag) =	ssettag $0x1  }
0x1: {  	s0 =	rddreg [dreg:$0x0];
	s14 =	stileid.u32  }
0x2: {  	_ =	strace $0x80000053;
	s2 =	simm.s32 $0x1;
	s1 =	smul.u32 $0x7, s14  }
0x3: {  	v1 =	vimm.s32 $0xFFFFFFFF;
	s3 =	smin.u32 s14, $0xD;
	[sflag:s2] =	ssyncpa.u1 $0x0  }
0x4: {  	[tilespmem:$0x10] =	vst v1;
	s1 =	sadd.s32 s3, s1  }
0x5: {  	v0 =	vimm.f32 $0.0e+00;
	p0 =	slt.u32 s14, $0xD;
	[tilespmem:$0x20] =	vst v1;
	s3 =	smul.u32 $0xFA0, s1;
	s1 =	simm.s32 $0x7D00  }
0x6: {  	[tilespmem:$0x30] =	vst v0;
	s1 =	simm.s32 @!p0 $0x6D60  }
0x7: {  	[tilespmem:$0x40] =	vst v0;
	s1 =	sadd.s32 s1, s3  }
0x8: {  	[tilespmem:$0x50] =	vst v0;
	s4 =	smin.u32 s1, $0x7A120  }
0x9: {  	[tilespmem:$0x60] =	vst v1;
	s9 =	ssub.s32 s4, s3  }
0xa: {  	s7 =	simm.s32 $0x2;
	s8 =	simm.s32 $0x8;
	[tilespmem:$0x70] =	vst v1;
	p0 =	sgt.s32 s9, $0x0  }
0xb: {  	s31 =	simm.s32 $0x9;
	s16 =	simm.s32 $0x0;
	[tilespmem:$0x80] =	vst v1;
	s9 =	simm.s32 @!p0 $0x0  }
0xc: {  	s17 =	simm.s32 $0xF0;
	s18 =	simm.s32 $0xFFFFFFFF;
	v1 =	vimm.s32 $0x0;
	[tilespmem:$0xB0] =	vst v0;
	s5 =	smulhi.u32 $0x10624DD3, s9  }
0xd: {  	s19 =	simm.s32 $0xFFFFE1C0;
	s20 =	simm.s32 $0xFFFFFFFE;
	s21 =	simm.s32 $0xF;
	[tilespmem:$0x90] =	vst v1  }
0xe: {  	[tilespmem:$0xA0] =	vst v1;
	[sflag:s7] =	ssyncpa.u1 $0x0;
	s7 =	simm.s32 $0x7;
	s10 =	sshrl.u32 s5, $0x8  }
0xf: {  	s25 =	simm.s32 $0x0;
	[sflag:s7] =	ssyncpa.u1 $0x0;
	s11 =	smul.u32 $0xFA0, s10  }
0x10: {  	s24 =	simm.s32 $0x0;
	s6 =	sadd.s32 $0x99AA00, s0;
	[sflag:s8] =	ssyncpa.u1 $0x0  }
.Ltmp0:
0x11: {  	[sflag:s31] =	ssyncpa.u1 $0x0;
	p0 =	sne.s32 s9, s11;
	(pc) =	sbr.rel .LBB2_1-.Ltmp0, $4  }
0x12: {  	s23 =	smov.u32 s3;
	s1 =	sadd.s32 $0x7F1E00, s0;
	s2 =	simm.s32 @!p0 $0x0  }
0x13: {  	s5 =	sadd.s32 $0x7C3C00, s0;
	p0 =	por $0x0, $0x0;
	s9 =	sadd.s32 s2, s10  }
0x14: {  	vm0 =	vmmov $0xffff;
	v2 =	vlaneseq.u32;
	s10 =	sshll.u32 s14, $0x1;
	s14 =	sshllo.u32 s14, $0x1;
	s11 =	sadd.s32 $0x1, s9  }
0x15: {  	vm1 =	vmxor vm1, vm1;
	vm2 =	vmmov $0x1;
	vm3 =	vcmask $0x3F3C;
	s12 =	sadd.s32 $0x2, s9;
	s13 =	sor.u32 $0x81, s10;
	s15 =	sor.u32 $0x80, s10  }
.LBB2_9:
0x16: {  	p1 =	slt.u32 s24, $0x3  }
0x17: {  	s0 =	simm.s32 @!p1 $0x2  }
0x18: {  	_ =	swait.ge @!p1 [sflag:s0], $0xFA0  }
0x19: {  	[sflag:s0] =	ssyncset.done @!p1 $0x0  }
0x1a: {  	[sflag:s0] =	ssyncadd.s32 @!p1 $0xFFFFF060;
	s0 =	simm.s32 @!p1 $0x9  }
0x1b: {  	_ =	swait.ge @!p1 [sflag:s0], $0x10  }
0x1c: {  	[sflag:s0] =	ssyncset.done @!p1 $0x0  }
0x1d: {  	[sflag:s0] =	ssyncadd.s32 @!p1 $0xFFFFFFF0;
	p1 =	sne.s32 s24, s12  }
.Ltmp1:
0x1e: {  	s2 =	sadd.s32 $0xFA0, s23;
	(pc) =	sbr.rel @!p1 .LBB2_10-.Ltmp1, $4  }
0x1f: {  	s22 =	smov.u32 s3;
	s31 =	sadd.s32 $0x1, s24;
	s17 =	sadd.s32 $0xFA0, s17  }
0x20: {  	s18 =	sadd.s32 $0x1, s18;
	s25 =	smov.u32 s23;
	p2 =	slt.s32 s2, s4  }
0x21: {  	p0 =	por !p0, !p0;
	s19 =	sadd.s32 $0xFA0, s19;
	s22 =	smov.u32 @p2 s2  }
0x22: {  	s20 =	sadd.s32 $0x1, s20;
	s23 =	smov.u32 s22;
	s24 =	smov.u32 s31  }
.LBB2_1:
0x23: {  	p1 =	sge.u32 s24, s9  }
0x24: {  	s0 =	smulhi.u32 @!p1 $0xAAAAAAAB, s24;
	_ =	sdelay $0x1  }
0x25: {  	s0 =	sshrl.u32 @!p1 s0, $0x1  }
0x26: {  	s0 =	smul.u32 @!p1 $0x3, s0;
	_ =	sdelay $0x1  }
0x27: {  	s0 =	ssub.s32 @!p1 s24, s0  }
0x28: {  	s0 =	smul.u32 @!p1 $0x3E80, s0;
	_ =	sdelay $0x1  }
0x29: {  	s2 =	sshrl.u32 @!p1 s23, $0x3;
	s0 =	sshrl.u32 @!p1 s0, $0x2  }
0x2a: {  	s22 =	sand.u32 @!p1 $0x7, s23;
	s2 =	sadd.s32 @!p1 s5, s2;
	s0 =	sadd.s32 @!p1 $0x100, s0  }
0x2b: {  	[tilespmem:s0], [sflag:$0x7] =	stream.linear.gather @!p1 [hbm4b:s2+s22], $0xFA0, $0x38;
	[tilespmem:$0x8DC0] =	vst v63  }
0x2c: {  	s0 =	sadd.s32 $0xFFFFFFFF, s24  }
0x2d: {  	p1 =	sge.u32 s0, s9  }
.Ltmp2:
0x2e: {  	_ = 	snop;
	(pc) =	sbr.rel @p1 .LBB2_5-.Ltmp2, $1  }
0x2f: {  	_ =	sdelay $0x3  }
0x30: {  	s2 =	smulhi.u32 $0xAAAAAAAB, s0;
	_ =	sdelay $0x1  }
0x31: {  	s2 =	sshrl.u32 s2, $0x1  }
0x32: {  	s2 =	smul.u32 $0x3, s2;
	_ =	sdelay $0x1  }
0x33: {  	s2 =	ssub.s32 s0, s2  }
0x34: {  	s2 =	smul.u32 $0x3E80, s2  }
0x35: {  	_ =	swait.ge [sflag:s7], $0xFA0  }
0x36: {  	[sflag:s7] =	ssyncset.done $0x0;
	s2 =	sshrl.u32 s2, $0x2  }
0x37: {  	[sflag:s7] =	ssyncadd.s32 $0xFFFFF060;
	(ifvalue) =	ssetifvalue $0xFFFFFFFF;
	v3 =	vld.msk [tilespmem:s2+$0x100 ss:$0x1], $0xffff;
	_ =	sdelay $0x2  }
0x38: {  	s30 =	smulhi.u32 $0xAAAAAAAB, s18;
	p1 =	sne.s32 s24, $0x1  }
0x39: {  	v4 =	vimm.s32 @!p1 $0x0  }
0x3a: {  	s2 =	sshrl.u32 s30, $0x1;
	v4 =	vperm.xlane @!p1 v3, v4  }
0x3b: {  	s22 =	sshll.u32 s24, $0x4;
	s2 =	smul.u32 $0xFFFF4480, s2;
	vm4 =	vlt.u32 v3, $0xC400  }
0x3c: {  	s22 =	sand.u32 $0x10, s22;
	v3 =	vnsel vm4, $0xFFFFFFFE, v3;
	vm4 =	vlt.u32 @!p1 v4, $0xC400  }
0x3d: {  	s2 =	sshra.s32 s2, $0x2;
	[tilespmem:s22+$0x60] =	vst v3;
	v3 =	vnsel @!p1 vm4, $0xFFFFFFFE, v4  }
0x3e: {  	s28 =	sadd.s32 s2, s17;
	[tilespmem:$0x80] =	vst @!p1 v3  }
0x3f: {  	v3 =	vld.msk [tilespmem:s28+$0x0 ss:$0x1], $0xffff;
	_ =	sdelay $0x4  }
0x40: {  	(xrf1) =	vunique.msk.u32 $0xffff, v3;
	_ =	sdelay $0xd  }
0x41: {  	v4 =	vimm.s32 $0xFFFFFFFF;
	v5, _, _ =	vpop (xrf1)  }
0x42: {  	vm5 =	vne.s32 v3, v4;
	vm4 =	veq.s32 v5, v2  }
0x43: {  	vm6 =	vlt.u32 v3, $0xC400;
	vm4 =	vmand vm5, vm4  }
0x44: {  	vm4 =	vmand vm6, vm4  }
0x45: {  	v4 =	vnsel vm4, $0xFFFFFFFF, v3  }
0x46: {  	s31 =	sand.u32 $0x1, s0  }
0x47: {  	s0 =	simm.s32 $0xFA0;
	p1 =	seq.s32 s31, $0x1  }
0x48: {  	s0 =	simm.s32 @!p1 $0x0  }
0x49: {  	s26 =	sadd.s32 $0x3F70, s0;
	(ifvalue) =	ssetifvalue $0xFFFFFFFF  }
0x4a: {  	v3 =	vperm.xlane v3, v1;
	[tilespmem:s26], [sflag:$0x8] =	stream.indirect_vreg.gather [hbm4b:s1+s16], $0x1, v4, vm0, $0x4038;
	v4 =	vnsel vm6, $0xFFFFFFFE, v4;
	[tilespmem:$0x8DC0] =	vst v63  }
0x4b: {  	s2 =	simm.s32 $0x0;
	s22 =	sadd.s32 $0xFFFFFFF0, s28;
	[tilespmem:s28+$0x0] =	vst v4  }
.LBB2_3:
0x4c: {  	v4 =	vld.msk [tilespmem:s22+$0x0 ss:$0x1], $0xffff;
	s2 =	sadd.s32 $0x10, s2;
	v5 =	vmov v3;
	s28 =	smov.u32 s22  }
0x4d: {  	p1 =	slt.u32 s2, $0xF90;
	_ =	sdelay $0x4  }
0x4e: {  	v3 =	vperm.xlane v4, v1;
	(xrf1) =	vunique.msk.u32 $0xffff, v4;
	_ =	sdelay $0xd  }
0x4f: {  	v6, _, _ =	vpop (xrf1)  }
0x50: {  	vm5 =	vne.s32 v4, v5;
	vm4 =	veq.s32 v6, v2  }
0x51: {  	vm6 =	vlt.u32 v4, $0xC400;
	vm4 =	vmand vm5, vm4  }
0x52: {  	vm4 =	vmand vm6, vm4  }
0x53: {  	v4 =	vnsel vm4, $0xFFFFFFFF, v4  }
.Ltmp3:
0x54: {  	v5 =	vnsel vm6, $0xFFFFFFFE, v4;
	(pc) =	sbr.rel @p1 .LBB2_3-.Ltmp3, $3  }
0x55: {  	_ =	sdelay $0x1  }
0x56: {  	s22 =	sadd.s32 $0xFFFFFFF0, s22;
	s26 =	sadd.s32 $0xFFFFFFF0, s26;
	(ifvalue) =	ssetifvalue $0xFFFFFFFF  }
0x57: {  	[tilespmem:s26], [sflag:$0x8] =	stream.indirect_vreg.gather [hbm4b:s1+s16], $0x1, v4, vm0, $0x4038;
	[tilespmem:s28+$0x0] =	vst v5  }
0x58: {  	s2 =	sshrl.u32 s25, $0x3  }
0x59: {  	s0 =	sadd.s32 $0x4F20, s0;
	s2 =	sadd.s32 s6, s2  }
0x5a: {  	[tilespmem:s0], [sflag:$0x8] =	stream.linear.gather [hbm:s2], $0xFA0, $0x38;
	[tilespmem:$0x8DC0] =	vst v63  }
.LBB2_5:
0x5b: {  	p1 =	slt.u32 s24, $0x2  }
0x5c: {  	p2 =	sge.u32 @!p1 s24, s12  }
0x5d: {  	p1 =	por p1, p2  }
.Ltmp4:
0x5e: {  	_ = 	snop;
	(pc) =	sbr.rel @p1 .LBB2_9-.Ltmp4, $1  }
0x5f: {  	_ =	sdelay $0x3  }
0x60: {  	s0 =	sadd.s32 $0xFFFFFFFE, s24  }
0x61: {  	s2 =	smulhi.u32 $0xAAAAAAAB, s0;
	_ =	sdelay $0x1  }
0x62: {  	s2 =	sshrl.u32 s2, $0x1  }
0x63: {  	s2 =	smul.u32 $0x3, s2;
	_ =	sdelay $0x1  }
0x64: {  	s0 =	ssub.s32 s0, s2  }
0x65: {  	_ =	swait.ge [sflag:s8], $0x1F40;
	s0 =	smul.u32 $0xFA0, s0  }
0x66: {  	p1 =	sne.s32 s24, s11;
	[sflag:s8] =	ssyncset.done $0x0  }
0x67: {  	[sflag:s8] =	ssyncadd.s32 $0xFFFFE0C0;
	s2 =	sadd.s32 @!p1 $0x109F, s0  }
0x68: {  	[spmem:s13] =	stream.linear.scatter @!p1 [tilespmem:s2], [sflag:$0x1], $0x1, $0x38;
	[tilespmem:$0x8DC0] =	vst v63  }
0x69: {  	s2 =	simm.s32 @!p1 $0x1  }
0x6a: {  	_ =	swait.ge @!p1 [sflag:s2], $0x1  }
0x6b: {  	s22 =	sshll.u32 s24, $0x4;
	[sflag:s2] =	ssyncset.done @!p1 $0x0  }
0x6c: {  	s25 =	sand.u32 $0x10, s22;
	[sflag:s2] =	ssyncadd.s32 @!p1 $0xFFFFFFFF  }
0x6d: {  	s2 =	sxor.u32 $0x10, s25;
	v4 =	vld [tilespmem:s25+$0x10]  }
0x6e: {  	v5 =	vld [tilespmem:s2+$0x60]  }
0x6f: {  	v3 =	vld [tilespmem:$0x80];
	_ =	sdelay $0x2  }
0x70: {  	(v2sf) =	vpush v4, $0x0  }
0x71: {  	(v2sf) =	vpush v5, $0x0  }
0x72: {  	(v2sf) =	vpush v3, $0x0;
	_ =	sdelay $0xc  }
0x73: {  	s22 =	spop (v2sf)  }
0x74: {  	s26 =	spop (v2sf)  }
0x75: {  	s28 =	spop (v2sf)  }
0x76: {  	p2 =	seq.s32 s22, s26;
	p3 =	seq.s32 s28, s22  }
0x77: {  	p3 =	por p2, p3  }
0x78: {  	s26 =	sand.u32 $0x1, s24;
	v4 =	vpsel p3, $0xFFFFFFFF, v4  }
0x79: {  	s29 =	smul.u32 $0xFA0, s26;
	[tilespmem:s25+$0x10] =	vst.msk $0x1, v4  }
0x7a: {  	v4 =	vld [tilespmem:$0x30]  }
0x7b: {  	v5 =	vld [tilespmem:s29+$0x4F20]  }
0x7c: {  	v6 =	vld [tilespmem:s25+$0x40];
	_ =	sdelay $0x3  }
0x7d: {  	vm4 =	vmmov vm1;
	v5 =	vadd.f32 v5, v4  }
0x7e: {  	vm5 =	vmmov vm2;
	vm4 =	vmmov @p2 vm2;
	s22 =	sshll.u32 s26, $0x4;
	v4 =	vadd.f32 v6, v4  }
0x7f: {  	s26 =	sor.u32 $0x8DA0, s22;
	vm5 =	vmmov @p3 vm1;
	[tilespmem:s29+$0x4F20] =	vst.msk vm4, v5  }
0x80: {  	[tilespmem:s26+$0x0] =	vst.msk vm5, v4  }
0x81: {  	v4 =	vld [tilespmem:s29+$0x3F70];
	_ =	sdelay $0x3  }
0x82: {  	v5 =	vimm.f32 $0.0e+00  }
0x83: {  	v4 =	vshift.insert v4, v5, s21  }
0x84: {  	s22 =	sor.u32 $0x40, s2  }
0x85: {  	[tilespmem:s22+$0x0] =	vst.msk $0x1, v4  }
0x86: {  	[tilespmem:s29+$0x3F7F] =	vst.msk $0x1, v5  }
0x87: {  	v4 =	vld [tilespmem:s0+$0x1090];
	_ =	sdelay $0x1  }
0x88: {  	s22 =	smulhi.u32 $0xAAAAAAAB, s20;
	s0 =	simm.s32 $0x1  }
0x89: {  	s0 =	simm.s32 @!p0 $0x0  }
0x8a: {  	s22 =	sshrl.u32 s22, $0x1;
	s0 =	smul.u32 $0x3E80, s0  }
0x8b: {  	s22 =	smul.u32 $0xFFFF4480, s22;
	v4 =	vshift.insert v4, v1, s21  }
0x8c: {  	s0 =	sshrl.u32 s0, $0x2  }
0x8d: {  	s22 =	sshra.s32 s22, $0x2;
	s30 =	sadd.s32 $0x4F20, s0;
	[tilespmem:s2+$0x10] =	vst.msk $0x1, v4  }
0x8e: {  	s22 =	sadd.s32 s22, s19;
	v6 =	vld [tilespmem:s30+$0x0]  }
0x8f: {  	v7 =	vld [tilespmem:s22+$0x0];
	_ =	sdelay $0x3  }
0x90: {  	v5 =	vadd.f32 v6, v5  }
0x91: {  	vm4 =	vne.s32 v7, $0xFFFFFFFF  }
0x92: {  	(xrf2) =	vadd.seg.scan.f32 vm4, v5;
	_ =	sdelay $0x3  }
0x93: {  	s31 =	sadd.s32 $0x2FE0, s0;
	v5 =	vperm.xlane v4, v1  }
0x94: {  	v6 =	vld [tilespmem:s31+$0x0]  }
0x95: {  	vm5 =	veq.s32 v7, v3;
	vm6 =	veq.s32 v7, v5  }
0x96: {  	vm7 =	vgt.u32 v7, $0xFFFFFFFD;
	vm6 =	vmor vm6, vm5  }
0x97: {  	vm6 =	vmor vm6, vm7  }
0x98: {  	v9 =	vld [tilespmem:$0xA0];
	v7 =	vsel vm6, $0xFFFFFFFF, v7  }
0x99: {  	v10 =	vld [tilespmem:$0x90];
	v6 =	vsel vm5, $0x0, v6;
	v8, _, _ =	vpop (xrf2)  }
0x9a: {  	v6 =	vadd.f32 v8, v6  }
0x9b: {  	s0 =	sadd.s32 $0x6E60, s0  }
0x9c: {  	vm4 =	vmand vm4, vm3;
	[tilespmem:s0+$0x0] =	vst v6;
	(ifvalue) =	ssetifvalue $0xFFFFFFFF  }
0x9d: {  	vm6 =	veq.s32 v9, $0x1;
	[hbm4b:s1+s16] =	stream.indirect_vreg.scatter [tilespmem:s0], [sflag:$0x2], $0x1, v7, vm0, $0x4038;
	v7 =	vsel vm4, $0x0, v8;
	[tilespmem:$0x8DC0] =	vst v63  }
0x9e: {  	s2 =	simm.s32 $0x0;
	s22 =	sadd.s32 $0x10, s22;
	vm4 =	vmor vm6, vm5;
	v6 =	vsel vm5, v8, v10;
	v7 =	vshift.insert v7, v0, s21  }
.LBB2_7:
0x9f: {  	v8 =	vld [tilespmem:s22+$0x0];
	s30 =	sadd.s32 $0x10, s30  }
0xa0: {  	s31 =	sadd.s32 $0x10, s31;
	v9 =	vld [tilespmem:s30+$0x0]  }
0xa1: {  	s2 =	sadd.s32 $0x10, s2;
	v10 =	vld [tilespmem:s31+$0x0]  }
0xa2: {  	p2 =	slt.u32 s2, $0xF90;
	_ =	sdelay $0x2  }
0xa3: {  	v7 =	vadd.f32 v9, v7  }
0xa4: {  	vm5 =	vne.s32 v8, $0xFFFFFFFF  }
0xa5: {  	vm6 =	vmand vm5, vm3;
	(xrf2) =	vadd.seg.scan.f32 vm5, v7;
	_ =	sdelay $0x5  }
0xa6: {  	vm7 =	veq.s32 v8, v5;
	vm5 =	veq.s32 v8, v3  }
0xa7: {  	vm8 =	vgt.u32 v8, $0xFFFFFFFD;
	vm4 =	vmor vm4, vm5;
	vm7 =	vmor vm7, vm5  }
0xa8: {  	vm7 =	vmor vm7, vm8  }
0xa9: {  	v8 =	vsel vm7, $0xFFFFFFFF, v8  }
.Ltmp5:
0xaa: {  	v7 =	vsel vm5, $0x0, v10;
	v9, _, _ =	vpop (xrf2);
	(pc) =	sbr.rel @p2 .LBB2_7-.Ltmp5, $4  }
0xab: {  	v6 =	vsel vm5, v9, v6;
	v10 =	vadd.f32 v9, v7;
	v7 =	vsel vm6, $0x0, v9  }
0xac: {  	s0 =	sadd.s32 $0x10, s0;
	v7 =	vshift.insert v7, v0, s21  }
0xad: {  	s22 =	sadd.s32 $0x10, s22;
	[tilespmem:s0+$0x0] =	vst v10;
	(ifvalue) =	ssetifvalue $0xFFFFFFFF  }
0xae: {  	[hbm4b:s1+s16] =	stream.indirect_vreg.scatter [tilespmem:s0], [sflag:$0x2], $0x1, v8, vm0, $0x4038;
	[tilespmem:$0x8DC0] =	vst v63  }
0xaf: {  	v3 =	vld [tilespmem:s29+$0x7DF0];
	_ =	sdelay $0x4  }
0xb0: {  	v3 =	vshift.insert v3, v0, s21  }
0xb1: {  	s0 =	simm.s32 $0x30  }
0xb2: {  	[tilespmem:s0+$0x0] =	vst.msk $0x1, v3  }
0xb3: {  	v3 =	vsel vm4, $0x1, v1;
	[tilespmem:$0x90] =	vst v6  }
0xb4: {  	s0 =	sadd.s32 @!p1 $0x7DFF, s29;
	[tilespmem:$0xA0] =	vst v3  }
0xb5: {  	[spmem:s14] =	stream.linear.scatter @!p1 [tilespmem:s0], [sflag:$0x1], $0x1, $0x38;
	[tilespmem:$0x8DC0] =	vst v63  }
0xb6: {  	s0 =	simm.s32 @!p1 $0x1  }
0xb7: {  	v3 =	vmctz.xlane @!p1 vm4;
	_ =	swait.ge @!p1 [sflag:s0], $0x1  }
0xb8: {  	(v2sf) =	vpush @!p1 v4, $0x0  }
0xb9: {  	(v2sf) =	vpush @!p1 v3, $0x0;
	_ =	sdelay $0xd  }
0xba: {  	s2 =	spop @!p1 (v2sf)  }
0xbb: {  	s22 =	spop @!p1 (v2sf)  }
0xbc: {  	p2 =	sne.s32 @!p1 s28, s2;
	p3 =	slt.s32 @!p1 s22, $0xF  }
0xbd: {  	[sflag:s0] =	ssyncset.done @!p1 $0x0;
	p2 =	por p2, p1;
	p3 =	por !p3, p1  }
0xbe: {  	[sflag:s0] =	ssyncadd.s32 @!p1 $0xFFFFFFFF;
	v3 =	vimm.s32 @!p2 $0xFFFFFFFF;
	s22 =	simm.s32 @p3 $0xF  }
0xbf: {  	[tilespmem:$0x80] =	vst @!p2 v3;
	s2 =	sadd.s32 @!p1 $0x90, s22  }
0xc0: {  	[spmem:s10] =	stream.linear.scatter @!p1 [tilespmem:s2], [sflag:$0x1], $0x1, $0x38;
	[tilespmem:$0x8DC0] =	vst v63  }
0xc1: {  	_ =	swait.ge @!p1 [sflag:s0], $0x1  }
0xc2: {  	[sflag:s0] =	ssyncset.done @!p1 $0x0  }
0xc3: {  	s2 =	simm.s32 @!p1 $0x80;
	[sflag:s0] =	ssyncadd.s32 @!p1 $0xFFFFFFFF  }
0xc4: {  	[spmem:s15] =	stream.linear.scatter @!p1 [tilespmem:s2], [sflag:$0x1], $0x1, $0x38;
	[tilespmem:$0x8DC0] =	vst v63  }
0xc5: {  	_ =	swait.ge @!p1 [sflag:s0], $0x1  }
0xc6: {  	[sflag:s0] =	ssyncset.done @!p1 $0x0  }
0xc7: {  	[sflag:s0] =	ssyncadd.s32 @!p1 $0xFFFFFFFF;
	(ifvalue) =	ssetifvalue $0xFFFFFFFF;
	v3 =	vld [tilespmem:s25+$0x10];
	_ =	sdelay $0x3  }
.Ltmp6:
0xc8: {  	_ = 	snop;
	(pc) =	sbr.rel .LBB2_9-.Ltmp6, $3  }
0xc9: {  	_ =	sdelay $0x1  }
0xca: {  	(ifvalue) =	ssetifvalue $0xFFFFFFFF  }
0xcb: {  	[hbm4b:s1+s16] =	stream.indirect_vreg.scatter [tilespmem:s26], [sflag:$0x9], $0x1, v3, vm0, $0x4038;
	[tilespmem:$0x8DC0] =	vst v63  }
.LBB2_10:
0xcc: {  	_ =	sfence.sel $0x180000  }
0xcd: {  	s0 =	simm.s32 $0x7;
	[bflag:$0x0] =	sbarrier.arrive $0xFFFF  }
0xce: {  	s26 =	simm.s32 $0x8;
	[sflag:s0] =	ssyncpa.u1 $0x1  }
0xcf: {  	s28 =	simm.s32 $0x9;
	[sflag:s26] =	ssyncpa.u1 $0x1  }
0xd0: {  	[sflag:s28] =	ssyncpa.u1 $0x1  }
0xd1: {  	_ =	sfence.stream.spmem  }
0xd2: {  	s29 =	simm.s32 $0x3;
	[bflag:$0x0] =	sbarrier.arrive $0xFFFF  }
0xd3: {  	s30 =	simm.s32 $0x4;
	[sflag:s29] =	ssyncpa.u1 $0x1  }
0xd4: {  	s31 =	simm.s32 $0x3C;
	s2 =	stileid.u32;
	[sflag:s30] =	ssyncpa.u1 $0x1  }
0xd5: {  	p0 =	sne.s32 s2, $0x0;
	[sflag:s31] =	ssyncpa.u1 $0x1  }
0xd6: {  	s0 =	simm.s32 @p0 $0x1;
	_ =	sfence @p0  }
0xd7: {  	[sflag:s0] =	ssyncpa.u1 @p0 $0x1;
	s0 =	simm.s32 @p0 $0x2  }
0xd8: {  	[sflag:s0] =	ssyncpa.u1 @p0 $0x1  }
0xd9: {  	_ =	strace @p0 $0x90000053  }
0xda: {  	[bflag:$0x2] =	sbarrier.arrive @p0 $0xFFFF  }
0xdb: {  	_ =	shalt @p0  }
.LBB2_11:
0xdc: {  	_ =	sfence.stream.spmem;
	s0 =	simm.s32 $0x5  }
0xdd: {  	s2 =	simm.s32 $0x80;
	s3 =	simm.s32 $0xC0;
	[sflag:s0] =	ssyncpa.u1 $0x0  }
0xde: {  	[tilespmem:s3], [sflag:$0x5] =	stream.linear.gather [spmem:s2], $0x20, $0x38;
	[tilespmem:$0x8DC0] =	vst v63  }
0xdf: {  	s2 =	simm.s32 $0x0;
	s3 =	simm.s32 $0xE0  }
0xe0: {  	[tilespmem:s3], [sflag:$0x5] =	stream.linear.gather [spmem:s2], $0x20, $0x38;
	[tilespmem:$0x8DC0] =	vst v63  }
.Ltmp7:
0xe1: {  	_ = 	snop;
	(pc) =	sbr.rel .LBB2_12-.Ltmp7, $4  }
0xe2: {  	_ =	swait.ge [sflag:s0], $0x40  }
0xe3: {  	[sflag:s0] =	ssyncset.done $0x0  }
0xe4: {  	s31 =	simm.s32 $0x6;
	[sflag:s0] =	ssyncadd.s32 $0xFFFFFFC0  }
0xe5: {  	s4 =	simm.s32 $0x0;
	[sflag:s31] =	ssyncpa.u1 $0x0  }
.LBB2_17:
0xe6: {  	p0 =	sgt.u32 s5, $0xC3FF  }
0xe7: {  	s0 =	sshrl.u32 @!p0 s5, $0x3  }
0xe8: {  	s5 =	sand.u32 @!p0 $0x7, s5;
	s6 =	simm.s32 @!p0 $0xB0;
	s0 =	sadd.s32 @!p0 s1, s0  }
0xe9: {  	[tilespmem:s6], [sflag:$0x6] =	stream.linear.gather @!p0 [hbm4b:s0+s5], $0x1, $0x38;
	[tilespmem:$0x8DC0] =	vst v63  }
0xea: {  	s0 =	simm.s32 @!p0 $0x6  }
0xeb: {  	_ =	swait.ge @!p0 [sflag:s0], $0x1  }
0xec: {  	[sflag:s0] =	ssyncset.done @!p0 $0x0  }
0xed: {  	[sflag:s0] =	ssyncadd.s32 @!p0 $0xFFFFFFFF  }
0xee: {  	v2 =	vmov @!p0 s4;
	v1 =	vld.msk @!p0 [tilespmem:$0xB0], $0x1;
	_ =	sdelay $0x3  }
0xef: {  	s0 =	simm.s32 @!p0 $0xE0  }
0xf0: {  	[tilespmem:v2+s0+$0x0], v1 =	vst.idx.ret.add.f32.msk @!p0 $0x1, v1  }
0xf1: {  	[tilespmem:s2+$0xC0] =	vst.msk $0x1, v0  }
0xf2: {  	v0 =	vld.msk [tilespmem:s4+$0xE0], $0x1;
	_ =	sdelay $0x4  }
0xf3: {  	[tilespmem:s2+$0xE0] =	vst.msk $0x1, v0;
	s2 =	sadd.s32 $0x1, s2  }
.LBB2_19:
0xf4: {  	s4 =	sadd.s32 $0x1, s4  }
0xf5: {  	p0 =	sne.s32 s4, $0x20  }
.Ltmp8:
0xf6: {  	_ = 	snop;
	(pc) =	sbr.rel @!p0 .LBB2_20-.Ltmp8, $1  }
0xf7: {  	_ =	sdelay $0x3  }
.LBB2_12:
0xf8: {  	v0 =	vld.msk [tilespmem:s4+$0xC0], $0x1;
	_ =	sdelay $0x4  }
0xf9: {  	(v2sf) =	vpush v0, $0x0;
	_ =	sdelay $0xe  }
0xfa: {  	s5 =	spop (v2sf)  }
0xfb: {  	p0 =	seq.s32 s5, $0xFFFFFFFF  }
.Ltmp9:
0xfc: {  	_ = 	snop;
	(pc) =	sbr.rel @p0 .LBB2_19-.Ltmp9, $1  }
0xfd: {  	_ =	sdelay $0x3  }
0xfe: {  	p0 =	slt.s32 s2, $0x1  }
.Ltmp10:
0xff: {  	_ = 	snop;
	(pc) =	sbr.rel @p0 .LBB2_17-.Ltmp10, $1  }
0x100: {  	_ =	sdelay $0x3  }
0x101: {  	s0 =	simm.s32 $0xC0;
	p0 =	por $0x0, $0x0  }
0x102: {  	v1 =	vld.msk @!p0 [tilespmem:s0+$0x0], $0x1;
	_ =	sdelay $0x4  }
0x103: {  	(v2sf) =	vpush @!p0 v1, $0x0;
	_ =	sdelay $0xd  }
0x104: {  	p2 =	sne.s32 s2, $0x1  }
.Ltmp11:
0x105: {  	s6 =	spop @!p0 (v2sf);
	(pc) =	sbr.rel @!p2 .LBB2_16-.Ltmp11, $4  }
0x106: {  	p1 =	seq.s32 @!p0 s5, s6  }
0x107: {  	s6 =	simm.s32 $0x0;
	p1 =	por !p1, p0  }
0x108: {  	s8 =	simm.s32 $0xFFFFFFFF;
	s6 =	simm.s32 @p1 $0xFFFFFFFF  }
0x109: {  	s7 =	simm.s32 $0x1;
	s6 =	smov.u32 @p0 s8  }
.LBB2_15:
0x10a: {  	s8 =	smov.u32 s6;
	p0 =	sne.s32 s6, $0xFFFFFFFF  }
0x10b: {  	s0 =	sadd.s32 $0x1, s0;
	s6 =	smov.u32 s7;
	s7 =	sadd.s32 $0x1, s7  }
0x10c: {  	p1 =	sne.s32 s2, s7;
	v1 =	vld.msk @!p0 [tilespmem:s0+$0x0], $0x1;
	_ =	sdelay $0x4  }
0x10d: {  	(v2sf) =	vpush @!p0 v1, $0x0;
	_ =	sdelay $0xe  }
.Ltmp12:
0x10e: {  	s9 =	spop @!p0 (v2sf);
	(pc) =	sbr.rel @p1 .LBB2_15-.Ltmp12, $4  }
0x10f: {  	p2 =	seq.s32 @!p0 s5, s9  }
0x110: {  	p2 =	por !p2, p0  }
0x111: {  	s6 =	simm.s32 @p2 $0xFFFFFFFF  }
0x112: {  	s6 =	smov.u32 @p0 s8  }
.LBB2_16:
0x113: {  	p0 =	sne.s32 s6, $0xFFFFFFFF  }
.Ltmp13:
0x114: {  	_ = 	snop;
	(pc) =	sbr.rel @!p0 .LBB2_17-.Ltmp13, $1  }
0x115: {  	_ =	sdelay $0x3  }
0x116: {  	v0 =	vld.msk [tilespmem:s4+$0xE0], $0x1;
	v1 =	vmov s6  }
.Ltmp14:
0x117: {  	_ = 	snop;
	(pc) =	sbr.rel .LBB2_19-.Ltmp14, $2  }
0x118: {  	_ =	sdelay $0x2  }
0x119: {  	[tilespmem:v1+s3+$0x0], v0 =	vst.idx.ret.add.f32.msk $0x1, v0  }
.LBB2_20:
0x11a: {  	p0 =	slt.s32 s2, $0x1  }
.Ltmp15:
0x11b: {  	_ = 	snop;
	(pc) =	sbr.rel @p0 .LBB2_24-.Ltmp15, $3  }
0x11c: {  	_ =	sdelay $0x1  }
0x11d: {  	s0 =	simm.s32 $0x6  }
0x11e: {  	s3 =	simm.s32 $0x0;
	[sflag:s0] =	ssyncpa.u1 $0x1  }
0x11f: {  	s0 =	simm.s32 $0xC0  }
0x120: {  	v0 =	vld.msk [tilespmem:s0+$0x0], $0x1;
	_ =	sdelay $0x4  }
0x121: {  	(v2sf) =	vpush v0, $0x0;
	_ =	sdelay $0xe  }
0x122: {  	s2 =	sadd.s32 $0xFFFFFFFF, s2;
	s4 =	spop (v2sf)  }
0x123: {  	p1 =	sne.s32 s2, $0x0;
	p0 =	sgt.u32 s4, $0xC3FF  }
.Ltmp16:
0x124: {  	s5 =	sshrl.u32 @!p0 s4, $0x3;
	(pc) =	sbr.rel @!p1 .LBB2_23-.Ltmp16, $4  }
0x125: {  	s0 =	simm.s32 $0xE0;
	s4 =	sand.u32 @!p0 $0x7, s4;
	s5 =	sadd.s32 @!p0 s1, s5  }
0x126: {  	[hbm4b:s5+s4] =	stream.linear.scatter @!p0 [tilespmem:s0], [sflag:$0x5], $0x1, $0x38;
	[tilespmem:$0x8DC0] =	vst v63  }
0x127: {  	s5 =	simm.s32 $0x0  }
0x128: {  	s4 =	simm.s32 $0xC1;
	s5 =	simm.s32 @!p0 $0x4  }
.LBB2_22:
0x129: {  	v0 =	vld.msk [tilespmem:s4+$0x0], $0x1;
	s2 =	sadd.s32 $0xFFFFFFFF, s2;
	s3 =	sadd.s32 s3, s5  }
0x12a: {  	p0 =	sne.s32 s2, $0x0;
	_ =	sdelay $0x3  }
0x12b: {  	(v2sf) =	vpush v0, $0x0;
	_ =	sdelay $0xe  }
.Ltmp17:
0x12c: {  	s6 =	spop (v2sf);
	(pc) =	sbr.rel @p0 .LBB2_22-.Ltmp17, $4  }
0x12d: {  	s5 =	simm.s32 $0x0;
	p1 =	sgt.u32 s6, $0xC3FF  }
0x12e: {  	s0 =	sadd.s32 $0x1, s0;
	s5 =	simm.s32 @!p1 $0x4;
	s7 =	sshrl.u32 @!p1 s6, $0x3  }
0x12f: {  	s4 =	sadd.s32 $0x1, s4;
	s6 =	sand.u32 @!p1 $0x7, s6;
	s7 =	sadd.s32 @!p1 s1, s7  }
0x130: {  	[hbm4b:s7+s6] =	stream.linear.scatter @!p1 [tilespmem:s0], [sflag:$0x5], $0x1, $0x38;
	[tilespmem:$0x8DC0] =	vst v63  }
.LBB2_23:
0x131: {  	s0 =	sadd.s32 s3, s5  }
0x132: {  	s3 =	sshrl.u32 s0, $0x2  }
.LBB2_24:
0x133: {  	s0 =	simm.s32 $0x5  }
0x134: {  	_ =	swait.ge [sflag:s0], s3  }
0x135: {  	s1 =	ssub.s32 $0x0, s3;
	[sflag:s0] =	ssyncset.done $0x0  }
0x136: {  	[sflag:s0] =	ssyncadd.s32 s1  }
0x137: {  	[sflag:s0] =	ssyncpa.u1 $0x1  }
0x138: {  	s29 =	simm.s32 $0x1;
	_ =	sfence  }
0x139: {  	s30 =	simm.s32 $0x2;
	[sflag:s29] =	ssyncpa.u1 $0x1  }
0x13a: {  	[sflag:s30] =	ssyncpa.u1 $0x1  }
0x13b: {  	_ =	strace $0x90000053  }
0x13c: {  	[bflag:$0x2] =	sbarrier.arrive $0xFFFF  }
0x13d: {  	s31 =	rddreg [dreg:$0x1]  }
0x13e: {  	s0 =	sadd.s32 $0x100000, s31  }
0x13f: {  	[sflag:s0] =	ssyncadd.tile.s32 $0x1;
	_ =	shalt  }
.Lfunc_end2:
_tile_overlayer_lowered:
.L_overlay_start_2:
0x140: {  	(tag) =	ssettag $0x2  }
0x141: {  	s0 =	rddreg [dreg:$0x0];
	s2 =	stileid.u32  }
0x142: {  	s1 =	rddreg [dreg:$0x1];
	p0 =	sne.s32 s2, $0x0  }
0x143: {  	s3 =	rddreg [dreg:$0x2];
	[bflag:$0x3] =	sbarrier.arrive $0xFFFF;
	s2 =	simm.s32 @!p0 $0x1C01  }
0x144: {  	[timem:s3], [sflag:s2] =	dma.local @!p0 [hbm:s0], s1  }
0x145: {  	s0 =	simm.s32 @!p0 $0x1  }
0x146: {  	_ =	swait.ge @!p0 [sflag:s0], s1  }
0x147: {  	s1 =	ssub.s32 @!p0 $0x0, s1;
	[sflag:s0] =	ssyncset.done @!p0 $0x0  }
0x148: {  	[sflag:s0] =	ssyncadd.s32 @!p0 s1  }
0x149: {  	[bflag:$0x3] =	sbarrier.arrive $0xFFFF  }
0x14a: {  	_ =	shalt  }

// kernel: scatter_offload_async_start.2
scs
__scs_entry_jumppad:
0x0: {  	(pc) =	sbr.rel $0x88, $3  }
0x1: {  	(tag) =	ssettag $0x0;
	lr =	simm.s32 $0x1  }
0x2: {  	[smem:$0x3F8B] =	sst lr;
	_ =	strace $0xD0000000  }
0x3: {  	_ = 	snop  }
0x4: {  	_ = 	snop  }
0x5: {  	_ = 	snop  }
0x6: {  	_ = 	snop  }
0x7: {  	_ = 	snop  }
__scs_overlays_trampoline_lowered:
0x8: {  	[smem:$0x3F9A] =	sst s0  }
0x9: {  	[smem:$0x3F9B] =	sst s1  }
0xa: {  	[smem:$0x3F9C] =	sst s2  }
0xb: {  	[smem:$0x3F9D] =	sst s3  }
0xc: {  	[smem:$0x3F9E] =	sst s4  }
0xd: {  	[smem:$0x3F9F] =	sst s5  }
0xe: {  	[smem:$0x3FA0] =	sst s6  }
0xf: {  	[smem:$0x3FA1] =	sst s7  }
0x10: {  	[smem:$0x3FA2] =	sst s8  }
0x11: {  	[smem:$0x3FA3] =	sst s9;
	s0 =	simm.s32 @!p0 $0x0  }
0x12: {  	s1 =	sld [smem:$0x3F89];
	s0 =	simm.s32 @p0 $0x1  }
0x13: {  	[smem:$0x3FA4] =	sst s0;
	s0 =	simm.s32 @!p1 $0x0  }
0x14: {  	s2 =	sld [smem:$0x3F88];
	s0 =	simm.s32 @p1 $0x1  }
0x15: {  	[smem:$0x3FA5] =	sst s0;
	s0 =	simm.s32 @!p2 $0x0  }
0x16: {  	s3 =	sld [smem:$0x3FDB];
	s0 =	simm.s32 @p2 $0x1  }
0x17: {  	s4 =	simm.s32 $0x1BF5;
	[smem:$0x3FA7] =	sst s0  }
0x18: {  	s0 =	sld [smem:$0x3F8A];
	_ =	swait.ge [sflag:s4], $0x0  }
0x19: {  	s7 =	sld [smem:$0x3F8B]  }
0x1a: {  	s8 =	sadd.s32 $0xFFFFE003, lr  }
0x1b: {  	s9 =	sadd.s32 $0xFFFFFEF7, lr;
	s5 =	simm.s32 $0xFFFFFFFF;
	p2 =	slt.u32 s8, $0xFFFFF086  }
0x1c: {  	p1 =	slt.u32 s9, $0xF7A;
	s5 =	simm.s32 @!p2 $0x0  }
0x1d: {  	s5 =	simm.s32 @p1 $0x1;
	p0 =	seq.s32 s7, s2  }
0x1e: {  	s7 =	smul.u32 @!p0 $0xF7A, s2;
	p2 =	seq.s32 @!p0 s5, $0x0  }
0x1f: {  	s9 =	smul.u32 $0xF7A, s1;
	s8 =	simm.s32 @!p0 $0x1BF5;
	p2 =	por !p2, p0  }
0x20: {  	[sflag:s8] =	ssyncset.s32 @!p0 $0xFFFFF086;
	s6 =	sadd.s32 @!p0 s3, s7;
	s7 =	simm.s32 @!p0 $0x108  }
0x21: {  	s3 =	sadd.s32 s3, s9;
	s6 =	sadd.s32 @!p0 $0x88, s6;
	s7 =	simm.s32 @p2 $0x1082  }
0x22: {  	[simem:s7], [sflag:s8] =	dma.local @!p0 [hbm:s6], $0xF7A  }
0x23: {  	s9 =	sor.u32 $0xD0000000, s2;
	s6 =	simm.s32 $0x108;
	_ =	swait.ge @!p0 [sflag:s8], $0x0  }
0x24: {  	s3 =	sadd.s32 $0x88, s3;
	s6 =	simm.s32 @!p1 $0x1082;
	[sflag:s4] =	ssyncset.s32 $0xFFFFF086  }
0x25: {  	[simem:s6], [sflag:s4] =	dma.local [hbm:s3], $0xF7A  }
0x26: {  	[smem:$0x3F8B] =	sst s1;
	(tag) =	ssettag s2;
	_ =	strace s9  }
0x27: {  	s1 =	sld [smem:$0x3F9B]  }
0x28: {  	s2 =	sld [smem:$0x3F9C]  }
0x29: {  	s4 =	sld [smem:$0x3F9E]  }
0x2a: {  	p0 =	seq.s32 s5, $0x0;
	s5 =	sld [smem:$0x3F9F]  }
0x2b: {  	s6 =	sld [smem:$0x3FA0]  }
0x2c: {  	s7 =	sld [smem:$0x3FA1]  }
0x2d: {  	s3 =	simm.s32 $0x108;
	s8 =	sld [smem:$0x3FA2]  }
0x2e: {  	s3 =	simm.s32 @!p0 $0x1082;
	s9 =	sld [smem:$0x3FA3]  }
0x2f: {  	lr =	sadd.s32 s0, s3;
	s0 =	sld [smem:$0x3F9A]  }
0x30: {  	s3 =	sld [smem:$0x3F9D]  }
0x31: {  	[smem:$0x3FA6] =	sst s10  }
0x32: {  	s10 =	sld [smem:$0x3FA4];
	_ =	sdelay $0x3  }
0x33: {  	p0 =	seq.s32 s10, $0x1;
	s10 =	sld [smem:$0x3FA6];
	_ =	sdelay $0x3  }
0x34: {  	[smem:$0x3FA6] =	sst s10  }
0x35: {  	s10 =	sld [smem:$0x3FA5];
	_ =	sdelay $0x3  }
0x36: {  	p1 =	seq.s32 s10, $0x1;
	s10 =	sld [smem:$0x3FA6];
	_ =	sdelay $0x3  }
0x37: {  	[smem:$0x3FA6] =	sst s10  }
0x38: {  	s10 =	sld [smem:$0x3FA7]  }
0x39: {  	_ = 	snop;
	(pc) =	sbr.ind lr, $3  }
0x3a: {  	_ = 	snop  }
0x3b: {  	_ = 	snop  }
0x3c: {  	p2 =	seq.s32 s10, $0x1;
	s10 =	sld [smem:$0x3FA6]  }
0x3d: {  	_ =	shalt  }
0x3e: {  	_ =	shalt  }
0x3f: {  	_ =	shalt  }
0x40: {  	_ =	shalt  }
0x41: {  	_ =	shalt  }
0x42: {  	_ =	shalt  }
0x43: {  	_ =	shalt  }
0x44: {  	_ =	shalt  }
0x45: {  	_ =	shalt  }
0x46: {  	_ =	shalt  }
0x47: {  	_ =	shalt  }
0x48: {  	_ =	shalt  }
0x49: {  	_ =	shalt  }
0x4a: {  	_ =	shalt  }
0x4b: {  	_ =	shalt  }
0x4c: {  	_ =	shalt  }
0x4d: {  	_ =	shalt  }
0x4e: {  	_ =	shalt  }
0x4f: {  	_ =	shalt  }
0x50: {  	_ =	shalt  }
0x51: {  	_ =	shalt  }
0x52: {  	_ =	shalt  }
0x53: {  	_ =	shalt  }
0x54: {  	_ =	shalt  }
0x55: {  	_ =	shalt  }
0x56: {  	_ =	shalt  }
0x57: {  	_ =	shalt  }
0x58: {  	_ =	shalt  }
0x59: {  	_ =	shalt  }
0x5a: {  	_ =	shalt  }
0x5b: {  	_ =	shalt  }
0x5c: {  	_ =	shalt  }
0x5d: {  	_ =	shalt  }
0x5e: {  	_ =	shalt  }
0x5f: {  	_ =	shalt  }
0x60: {  	_ =	shalt  }
0x61: {  	_ =	shalt  }
0x62: {  	_ =	shalt  }
0x63: {  	_ =	shalt  }
0x64: {  	_ =	shalt  }
0x65: {  	_ =	shalt  }
0x66: {  	_ =	shalt  }
0x67: {  	_ =	shalt  }
0x68: {  	_ =	shalt  }
0x69: {  	_ =	shalt  }
0x6a: {  	_ =	shalt  }
0x6b: {  	_ =	shalt  }
0x6c: {  	_ =	shalt  }
0x6d: {  	_ =	shalt  }
0x6e: {  	_ =	shalt  }
0x6f: {  	_ =	shalt  }
0x70: {  	_ =	shalt  }
0x71: {  	_ =	shalt  }
0x72: {  	_ =	shalt  }
0x73: {  	_ =	shalt  }
0x74: {  	_ =	shalt  }
0x75: {  	_ =	shalt  }
0x76: {  	_ =	shalt  }
0x77: {  	_ =	shalt  }
0x78: {  	_ =	shalt  }
0x79: {  	_ =	shalt  }
0x7a: {  	_ =	shalt  }
0x7b: {  	_ =	shalt  }
0x7c: {  	_ =	shalt  }
0x7d: {  	_ =	shalt  }
0x7e: {  	_ =	shalt  }
0x7f: {  	_ =	shalt  }
0x80: {  	_ =	shalt  }
0x81: {  	_ =	shalt  }
0x82: {  	_ =	shalt  }
0x83: {  	_ =	shalt  }
0x84: {  	_ =	shalt  }
0x85: {  	_ =	shalt  }
0x86: {  	_ =	shalt  }
0x87: {  	_ =	shalt  }
.Lfunc_end0:
.L_simem_size_0:
called_computation.2_lowered:
.L_overlay_start_0:
0x88: {  	s2 =	sld [smem:$0x3FD9]  }
0x89: {  	s3 =	sld [smem:$0x3FFE];
	_ =	sdelay $0x1  }
0x8a: {  	s1 =	srdreg.scid  }
0x8b: {  	s0 =	sand.u32 $0x1, s1  }
0x8c: {  	s12 =	sshll.u32 s0, $0xA;
	s2 =	sadd.s32 s3, s2  }
0x8d: {  	s2 =	sadd.s32 s2, s12  }
0x8e: {  	[smem:$0x3FB2] =	sst s2  }
0x8f: {  	_ = 	snop  }
0x90: {  	(tm) =	ssettm $0x1  }
0x91: {  	s13 =	sld [smem:$0x3FFB];
	_ =	sdelay $0x3  }
0x92: {  	_ =	strace s13  }
0x93: {  	s2 =	sld [smem:$0x3FFC];
	_ =	sdelay $0x3  }
0x94: {  	_ =	strace s2  }
0x95: {  	s2 =	sld [smem:$0x3FFD];
	_ =	sdelay $0x3  }
0x96: {  	_ =	strace s2  }
0x97: {  	_ =	strace $0x8FFFFFFF  }
0x98: {  	s14 =	sld [smem:$0x3FDB];
	_ =	sdelay $0x1  }
0x99: {  	s15 =	simm.s32 $_scs_section_size  }
0x9a: {  	s4 =	simm.s32 $_size__tile_overlayer_lowered;
	s5 =	simm.s32 $_tile_overlayer_lowered  }
0x9b: {  	s19 =	simm.s32 $0x1BFF;
	s17 =	sshll.u32 s5, $0x1;
	s6 =	sadd.s32 s15, s14  }
0x9c: {  	s20 =	simm.s32 $0x0;
	s16 =	sshll.u32 s4, $0x1;
	s18 =	sadd.s32 s17, s6  }
0x9d: {  	[timem:s20], [sflag:s19] =	dma.local [hbm:s18], s16  }
0x9e: {  	_ =	swait.ge [sflag:s19], s16  }
0x9f: {  	s3 =	ssub.s32 $0x0, s16;
	[sflag:s19] =	ssyncset.done $0x0  }
0xa0: {  	[sflag:s19] =	ssyncadd.s32 s3;
	_ =	sdelay $0x1  }
0xa1: {  	s21 =	simm.s32 $0x1B8B  }
0xa2: {  	_ =	swait.ge [sflag:s21], $0x1  }
0xa3: {  	[sflag:s21] =	ssyncset.done $0x0  }
0xa4: {  	[sflag:s21] =	ssyncadd.s32 $0xFFFFFFFF  }
0xa5: {  	s3 =	sld [smem:$0x0]  }
0xa6: {  	s4 =	sand.u32 $0xFFFFFFFE, s1  }
0xa7: {  	p0 =	sne.s32 s1, s4  }
0xa8: {  	s4 =	sshll.u32 @p0 s4, $0xE  }
0xa9: {  	s5 =	sadd.s32 @p0 $0x11B8D, s4;
	s7 =	sshll.u32 @p0 s3, $0x11  }
0xaa: {  	s5 =	sor.u32 @p0 s7, s5  }
0xab: {  	[sflag:s5] =	ssyncadd.remote.s32 @p0 $0x1;
	_ =	sdelay $0x1  }
0xac: {  	s5 =	simm.s32 @p0 $0x1B8D  }
0xad: {  	_ =	swait.eq @p0 [sflag:s5], $0x1  }
0xae: {  	[sflag:s5] =	ssyncadd.s32 @p0 $0xFFFFFFFF  }
0xaf: {  	s7 =	sshll.u32 @!p0 s1, $0xE  }
0xb0: {  	s7 =	sor.u32 @!p0 $0x4000, s7;
	s5 =	simm.s32 @!p0 $0x1B8D  }
0xb1: {  	s9 =	sshll.u32 @!p0 s3, $0x11;
	s8 =	sadd.s32 @!p0 $0x11B8D, s7;
	_ =	swait.eq @!p0 [sflag:s5], $0x1  }
0xb2: {  	[sflag:s5] =	ssyncadd.s32 @!p0 $0xFFFFFFFF;
	s5 =	sor.u32 @!p0 s9, s8  }
0xb3: {  	s23 =	simm.s32 $0x1B8E;
	s22 =	sld [smem:$0x3FFE];
	[sflag:s5] =	ssyncadd.remote.s32 @!p0 $0x1  }
0xb4: {  	s24 =	simm.s32 $execute0_lowered;
	[smem:$0x3FD2] =	sst s23  }
0xb5: {  	s8 =	sshll.u32 s24, $0x1;
	_ =	strace $0x8000004C;
	[dreg:$0x1] =	wrdreg $0xFFFFFFFF  }
0xb6: {  	s25 =	simm.s32 $_size_execute0_lowered;
	s8 =	sadd.s32 s6, s8;
	[dreg:$0x0] =	wrdreg $0x0  }
0xb7: {  	s9 =	sshll.u32 s25, $0x1;
	[dreg:$0x2] =	wrdreg s8  }
0xb8: {  	[dreg:$0x3] =	wrdreg s9  }
0xb9: {  	[dreg:$0x4] =	wrdreg $0xC0  }
0xba: {  	s26 =	simm.s32 $execute1_lowered;
	_ =	task [dreg:s20], $0x5FFFF  }
0xbb: {  	s8 =	sshll.u32 s26, $0x1;
	[dreg:$0x1] =	wrdreg $0xFFFFFFFF  }
0xbc: {  	s6 =	sadd.s32 s6, s8;
	[dreg:$0x0] =	wrdreg $0x60  }
0xbd: {  	[dreg:$0x2] =	wrdreg s6  }
0xbe: {  	[dreg:$0x3] =	wrdreg s22  }
0xbf: {  	[dreg:$0x4] =	wrdreg $0xB  }
0xc0: {  	_ =	task.clear_ibuf [dreg:s20], $0x5FFFF;
	_ =	strace $0x9000004C  }
0xc1: {  	s28 =	simm.s32 $0xB;
	_ =	strace $0x8000004E  }
0xc2: {  	_ =	swait.ge [sflag:s28], $0x1  }
0xc3: {  	[sflag:s28] =	ssyncadd.s32 $0xFFFFFFFF  }
0xc4: {  	_ =	strace $0x9000004E  }
0xc5: {  	s6 =	sld [smem:$0x0];
	_ =	sdelay $0x3  }
0xc6: {  	s4 =	sadd.s32 @p0 $0x11BF3, s4;
	s8 =	sshll.u32 @p0 s6, $0x11  }
0xc7: {  	s4 =	sor.u32 @p0 s8, s4  }
0xc8: {  	[sflag:s4] =	ssyncadd.remote.s32 @p0 $0x1;
	_ =	sdelay $0x1  }
0xc9: {  	s4 =	simm.s32 @p0 $0x1BF3  }
0xca: {  	_ =	swait.eq @p0 [sflag:s4], $0x1  }
0xcb: {  	[sflag:s4] =	ssyncadd.s32 @p0 $0xFFFFFFFF;
	_ =	sdelay $0x1  }
0xcc: {  	s4 =	simm.s32 @!p0 $0x1BF3  }
0xcd: {  	s7 =	sadd.s32 @!p0 $0x11BF3, s7;
	s6 =	sshll.u32 @!p0 s6, $0x11;
	_ =	swait.eq @!p0 [sflag:s4], $0x1  }
0xce: {  	[sflag:s4] =	ssyncadd.s32 @!p0 $0xFFFFFFFF;
	s4 =	sor.u32 @!p0 s6, s7  }
0xcf: {  	[sflag:s4] =	ssyncadd.remote.s32 @!p0 $0x1  }
0xd0: {  	_ =	strace $0x8000004F;
	[dreg:$0x1] =	wrdreg $0xFFFFFFFF  }
0xd1: {  	[dreg:$0x0] =	wrdreg $0x2030  }
0xd2: {  	[dreg:$0x2] =	wrdreg s22  }
0xd3: {  	[dreg:$0x3] =	wrdreg s1  }
0xd4: {  	[dreg:$0x4] =	wrdreg s3  }
0xd5: {  	[dreg:$0x5] =	wrdreg $0xC  }
0xd6: {  	_ =	task.clear_ibuf [dreg:s20], $0x6FFFF;
	_ =	strace $0x9000004F  }
0xd7: {  	s29 =	simm.s32 $0xC;
	_ =	strace $0x80000051  }
0xd8: {  	_ =	swait.ge [sflag:s29], $0x1  }
0xd9: {  	[sflag:s29] =	ssyncadd.s32 $0xFFFFFFFF  }
0xda: {  	_ =	strace $0x90000051  }
0xdb: {  	_ =	sfence  }
0xdc: {  	s30 =	sld [smem:$0x0];
	_ =	sdelay $0x2  }
0xdd: {  	s31 =	sshll.u32 s1, $0xD;
	s1 =	sshrl.u32 s1, $0x2  }
0xde: {  	s4 =	sand.u32 $0x4000, s31;
	s1 =	sadd.s32 s1, s30  }
0xdf: {  	s0 =	sor.u32 s4, s0;
	s1 =	sshll.u32 s1, $0x11  }
0xe0: {  	s0 =	sor.u32 s1, s0  }
0xe1: {  	s0 =	sadd.s32 $0x8F2B, s0  }
0xe2: {  	[sflag:s0] =	ssyncadd.remote.s32 $0x1  }
0xe3: {  	_ =	sfence.sel $0xFFFF  }
0xe4: {  	[dreg:$0x0] =	wrdreg $0xFFFFFFFF;
	(pc) =	sbr.abs _section_cstart, $3  }
0xe5: {  	[dreg:$0x1] =	wrdreg $0xFFFFFFFF  }
0xe6: {  	_ =	task.clear_ibuf [dreg:s20], $0x2FFFF;
	_ =	strace $0x9FFFFFFF  }
0xe7: {  	(tm) =	ssettm $0x7FFFFFFF  }
tec
execute0_lowered:
.L_overlay_start_1:
0x0: {  	(tag) =	ssettag $0x1  }
0x1: {  	s2 =	rddreg [dreg:$0x0]  }
0x2: {  	s4 =	rddreg [dreg:$0x1]  }
0x3: {  	s0 =	rddreg [dreg:$0x2];
	s3 =	stileid.u32  }
0x4: {  	[bflag:$0x3] =	sbarrier.arrive $0xFFFF;
	s1 =	simm.s32 $_size_execute1_lowered;
	s29 =	srdreg.scid  }
0x5: {  	s7 =	simm.s32 $0x2;
	s8 =	simm.s32 $0x0;
	p0 =	sne.s32 s3, $0x0  }
0x6: {  	s1 =	sshll.u32 s1, $0x1;
	s5 =	simm.s32 @!p0 $0x1C3F;
	s6 =	simm.s32 @!p0 $0x4060  }
0x7: {  	[timem:s6], [sflag:s5] =	dma.local @!p0 [hbm:s2], s1  }
0x8: {  	s12 =	simm.s32 $0x0;
	s10 =	simm.s32 $0x0;
	s2 =	sshll.u32 s29, $0x7  }
.Ltmp0:
0x9: {  	s3 =	sshll.u32 s3, $0x8;
	s30 =	sand.u32 $0x80, s2;
	(pc) =	sbr.rel .LBB2_1-.Ltmp0, $4  }
0xa: {  	s11 =	simm.s32 $0x0;
	_ =	strace $0x8000004D;
	s3 =	sor.u32 s3, s30  }
0xb: {  	s5 =	simm.s32 $0x1;
	s2 =	sadd.s32 $0x804800, s4;
	s31 =	ssub.s32 $0xC300, s3  }
0xc: {  	s4 =	sadd.s32 $0x8C7E00, s4;
	[sflag:s5] =	ssyncpa.u1 $0x0;
	s6 =	sshrl.u32 s31, $0xC  }
0xd: {  	[sflag:s7] =	ssyncpa.u1 $0x0;
	s9 =	smov.u32 s3;
	s7 =	sadd.s32 $0x2, s6  }
.LBB2_4:
0xe: {  	_ = 	snop  }
.LBB2_7:
0xf: {  	_ =	sdelay $0x3  }
0x10: {  	[tilespmem:v0+s16+$0x0 ss:$0x1] =	vst.idx.msk @p1 $0xffff, v2  }
0x11: {  	v56 =	vld.idx.msk [tilespmem:v1+s15+$0x0 ss:$0x1], $0xffff;
	s24 =	sor.u32 $0x70, s15;
	[tilespmem:v0+s17+$0x0 ss:$0x1] =	vst.idx.msk @p1 $0xffff, v4  }
0x12: {  	s25 =	sor.u32 $0x10, s15;
	[tilespmem:v0+s18+$0x0 ss:$0x1] =	vst.idx.msk @p1 $0xffff, v3;
	v57 =	vld.idx.msk [tilespmem:v1+s24+$0x0 ss:$0x1], $0xffff  }
0x13: {  	s26 =	sor.u32 $0x20, s15;
	[tilespmem:v0+s19+$0x0 ss:$0x1] =	vst.idx.msk @p1 $0xffff, v5;
	v58 =	vld.idx.msk [tilespmem:v1+s25+$0x0 ss:$0x1], $0xffff  }
0x14: {  	s28 =	sor.u32 $0x30, s15;
	[tilespmem:v0+s20+$0x0 ss:$0x1] =	vst.idx.msk @p1 $0xffff, v6;
	v59 =	vld.idx.msk [tilespmem:v1+s26+$0x0 ss:$0x1], $0xffff  }
0x15: {  	s29 =	sor.u32 $0x40, s15;
	[tilespmem:v0+s21+$0x0 ss:$0x1] =	vst.idx.msk @p1 $0xffff, v7;
	v60 =	vld.idx.msk [tilespmem:v1+s28+$0x0 ss:$0x1], $0xffff  }
0x16: {  	s30 =	sor.u32 $0x50, s15;
	v61 =	vld.idx.msk [tilespmem:v1+s29+$0x0 ss:$0x1], $0xffff;
	[tilespmem:v0+s15+$0x0 ss:$0x1] =	vst.idx.msk $0xffff, v56  }
0x17: {  	s31 =	sor.u32 $0x60, s15;
	v62 =	vld.idx.msk [tilespmem:v1+s30+$0x0 ss:$0x1], $0xffff;
	[tilespmem:v0+s24+$0x0 ss:$0x1] =	vst.idx.msk $0xffff, v57  }
0x18: {  	v63 =	vld.idx.msk [tilespmem:v1+s31+$0x0 ss:$0x1], $0xffff;
	[tilespmem:v0+s25+$0x0 ss:$0x1] =	vst.idx.msk $0xffff, v58  }
0x19: {  	[tilespmem:v0+s26+$0x0 ss:$0x1] =	vst.idx.msk $0xffff, v59  }
0x1a: {  	[tilespmem:v0+s28+$0x0 ss:$0x1] =	vst.idx.msk $0xffff, v60  }
0x1b: {  	[tilespmem:v0+s29+$0x0 ss:$0x1] =	vst.idx.msk $0xffff, v61  }
0x1c: {  	[tilespmem:v0+s30+$0x0 ss:$0x1] =	vst.idx.msk $0xffff, v62  }
0x1d: {  	[tilespmem:v0+s31+$0x0 ss:$0x1] =	vst.idx.msk $0xffff, v63  }
.LBB2_8:
0x1e: {  	s15 =	sand.u32 $0x1FFFFFF, s10  }
0x1f: {  	s16 =	smulhi.u32 $0x14F8B59, s15;
	_ =	sdelay $0x1  }
0x20: {  	s16 =	sshrl.u32 s16, $0x8  }
0x21: {  	s16 =	smul.u32 $0xC350, s16;
	_ =	sdelay $0x1  }
0x22: {  	s15 =	ssub.s32 s15, s16  }
0x23: {  	s15 =	sshll.u32 s15, $0x4  }
0x24: {  	s15 =	sadd.s32 s4, s15  }
0x25: {  	[hbm4b:s15+s8] =	stream.linear.scatter [tilespmem:s14], [sflag:$0x2], s13, $0x38;
	[tilespmem:$0x10000] =	vst v63  }
.LBB2_9:
0x26: {  	p1 =	slt.u32 s11, $0x2  }
0x27: {  	p2 =	sgt.s32 @!p1 s12, $0xC2D0  }
0x28: {  	s13 =	smov.u32 s12;
	s14 =	sshra.s32 @!p1 s12, $0x1F;
	p2 =	por !p2, p1  }
0x29: {  	s12 =	sand.u32 @!p1 s14, s12;
	s13 =	simm.s32 @p2 $0xC2D0  }
0x2a: {  	s12 =	ssub.s32 @!p1 s13, s12  }
0x2b: {  	s12 =	sadd.s32 @!p1 $0xFFFF3D30, s12  }
0x2c: {  	s13 =	sshll.u32 @!p1 s12, $0x9  }
0x2d: {  	p2 =	sgt.s32 @!p1 s12, $0x7F;
	s12 =	ssub.s32 @!p1 $0x10000, s13  }
0x2e: {  	s14 =	sadd.s32 $0x1000, s9;
	p2 =	por !p2, p1;
	s12 =	sshrl.u32 @!p1 s12, $0x2  }
0x2f: {  	s12 =	simm.s32 @!p2 $0x0;
	p2 =	sgt.s32 s14, $0xC34F  }
0x30: {  	s14 =	smov.u32 @p2 s3;
	p2 =	sne.s32 s11, s7  }
.Ltmp1:
0x31: {  	_ = 	snop;
	(pc) =	sbr.rel @!p2 .LBB2_10-.Ltmp1, $4  }
0x32: {  	s13 =	simm.s32 @!p1 $0x2  }
0x33: {  	_ =	swait.ge @!p1 [sflag:s13], s12;
	s15 =	ssub.s32 @!p1 $0x0, s12  }
0x34: {  	s12 =	smov.u32 s10;
	s11 =	sadd.s32 $0x1, s11;
	[sflag:s13] =	ssyncset.done @!p1 $0x0  }
0x35: {  	s10 =	smov.u32 s9;
	s9 =	smov.u32 s14;
	[sflag:s13] =	ssyncadd.s32 @!p1 s15  }
.LBB2_1:
0x36: {  	p1 =	sgt.u32 s11, s6  }
0x37: {  	s13 =	sand.u32 @!p1 $0x1FFFFFF, s9  }
0x38: {  	p2 =	sgt.s32 @!p1 s9, $0xC2D0;
	s14 =	smulhi.u32 @!p1 $0x14F8B59, s13  }
0x39: {  	s15 =	smov.u32 s9;
	s16 =	sshra.s32 @!p1 s9, $0x1F;
	p2 =	por !p2, p1  }
0x3a: {  	s16 =	sand.u32 @!p1 s16, s9;
	s15 =	simm.s32 @p2 $0xC2D0;
	s14 =	sshrl.u32 @!p1 s14, $0x8  }
0x3b: {  	s15 =	ssub.s32 @!p1 s15, s16;
	s14 =	smul.u32 @!p1 $0xC350, s14  }
0x3c: {  	s16 =	sxor.u32 @!p1 $0xFFFFFFFF, s11;
	s15 =	sadd.s32 @!p1 $0xFFFF3D30, s15  }
0x3d: {  	s16 =	sshll.u32 @!p1 s16, $0xE;
	s13 =	ssub.s32 @!p1 s13, s14;
	s14 =	sshll.u32 @!p1 s15, $0x9  }
0x3e: {  	s16 =	sand.u32 @!p1 $0x4000, s16;
	p2 =	sgt.s32 @!p1 s15, $0x7F;
	s14 =	ssub.s32 @!p1 $0x10000, s14  }
0x3f: {  	p2 =	por !p2, p1;
	s13 =	sshll.u32 @!p1 s13, $0x4;
	s14 =	sshrl.u32 @!p1 s14, $0x2  }
0x40: {  	s15 =	simm.s32 @!p1 $0x0;
	s13 =	sadd.s32 @!p1 s2, s13;
	s14 =	simm.s32 @!p2 $0x0  }
0x41: {  	[tilespmem:s16], [sflag:$0x1] =	stream.linear.gather @!p1 [hbm4b:s13+s15], s14, $0x38;
	[tilespmem:$0x10000] =	vst v63  }
0x42: {  	p1 =	seq.s32 s11, $0x0  }
0x43: {  	p2 =	sge.u32 @!p1 s11, s7  }
0x44: {  	p1 =	por p1, p2  }
.Ltmp2:
0x45: {  	_ = 	snop;
	(pc) =	sbr.rel @p1 .LBB2_9-.Ltmp2, $1  }
0x46: {  	_ =	sdelay $0x3  }
0x47: {  	p1 =	sgt.s32 s10, $0xC2D0;
	s13 =	smov.u32 s10;
	s14 =	sshra.s32 s10, $0x1F  }
0x48: {  	s13 =	simm.s32 @!p1 $0xC2D0;
	s14 =	sand.u32 s14, s10  }
0x49: {  	s13 =	ssub.s32 s13, s14  }
0x4a: {  	s13 =	sadd.s32 $0xFFFF3D30, s13  }
0x4b: {  	s31 =	sshll.u32 s13, $0x9  }
0x4c: {  	s14 =	ssub.s32 $0x10000, s31  }
0x4d: {  	p1 =	sgt.s32 s13, $0x7F;
	s13 =	sshrl.u32 s14, $0x2;
	s14 =	sadd.s32 $0x80, s10  }
0x4e: {  	s13 =	simm.s32 @p1 $0x0;
	p1 =	slt.s32 s14, $0xC350  }
0x4f: {  	s14 =	simm.s32 @!p1 $0xC350  }
0x50: {  	s16 =	ssub.s32 s14, s10  }
0x51: {  	p1 =	slt.s32 s16, $0x1  }
.Ltmp3:
0x52: {  	_ = 	snop;
	(pc) =	sbr.rel @p1 .LBB2_8-.Ltmp3, $4  }
0x53: {  	_ = 	snop  }
0x54: {  	s15 =	sshll.u32 s11, $0xE;
	_ =	swait.ge [sflag:s5], s13  }
0x55: {  	s15 =	sand.u32 $0x4000, s15;
	s17 =	ssub.s32 $0x0, s13;
	[sflag:s5] =	ssyncset.done $0x0  }
0x56: {  	s14 =	sor.u32 $0x8000, s15;
	[sflag:s5] =	ssyncadd.s32 s17  }
0x57: {  	p2 =	sne.s32 s16, $0x1  }
.Ltmp4:
0x58: {  	v1 =	vmov s15;
	v0 =	vmov s14;
	(pc) =	sbr.rel @!p2 .LBB2_4-.Ltmp4, $3  }
0x59: {  	_ =	sdelay $0x1  }
0x5a: {  	s17 =	simm.s32 $0x0  }
0x5b: {  	s23 =	sadd.s32 $0xFFFFFFFF, s16;
	p1 =	por $0x0, $0x0;
	s15 =	sand.u32 $0x3F80, s17  }
0x5c: {  	_ =	sdelay $0x3  }
0x5d: {  	v6 =	vld.idx.msk [tilespmem:v1+s15+$0x0 ss:$0x1], $0xffff;
	s24 =	sor.u32 $0x70, s15  }
0x5e: {  	s16 =	sor.u32 $0x10, s15;
	v8 =	vld.idx.msk [tilespmem:v1+s24+$0x0 ss:$0x1], $0xffff  }
0x5f: {  	s17 =	sor.u32 $0x20, s15;
	p2 =	sne.s32 s23, $0x1;
	v2 =	vld.idx.msk [tilespmem:v1+s16+$0x0 ss:$0x1], $0xffff  }
.Ltmp5:
0x60: {  	s18 =	sor.u32 $0x30, s15;
	v4 =	vld.idx.msk [tilespmem:v1+s17+$0x0 ss:$0x1], $0xffff;
	(pc) =	sbr.rel @!p2 .LBB2_7-.Ltmp5, $4  }
0x61: {  	s19 =	sor.u32 $0x40, s15;
	v3 =	vld.idx.msk [tilespmem:v1+s18+$0x0 ss:$0x1], $0xffff  }
0x62: {  	s21 =	sor.u32 $0x60, s15;
	v5 =	vld.idx.msk [tilespmem:v1+s19+$0x0 ss:$0x1], $0xffff  }
0x63: {  	s20 =	sor.u32 $0x50, s15;
	s22 =	simm.s32 $0x80;
	v7 =	vld.idx.msk [tilespmem:v1+s21+$0x0 ss:$0x1], $0xffff;
	[tilespmem:v0+s15+$0x0 ss:$0x1] =	vst.idx.msk $0xffff, v6  }
0x64: {  	s23 =	sadd.s32 $0xFFFFFFFF, s23;
	p1 =	por $0x1, $0x1;
	v6 =	vld.idx.msk [tilespmem:v1+s20+$0x0 ss:$0x1], $0xffff;
	s15 =	sand.u32 $0x3F80, s22;
	[tilespmem:v0+s24+$0x0 ss:$0x1] =	vst.idx.msk $0xffff, v8  }
.LBB2_6:
0x65: {  	p2 =	sne.s32 s23, $0x1;
	v8 =	vld.idx.msk [tilespmem:v1+s15+$0x0 ss:$0x1], $0xffff;
	s24 =	sor.u32 $0x70, s15;
	[tilespmem:v0+s16+$0x0 ss:$0x1] =	vst.idx.msk $0xffff, v2;
	s16 =	sor.u32 $0x10, s15  }
0x66: {  	s25 =	sor.u32 $0x30, s15;
	s26 =	sor.u32 $0x40, s15;
	v9 =	vld.idx.msk [tilespmem:v1+s24+$0x0 ss:$0x1], $0xffff;
	[tilespmem:v0+s17+$0x0 ss:$0x1] =	vst.idx.msk $0xffff, v4;
	s17 =	sor.u32 $0x20, s15  }
0x67: {  	s28 =	sor.u32 $0x50, s15;
	s29 =	sor.u32 $0x60, s15;
	v2 =	vld.idx.msk [tilespmem:v1+s16+$0x0 ss:$0x1], $0xffff;
	[tilespmem:v0+s18+$0x0 ss:$0x1] =	vst.idx.msk $0xffff, v3;
	s18 =	smov.u32 s25  }
.Ltmp6:
0x68: {  	v4 =	vld.idx.msk [tilespmem:v1+s17+$0x0 ss:$0x1], $0xffff;
	[tilespmem:v0+s19+$0x0 ss:$0x1] =	vst.idx.msk $0xffff, v5;
	s19 =	smov.u32 s26;
	(pc) =	sbr.rel @p2 .LBB2_6-.Ltmp6, $4  }
0x69: {  	v3 =	vld.idx.msk [tilespmem:v1+s18+$0x0 ss:$0x1], $0xffff;
	[tilespmem:v0+s20+$0x0 ss:$0x1] =	vst.idx.msk $0xffff, v6;
	s20 =	smov.u32 s28  }
0x6a: {  	v5 =	vld.idx.msk [tilespmem:v1+s19+$0x0 ss:$0x1], $0xffff;
	[tilespmem:v0+s21+$0x0 ss:$0x1] =	vst.idx.msk $0xffff, v7;
	s21 =	smov.u32 s29  }
0x6b: {  	s22 =	sadd.s32 $0x80, s22;
	[tilespmem:v0+s15+$0x0 ss:$0x1] =	vst.idx.msk $0xffff, v8;
	v6 =	vld.idx.msk [tilespmem:v1+s20+$0x0 ss:$0x1], $0xffff  }
0x6c: {  	s23 =	sadd.s32 $0xFFFFFFFF, s23;
	s15 =	sand.u32 $0x3F80, s22;
	v7 =	vld.idx.msk [tilespmem:v1+s21+$0x0 ss:$0x1], $0xffff;
	[tilespmem:v0+s24+$0x0 ss:$0x1] =	vst.idx.msk $0xffff, v9  }
.Ltmp7:
0x6d: {  	_ = 	snop;
	(pc) =	sbr.rel .LBB2_7-.Ltmp7, $1  }
0x6e: {  	_ =	sdelay $0x3  }
.LBB2_10:
0x6f: {  	_ =	sfence.sel $0x180000  }
0x70: {  	s2 =	simm.s32 $0x1;
	[bflag:$0x0] =	sbarrier.arrive $0xFFFF  }
0x71: {  	s31 =	simm.s32 $0x2;
	[sflag:s2] =	ssyncpa.u1 $0x1  }
0x72: {  	[sflag:s31] =	ssyncpa.u1 $0x1  }
0x73: {  	_ =	strace $0x9000004D  }
0x74: {  	s0 =	sadd.s32 @!p0 $0x100000, s0;
	[bflag:$0x2] =	sbarrier.arrive $0xFFFF  }
0x75: {  	[sflag:s0] =	ssyncadd.tile.s32 @!p0 $0x1;
	s0 =	simm.s32 @!p0 $0x3F  }
0x76: {  	_ =	swait.ge @!p0 [sflag:s0], s1  }
0x77: {  	s1 =	ssub.s32 @!p0 $0x0, s1;
	[sflag:s0] =	ssyncset.done @!p0 $0x0  }
0x78: {  	[sflag:s0] =	ssyncadd.s32 @!p0 s1  }
0x79: {  	[bflag:$0x3] =	sbarrier.arrive $0xFFFF  }
0x7a: {  	_ =	shalt  }
.Lfunc_end2:
execute1_lowered:
.L_overlay_start_2:
0x7b: {  	(tag) =	ssettag $0x2  }
0x7c: {  	s15 =	rddreg [dreg:$0x0]  }
0x7d: {  	s2 =	rddreg [dreg:$0x1];
	_ =	strace $0x80000050;
	s0 =	simm.s32 $0x1  }
0x7e: {  	v0 =	vimm.s32 $0x0;
	[sflag:s0] =	ssyncpa.u1 $0x0;
	s0 =	simm.s32 $0x108  }
0x7f: {  	[tilespmem:s0+$0x70] =	vst v0  }
0x80: {  	[tilespmem:s0+$0x60] =	vst v0  }
0x81: {  	[tilespmem:s0+$0x50] =	vst v0  }
0x82: {  	[tilespmem:s0+$0x40] =	vst v0  }
0x83: {  	[tilespmem:s0+$0x30] =	vst v0  }
0x84: {  	s3 =	simm.s32 $0x40;
	s1 =	sadd.s32 $0x8C7E00, s15;
	[tilespmem:s0+$0x20] =	vst v0  }
0x85: {  	s6 =	sadd.s32 $0x22A00, s15;
	s14 =	sadd.s32 $0x7F5200, s15;
	s5 =	sand.u32 $0x1, s2;
	[tilespmem:s0+$0x10] =	vst v0  }
.LBB3_1:
0x86: {  	s3 =	sadd.s32 $0x40, s3;
	[tilespmem:s0+$0x0] =	vst v0;
	s0 =	sadd.s32 $0x80, s0  }
0x87: {  	p0 =	slt.u32 s3, $0x3C40;
	[tilespmem:s0+$0x70] =	vst v0  }
0x88: {  	[tilespmem:s0+$0x60] =	vst v0  }
.Ltmp8:
0x89: {  	[tilespmem:s0+$0x50] =	vst v0;
	(pc) =	sbr.rel @p0 .LBB3_1-.Ltmp8, $4  }
0x8a: {  	[tilespmem:s0+$0x40] =	vst v0  }
0x8b: {  	[tilespmem:s0+$0x30] =	vst v0  }
0x8c: {  	[tilespmem:s0+$0x20] =	vst v0  }
0x8d: {  	[tilespmem:s0+$0x10] =	vst v0  }
0x8e: {  	s9 =	stileid.u32  }
0x8f: {  	s2 =	smul.u32 $0x41, s9  }
0x90: {  	s3 =	smin.u32 s9, $0x2  }
0x91: {  	s2 =	sadd.s32 s3, s2  }
0x92: {  	p0 =	slt.u32 s9, $0x2;
	s7 =	smul.u32 $0xF0, s2;
	s2 =	simm.s32 $0x3DE0  }
0x93: {  	s2 =	simm.s32 @!p0 $0x3CF0  }
0x94: {  	s2 =	sadd.s32 s2, s7  }
0x95: {  	s8 =	smin.u32 s2, $0x3D090  }
0x96: {  	s2 =	ssub.s32 s8, s7  }
0x97: {  	p0 =	sgt.s32 s2, $0x0  }
0x98: {  	s29 =	simm.s32 $0x2;
	s10 =	simm.s32 $0x9;
	s2 =	simm.s32 @!p0 $0x0  }
0x99: {  	s4 =	simm.s32 $0xA;
	s11 =	simm.s32 $0xB;
	s28 =	smulhi.u32 $0x88888889, s2  }
0x9a: {  	[dreg:$0x4] =	wrdreg s5;
	s31 =	smul.u32 $0x7A12, s5;
	s12 =	simm.s32 $0x1  }
0x9b: {  	s22 =	simm.s32 $0x0;
	s18 =	simm.s32 $0xC;
	s30 =	sshrl.u32 s28, $0x7  }
0x9c: {  	s20 =	simm.s32 $0x0;
	s21 =	simm.s32 $0x0;
	s3 =	smul.u32 $0xF0, s30  }
.Ltmp9:
0x9d: {  	[tilespmem:s0+$0x0] =	vst v0;
	v0 =	vimm.s32 $0xFFFFFFFF;
	[sflag:s29] =	ssyncpa.u1 $0x0;
	s16 =	sshll.u32 s9, $0x8;
	(pc) =	sbr.rel .LBB3_3-.Ltmp9, $4  }
0x9e: {  	[tilespmem:$0xF208] =	vst v0;
	[sflag:s10] =	ssyncpa.u1 $0x0;
	p0 =	sne.s32 s2, s3;
	s2 =	simm.s32 $0x1  }
0x9f: {  	s14 =	sadd.s32 s31, s14;
	[sflag:s4] =	ssyncpa.u1 $0x0;
	s2 =	simm.s32 @!p0 $0x0  }
0xa0: {  	s15 =	sadd.s32 s31, s15;
	[sflag:s11] =	ssyncpa.u1 $0x0;
	s13 =	sadd.s32 s2, s30  }
0xa1: {  	v0 =	vlaneseq.u32;
	s19 =	smov.u32 s7;
	p0 =	por $0x0, $0x0;
	s17 =	sadd.s32 $0x1, s13  }
.LBB3_18:
0xa2: {  	s0 =	sshrl.u32 s31, $0x2  }
.LBB3_20:
0xa3: {  	_ =	swait.ge [sflag:s18], s0  }
0xa4: {  	s31 =	ssub.s32 $0x0, s0;
	v1 =	vmov s24;
	vm0 =	veq.s32 v0, $0x0;
	[sflag:s18] =	ssyncset.done $0x0  }
0xa5: {  	vm15 =	veq.s32 v0, $0x2;
	v1 =	vsel vm0, s30, v1;
	[sflag:s18] =	ssyncadd.s32 s31  }
0xa6: {  	v1 =	vsel vm15, s22, v1;
	[sflag:s18] =	ssyncpa.u1 $0x1  }
0xa7: {  	[tilespmem:$0xF208] =	vst v1  }
.LBB3_21:
0xa8: {  	s0 =	sadd.s32 $0xF0, s19  }
0xa9: {  	s2 =	smov.u32 s7;
	p1 =	slt.s32 s0, s8  }
0xaa: {  	s2 =	smov.u32 @p1 s0;
	p1 =	sne.s32 s21, s17  }
.Ltmp10:
0xab: {  	_ = 	snop;
	(pc) =	sbr.rel @!p1 .LBB3_22-.Ltmp10, $3  }
0xac: {  	_ =	sdelay $0x1  }
0xad: {  	s22 =	smov.u32 s20;
	s31 =	sadd.s32 $0x1, s21;
	s20 =	smov.u32 s19  }
0xae: {  	p0 =	por !p0, !p0;
	s21 =	smov.u32 s31;
	s19 =	smov.u32 s2  }
.LBB3_3:
0xaf: {  	p1 =	sge.u32 s21, s13  }
0xb0: {  	s0 =	smulhi.u32 @!p1 $0xAAAAAAAB, s21  }
0xb1: {  	s2 =	smov.u32 s19;
	p2 =	sgt.s32 @!p1 s19, $0x3CFA0  }
0xb2: {  	s3 =	sshra.s32 @!p1 s19, $0x1F;
	p2 =	por !p2, p1;
	s0 =	sshrl.u32 @!p1 s0, $0x1  }
0xb3: {  	s3 =	sand.u32 @!p1 s3, s19;
	s2 =	simm.s32 @p2 $0x3CFA0;
	s0 =	smul.u32 @!p1 $0x3, s0  }
0xb4: {  	s2 =	ssub.s32 @!p1 s2, s3  }
0xb5: {  	s2 =	sadd.s32 @!p1 $0xFFFC3060, s2;
	s0 =	ssub.s32 @!p1 s21, s0  }
0xb6: {  	s3 =	sshll.u32 @!p1 s2, $0x2;
	p2 =	sgt.s32 @!p1 s2, $0xEF;
	s0 =	smul.u32 @!p1 $0x3C0, s0  }
0xb7: {  	s4 =	sand.u32 @!p1 $0x7, s19;
	s2 =	ssub.s32 @!p1 $0x3C0, s3;
	p2 =	por !p2, p1  }
0xb8: {  	s3 =	sshrl.u32 @!p1 s19, $0x3;
	s2 =	sshrl.u32 @!p1 s2, $0x2;
	s0 =	sshrl.u32 @!p1 s0, $0x2  }
0xb9: {  	s3 =	sadd.s32 @!p1 s3, s14;
	s2 =	simm.s32 @!p2 $0x0;
	s0 =	sadd.s32 @!p1 $0x10248, s0  }
0xba: {  	[tilespmem:s0], [sflag:$0xA] =	stream.linear.gather @!p1 [hbm4b:s3+s4], s2, $0x38;
	[tilespmem:$0x1F6F8] =	vst v63  }
0xbb: {  	s0 =	sadd.s32 $0xFFFFFFFF, s21  }
0xbc: {  	p1 =	sge.u32 s0, s13  }
0xbd: {  	p2 =	sgt.s32 @!p1 s20, $0x3CFA0  }
0xbe: {  	s2 =	smov.u32 s20;
	s3 =	sshra.s32 @!p1 s20, $0x1F;
	p2 =	por !p2, p1  }
0xbf: {  	s3 =	sand.u32 @!p1 s3, s20;
	s2 =	simm.s32 @p2 $0x3CFA0  }
0xc0: {  	s2 =	ssub.s32 @!p1 s2, s3  }
0xc1: {  	s2 =	sadd.s32 @!p1 $0xFFFC3060, s2  }
0xc2: {  	s4 =	sand.u32 @!p1 $0x1, s0;
	s3 =	sshll.u32 @!p1 s2, $0x2  }
0xc3: {  	p2 =	sgt.s32 @!p1 s2, $0xEF;
	s2 =	ssub.s32 @!p1 $0x3C0, s3;
	s3 =	smulhi.u32 @!p1 $0xAAAAAAAB, s0  }
0xc4: {  	s23 =	smul.u32 @!p1 $0x3C0, s4;
	p2 =	por !p2, p1;
	s2 =	sshrl.u32 @!p1 s2, $0x2  }
0xc5: {  	s5 =	simm.s32 @!p1 $0xA;
	s2 =	simm.s32 @!p2 $0x0;
	s3 =	sshrl.u32 @!p1 s3, $0x1  }
0xc6: {  	s23 =	sshrl.u32 @!p1 s23, $0x2;
	_ =	swait.ge @!p1 [sflag:s5], s2;
	s3 =	smul.u32 @!p1 $0x3, s3  }
0xc7: {  	s23 =	sadd.s32 @!p1 $0x10518, s23;
	s24 =	ssub.s32 @!p1 $0x0, s2;
	[sflag:s5] =	ssyncset.done @!p1 $0x0  }
0xc8: {  	[sflag:s5] =	ssyncadd.s32 @!p1 s24;
	s5 =	sshrl.u32 @!p1 s20, $0x3;
	s0 =	ssub.s32 @!p1 s0, s3  }
0xc9: {  	s24 =	sand.u32 @!p1 $0x7, s20;
	s5 =	sadd.s32 @!p1 s5, s15;
	s0 =	smul.u32 @!p1 $0x3C0, s0  }
0xca: {  	[tilespmem:s23], [sflag:$0xB] =	stream.linear.gather @!p1 [hbm4b:s5+s24], s2, $0x38;
	[tilespmem:$0x1F6F8] =	vst v63  }
0xcb: {  	s3 =	ssub.s32 @!p1 $0x3D090, s20;
	s2 =	smul.u32 @!p1 $0x1E000, s4  }
0xcc: {  	p2 =	slt.s32 @!p1 s3, $0xF0  }
0xcd: {  	p2 =	por !p2, p1;
	s0 =	sshrl.u32 @!p1 s0, $0x2;
	s2 =	sshrl.u32 @!p1 s2, $0x2  }
0xce: {  	s3 =	simm.s32 @p2 $0xF0;
	s0 =	sadd.s32 @!p1 $0x10248, s0;
	s2 =	sor.u32 @!p1 $0x106F8, s2  }
0xcf: {  	[tilespmem:s2], [sflag:$0x9] =	stream.indirect.gather @!p1 [hbm4b:s6+s3], $0x80, s0, s3, $0xb8;
	[tilespmem:$0x1F6F8] =	vst v63  }
0xd0: {  	p1 =	slt.u32 s21, $0x2  }
.Ltmp11:
0xd1: {  	_ = 	snop;
	(pc) =	sbr.rel @p1 .LBB3_21-.Ltmp11, $1  }
0xd2: {  	_ =	sdelay $0x3  }
0xd3: {  	p1 =	sgt.s32 s22, $0x3CFA0  }
0xd4: {  	s0 =	smov.u32 s22;
	s2 =	sshra.s32 s22, $0x1F;
	s3 =	ssub.s32 $0x3D090, s22  }
0xd5: {  	s0 =	simm.s32 @!p1 $0x3CFA0;
	s2 =	sand.u32 s2, s22;
	p1 =	slt.s32 s3, $0xF0  }
0xd6: {  	s0 =	ssub.s32 s0, s2;
	s3 =	simm.s32 @!p1 $0xF0  }
0xd7: {  	s0 =	sadd.s32 $0xFFFC3060, s0;
	s25 =	sshll.u32 s3, $0x7  }
0xd8: {  	s26 =	sshll.u32 s0, $0x2;
	s2 =	sand.u32 $0x3FFFFF80, s25  }
0xd9: {  	p1 =	sgt.s32 s0, $0xEF;
	s29 =	ssub.s32 $0x3C0, s26;
	_ =	swait.ge [sflag:s10], s2  }
0xda: {  	s2 =	ssub.s32 $0x0, s2;
	[sflag:s10] =	ssyncset.done $0x0;
	s0 =	sshrl.u32 s29, $0x2  }
0xdb: {  	[sflag:s10] =	ssyncadd.s32 s2;
	s0 =	simm.s32 @p1 $0x0  }
0xdc: {  	_ =	swait.ge [sflag:s11], s0  }
0xdd: {  	s0 =	ssub.s32 $0x0, s0;
	[sflag:s11] =	ssyncset.done $0x0  }
0xde: {  	[sflag:s11] =	ssyncadd.s32 s0  }
0xdf: {  	v1 =	vld [tilespmem:$0xF208];
	_ =	sdelay $0x4  }
0xe0: {  	(v2sf) =	vpush v1, $0x0  }
0xe1: {  	(v2sf) =	vpush v1, $0x1  }
0xe2: {  	(v2sf) =	vpush v1, $0x2;
	_ =	sdelay $0x3  }
0xe3: {  	s0 =	sadd.s32 $0xF0, s22  }
0xe4: {  	s2 =	ssub.s32 $0x7A120, s22;
	p1 =	slt.s32 s8, s0  }
0xe5: {  	s0 =	smov.u32 @p1 s8;
	p1 =	sgt.s32 s2, $0x0  }
0xe6: {  	s26 =	ssub.s32 s0, s22;
	s2 =	simm.s32 @!p1 $0x0  }
0xe7: {  	p1 =	slt.s32 s2, s26  }
0xe8: {  	s26 =	smov.u32 @p1 s2  }
0xe9: {  	s25 =	simm.s32 $0x1;
	p1 =	slt.s32 s26, $0x1  }
.Ltmp12:
0xea: {  	s25 =	simm.s32 @!p0 $0x0;
	(pc) =	sbr.rel @p1 .LBB3_8-.Ltmp12, $4  }
0xeb: {  	s31 =	smul.u32 $0x3C0, s25  }
0xec: {  	s28 =	spop (v2sf)  }
0xed: {  	s0 =	sshrl.u32 s31, $0x2;
	s30 =	spop (v2sf)  }
0xee: {  	s23 =	sadd.s32 $0x10518, s0;
	s22 =	spop (v2sf)  }
0xef: {  	s0 =	smin.u32 s26, $0x10  }
0xf0: {  	v1 =	vmov s0  }
0xf1: {  	p2 =	sgt.s32 s26, $0x10;
	vm1 =	vgt.u32 v1, v0  }
.Ltmp13:
0xf2: {  	_ = 	snop;
	(pc) =	sbr.rel @!p2 .LBB3_7-.Ltmp13, $2  }
0xf3: {  	_ =	sdelay $0x2  }
0xf4: {  	s4 =	simm.s32 $0x10;
	s24 =	sadd.s32 $0xFFFFFFF0, s26;
	s0 =	smov.u32 s23;
	vm0 =	vmmov vm1  }
.LBB3_6:
0xf5: {  	s2 =	smin.u32 s24, $0x10;
	s4 =	sadd.s32 $0x10, s4;
	v1 =	vld.msk [tilespmem:s0+$0x0 ss:$0x1], vm1  }
0xf6: {  	v2 =	vmov s2;
	p2 =	slt.s32 s4, s26  }
0xf7: {  	vm1 =	vgt.u32 v2, v0  }
.Ltmp14:
0xf8: {  	(pc) =	sbr.rel @p2 .LBB3_6-.Ltmp14, $3  }
0xf9: {  	_ =	sdelay $0x1  }
0xfa: {  	v1 =	vshll.u32 v1, $0x4  }
0xfb: {  	s24 =	sadd.s32 $0xFFFFFFF0, s24;
	[tilespmem:s0+$0x0] =	vst.msk vm0, v1;
	s0 =	sadd.s32 $0x10, s0;
	vm0 =	vmmov vm1  }
.LBB3_7:
0xfc: {  	_ =	sdelay $0x4  }
0xfd: {  	v1 =	vld.msk [tilespmem:s0+$0x0 ss:$0x1], vm1;
	_ =	sdelay $0x4  }
0xfe: {  	v1 =	vshll.u32 v1, $0x4  }
0xff: {  	[tilespmem:s0+$0x0] =	vst.msk vm0, v1  }
.LBB3_8:
0x100: {  	s0 =	sand.u32 $0x1, s21  }
0x101: {  	s0 =	smul.u32 $0xF0, s0  }
0x102: {  	p2 =	sne.s32 s30, $0xFFFFFFFF  }
0x103: {  	v1 =	vld.msk @!p2 [tilespmem:s0+$0x10518], $0x1;
	_ =	sdelay $0x4  }
0x104: {  	(v2sf) =	vpush @!p2 v1, $0x0;
	_ =	sdelay $0xc  }
.Ltmp15:
0x105: {  	_ = 	snop;
	(pc) =	sbr.rel @p1 .LBB3_19-.Ltmp15, $4  }
0x106: {  	_ = 	snop  }
0x107: {  	s29 =	spop @!p2 (v2sf)  }
0x108: {  	s22 =	simm.s32 @!p2 $0x0;
	s24 =	smov.u32 s29  }
0x109: {  	[sflag:s18] =	ssyncpa.u1 $0x0;
	s29 =	smov.u32 @p2 s28;
	s24 =	smov.u32 @p2 s30  }
0x10a: {  	v1 =	vld.msk [tilespmem:s23+$0x0], $0x1;
	_ =	sdelay $0x4  }
0x10b: {  	(v2sf) =	vpush v1, $0x0;
	_ =	sdelay $0xe  }
0x10c: {  	s2 =	smul.u32 $0x1E000, s25;
	s0 =	spop (v2sf)  }
0x10d: {  	s26 =	ssub.s32 $0x0, s26;
	p1 =	seq.s32 s29, s0  }
0x10e: {  	s30 =	sadd.s32 $0x1, s26;
	s2 =	sshrl.u32 s2, $0x2;
	p2 =	sgt.s32 @!p1 s29, $0x0  }
0x10f: {  	s25 =	sor.u32 $0x10738, s2;
	s2 =	smov.u32 s29;
	p2 =	por !p2, p1  }
0x110: {  	s2 =	simm.s32 @p2 $0x0;
	p2 =	seq.s32 s30, $0x0  }
.Ltmp16:
0x111: {  	_ = 	snop;
	(pc) =	sbr.rel @p2 .LBB3_11-.Ltmp16, $4  }
0x112: {  	_ = 	snop  }
0x113: {  	s28 =	simm.s32 $0x0;
	s31 =	sadd.s32 $0x1, s23;
	s2 =	smin.u32 @!p1 s2, $0xC34F0  }
0x114: {  	s4 =	simm.s32 @!p1 $0x1;
	s5 =	simm.s32 @!p1 $0x7988;
	s3 =	sand.u32 @!p1 $0xFFFF8, s2  }
0x115: {  	s4 =	smov.u32 @p1 s28;
	s2 =	sand.u32 @!p1 $0x7, s2;
	s3 =	sadd.s32 @!p1 s1, s3  }
.LBB3_10:
0x116: {  	s9 =	smov.u32 s4  }
0x117: {  	[tilespmem:s5], [sflag:$0x2] =	stream.linear.gather @!p1 [hbm4b:s3+s2], $0x80, $0x38;
	[tilespmem:$0x1F6F8] =	vst v63  }
0x118: {  	s30 =	sadd.s32 $0x1, s30;
	s2 =	smov.u32 s0;
	v1 =	vld.msk [tilespmem:s31+$0x0], $0x1  }
0x119: {  	p2 =	seq.s32 s30, $0x0;
	_ =	sdelay $0x3  }
0x11a: {  	(v2sf) =	vpush v1, $0x0;
	_ =	sdelay $0xe  }
0x11b: {  	s0 =	spop (v2sf)  }
0x11c: {  	p1 =	seq.s32 s2, s0  }
0x11d: {  	p3 =	sgt.s32 @!p1 s2, $0x0;
	s3 =	sshll.u32 @!p1 s4, $0x9;
	s4 =	sadd.s32 @!p1 $0x1, s4  }
.Ltmp17:
0x11e: {  	p3 =	por !p3, p1;
	s3 =	sshra.s32 @!p1 s3, $0x2;
	(pc) =	sbr.rel @!p2 .LBB3_10-.Ltmp17, $4  }
0x11f: {  	s4 =	smov.u32 @p1 s9;
	s2 =	simm.s32 @p3 $0x0;
	s5 =	sadd.s32 @!p1 $0x7988, s3  }
0x120: {  	s2 =	smin.u32 @!p1 s2, $0xC34F0  }
0x121: {  	s3 =	sand.u32 @!p1 $0xFFFF8, s2;
	s2 =	sand.u32 @!p1 $0x7, s2  }
0x122: {  	s31 =	sadd.s32 $0x1, s31;
	s3 =	sadd.s32 @!p1 s1, s3  }
.LBB3_11:
0x123: {  	[tilespmem:s5], [sflag:$0x2] =	stream.linear.gather @!p1 [hbm4b:s3+s2], $0x80, $0x38;
	[tilespmem:$0x1F6F8] =	vst v63  }
.Ltmp18:
0x124: {  	s0 =	sshll.u32 s4, $0x7;
	(pc) =	sbr.rel .LBB3_12-.Ltmp18, $4  }
0x125: {  	s30 =	simm.s32 $0x2;
	s0 =	sand.u32 $0x3FFFFF80, s0  }
0x126: {  	_ =	swait.ge [sflag:s30], s0  }
0x127: {  	s0 =	ssub.s32 $0x0, s0;
	[sflag:s30] =	ssyncset.done $0x0  }
0x128: {  	s31 =	simm.s32 $0x0;
	[sflag:s30] =	ssyncadd.s32 s0  }
.LBB3_13:
0x129: {  	v1 =	vld [tilespmem:s25+$0xFFFFFFC0];
	_ =	sdelay $0x3  }
0x12a: {  	s0 =	sshra.s32 s0, $0x2  }
0x12b: {  	[tilespmem:s0+$0x108] =	vst.add.f32.msk $0xffff, v1  }
0x12c: {  	v1 =	vld [tilespmem:s25+$0xFFFFFFD0];
	_ =	sdelay $0x4  }
0x12d: {  	[tilespmem:s0+$0x118] =	vst.add.f32.msk $0xffff, v1  }
0x12e: {  	v1 =	vld [tilespmem:s25+$0xFFFFFFE0];
	_ =	sdelay $0x4  }
0x12f: {  	[tilespmem:s0+$0x128] =	vst.add.f32.msk $0xffff, v1  }
0x130: {  	v1 =	vld [tilespmem:s25+$0xFFFFFFF0];
	_ =	sdelay $0x4  }
0x131: {  	[tilespmem:s0+$0x138] =	vst.add.f32.msk $0xffff, v1  }
0x132: {  	v1 =	vld [tilespmem:s25+$0x0];
	_ =	sdelay $0x4  }
0x133: {  	[tilespmem:s0+$0x148] =	vst.add.f32.msk $0xffff, v1  }
0x134: {  	v1 =	vld [tilespmem:s25+$0x10];
	_ =	sdelay $0x4  }
0x135: {  	[tilespmem:s0+$0x158] =	vst.add.f32.msk $0xffff, v1  }
0x136: {  	v1 =	vld [tilespmem:s25+$0x20];
	_ =	sdelay $0x4  }
0x137: {  	[tilespmem:s0+$0x168] =	vst.add.f32.msk $0xffff, v1  }
0x138: {  	v1 =	vld [tilespmem:s25+$0x30];
	_ =	sdelay $0x4  }
0x139: {  	[tilespmem:s0+$0x178] =	vst.add.f32.msk $0xffff, v1  }
.LBB3_17:
0x13a: {  	s26 =	sadd.s32 $0x1, s26  }
0x13b: {  	p1 =	seq.s32 s26, $0x0  }
.Ltmp19:
0x13c: {  	_ = 	snop;
	(pc) =	sbr.rel @p1 .LBB3_18-.Ltmp19, $2  }
0x13d: {  	_ =	sdelay $0x2  }
0x13e: {  	s23 =	sadd.s32 $0x1, s23;
	s25 =	sadd.s32 $0x80, s25;
	s29 =	smov.u32 s30  }
.LBB3_12:
0x13f: {  	v1 =	vld.msk [tilespmem:s23+$0x0], $0x1;
	_ =	sdelay $0x4  }
0x140: {  	(v2sf) =	vpush v1, $0x0;
	_ =	sdelay $0xe  }
0x141: {  	s30 =	spop (v2sf)  }
0x142: {  	p1 =	sne.s32 s29, s30  }
.Ltmp20:
0x143: {  	_ = 	snop;
	(pc) =	sbr.rel @!p1 .LBB3_13-.Ltmp20, $2  }
0x144: {  	_ =	sdelay $0x2  }
0x145: {  	s0 =	sshll.u32 s22, $0x9  }
0x146: {  	p1 =	seq.s32 s29, s24  }
.Ltmp21:
0x147: {  	_ = 	snop;
	(pc) =	sbr.rel @!p1 .LBB3_15-.Ltmp21, $1  }
0x148: {  	_ =	sdelay $0x3  }
0x149: {  	s0 =	sshra.s32 s0, $0x2  }
.Ltmp22:
0x14a: {  	s0 =	sadd.s32 $0x108, s0;
	(pc) =	sbr.rel .LBB3_16-.Ltmp22, $4  }
0x14b: {  	[spmem:s16] =	stream.linear.scatter [tilespmem:s0], [sflag:$0x1], $0x80, $0x38;
	[tilespmem:$0x1F6F8] =	vst v63  }
0x14c: {  	_ =	swait.ge [sflag:s12], $0x80  }
0x14d: {  	[sflag:s12] =	ssyncset.done $0x0  }
0x14e: {  	[sflag:s12] =	ssyncadd.s32 $0xFFFFFF80  }
.LBB3_15:
0x14f: {  	s2 =	sshll.u32 s28, $0x9  }
0x150: {  	s2 =	sshra.s32 s2, $0x2  }
0x151: {  	v1 =	vld [tilespmem:s2+$0x7988];
	_ =	sdelay $0x3  }
0x152: {  	s0 =	sshra.s32 s0, $0x2  }
0x153: {  	[tilespmem:s0+$0x108] =	vst.add.f32.msk $0xffff, v1  }
0x154: {  	v1 =	vld [tilespmem:s2+$0x7998];
	_ =	sdelay $0x4  }
0x155: {  	[tilespmem:s0+$0x118] =	vst.add.f32.msk $0xffff, v1  }
0x156: {  	v1 =	vld [tilespmem:s2+$0x79A8];
	_ =	sdelay $0x4  }
0x157: {  	[tilespmem:s0+$0x128] =	vst.add.f32.msk $0xffff, v1  }
0x158: {  	v1 =	vld [tilespmem:s2+$0x79B8];
	_ =	sdelay $0x4  }
0x159: {  	[tilespmem:s0+$0x138] =	vst.add.f32.msk $0xffff, v1  }
0x15a: {  	v1 =	vld [tilespmem:s2+$0x79C8];
	_ =	sdelay $0x4  }
0x15b: {  	[tilespmem:s0+$0x148] =	vst.add.f32.msk $0xffff, v1  }
0x15c: {  	v1 =	vld [tilespmem:s2+$0x79D8];
	_ =	sdelay $0x4  }
0x15d: {  	[tilespmem:s0+$0x158] =	vst.add.f32.msk $0xffff, v1  }
0x15e: {  	v1 =	vld [tilespmem:s2+$0x79E8];
	_ =	sdelay $0x4  }
0x15f: {  	[tilespmem:s0+$0x168] =	vst.add.f32.msk $0xffff, v1  }
0x160: {  	v1 =	vld [tilespmem:s2+$0x79F8];
	_ =	sdelay $0x2  }
0x161: {  	p1 =	sgt.u32 s29, $0xC34F0  }
0x162: {  	s2 =	sand.u32 @!p1 $0xFFFF8, s29  }
0x163: {  	s3 =	sadd.s32 $0x108, s0;
	[tilespmem:s0+$0x178] =	vst.add.f32.msk $0xffff, v1;
	s0 =	sadd.s32 @!p1 s1, s2;
	s2 =	sand.u32 @!p1 $0x7, s29  }
0x164: {  	[hbm4b:s0+s2] =	stream.linear.scatter @!p1 [tilespmem:s3], [sflag:$0xC], $0x80, $0x38;
	[tilespmem:$0x1F6F8] =	vst v63  }
0x165: {  	s0 =	simm.s32 $0x0  }
0x166: {  	s0 =	simm.s32 @!p1 $0x200  }
0x167: {  	s31 =	sadd.s32 s0, s31  }
.LBB3_16:
0x168: {  	s0 =	sadd.s32 $0x1, s22  }
0x169: {  	s2 =	smulhi.u32 $0x88888889, s0;
	_ =	sdelay $0x1  }
0x16a: {  	v1 =	vld [tilespmem:s25+$0xFFFFFFC0];
	s2 =	sshrl.u32 s2, $0x7  }
0x16b: {  	s2 =	smul.u32 $0xF0, s2;
	_ =	sdelay $0x1  }
0x16c: {  	s22 =	ssub.s32 s0, s2  }
0x16d: {  	s0 =	sshll.u32 s22, $0x7  }
0x16e: {  	[tilespmem:s0+$0x108] =	vst v1  }
0x16f: {  	v1 =	vld [tilespmem:s25+$0xFFFFFFD0];
	_ =	sdelay $0x4  }
0x170: {  	[tilespmem:s0+$0x118] =	vst v1  }
0x171: {  	v1 =	vld [tilespmem:s25+$0xFFFFFFE0];
	_ =	sdelay $0x4  }
0x172: {  	[tilespmem:s0+$0x128] =	vst v1  }
0x173: {  	v1 =	vld [tilespmem:s25+$0xFFFFFFF0];
	_ =	sdelay $0x4  }
0x174: {  	[tilespmem:s0+$0x138] =	vst v1  }
0x175: {  	v1 =	vld [tilespmem:s25+$0x0];
	_ =	sdelay $0x4  }
0x176: {  	[tilespmem:s0+$0x148] =	vst v1  }
0x177: {  	v1 =	vld [tilespmem:s25+$0x10];
	_ =	sdelay $0x4  }
0x178: {  	[tilespmem:s0+$0x158] =	vst v1  }
0x179: {  	v1 =	vld [tilespmem:s25+$0x20];
	_ =	sdelay $0x4  }
0x17a: {  	[tilespmem:s0+$0x168] =	vst v1  }
0x17b: {  	v1 =	vld [tilespmem:s25+$0x30]  }
.Ltmp23:
0x17c: {  	_ = 	snop;
	(pc) =	sbr.rel .LBB3_17-.Ltmp23, $2  }
0x17d: {  	_ =	sdelay $0x2  }
0x17e: {  	s28 =	sadd.s32 $0x1, s28;
	[tilespmem:s0+$0x178] =	vst v1  }
.LBB3_19:
.Ltmp24:
0x17f: {  	(pc) =	sbr.rel .LBB3_20-.Ltmp24, $4  }
0x180: {  	_ = 	snop  }
0x181: {  	s0 =	simm.s32 $0x2  }
0x182: {  	_ =	swait.ge [sflag:s0], $0x0  }
0x183: {  	s30 =	smov.u32 s29;
	[sflag:s0] =	ssyncset.done $0x0;
	s0 =	simm.s32 $0x0  }
.LBB3_22:
0x184: {  	_ =	sfence.sel $0x180000  }
0x185: {  	s0 =	simm.s32 $0x9;
	[bflag:$0x0] =	sbarrier.arrive $0xFFFF  }
0x186: {  	s24 =	simm.s32 $0xA;
	[sflag:s0] =	ssyncpa.u1 $0x1  }
0x187: {  	s25 =	simm.s32 $0xB;
	[sflag:s24] =	ssyncpa.u1 $0x1  }
0x188: {  	s26 =	simm.s32 $0x2;
	[sflag:s25] =	ssyncpa.u1 $0x1  }
0x189: {  	[sflag:s26] =	ssyncpa.u1 $0x1  }
0x18a: {  	v0 =	vld [tilespmem:$0xF208];
	_ =	sdelay $0x4  }
0x18b: {  	(v2sf) =	vpush v0, $0x0  }
0x18c: {  	(v2sf) =	vpush v0, $0x1;
	_ =	sdelay $0x1  }
0x18d: {  	(v2sf) =	vpush v0, $0x2;
	_ =	sdelay $0xb  }
0x18e: {  	s0 =	spop (v2sf)  }
0x18f: {  	s2 =	spop (v2sf)  }
0x190: {  	s3 =	smov.u32 s0;
	p0 =	sne.s32 s0, s2  }
0x191: {  	s4 =	spop (v2sf);
	s3 =	simm.s32 @!p0 $0xFFFFFFFF  }
0x192: {  	v2 =	vimm.s32 $0x1;
	v3 =	vlaneseq.u32;
	p0 =	seq.s32 s4, $0xFFFFFFFF;
	v1 =	vmov s3  }
0x193: {  	s16 =	stileid.u32;
	v0 =	vperm.xlane v0, v2;
	p1 =	sne.s32 @!p0 s0, s2;
	v1 =	vperm.xlane v1, v3  }
0x194: {  	vm0 =	vcmask $0x3F04;
	s6 =	simm.s32 $0xF208;
	s0 =	simm.s32 @!p0 $0x1;
	p1 =	por !p1, p0  }
0x195: {  	s3 =	sshll.u32 s16, $0x1;
	s2 =	sshll.u32 @!p0 s4, $0x9;
	s0 =	simm.s32 @p1 $0x0;
	v0 =	vsel vm0, v1, v0  }
0x196: {  	s5 =	sor.u32 $0x1000, s3;
	s2 =	sshra.s32 @!p0 s2, $0x2;
	s0 =	sor.u32 @!p0 s0, s3;
	[tilespmem:$0xF208] =	vst v0  }
0x197: {  	[spmem:s5] =	stream.linear.scatter [tilespmem:s6], [sflag:$0x1], $0x2, $0x38;
	[tilespmem:$0x1F6F8] =	vst v63  }
0x198: {  	s2 =	sadd.s32 @!p0 $0x108, s2;
	s0 =	sshll.u32 @!p0 s0, $0x7  }
0x199: {  	[spmem:s0] =	stream.linear.scatter @!p0 [tilespmem:s2], [sflag:$0x1], $0x80, $0x38;
	[tilespmem:$0x1F6F8] =	vst v63  }
0x19a: {  	s0 =	simm.s32 @!p0 $0x82  }
0x19b: {  	s28 =	simm.s32 $0x1;
	s0 =	simm.s32 @p0 $0x2  }
0x19c: {  	_ =	swait.ge [sflag:s28], s0  }
0x19d: {  	s0 =	ssub.s32 $0x0, s0;
	[sflag:s28] =	ssyncset.done $0x0  }
0x19e: {  	p0 =	sne.s32 s16, $0x0;
	[sflag:s28] =	ssyncadd.s32 s0  }
.Ltmp25:
0x19f: {  	_ =	sfence.stream.spmem;
	(pc) =	sbr.rel @p0 .LBB3_39-.Ltmp25, $4  }
0x1a0: {  	s29 =	simm.s32 $0x3;
	[bflag:$0x0] =	sbarrier.arrive $0xFFFF  }
0x1a1: {  	s30 =	simm.s32 $0x4;
	[sflag:s29] =	ssyncpa.u1 $0x1  }
0x1a2: {  	s31 =	simm.s32 $0x3C;
	[sflag:s30] =	ssyncpa.u1 $0x1  }
0x1a3: {  	s15 =	rddreg [dreg:$0x4];
	[sflag:s31] =	ssyncpa.u1 $0x1  }
0x1a4: {  	_ =	sfence.stream.spmem;
	s0 =	simm.s32 $0x5  }
0x1a5: {  	s2 =	simm.s32 $0x1000;
	s3 =	simm.s32 $0xF218;
	[sflag:s0] =	ssyncpa.u1 $0x0  }
0x1a6: {  	[tilespmem:s3], [sflag:$0x5] =	stream.linear.gather [spmem:s2], $0x20, $0x38;
	[tilespmem:$0x1F6F8] =	vst v63  }
0x1a7: {  	s26 =	simm.s32 $0x0;
	s28 =	simm.s32 $0xF238  }
0x1a8: {  	[tilespmem:s28], [sflag:$0x5] =	stream.linear.gather [spmem:s26], $0x1000, $0x38;
	[tilespmem:$0x1F6F8] =	vst v63  }
0x1a9: {  	_ =	swait.ge [sflag:s0], $0x1020  }
0x1aa: {  	[sflag:s0] =	ssyncset.done $0x0  }
0x1ab: {  	s29 =	simm.s32 $0x0;
	[sflag:s0] =	ssyncadd.s32 $0xFFFFEFE0  }
0x1ac: {  	v0 =	vld.msk [tilespmem:s29+$0xF218], $0x1;
	_ =	sdelay $0x1  }
0x1ad: {  	s30 =	simm.s32 $0x1  }
0x1ae: {  	v1 =	vld.msk [tilespmem:s30+$0xF218], $0x1;
	_ =	sdelay $0x1  }
0x1af: {  	(v2sf) =	vpush v0, $0x0;
	_ =	sdelay $0x2  }
0x1b0: {  	(v2sf) =	vpush v1, $0x0;
	_ =	sdelay $0x2  }
0x1b1: {  	s31 =	simm.s32 $0x2  }
0x1b2: {  	v0 =	vld.msk [tilespmem:s31+$0xF218], $0x1;
	_ =	sdelay $0x2  }
0x1b3: {  	s4 =	simm.s32 $0xFFFFFFFF;
	s5 =	simm.s32 $0xFFFFFFFF;
	s0 =	simm.s32 $0xC  }
.LBB3_24:
0x1b4: {  	s2 =	smov.u32 s5;
	s3 =	smov.u32 s4  }
0x1b5: {  	s4 =	sshra.s32 s0, $0x2;
	p1 =	sne.s32 s0, $0x7C;
	s0 =	sadd.s32 $0x4, s0;
	(v2sf) =	vpush v0, $0x0  }
0x1b6: {  	v0 =	vld.msk [tilespmem:s4+$0xF218], $0x1  }
.Ltmp26:
0x1b7: {  	(pc) =	sbr.rel @p1 .LBB3_24-.Ltmp26, $4  }
0x1b8: {  	s5 =	spop (v2sf)  }
0x1b9: {  	p2 =	sne.s32 s3, $0xFFFFFFFF;
	s4 =	smov.u32 s5  }
0x1ba: {  	p3 =	seq.s32 s5, $0xFFFFFFFF;
	s4 =	smov.u32 @p2 s3  }
0x1bb: {  	s5 =	smov.u32 @p3 s2;
	s4 =	smov.u32 @p3 s3  }
0x1bc: {  	(v2sf) =	vpush v0, $0x0;
	_ =	sdelay $0x8  }
0x1bd: {  	s0 =	spop (v2sf)  }
0x1be: {  	p1 =	sne.s32 s4, $0xFFFFFFFF;
	s2 =	smov.u32 s0  }
0x1bf: {  	s9 =	simm.s32 $0x6;
	p2 =	seq.s32 s0, $0xFFFFFFFF;
	s2 =	smov.u32 @p1 s4  }
0x1c0: {  	s6 =	simm.s32 $0x0;
	s2 =	smov.u32 @p2 s4;
	s3 =	spop (v2sf)  }
0x1c1: {  	s0 =	smov.u32 @p2 s5;
	p1 =	sne.s32 s2, $0xFFFFFFFF;
	s4 =	smov.u32 s3  }
.Ltmp27:
0x1c2: {  	p2 =	seq.s32 s3, $0xFFFFFFFF;
	s4 =	smov.u32 @p1 s2;
	(pc) =	sbr.rel .LBB3_26-.Ltmp27, $4  }
0x1c3: {  	s10 =	simm.s32 $0xF188;
	s4 =	smov.u32 @p2 s2;
	s7 =	spop (v2sf)  }
0x1c4: {  	s11 =	simm.s32 $0x0;
	p1 =	sne.s32 s4, $0xFFFFFFFF;
	s8 =	smov.u32 s7  }
0x1c5: {  	s3 =	smov.u32 @p2 s0;
	p2 =	seq.s32 s7, $0xFFFFFFFF;
	s8 =	smov.u32 @p1 s4  }
0x1c6: {  	[sflag:s9] =	ssyncpa.u1 $0x0;
	s7 =	smov.u32 @p2 s3;
	s8 =	smov.u32 @p2 s4  }
.LBB3_32:
0x1c7: {  	p1 =	sgt.u32 s12, $0xC34F0  }
0x1c8: {  	p2 =	seq.s32 @!p1 s12, s8  }
0x1c9: {  	p1 =	por p1, p2  }
0x1ca: {  	p2 =	sne.s32 @!p1 s12, s7  }
0x1cb: {  	p1 =	por p1, !p2  }
0x1cc: {  	s0 =	sshll.u32 @p1 s11, $0x9  }
0x1cd: {  	s0 =	sand.u32 @!p1 $0xFFFF8, s12  }
0x1ce: {  	s2 =	sand.u32 @!p1 $0x7, s12;
	s0 =	sadd.s32 @!p1 s1, s0  }
0x1cf: {  	[tilespmem:s10], [sflag:$0x6] =	stream.linear.gather @!p1 [hbm4b:s0+s2], $0x80, $0x38;
	[tilespmem:$0x1F6F8] =	vst v63  }
0x1d0: {  	_ =	swait.ge @!p1 [sflag:s9], $0x80  }
0x1d1: {  	[sflag:s9] =	ssyncset.done @!p1 $0x0  }
0x1d2: {  	[sflag:s9] =	ssyncadd.s32 @!p1 $0xFFFFFF80  }
0x1d3: {  	v1 =	vld @!p1 [tilespmem:$0xF188];
	_ =	sdelay $0x2  }
0x1d4: {  	s0 =	sshll.u32 @!p1 s11, $0x9  }
0x1d5: {  	s2 =	sshrl.u32 @!p1 s0, $0x2  }
0x1d6: {  	[tilespmem:s2+$0xF238] =	vst.add.f32.msk @!p1 $0xffff, v1  }
0x1d7: {  	v1 =	vld @!p1 [tilespmem:$0xF198];
	_ =	sdelay $0x4  }
0x1d8: {  	[tilespmem:s2+$0xF248] =	vst.add.f32.msk @!p1 $0xffff, v1  }
0x1d9: {  	v1 =	vld @!p1 [tilespmem:$0xF1A8];
	_ =	sdelay $0x4  }
0x1da: {  	[tilespmem:s2+$0xF258] =	vst.add.f32.msk @!p1 $0xffff, v1  }
0x1db: {  	v1 =	vld @!p1 [tilespmem:$0xF1B8];
	_ =	sdelay $0x4  }
0x1dc: {  	[tilespmem:s2+$0xF268] =	vst.add.f32.msk @!p1 $0xffff, v1  }
0x1dd: {  	v1 =	vld @!p1 [tilespmem:$0xF1C8];
	_ =	sdelay $0x4  }
0x1de: {  	[tilespmem:s2+$0xF278] =	vst.add.f32.msk @!p1 $0xffff, v1  }
0x1df: {  	v1 =	vld @!p1 [tilespmem:$0xF1D8];
	_ =	sdelay $0x4  }
0x1e0: {  	[tilespmem:s2+$0xF288] =	vst.add.f32.msk @!p1 $0xffff, v1  }
0x1e1: {  	v1 =	vld @!p1 [tilespmem:$0xF1E8];
	_ =	sdelay $0x4  }
0x1e2: {  	[tilespmem:s2+$0xF298] =	vst.add.f32.msk @!p1 $0xffff, v1  }
0x1e3: {  	v1 =	vld @!p1 [tilespmem:$0xF1F8];
	_ =	sdelay $0x4  }
0x1e4: {  	[tilespmem:s2+$0xF2A8] =	vst.add.f32.msk @!p1 $0xffff, v1  }
0x1e5: {  	s0 =	sshrl.u32 s0, $0x2;
	[tilespmem:s6+$0xF218] =	vst.msk $0x1, v0  }
0x1e6: {  	v0 =	vld [tilespmem:s0+$0xF238];
	_ =	sdelay $0x2  }
0x1e7: {  	s31 =	sshll.u32 s6, $0x9  }
0x1e8: {  	s2 =	sshra.s32 s31, $0x2  }
0x1e9: {  	[tilespmem:s2+$0xF238] =	vst v0  }
0x1ea: {  	v0 =	vld [tilespmem:s0+$0xF248];
	_ =	sdelay $0x4  }
0x1eb: {  	[tilespmem:s2+$0xF248] =	vst v0  }
0x1ec: {  	v0 =	vld [tilespmem:s0+$0xF258];
	_ =	sdelay $0x4  }
0x1ed: {  	[tilespmem:s2+$0xF258] =	vst v0  }
0x1ee: {  	v0 =	vld [tilespmem:s0+$0xF268];
	_ =	sdelay $0x4  }
0x1ef: {  	[tilespmem:s2+$0xF268] =	vst v0  }
0x1f0: {  	v0 =	vld [tilespmem:s0+$0xF278];
	_ =	sdelay $0x4  }
0x1f1: {  	[tilespmem:s2+$0xF278] =	vst v0  }
0x1f2: {  	v0 =	vld [tilespmem:s0+$0xF288];
	_ =	sdelay $0x4  }
0x1f3: {  	[tilespmem:s2+$0xF288] =	vst v0  }
0x1f4: {  	v0 =	vld [tilespmem:s0+$0xF298];
	_ =	sdelay $0x4  }
0x1f5: {  	[tilespmem:s2+$0xF298] =	vst v0  }
0x1f6: {  	v0 =	vld [tilespmem:s0+$0xF2A8];
	_ =	sdelay $0x4  }
0x1f7: {  	s6 =	sadd.s32 $0x1, s6;
	[tilespmem:s2+$0xF2A8] =	vst v0  }
.LBB3_33:
0x1f8: {  	s11 =	sadd.s32 $0x1, s11  }
0x1f9: {  	p1 =	sne.s32 s11, $0x20  }
.Ltmp28:
0x1fa: {  	_ = 	snop;
	(pc) =	sbr.rel @!p1 .LBB3_34-.Ltmp28, $1  }
0x1fb: {  	_ =	sdelay $0x3  }
.LBB3_26:
0x1fc: {  	v0 =	vld.msk [tilespmem:s11+$0xF218], $0x1;
	_ =	sdelay $0x4  }
0x1fd: {  	(v2sf) =	vpush v0, $0x0;
	_ =	sdelay $0xe  }
0x1fe: {  	s12 =	spop (v2sf)  }
0x1ff: {  	p1 =	seq.s32 s12, $0xFFFFFFFF  }
.Ltmp29:
0x200: {  	_ = 	snop;
	(pc) =	sbr.rel @p1 .LBB3_33-.Ltmp29, $1  }
0x201: {  	_ =	sdelay $0x3  }
0x202: {  	p1 =	slt.s32 s6, $0x1  }
.Ltmp30:
0x203: {  	_ = 	snop;
	(pc) =	sbr.rel @p1 .LBB3_32-.Ltmp30, $1  }
0x204: {  	_ =	sdelay $0x3  }
0x205: {  	s13 =	simm.s32 $0xF218;
	p1 =	por $0x0, $0x0  }
0x206: {  	v1 =	vld.msk @!p1 [tilespmem:s13+$0x0], $0x1;
	_ =	sdelay $0x4  }
0x207: {  	(v2sf) =	vpush @!p1 v1, $0x0;
	_ =	sdelay $0xd  }
0x208: {  	p3 =	sne.s32 s6, $0x1  }
.Ltmp31:
0x209: {  	s0 =	spop @!p1 (v2sf);
	(pc) =	sbr.rel @!p3 .LBB3_30-.Ltmp31, $4  }
0x20a: {  	p2 =	seq.s32 @!p1 s12, s0  }
0x20b: {  	s14 =	simm.s32 $0x0;
	p2 =	por !p2, p1  }
0x20c: {  	s2 =	simm.s32 $0xFFFFFFFF;
	s14 =	simm.s32 @p2 $0xFFFFFFFF  }
0x20d: {  	s0 =	simm.s32 $0x1;
	s14 =	smov.u32 @p1 s2  }
.LBB3_29:
0x20e: {  	s2 =	smov.u32 s14;
	p1 =	sne.s32 s14, $0xFFFFFFFF  }
0x20f: {  	s13 =	sadd.s32 $0x1, s13;
	s14 =	smov.u32 s0;
	s0 =	sadd.s32 $0x1, s0  }
0x210: {  	p2 =	sne.s32 s6, s0;
	v1 =	vld.msk @!p1 [tilespmem:s13+$0x0], $0x1;
	_ =	sdelay $0x4  }
0x211: {  	(v2sf) =	vpush @!p1 v1, $0x0;
	_ =	sdelay $0xe  }
.Ltmp32:
0x212: {  	s3 =	spop @!p1 (v2sf);
	(pc) =	sbr.rel @p2 .LBB3_29-.Ltmp32, $4  }
0x213: {  	p3 =	seq.s32 @!p1 s12, s3  }
0x214: {  	p3 =	por !p3, p1  }
0x215: {  	s14 =	simm.s32 @p3 $0xFFFFFFFF  }
0x216: {  	s14 =	smov.u32 @p1 s2  }
.LBB3_30:
0x217: {  	p1 =	seq.s32 s14, $0xFFFFFFFF  }
.Ltmp33:
0x218: {  	_ = 	snop;
	(pc) =	sbr.rel @p1 .LBB3_32-.Ltmp33, $1  }
0x219: {  	_ =	sdelay $0x3  }
0x21a: {  	s0 =	sshll.u32 s11, $0x7  }
0x21b: {  	s0 =	sand.u32 $0x3FFFFF80, s0  }
0x21c: {  	v0 =	vld [tilespmem:s0+$0xF238];
	_ =	sdelay $0x2  }
0x21d: {  	s2 =	sshll.u32 s14, $0x9  }
0x21e: {  	s2 =	sshra.s32 s2, $0x2  }
0x21f: {  	[tilespmem:s2+$0xF238] =	vst.add.f32.msk $0xffff, v0  }
0x220: {  	v0 =	vld [tilespmem:s0+$0xF248];
	_ =	sdelay $0x4  }
0x221: {  	[tilespmem:s2+$0xF248] =	vst.add.f32.msk $0xffff, v0  }
0x222: {  	v0 =	vld [tilespmem:s0+$0xF258];
	_ =	sdelay $0x4  }
0x223: {  	[tilespmem:s2+$0xF258] =	vst.add.f32.msk $0xffff, v0  }
0x224: {  	v0 =	vld [tilespmem:s0+$0xF268];
	_ =	sdelay $0x4  }
0x225: {  	[tilespmem:s2+$0xF268] =	vst.add.f32.msk $0xffff, v0  }
0x226: {  	v0 =	vld [tilespmem:s0+$0xF278];
	_ =	sdelay $0x4  }
0x227: {  	[tilespmem:s2+$0xF278] =	vst.add.f32.msk $0xffff, v0  }
0x228: {  	v0 =	vld [tilespmem:s0+$0xF288];
	_ =	sdelay $0x4  }
0x229: {  	[tilespmem:s2+$0xF288] =	vst.add.f32.msk $0xffff, v0  }
0x22a: {  	v0 =	vld [tilespmem:s0+$0xF298];
	_ =	sdelay $0x4  }
0x22b: {  	[tilespmem:s2+$0xF298] =	vst.add.f32.msk $0xffff, v0  }
0x22c: {  	v0 =	vld [tilespmem:s0+$0xF2A8]  }
.Ltmp34:
0x22d: {  	_ = 	snop;
	(pc) =	sbr.rel .LBB3_33-.Ltmp34, $2  }
0x22e: {  	_ =	sdelay $0x2  }
0x22f: {  	[tilespmem:s2+$0xF2A8] =	vst.add.f32.msk $0xffff, v0  }
.LBB3_34:
0x230: {  	s0 =	simm.s32 $0x6;
	p1 =	seq.s32 s6, $0x0  }
0x231: {  	[sflag:s0] =	ssyncpa.u1 $0x1;
	v0 =	vimm.s32 @p1 $0xFFFFFFFF  }
0x232: {  	s9 =	sadd.s32 $0xFFFFFFFF, s6;
	[tilespmem:$0x10238] =	vst @p1 v0  }
0x233: {  	v0 =	vld.msk @!p1 [tilespmem:s9+$0xF218], $0x1;
	_ =	sdelay $0x1  }
0x234: {  	v1 =	vld.msk @!p1 [tilespmem:$0xF218], $0x1;
	_ =	sdelay $0x2  }
0x235: {  	p2 =	seq.s32 @!p1 s9, $0x0;
	v0 =	vbroadcast @!p1 v0, $0x0  }
0x236: {  	vm0 =	vmmov @!p1 $0x1;
	p2 =	por !p2, p1  }
0x237: {  	v1 =	vnsel @!p1 vm0, $0xFFFFFFFF, v1;
	vm0 =	vcmask @!p1 $0x308;
	v0 =	vpsel !p2, $0xFFFFFFFF, v0  }
0x238: {  	p2 =	sne.s32 @!p1 s8, s7;
	v0 =	vsel @!p1 vm0, v1, v0  }
0x239: {  	s0 =	simm.s32 @!p1 $0xF238;
	s2 =	simm.s32 @!p1 $0x0;
	p3 =	por !p2, p1;
	[tilespmem:$0x10238] =	vst @!p1 v0  }
0x23a: {  	[spmem:s2] =	stream.linear.scatter @!p1 [tilespmem:s0], [sflag:$0x1], $0x80, $0x38;
	[tilespmem:$0x1F6F8] =	vst v63  }
0x23b: {  	s0 =	sshll.u32 @!p3 s9, $0x9  }
0x23c: {  	s0 =	sshra.s32 @!p3 s0, $0x2  }
0x23d: {  	s2 =	simm.s32 @!p3 $0x80;
	s0 =	sadd.s32 @!p3 $0xF238, s0  }
0x23e: {  	[spmem:s2] =	stream.linear.scatter @!p3 [tilespmem:s0], [sflag:$0x1], $0x80, $0x38;
	[tilespmem:$0x1F6F8] =	vst v63  }
0x23f: {  	s0 =	simm.s32 @!p3 $0x1  }
0x240: {  	_ =	swait.ge @!p3 [sflag:s0], $0x100  }
0x241: {  	p1 =	por p2, p1;
	[sflag:s0] =	ssyncset.done @!p3 $0x0  }
0x242: {  	[sflag:s0] =	ssyncadd.s32 @!p3 $0xFFFFFF00;
	s0 =	simm.s32 @!p1 $0x1  }
0x243: {  	_ =	swait.ge @!p1 [sflag:s0], $0x80  }
0x244: {  	s29 =	simm.s32 $0x10238;
	[sflag:s0] =	ssyncset.done @!p1 $0x0  }
0x245: {  	s30 =	simm.s32 $0x1000;
	s31 =	simm.s32 $0x1;
	[sflag:s0] =	ssyncadd.s32 @!p1 $0xFFFFFF80  }
0x246: {  	[spmem:s30] =	stream.linear.scatter [tilespmem:s29], [sflag:$0x1], $0x10, $0x38;
	[tilespmem:$0x1F6F8] =	vst v63  }
0x247: {  	_ =	swait.ge [sflag:s31], $0x10  }
0x248: {  	[sflag:s31] =	ssyncset.done $0x0  }
0x249: {  	p1 =	seq.s32 s15, $0x0;
	s8 =	rddreg [dreg:$0x1];
	[sflag:s31] =	ssyncadd.s32 $0xFFFFFFF0  }
0x24a: {  	s2 =	sshll.u32 @p1 s8, $0xE;
	s7 =	rddreg [dreg:$0x2]  }
0x24b: {  	s0 =	sadd.s32 @p1 $0x15C3C, s2;
	s2 =	sshll.u32 @p1 s7, $0x11  }
0x24c: {  	_ =	sfence.stream.spmem;
	s0 =	sor.u32 @p1 s2, s0  }
0x24d: {  	[sflag:s0] =	ssyncadd.remote.s32 @p1 $0x1;
	s0 =	simm.s32 @p1 $0x4  }
0x24e: {  	s3 =	simm.s32 @!p1 $0x3C;
	s2 =	sand.u32 $0xFFFFFFFE, s8;
	_ =	swait.ge @p1 [sflag:s0], $0x22  }
0x24f: {  	s4 =	simm.s32 @!p1 $0x0;
	s2 =	sadd.s32 @!p1 $0x4, s2;
	[sflag:s0] =	ssyncset.done @p1 $0x0  }
0x250: {  	s5 =	simm.s32 @!p1 $0x100;
	[sflag:s0] =	ssyncadd.s32 @p1 $0xFFFFFFDE;
	s0 =	sshll.u32 @!p1 s2, $0x1A  }
0x251: {  	s2 =	sshll.u32 @!p1 s2, $0xD;
	s0 =	sor.u32 @!p1 s0, s7;
	_ =	swait.eq @!p1 [sflag:s3], $0x1  }
0x252: {  	s2 =	sor.u32 @!p1 $0x1C04, s2;
	s3 =	simm.s32 @!p1 $0x1C03;
	s0 =	sor.u32 @!p1 $0x80004000, s0  }
0x253: {  	[spmem:s5], [sflag:s2] =	dma.general @!p1 [spmem:s4], [sflag:s3], length:$0x20, [dreg:$0x0], stride_count:$0x0, ici_dest:s0, dma_misc:DstOpCode:WRITE  }
0x254: {  	p2 =	slt.s32 s9, $0x2;
	s4 =	simm.s32 @!p1 $0x200;
	s5 =	simm.s32 @!p1 $0x202  }
0x255: {  	[spmem:s5], [sflag:s2] =	dma.general @!p1 [spmem:s4], [sflag:s3], length:$0x2, [dreg:$0x0], stride_count:$0x0, ici_dest:s0, dma_misc:DstOpCode:WRITE  }
.Ltmp35:
0x256: {  	s0 =	simm.s32 @!p1 $0x3;
	(pc) =	sbr.rel @p2 .LBB3_38-.Ltmp35, $4  }
0x257: {  	s2 =	sshll.u32 @!p1 s8, $0xE;
	_ =	swait.ge @!p1 [sflag:s0], $0x22  }
0x258: {  	s3 =	sshll.u32 @!p1 s7, $0x11;
	s2 =	sadd.s32 @!p1 $0x11C3C, s2;
	[sflag:s0] =	ssyncset.done @!p1 $0x0  }
0x259: {  	[sflag:s0] =	ssyncadd.s32 @!p1 $0xFFFFFFDE;
	s0 =	sor.u32 @!p1 s3, s2  }
0x25a: {  	[sflag:s0] =	ssyncadd.remote.s32 @!p1 $0xFFFFFFFF;
	s0 =	simm.s32 $0x0  }
0x25b: {  	s0 =	simm.s32 $0xF219  }
0x25c: {  	v0 =	vld.msk [tilespmem:s0+$0x0], $0x1;
	_ =	sdelay $0x4  }
0x25d: {  	(v2sf) =	vpush v0, $0x0;
	_ =	sdelay $0xb  }
0x25e: {  	s31 =	sadd.s32 $0xFFFFFFFE, s6  }
0x25f: {  	s0 =	sadd.s32 $0xFFFFFFFF, s31  }
0x260: {  	p2 =	sne.s32 s0, $0x0  }
.Ltmp36:
0x261: {  	s2 =	spop (v2sf);
	(pc) =	sbr.rel @!p2 .LBB3_37-.Ltmp36, $4  }
0x262: {  	s4 =	simm.s32 $0xF2B8;
	s7 =	simm.s32 $0x0;
	p1 =	sgt.u32 s2, $0xC34F0  }
0x263: {  	s5 =	simm.s32 $0x0;
	s6 =	simm.s32 $0xF21A;
	s3 =	sand.u32 @!p1 $0xFFFF8, s2  }
0x264: {  	s2 =	sand.u32 @!p1 $0x7, s2;
	s7 =	simm.s32 @!p1 $0x200;
	s3 =	sadd.s32 @!p1 s1, s3  }
0x265: {  	[hbm4b:s3+s2] =	stream.linear.scatter @!p1 [tilespmem:s4], [sflag:$0x5], $0x80, $0x38;
	[tilespmem:$0x1F6F8] =	vst v63  }
.LBB3_36:
0x266: {  	v0 =	vld.msk [tilespmem:s6+$0x0], $0x1;
	s0 =	sadd.s32 $0xFFFFFFFF, s0;
	s5 =	sadd.s32 s5, s7  }
0x267: {  	p1 =	sne.s32 s0, $0x0;
	_ =	sdelay $0x3  }
0x268: {  	(v2sf) =	vpush v0, $0x0;
	_ =	sdelay $0xe  }
.Ltmp37:
0x269: {  	s2 =	spop (v2sf);
	(pc) =	sbr.rel @p1 .LBB3_36-.Ltmp37, $4  }
0x26a: {  	s7 =	simm.s32 $0x0;
	p2 =	sgt.u32 s2, $0xC34F0  }
0x26b: {  	s4 =	sadd.s32 $0x80, s4;
	s7 =	simm.s32 @!p2 $0x200;
	s3 =	sand.u32 @!p2 $0xFFFF8, s2  }
0x26c: {  	s6 =	sadd.s32 $0x1, s6;
	s2 =	sand.u32 @!p2 $0x7, s2;
	s3 =	sadd.s32 @!p2 s1, s3  }
0x26d: {  	[hbm4b:s3+s2] =	stream.linear.scatter @!p2 [tilespmem:s4], [sflag:$0x5], $0x80, $0x38;
	[tilespmem:$0x1F6F8] =	vst v63  }
.LBB3_37:
0x26e: {  	s0 =	sadd.s32 s5, s7  }
0x26f: {  	s0 =	sshrl.u32 s0, $0x2  }
.LBB3_38:
0x270: {  	s2 =	simm.s32 $0x5  }
0x271: {  	_ =	swait.ge [sflag:s2], s0  }
0x272: {  	s31 =	ssub.s32 $0x0, s0;
	[sflag:s2] =	ssyncset.done $0x0  }
0x273: {  	[sflag:s2] =	ssyncadd.s32 s31  }
0x274: {  	[sflag:s2] =	ssyncpa.u1 $0x1  }
.LBB3_39:
0x275: {  	s0 =	sor.u32 s15, s16  }
0x276: {  	p1 =	sne.s32 s0, $0x0  }
.Ltmp38:
0x277: {  	_ = 	snop;
	(pc) =	sbr.rel @p1 .LBB3_54-.Ltmp38, $3  }
0x278: {  	_ =	sdelay $0x1  }
0x279: {  	[bflag:$0x0] =	sbarrier.arrive $0xFFFF  }
0x27a: {  	_ =	sfence  }
0x27b: {  	s0 =	simm.s32 $0x7  }
0x27c: {  	s2 =	simm.s32 $0x1000;
	s3 =	simm.s32 $0xF218;
	[sflag:s0] =	ssyncpa.u1 $0x0  }
0x27d: {  	[tilespmem:s3], [sflag:$0x7] =	stream.linear.gather [spmem:s2], $0x20, $0x38;
	[tilespmem:$0x1F6F8] =	vst v63  }
0x27e: {  	s30 =	simm.s32 $0xF238;
	s2 =	simm.s32 $0x0  }
0x27f: {  	[tilespmem:s30], [sflag:$0x7] =	stream.linear.gather [spmem:s2], $0x1000, $0x38;
	[tilespmem:$0x1F6F8] =	vst v63  }
.Ltmp39:
0x280: {  	_ = 	snop;
	(pc) =	sbr.rel .LBB3_41-.Ltmp39, $4  }
0x281: {  	_ =	swait.ge [sflag:s0], $0x1020  }
0x282: {  	[sflag:s0] =	ssyncset.done $0x0  }
0x283: {  	s31 =	simm.s32 $0x8;
	[sflag:s0] =	ssyncadd.s32 $0xFFFFEFE0  }
0x284: {  	s3 =	simm.s32 $0x0;
	[sflag:s31] =	ssyncpa.u1 $0x0  }
.LBB3_47:
0x285: {  	p1 =	slt.u32 s4, $0xC34F1  }
0x286: {  	s0 =	sand.u32 @p1 $0xFFFF8, s4  }
0x287: {  	s4 =	sand.u32 @p1 $0x7, s4;
	s5 =	simm.s32 @p1 $0xF188;
	s0 =	sadd.s32 @p1 s1, s0  }
0x288: {  	[tilespmem:s5], [sflag:$0x8] =	stream.linear.gather @p1 [hbm4b:s0+s4], $0x80, $0x38;
	[tilespmem:$0x1F6F8] =	vst v63  }
0x289: {  	s0 =	simm.s32 @p1 $0x8  }
0x28a: {  	_ =	swait.ge @p1 [sflag:s0], $0x80  }
0x28b: {  	[sflag:s0] =	ssyncset.done @p1 $0x0  }
0x28c: {  	[sflag:s0] =	ssyncadd.s32 @p1 $0xFFFFFF80  }
0x28d: {  	v1 =	vld @p1 [tilespmem:$0xF188];
	_ =	sdelay $0x2  }
0x28e: {  	s0 =	sshll.u32 @p1 s3, $0x9  }
0x28f: {  	s4 =	sshrl.u32 @p1 s0, $0x2  }
0x290: {  	[tilespmem:s4+$0xF238] =	vst.add.f32.msk @p1 $0xffff, v1  }
0x291: {  	v1 =	vld @p1 [tilespmem:$0xF198];
	_ =	sdelay $0x4  }
0x292: {  	[tilespmem:s4+$0xF248] =	vst.add.f32.msk @p1 $0xffff, v1  }
0x293: {  	v1 =	vld @p1 [tilespmem:$0xF1A8];
	_ =	sdelay $0x4  }
0x294: {  	[tilespmem:s4+$0xF258] =	vst.add.f32.msk @p1 $0xffff, v1  }
0x295: {  	v1 =	vld @p1 [tilespmem:$0xF1B8];
	_ =	sdelay $0x4  }
0x296: {  	[tilespmem:s4+$0xF268] =	vst.add.f32.msk @p1 $0xffff, v1  }
0x297: {  	v1 =	vld @p1 [tilespmem:$0xF1C8];
	_ =	sdelay $0x4  }
0x298: {  	[tilespmem:s4+$0xF278] =	vst.add.f32.msk @p1 $0xffff, v1  }
0x299: {  	v1 =	vld @p1 [tilespmem:$0xF1D8];
	_ =	sdelay $0x4  }
0x29a: {  	[tilespmem:s4+$0xF288] =	vst.add.f32.msk @p1 $0xffff, v1  }
0x29b: {  	v1 =	vld @p1 [tilespmem:$0xF1E8];
	_ =	sdelay $0x4  }
0x29c: {  	[tilespmem:s4+$0xF298] =	vst.add.f32.msk @p1 $0xffff, v1  }
0x29d: {  	v1 =	vld @p1 [tilespmem:$0xF1F8];
	_ =	sdelay $0x3  }
0x29e: {  	s5 =	sshll.u32 @!p1 s3, $0x9  }
0x29f: {  	s5 =	smov.u32 @p1 s0;
	[tilespmem:s4+$0xF2A8] =	vst.add.f32.msk @p1 $0xffff, v1  }
0x2a0: {  	s0 =	sshrl.u32 s5, $0x2;
	[tilespmem:s2+$0xF218] =	vst.msk $0x1, v0  }
0x2a1: {  	v0 =	vld [tilespmem:s0+$0xF238];
	_ =	sdelay $0x2  }
0x2a2: {  	s31 =	sshll.u32 s2, $0x9  }
0x2a3: {  	s4 =	sshra.s32 s31, $0x2  }
0x2a4: {  	[tilespmem:s4+$0xF238] =	vst v0  }
0x2a5: {  	v0 =	vld [tilespmem:s0+$0xF248];
	_ =	sdelay $0x4  }
0x2a6: {  	[tilespmem:s4+$0xF248] =	vst v0  }
0x2a7: {  	v0 =	vld [tilespmem:s0+$0xF258];
	_ =	sdelay $0x4  }
0x2a8: {  	[tilespmem:s4+$0xF258] =	vst v0  }
0x2a9: {  	v0 =	vld [tilespmem:s0+$0xF268];
	_ =	sdelay $0x4  }
0x2aa: {  	[tilespmem:s4+$0xF268] =	vst v0  }
0x2ab: {  	v0 =	vld [tilespmem:s0+$0xF278];
	_ =	sdelay $0x4  }
0x2ac: {  	[tilespmem:s4+$0xF278] =	vst v0  }
0x2ad: {  	v0 =	vld [tilespmem:s0+$0xF288];
	_ =	sdelay $0x4  }
0x2ae: {  	[tilespmem:s4+$0xF288] =	vst v0  }
0x2af: {  	v0 =	vld [tilespmem:s0+$0xF298];
	_ =	sdelay $0x4  }
0x2b0: {  	[tilespmem:s4+$0xF298] =	vst v0  }
0x2b1: {  	v0 =	vld [tilespmem:s0+$0xF2A8];
	_ =	sdelay $0x4  }
0x2b2: {  	s2 =	sadd.s32 $0x1, s2;
	[tilespmem:s4+$0xF2A8] =	vst v0  }
.LBB3_48:
0x2b3: {  	s3 =	sadd.s32 $0x1, s3  }
0x2b4: {  	p1 =	sne.s32 s3, $0x20  }
.Ltmp40:
0x2b5: {  	_ = 	snop;
	(pc) =	sbr.rel @!p1 .LBB3_49-.Ltmp40, $1  }
0x2b6: {  	_ =	sdelay $0x3  }
.LBB3_41:
0x2b7: {  	v0 =	vld.msk [tilespmem:s3+$0xF218], $0x1;
	_ =	sdelay $0x4  }
0x2b8: {  	(v2sf) =	vpush v0, $0x0;
	_ =	sdelay $0xe  }
0x2b9: {  	s4 =	spop (v2sf)  }
0x2ba: {  	p1 =	seq.s32 s4, $0xFFFFFFFF  }
.Ltmp41:
0x2bb: {  	_ = 	snop;
	(pc) =	sbr.rel @p1 .LBB3_48-.Ltmp41, $1  }
0x2bc: {  	_ =	sdelay $0x3  }
0x2bd: {  	p1 =	slt.s32 s2, $0x1  }
.Ltmp42:
0x2be: {  	_ = 	snop;
	(pc) =	sbr.rel @p1 .LBB3_47-.Ltmp42, $1  }
0x2bf: {  	_ =	sdelay $0x3  }
0x2c0: {  	s5 =	simm.s32 $0xF218;
	p1 =	por $0x0, $0x0  }
0x2c1: {  	v1 =	vld.msk @!p1 [tilespmem:s5+$0x0], $0x1;
	_ =	sdelay $0x4  }
0x2c2: {  	(v2sf) =	vpush @!p1 v1, $0x0;
	_ =	sdelay $0xd  }
0x2c3: {  	p3 =	sne.s32 s2, $0x1  }
.Ltmp43:
0x2c4: {  	s0 =	spop @!p1 (v2sf);
	(pc) =	sbr.rel @!p3 .LBB3_45-.Ltmp43, $4  }
0x2c5: {  	p2 =	seq.s32 @!p1 s4, s0  }
0x2c6: {  	s6 =	simm.s32 $0x0;
	p2 =	por !p2, p1  }
0x2c7: {  	s7 =	simm.s32 $0xFFFFFFFF;
	s6 =	simm.s32 @p2 $0xFFFFFFFF  }
0x2c8: {  	s0 =	simm.s32 $0x1;
	s6 =	smov.u32 @p1 s7  }
.LBB3_44:
0x2c9: {  	s7 =	smov.u32 s6;
	p1 =	sne.s32 s6, $0xFFFFFFFF  }
0x2ca: {  	s5 =	sadd.s32 $0x1, s5;
	s6 =	smov.u32 s0;
	s0 =	sadd.s32 $0x1, s0  }
0x2cb: {  	p2 =	sne.s32 s2, s0;
	v1 =	vld.msk @!p1 [tilespmem:s5+$0x0], $0x1;
	_ =	sdelay $0x4  }
0x2cc: {  	(v2sf) =	vpush @!p1 v1, $0x0;
	_ =	sdelay $0xe  }
.Ltmp44:
0x2cd: {  	s8 =	spop @!p1 (v2sf);
	(pc) =	sbr.rel @p2 .LBB3_44-.Ltmp44, $4  }
0x2ce: {  	p3 =	seq.s32 @!p1 s4, s8  }
0x2cf: {  	p3 =	por !p3, p1  }
0x2d0: {  	s6 =	simm.s32 @p3 $0xFFFFFFFF  }
0x2d1: {  	s6 =	smov.u32 @p1 s7  }
.LBB3_45:
0x2d2: {  	p1 =	seq.s32 s6, $0xFFFFFFFF  }
.Ltmp45:
0x2d3: {  	_ = 	snop;
	(pc) =	sbr.rel @p1 .LBB3_47-.Ltmp45, $1  }
0x2d4: {  	_ =	sdelay $0x3  }
0x2d5: {  	s0 =	sshll.u32 s3, $0x7  }
0x2d6: {  	s0 =	sand.u32 $0x3FFFFF80, s0  }
0x2d7: {  	v0 =	vld [tilespmem:s0+$0xF238];
	_ =	sdelay $0x2  }
0x2d8: {  	s4 =	sshll.u32 s6, $0x9  }
0x2d9: {  	s4 =	sshra.s32 s4, $0x2  }
0x2da: {  	[tilespmem:s4+$0xF238] =	vst.add.f32.msk $0xffff, v0  }
0x2db: {  	v0 =	vld [tilespmem:s0+$0xF248];
	_ =	sdelay $0x4  }
0x2dc: {  	[tilespmem:s4+$0xF248] =	vst.add.f32.msk $0xffff, v0  }
0x2dd: {  	v0 =	vld [tilespmem:s0+$0xF258];
	_ =	sdelay $0x4  }
0x2de: {  	[tilespmem:s4+$0xF258] =	vst.add.f32.msk $0xffff, v0  }
0x2df: {  	v0 =	vld [tilespmem:s0+$0xF268];
	_ =	sdelay $0x4  }
0x2e0: {  	[tilespmem:s4+$0xF268] =	vst.add.f32.msk $0xffff, v0  }
0x2e1: {  	v0 =	vld [tilespmem:s0+$0xF278];
	_ =	sdelay $0x4  }
0x2e2: {  	[tilespmem:s4+$0xF278] =	vst.add.f32.msk $0xffff, v0  }
0x2e3: {  	v0 =	vld [tilespmem:s0+$0xF288];
	_ =	sdelay $0x4  }
0x2e4: {  	[tilespmem:s4+$0xF288] =	vst.add.f32.msk $0xffff, v0  }
0x2e5: {  	v0 =	vld [tilespmem:s0+$0xF298];
	_ =	sdelay $0x4  }
0x2e6: {  	[tilespmem:s4+$0xF298] =	vst.add.f32.msk $0xffff, v0  }
0x2e7: {  	v0 =	vld [tilespmem:s0+$0xF2A8]  }
.Ltmp46:
0x2e8: {  	_ = 	snop;
	(pc) =	sbr.rel .LBB3_48-.Ltmp46, $2  }
0x2e9: {  	_ =	sdelay $0x2  }
0x2ea: {  	[tilespmem:s4+$0xF2A8] =	vst.add.f32.msk $0xffff, v0  }
.LBB3_49:
0x2eb: {  	p1 =	slt.s32 s2, $0x1  }
.Ltmp47:
0x2ec: {  	_ = 	snop;
	(pc) =	sbr.rel @p1 .LBB3_53-.Ltmp47, $3  }
0x2ed: {  	_ =	sdelay $0x1  }
0x2ee: {  	s0 =	simm.s32 $0x8  }
0x2ef: {  	s3 =	simm.s32 $0x0;
	[sflag:s0] =	ssyncpa.u1 $0x1  }
0x2f0: {  	s0 =	simm.s32 $0xF218  }
0x2f1: {  	v0 =	vld.msk [tilespmem:s0+$0x0], $0x1;
	_ =	sdelay $0x4  }
0x2f2: {  	(v2sf) =	vpush v0, $0x0;
	_ =	sdelay $0xe  }
0x2f3: {  	s0 =	sadd.s32 $0xFFFFFFFF, s2;
	s5 =	spop (v2sf)  }
0x2f4: {  	p2 =	sne.s32 s0, $0x0;
	p1 =	sgt.u32 s5, $0xC34F0  }
.Ltmp48:
0x2f5: {  	s6 =	sand.u32 @!p1 $0xFFFF8, s5;
	(pc) =	sbr.rel @!p2 .LBB3_52-.Ltmp48, $4  }
0x2f6: {  	s4 =	simm.s32 $0xF238;
	s5 =	sand.u32 @!p1 $0x7, s5;
	s2 =	sadd.s32 @!p1 s1, s6  }
0x2f7: {  	[hbm4b:s2+s5] =	stream.linear.scatter @!p1 [tilespmem:s4], [sflag:$0x7], $0x80, $0x38;
	[tilespmem:$0x1F6F8] =	vst v63  }
0x2f8: {  	s5 =	simm.s32 $0x0  }
0x2f9: {  	s2 =	simm.s32 $0xF219;
	s5 =	simm.s32 @!p1 $0x200  }
.LBB3_51:
0x2fa: {  	v0 =	vld.msk [tilespmem:s2+$0x0], $0x1;
	s0 =	sadd.s32 $0xFFFFFFFF, s0;
	s3 =	sadd.s32 s3, s5  }
0x2fb: {  	p1 =	sne.s32 s0, $0x0;
	_ =	sdelay $0x3  }
0x2fc: {  	(v2sf) =	vpush v0, $0x0;
	_ =	sdelay $0xe  }
.Ltmp49:
0x2fd: {  	s6 =	spop (v2sf);
	(pc) =	sbr.rel @p1 .LBB3_51-.Ltmp49, $4  }
0x2fe: {  	s5 =	simm.s32 $0x0;
	p2 =	sgt.u32 s6, $0xC34F0  }
0x2ff: {  	s4 =	sadd.s32 $0x80, s4;
	s5 =	simm.s32 @!p2 $0x200;
	s7 =	sand.u32 @!p2 $0xFFFF8, s6  }
0x300: {  	s2 =	sadd.s32 $0x1, s2;
	s6 =	sand.u32 @!p2 $0x7, s6;
	s7 =	sadd.s32 @!p2 s1, s7  }
0x301: {  	[hbm4b:s7+s6] =	stream.linear.scatter @!p2 [tilespmem:s4], [sflag:$0x7], $0x80, $0x38;
	[tilespmem:$0x1F6F8] =	vst v63  }
.LBB3_52:
0x302: {  	s0 =	sadd.s32 s3, s5  }
0x303: {  	s3 =	sshrl.u32 s0, $0x2  }
.LBB3_53:
0x304: {  	s0 =	simm.s32 $0x7  }
0x305: {  	_ =	swait.ge [sflag:s0], s3  }
0x306: {  	s1 =	ssub.s32 $0x0, s3;
	[sflag:s0] =	ssyncset.done $0x0  }
0x307: {  	[sflag:s0] =	ssyncadd.s32 s1  }
0x308: {  	[sflag:s0] =	ssyncpa.u1 $0x1  }
.LBB3_54:
0x309: {  	_ =	sfence;
	s0 =	simm.s32 $0x1  }
0x30a: {  	[sflag:s0] =	ssyncpa.u1 $0x1  }
0x30b: {  	_ =	strace $0x90000050  }
0x30c: {  	[bflag:$0x2] =	sbarrier.arrive $0xFFFF  }
0x30d: {  	s0 =	rddreg [dreg:$0x3]  }
0x30e: {  	s0 =	sadd.s32 @!p0 $0x100000, s0  }
0x30f: {  	[sflag:s0] =	ssyncadd.tile.s32 @!p0 $0x1;
	_ =	shalt  }
.Lfunc_end3:
_tile_overlayer_lowered:
.L_overlay_start_3:
0x310: {  	(tag) =	ssettag $0x3  }
0x311: {  	s0 =	rddreg [dreg:$0x0];
	s2 =	stileid.u32  }
0x312: {  	s1 =	rddreg [dreg:$0x1];
	p0 =	sne.s32 s2, $0x0  }
0x313: {  	s3 =	rddreg [dreg:$0x2];
	[bflag:$0x3] =	sbarrier.arrive $0xFFFF;
	s2 =	simm.s32 @!p0 $0x1C01  }
0x314: {  	[timem:s3], [sflag:s2] =	dma.local @!p0 [hbm:s0], s1  }
0x315: {  	s0 =	simm.s32 @!p0 $0x1  }
0x316: {  	_ =	swait.ge @!p0 [sflag:s0], s1  }
0x317: {  	s1 =	ssub.s32 @!p0 $0x0, s1;
	[sflag:s0] =	ssyncset.done @!p0 $0x0  }
0x318: {  	[sflag:s0] =	ssyncadd.s32 @!p0 s1  }
0x319: {  	[bflag:$0x3] =	sbarrier.arrive $0xFFFF  }
0x31a: {  	_ =	shalt  }

// kernel: scatter_offload_async_start.3
scs
__scs_entry_jumppad:
0x0: {  	(pc) =	sbr.rel $0x88, $3  }
0x1: {  	(tag) =	ssettag $0x0;
	lr =	simm.s32 $0x1  }
0x2: {  	[smem:$0x3F8B] =	sst lr;
	_ =	strace $0xD0000000  }
0x3: {  	_ = 	snop  }
0x4: {  	_ = 	snop  }
0x5: {  	_ = 	snop  }
0x6: {  	_ = 	snop  }
0x7: {  	_ = 	snop  }
__scs_overlays_trampoline_lowered:
0x8: {  	[smem:$0x3F9A] =	sst s0  }
0x9: {  	[smem:$0x3F9B] =	sst s1  }
0xa: {  	[smem:$0x3F9C] =	sst s2  }
0xb: {  	[smem:$0x3F9D] =	sst s3  }
0xc: {  	[smem:$0x3F9E] =	sst s4  }
0xd: {  	[smem:$0x3F9F] =	sst s5  }
0xe: {  	[smem:$0x3FA0] =	sst s6  }
0xf: {  	[smem:$0x3FA1] =	sst s7  }
0x10: {  	[smem:$0x3FA2] =	sst s8  }
0x11: {  	[smem:$0x3FA3] =	sst s9;
	s0 =	simm.s32 @!p0 $0x0  }
0x12: {  	s1 =	sld [smem:$0x3F89];
	s0 =	simm.s32 @p0 $0x1  }
0x13: {  	[smem:$0x3FA4] =	sst s0;
	s0 =	simm.s32 @!p1 $0x0  }
0x14: {  	s2 =	sld [smem:$0x3F88];
	s0 =	simm.s32 @p1 $0x1  }
0x15: {  	[smem:$0x3FA5] =	sst s0;
	s0 =	simm.s32 @!p2 $0x0  }
0x16: {  	s3 =	sld [smem:$0x3FDB];
	s0 =	simm.s32 @p2 $0x1  }
0x17: {  	s4 =	simm.s32 $0x1BF5;
	[smem:$0x3FA7] =	sst s0  }
0x18: {  	s0 =	sld [smem:$0x3F8A];
	_ =	swait.ge [sflag:s4], $0x0  }
0x19: {  	s7 =	sld [smem:$0x3F8B]  }
0x1a: {  	s8 =	sadd.s32 $0xFFFFE003, lr  }
0x1b: {  	s9 =	sadd.s32 $0xFFFFFEF7, lr;
	s5 =	simm.s32 $0xFFFFFFFF;
	p2 =	slt.u32 s8, $0xFFFFF086  }
0x1c: {  	p1 =	slt.u32 s9, $0xF7A;
	s5 =	simm.s32 @!p2 $0x0  }
0x1d: {  	s5 =	simm.s32 @p1 $0x1;
	p0 =	seq.s32 s7, s2  }
0x1e: {  	s7 =	smul.u32 @!p0 $0xF7A, s2;
	p2 =	seq.s32 @!p0 s5, $0x0  }
0x1f: {  	s9 =	smul.u32 $0xF7A, s1;
	s8 =	simm.s32 @!p0 $0x1BF5;
	p2 =	por !p2, p0  }
0x20: {  	[sflag:s8] =	ssyncset.s32 @!p0 $0xFFFFF086;
	s6 =	sadd.s32 @!p0 s3, s7;
	s7 =	simm.s32 @!p0 $0x108  }
0x21: {  	s3 =	sadd.s32 s3, s9;
	s6 =	sadd.s32 @!p0 $0x88, s6;
	s7 =	simm.s32 @p2 $0x1082  }
0x22: {  	[simem:s7], [sflag:s8] =	dma.local @!p0 [hbm:s6], $0xF7A  }
0x23: {  	s9 =	sor.u32 $0xD0000000, s2;
	s6 =	simm.s32 $0x108;
	_ =	swait.ge @!p0 [sflag:s8], $0x0  }
0x24: {  	s3 =	sadd.s32 $0x88, s3;
	s6 =	simm.s32 @!p1 $0x1082;
	[sflag:s4] =	ssyncset.s32 $0xFFFFF086  }
0x25: {  	[simem:s6], [sflag:s4] =	dma.local [hbm:s3], $0xF7A  }
0x26: {  	[smem:$0x3F8B] =	sst s1;
	(tag) =	ssettag s2;
	_ =	strace s9  }
0x27: {  	s1 =	sld [smem:$0x3F9B]  }
0x28: {  	s2 =	sld [smem:$0x3F9C]  }
0x29: {  	s4 =	sld [smem:$0x3F9E]  }
0x2a: {  	p0 =	seq.s32 s5, $0x0;
	s5 =	sld [smem:$0x3F9F]  }
0x2b: {  	s6 =	sld [smem:$0x3FA0]  }
0x2c: {  	s7 =	sld [smem:$0x3FA1]  }
0x2d: {  	s3 =	simm.s32 $0x108;
	s8 =	sld [smem:$0x3FA2]  }
0x2e: {  	s3 =	simm.s32 @!p0 $0x1082;
	s9 =	sld [smem:$0x3FA3]  }
0x2f: {  	lr =	sadd.s32 s0, s3;
	s0 =	sld [smem:$0x3F9A]  }
0x30: {  	s3 =	sld [smem:$0x3F9D]  }
0x31: {  	[smem:$0x3FA6] =	sst s10  }
0x32: {  	s10 =	sld [smem:$0x3FA4];
	_ =	sdelay $0x3  }
0x33: {  	p0 =	seq.s32 s10, $0x1;
	s10 =	sld [smem:$0x3FA6];
	_ =	sdelay $0x3  }
0x34: {  	[smem:$0x3FA6] =	sst s10  }
0x35: {  	s10 =	sld [smem:$0x3FA5];
	_ =	sdelay $0x3  }
0x36: {  	p1 =	seq.s32 s10, $0x1;
	s10 =	sld [smem:$0x3FA6];
	_ =	sdelay $0x3  }
0x37: {  	[smem:$0x3FA6] =	sst s10  }
0x38: {  	s10 =	sld [smem:$0x3FA7]  }
0x39: {  	_ = 	snop;
	(pc) =	sbr.ind lr, $3  }
0x3a: {  	_ = 	snop  }
0x3b: {  	_ = 	snop  }
0x3c: {  	p2 =	seq.s32 s10, $0x1;
	s10 =	sld [smem:$0x3FA6]  }
0x3d: {  	_ =	shalt  }
0x3e: {  	_ =	shalt  }
0x3f: {  	_ =	shalt  }
0x40: {  	_ =	shalt  }
0x41: {  	_ =	shalt  }
0x42: {  	_ =	shalt  }
0x43: {  	_ =	shalt  }
0x44: {  	_ =	shalt  }
0x45: {  	_ =	shalt  }
0x46: {  	_ =	shalt  }
0x47: {  	_ =	shalt  }
0x48: {  	_ =	shalt  }
0x49: {  	_ =	shalt  }
0x4a: {  	_ =	shalt  }
0x4b: {  	_ =	shalt  }
0x4c: {  	_ =	shalt  }
0x4d: {  	_ =	shalt  }
0x4e: {  	_ =	shalt  }
0x4f: {  	_ =	shalt  }
0x50: {  	_ =	shalt  }
0x51: {  	_ =	shalt  }
0x52: {  	_ =	shalt  }
0x53: {  	_ =	shalt  }
0x54: {  	_ =	shalt  }
0x55: {  	_ =	shalt  }
0x56: {  	_ =	shalt  }
0x57: {  	_ =	shalt  }
0x58: {  	_ =	shalt  }
0x59: {  	_ =	shalt  }
0x5a: {  	_ =	shalt  }
0x5b: {  	_ =	shalt  }
0x5c: {  	_ =	shalt  }
0x5d: {  	_ =	shalt  }
0x5e: {  	_ =	shalt  }
0x5f: {  	_ =	shalt  }
0x60: {  	_ =	shalt  }
0x61: {  	_ =	shalt  }
0x62: {  	_ =	shalt  }
0x63: {  	_ =	shalt  }
0x64: {  	_ =	shalt  }
0x65: {  	_ =	shalt  }
0x66: {  	_ =	shalt  }
0x67: {  	_ =	shalt  }
0x68: {  	_ =	shalt  }
0x69: {  	_ =	shalt  }
0x6a: {  	_ =	shalt  }
0x6b: {  	_ =	shalt  }
0x6c: {  	_ =	shalt  }
0x6d: {  	_ =	shalt  }
0x6e: {  	_ =	shalt  }
0x6f: {  	_ =	shalt  }
0x70: {  	_ =	shalt  }
0x71: {  	_ =	shalt  }
0x72: {  	_ =	shalt  }
0x73: {  	_ =	shalt  }
0x74: {  	_ =	shalt  }
0x75: {  	_ =	shalt  }
0x76: {  	_ =	shalt  }
0x77: {  	_ =	shalt  }
0x78: {  	_ =	shalt  }
0x79: {  	_ =	shalt  }
0x7a: {  	_ =	shalt  }
0x7b: {  	_ =	shalt  }
0x7c: {  	_ =	shalt  }
0x7d: {  	_ =	shalt  }
0x7e: {  	_ =	shalt  }
0x7f: {  	_ =	shalt  }
0x80: {  	_ =	shalt  }
0x81: {  	_ =	shalt  }
0x82: {  	_ =	shalt  }
0x83: {  	_ =	shalt  }
0x84: {  	_ =	shalt  }
0x85: {  	_ =	shalt  }
0x86: {  	_ =	shalt  }
0x87: {  	_ =	shalt  }
.Lfunc_end0:
.L_simem_size_0:
called_computation.3_lowered:
.L_overlay_start_0:
0x88: {  	s2 =	sld [smem:$0x3FD9]  }
0x89: {  	s3 =	sld [smem:$0x3FFE];
	_ =	sdelay $0x1  }
0x8a: {  	s1 =	srdreg.scid  }
0x8b: {  	s0 =	sand.u32 $0x1, s1  }
0x8c: {  	s12 =	sshll.u32 s0, $0xA;
	s2 =	sadd.s32 s3, s2  }
0x8d: {  	s2 =	sadd.s32 s2, s12  }
0x8e: {  	[smem:$0x3FB2] =	sst s2  }
0x8f: {  	_ = 	snop  }
0x90: {  	(tm) =	ssettm $0x1  }
0x91: {  	s13 =	sld [smem:$0x3FFB];
	_ =	sdelay $0x3  }
0x92: {  	_ =	strace s13  }
0x93: {  	s2 =	sld [smem:$0x3FFC];
	_ =	sdelay $0x3  }
0x94: {  	_ =	strace s2  }
0x95: {  	s2 =	sld [smem:$0x3FFD];
	_ =	sdelay $0x3  }
0x96: {  	_ =	strace s2  }
0x97: {  	_ =	strace $0x8FFFFFFF  }
0x98: {  	s14 =	sld [smem:$0x3FDB];
	_ =	sdelay $0x1  }
0x99: {  	s15 =	simm.s32 $_scs_section_size  }
0x9a: {  	s4 =	simm.s32 $_size__tile_overlayer_lowered;
	s5 =	simm.s32 $_tile_overlayer_lowered  }
0x9b: {  	s19 =	simm.s32 $0x1BFF;
	s17 =	sshll.u32 s5, $0x1;
	s6 =	sadd.s32 s15, s14  }
0x9c: {  	s20 =	simm.s32 $0x0;
	s16 =	sshll.u32 s4, $0x1;
	s18 =	sadd.s32 s17, s6  }
0x9d: {  	[timem:s20], [sflag:s19] =	dma.local [hbm:s18], s16  }
0x9e: {  	_ =	swait.ge [sflag:s19], s16  }
0x9f: {  	s3 =	ssub.s32 $0x0, s16;
	[sflag:s19] =	ssyncset.done $0x0  }
0xa0: {  	[sflag:s19] =	ssyncadd.s32 s3;
	_ =	sdelay $0x1  }
0xa1: {  	s21 =	simm.s32 $0x1B8B  }
0xa2: {  	_ =	swait.ge [sflag:s21], $0x1  }
0xa3: {  	[sflag:s21] =	ssyncset.done $0x0  }
0xa4: {  	[sflag:s21] =	ssyncadd.s32 $0xFFFFFFFF  }
0xa5: {  	s3 =	sld [smem:$0x0]  }
0xa6: {  	s4 =	sand.u32 $0xFFFFFFFE, s1  }
0xa7: {  	p0 =	sne.s32 s1, s4  }
0xa8: {  	s4 =	sshll.u32 @p0 s4, $0xE  }
0xa9: {  	s5 =	sadd.s32 @p0 $0x11B8D, s4;
	s7 =	sshll.u32 @p0 s3, $0x11  }
0xaa: {  	s5 =	sor.u32 @p0 s7, s5  }
0xab: {  	[sflag:s5] =	ssyncadd.remote.s32 @p0 $0x1;
	_ =	sdelay $0x1  }
0xac: {  	s5 =	simm.s32 @p0 $0x1B8D  }
0xad: {  	_ =	swait.eq @p0 [sflag:s5], $0x1  }
0xae: {  	[sflag:s5] =	ssyncadd.s32 @p0 $0xFFFFFFFF  }
0xaf: {  	s7 =	sshll.u32 @!p0 s1, $0xE  }
0xb0: {  	s7 =	sor.u32 @!p0 $0x4000, s7;
	s5 =	simm.s32 @!p0 $0x1B8D  }
0xb1: {  	s9 =	sshll.u32 @!p0 s3, $0x11;
	s8 =	sadd.s32 @!p0 $0x11B8D, s7;
	_ =	swait.eq @!p0 [sflag:s5], $0x1  }
0xb2: {  	[sflag:s5] =	ssyncadd.s32 @!p0 $0xFFFFFFFF;
	s5 =	sor.u32 @!p0 s9, s8  }
0xb3: {  	s23 =	simm.s32 $0x1B8E;
	s22 =	sld [smem:$0x3FFE];
	[sflag:s5] =	ssyncadd.remote.s32 @!p0 $0x1  }
0xb4: {  	s24 =	simm.s32 $execute0_lowered;
	[smem:$0x3FD2] =	sst s23  }
0xb5: {  	s8 =	sshll.u32 s24, $0x1;
	_ =	strace $0x80000055;
	[dreg:$0x1] =	wrdreg $0xFFFFFFFF  }
0xb6: {  	s25 =	simm.s32 $_size_execute0_lowered;
	s8 =	sadd.s32 s6, s8;
	[dreg:$0x0] =	wrdreg $0x0  }
0xb7: {  	s9 =	sshll.u32 s25, $0x1;
	[dreg:$0x2] =	wrdreg s8  }
0xb8: {  	[dreg:$0x3] =	wrdreg s9  }
0xb9: {  	[dreg:$0x4] =	wrdreg $0xC0  }
0xba: {  	s26 =	simm.s32 $execute1_lowered;
	_ =	task [dreg:s20], $0x5FFFF  }
0xbb: {  	s8 =	sshll.u32 s26, $0x1;
	[dreg:$0x1] =	wrdreg $0xFFFFFFFF  }
0xbc: {  	s6 =	sadd.s32 s6, s8;
	[dreg:$0x0] =	wrdreg $0x60  }
0xbd: {  	[dreg:$0x2] =	wrdreg s6  }
0xbe: {  	[dreg:$0x3] =	wrdreg s22  }
0xbf: {  	[dreg:$0x4] =	wrdreg $0xC  }
0xc0: {  	_ =	task.clear_ibuf [dreg:s20], $0x5FFFF;
	_ =	strace $0x90000055  }
0xc1: {  	s28 =	simm.s32 $0xC;
	_ =	strace $0x80000057  }
0xc2: {  	_ =	swait.ge [sflag:s28], $0x1  }
0xc3: {  	[sflag:s28] =	ssyncadd.s32 $0xFFFFFFFF  }
0xc4: {  	_ =	strace $0x90000057  }
0xc5: {  	s6 =	sld [smem:$0x0];
	_ =	sdelay $0x3  }
0xc6: {  	s4 =	sadd.s32 @p0 $0x11BF3, s4;
	s8 =	sshll.u32 @p0 s6, $0x11  }
0xc7: {  	s4 =	sor.u32 @p0 s8, s4  }
0xc8: {  	[sflag:s4] =	ssyncadd.remote.s32 @p0 $0x1;
	_ =	sdelay $0x1  }
0xc9: {  	s4 =	simm.s32 @p0 $0x1BF3  }
0xca: {  	_ =	swait.eq @p0 [sflag:s4], $0x1  }
0xcb: {  	[sflag:s4] =	ssyncadd.s32 @p0 $0xFFFFFFFF;
	_ =	sdelay $0x1  }
0xcc: {  	s4 =	simm.s32 @!p0 $0x1BF3  }
0xcd: {  	s7 =	sadd.s32 @!p0 $0x11BF3, s7;
	s6 =	sshll.u32 @!p0 s6, $0x11;
	_ =	swait.eq @!p0 [sflag:s4], $0x1  }
0xce: {  	[sflag:s4] =	ssyncadd.s32 @!p0 $0xFFFFFFFF;
	s4 =	sor.u32 @!p0 s6, s7  }
0xcf: {  	[sflag:s4] =	ssyncadd.remote.s32 @!p0 $0x1  }
0xd0: {  	_ =	strace $0x80000058;
	[dreg:$0x1] =	wrdreg $0xFFFFFFFF  }
0xd1: {  	[dreg:$0x0] =	wrdreg $0x2030  }
0xd2: {  	[dreg:$0x2] =	wrdreg s22  }
0xd3: {  	[dreg:$0x3] =	wrdreg s1  }
0xd4: {  	[dreg:$0x4] =	wrdreg s3  }
0xd5: {  	[dreg:$0x5] =	wrdreg $0xD  }
0xd6: {  	_ =	task.clear_ibuf [dreg:s20], $0x6FFFF;
	_ =	strace $0x90000058  }
0xd7: {  	s29 =	simm.s32 $0xD;
	_ =	strace $0x8000005A  }
0xd8: {  	_ =	swait.ge [sflag:s29], $0x1  }
0xd9: {  	[sflag:s29] =	ssyncadd.s32 $0xFFFFFFFF  }
0xda: {  	_ =	strace $0x9000005A  }
0xdb: {  	_ =	sfence  }
0xdc: {  	s30 =	sld [smem:$0x0];
	_ =	sdelay $0x2  }
0xdd: {  	s31 =	sshll.u32 s1, $0xD;
	s1 =	sshrl.u32 s1, $0x2  }
0xde: {  	s4 =	sand.u32 $0x4000, s31;
	s1 =	sadd.s32 s1, s30  }
0xdf: {  	s0 =	sor.u32 s4, s0;
	s1 =	sshll.u32 s1, $0x11  }
0xe0: {  	s0 =	sor.u32 s1, s0  }
0xe1: {  	s0 =	sadd.s32 $0x8F2B, s0  }
0xe2: {  	[sflag:s0] =	ssyncadd.remote.s32 $0x1  }
0xe3: {  	_ =	sfence.sel $0xFFFF  }
0xe4: {  	[dreg:$0x0] =	wrdreg $0xFFFFFFFF;
	(pc) =	sbr.abs _section_cstart, $3  }
0xe5: {  	[dreg:$0x1] =	wrdreg $0xFFFFFFFF  }
0xe6: {  	_ =	task.clear_ibuf [dreg:s20], $0x2FFFF;
	_ =	strace $0x9FFFFFFF  }
0xe7: {  	(tm) =	ssettm $0x7FFFFFFF  }
tec
execute0_lowered:
.L_overlay_start_1:
0x0: {  	(tag) =	ssettag $0x1  }
0x1: {  	s2 =	rddreg [dreg:$0x0]  }
0x2: {  	s4 =	rddreg [dreg:$0x1]  }
0x3: {  	s0 =	rddreg [dreg:$0x2];
	s3 =	stileid.u32  }
0x4: {  	[bflag:$0x3] =	sbarrier.arrive $0xFFFF;
	s1 =	simm.s32 $_size_execute1_lowered;
	s29 =	srdreg.scid  }
0x5: {  	s7 =	simm.s32 $0x2;
	s8 =	simm.s32 $0x0;
	p0 =	sne.s32 s3, $0x0  }
0x6: {  	s1 =	sshll.u32 s1, $0x1;
	s5 =	simm.s32 @!p0 $0x1C3F;
	s6 =	simm.s32 @!p0 $0x4060  }
0x7: {  	[timem:s6], [sflag:s5] =	dma.local @!p0 [hbm:s2], s1  }
0x8: {  	s12 =	simm.s32 $0x0;
	s10 =	simm.s32 $0x0;
	s2 =	sshll.u32 s29, $0x7  }
.Ltmp0:
0x9: {  	s3 =	sshll.u32 s3, $0x8;
	s30 =	sand.u32 $0x80, s2;
	(pc) =	sbr.rel .LBB2_1-.Ltmp0, $4  }
0xa: {  	s11 =	simm.s32 $0x0;
	_ =	strace $0x80000056;
	s3 =	sor.u32 s3, s30  }
0xb: {  	s5 =	simm.s32 $0x1;
	s2 =	sadd.s32 $0x804800, s4;
	s31 =	ssub.s32 $0xC300, s3  }
0xc: {  	s4 =	sadd.s32 $0x122D400, s4;
	[sflag:s5] =	ssyncpa.u1 $0x0;
	s6 =	sshrl.u32 s31, $0xC  }
0xd: {  	[sflag:s7] =	ssyncpa.u1 $0x0;
	s9 =	smov.u32 s3;
	s7 =	sadd.s32 $0x2, s6  }
.LBB2_4:
0xe: {  	_ = 	snop  }
.LBB2_7:
0xf: {  	_ =	sdelay $0x3  }
0x10: {  	[tilespmem:v0+s16+$0x0 ss:$0x1] =	vst.idx.msk @p1 $0xffff, v2  }
0x11: {  	v56 =	vld.idx.msk [tilespmem:v1+s15+$0x0 ss:$0x1], $0xffff;
	s24 =	sor.u32 $0x70, s15;
	[tilespmem:v0+s17+$0x0 ss:$0x1] =	vst.idx.msk @p1 $0xffff, v4  }
0x12: {  	s25 =	sor.u32 $0x10, s15;
	[tilespmem:v0+s18+$0x0 ss:$0x1] =	vst.idx.msk @p1 $0xffff, v3;
	v57 =	vld.idx.msk [tilespmem:v1+s24+$0x0 ss:$0x1], $0xffff  }
0x13: {  	s26 =	sor.u32 $0x20, s15;
	[tilespmem:v0+s19+$0x0 ss:$0x1] =	vst.idx.msk @p1 $0xffff, v5;
	v58 =	vld.idx.msk [tilespmem:v1+s25+$0x0 ss:$0x1], $0xffff  }
0x14: {  	s28 =	sor.u32 $0x30, s15;
	[tilespmem:v0+s20+$0x0 ss:$0x1] =	vst.idx.msk @p1 $0xffff, v6;
	v59 =	vld.idx.msk [tilespmem:v1+s26+$0x0 ss:$0x1], $0xffff  }
0x15: {  	s29 =	sor.u32 $0x40, s15;
	[tilespmem:v0+s21+$0x0 ss:$0x1] =	vst.idx.msk @p1 $0xffff, v7;
	v60 =	vld.idx.msk [tilespmem:v1+s28+$0x0 ss:$0x1], $0xffff  }
0x16: {  	s30 =	sor.u32 $0x50, s15;
	v61 =	vld.idx.msk [tilespmem:v1+s29+$0x0 ss:$0x1], $0xffff;
	[tilespmem:v0+s15+$0x0 ss:$0x1] =	vst.idx.msk $0xffff, v56  }
0x17: {  	s31 =	sor.u32 $0x60, s15;
	v62 =	vld.idx.msk [tilespmem:v1+s30+$0x0 ss:$0x1], $0xffff;
	[tilespmem:v0+s24+$0x0 ss:$0x1] =	vst.idx.msk $0xffff, v57  }
0x18: {  	v63 =	vld.idx.msk [tilespmem:v1+s31+$0x0 ss:$0x1], $0xffff;
	[tilespmem:v0+s25+$0x0 ss:$0x1] =	vst.idx.msk $0xffff, v58  }
0x19: {  	[tilespmem:v0+s26+$0x0 ss:$0x1] =	vst.idx.msk $0xffff, v59  }
0x1a: {  	[tilespmem:v0+s28+$0x0 ss:$0x1] =	vst.idx.msk $0xffff, v60  }
0x1b: {  	[tilespmem:v0+s29+$0x0 ss:$0x1] =	vst.idx.msk $0xffff, v61  }
0x1c: {  	[tilespmem:v0+s30+$0x0 ss:$0x1] =	vst.idx.msk $0xffff, v62  }
0x1d: {  	[tilespmem:v0+s31+$0x0 ss:$0x1] =	vst.idx.msk $0xffff, v63  }
.LBB2_8:
0x1e: {  	s15 =	sand.u32 $0x1FFFFFF, s10  }
0x1f: {  	s16 =	smulhi.u32 $0x14F8B59, s15;
	_ =	sdelay $0x1  }
0x20: {  	s16 =	sshrl.u32 s16, $0x8  }
0x21: {  	s16 =	smul.u32 $0xC350, s16;
	_ =	sdelay $0x1  }
0x22: {  	s15 =	ssub.s32 s15, s16  }
0x23: {  	s15 =	sshll.u32 s15, $0x4  }
0x24: {  	s15 =	sadd.s32 s4, s15  }
0x25: {  	[hbm4b:s15+s8] =	stream.linear.scatter [tilespmem:s14], [sflag:$0x2], s13, $0x38;
	[tilespmem:$0x10000] =	vst v63  }
.LBB2_9:
0x26: {  	p1 =	slt.u32 s11, $0x2  }
0x27: {  	p2 =	sgt.s32 @!p1 s12, $0xC2D0  }
0x28: {  	s13 =	smov.u32 s12;
	s14 =	sshra.s32 @!p1 s12, $0x1F;
	p2 =	por !p2, p1  }
0x29: {  	s12 =	sand.u32 @!p1 s14, s12;
	s13 =	simm.s32 @p2 $0xC2D0  }
0x2a: {  	s12 =	ssub.s32 @!p1 s13, s12  }
0x2b: {  	s12 =	sadd.s32 @!p1 $0xFFFF3D30, s12  }
0x2c: {  	s13 =	sshll.u32 @!p1 s12, $0x9  }
0x2d: {  	p2 =	sgt.s32 @!p1 s12, $0x7F;
	s12 =	ssub.s32 @!p1 $0x10000, s13  }
0x2e: {  	s14 =	sadd.s32 $0x1000, s9;
	p2 =	por !p2, p1;
	s12 =	sshrl.u32 @!p1 s12, $0x2  }
0x2f: {  	s12 =	simm.s32 @!p2 $0x0;
	p2 =	sgt.s32 s14, $0xC34F  }
0x30: {  	s14 =	smov.u32 @p2 s3;
	p2 =	sne.s32 s11, s7  }
.Ltmp1:
0x31: {  	_ = 	snop;
	(pc) =	sbr.rel @!p2 .LBB2_10-.Ltmp1, $4  }
0x32: {  	s13 =	simm.s32 @!p1 $0x2  }
0x33: {  	_ =	swait.ge @!p1 [sflag:s13], s12;
	s15 =	ssub.s32 @!p1 $0x0, s12  }
0x34: {  	s12 =	smov.u32 s10;
	s11 =	sadd.s32 $0x1, s11;
	[sflag:s13] =	ssyncset.done @!p1 $0x0  }
0x35: {  	s10 =	smov.u32 s9;
	s9 =	smov.u32 s14;
	[sflag:s13] =	ssyncadd.s32 @!p1 s15  }
.LBB2_1:
0x36: {  	p1 =	sgt.u32 s11, s6  }
0x37: {  	s13 =	sand.u32 @!p1 $0x1FFFFFF, s9  }
0x38: {  	p2 =	sgt.s32 @!p1 s9, $0xC2D0;
	s14 =	smulhi.u32 @!p1 $0x14F8B59, s13  }
0x39: {  	s15 =	smov.u32 s9;
	s16 =	sshra.s32 @!p1 s9, $0x1F;
	p2 =	por !p2, p1  }
0x3a: {  	s16 =	sand.u32 @!p1 s16, s9;
	s15 =	simm.s32 @p2 $0xC2D0;
	s14 =	sshrl.u32 @!p1 s14, $0x8  }
0x3b: {  	s15 =	ssub.s32 @!p1 s15, s16;
	s14 =	smul.u32 @!p1 $0xC350, s14  }
0x3c: {  	s16 =	sxor.u32 @!p1 $0xFFFFFFFF, s11;
	s15 =	sadd.s32 @!p1 $0xFFFF3D30, s15  }
0x3d: {  	s16 =	sshll.u32 @!p1 s16, $0xE;
	s13 =	ssub.s32 @!p1 s13, s14;
	s14 =	sshll.u32 @!p1 s15, $0x9  }
0x3e: {  	s16 =	sand.u32 @!p1 $0x4000, s16;
	p2 =	sgt.s32 @!p1 s15, $0x7F;
	s14 =	ssub.s32 @!p1 $0x10000, s14  }
0x3f: {  	p2 =	por !p2, p1;
	s13 =	sshll.u32 @!p1 s13, $0x4;
	s14 =	sshrl.u32 @!p1 s14, $0x2  }
0x40: {  	s15 =	simm.s32 @!p1 $0x0;
	s13 =	sadd.s32 @!p1 s2, s13;
	s14 =	simm.s32 @!p2 $0x0  }
0x41: {  	[tilespmem:s16], [sflag:$0x1] =	stream.linear.gather @!p1 [hbm4b:s13+s15], s14, $0x38;
	[tilespmem:$0x10000] =	vst v63  }
0x42: {  	p1 =	seq.s32 s11, $0x0  }
0x43: {  	p2 =	sge.u32 @!p1 s11, s7  }
0x44: {  	p1 =	por p1, p2  }
.Ltmp2:
0x45: {  	_ = 	snop;
	(pc) =	sbr.rel @p1 .LBB2_9-.Ltmp2, $1  }
0x46: {  	_ =	sdelay $0x3  }
0x47: {  	p1 =	sgt.s32 s10, $0xC2D0;
	s13 =	smov.u32 s10;
	s14 =	sshra.s32 s10, $0x1F  }
0x48: {  	s13 =	simm.s32 @!p1 $0xC2D0;
	s14 =	sand.u32 s14, s10  }
0x49: {  	s13 =	ssub.s32 s13, s14  }
0x4a: {  	s13 =	sadd.s32 $0xFFFF3D30, s13  }
0x4b: {  	s31 =	sshll.u32 s13, $0x9  }
0x4c: {  	s14 =	ssub.s32 $0x10000, s31  }
0x4d: {  	p1 =	sgt.s32 s13, $0x7F;
	s13 =	sshrl.u32 s14, $0x2;
	s14 =	sadd.s32 $0x80, s10  }
0x4e: {  	s13 =	simm.s32 @p1 $0x0;
	p1 =	slt.s32 s14, $0xC350  }
0x4f: {  	s14 =	simm.s32 @!p1 $0xC350  }
0x50: {  	s16 =	ssub.s32 s14, s10  }
0x51: {  	p1 =	slt.s32 s16, $0x1  }
.Ltmp3:
0x52: {  	_ = 	snop;
	(pc) =	sbr.rel @p1 .LBB2_8-.Ltmp3, $4  }
0x53: {  	_ = 	snop  }
0x54: {  	s15 =	sshll.u32 s11, $0xE;
	_ =	swait.ge [sflag:s5], s13  }
0x55: {  	s15 =	sand.u32 $0x4000, s15;
	s17 =	ssub.s32 $0x0, s13;
	[sflag:s5] =	ssyncset.done $0x0  }
0x56: {  	s14 =	sor.u32 $0x8000, s15;
	[sflag:s5] =	ssyncadd.s32 s17  }
0x57: {  	p2 =	sne.s32 s16, $0x1  }
.Ltmp4:
0x58: {  	v1 =	vmov s15;
	v0 =	vmov s14;
	(pc) =	sbr.rel @!p2 .LBB2_4-.Ltmp4, $3  }
0x59: {  	_ =	sdelay $0x1  }
0x5a: {  	s17 =	simm.s32 $0x0  }
0x5b: {  	s23 =	sadd.s32 $0xFFFFFFFF, s16;
	p1 =	por $0x0, $0x0;
	s15 =	sand.u32 $0x3F80, s17  }
0x5c: {  	_ =	sdelay $0x3  }
0x5d: {  	v6 =	vld.idx.msk [tilespmem:v1+s15+$0x0 ss:$0x1], $0xffff;
	s24 =	sor.u32 $0x70, s15  }
0x5e: {  	s16 =	sor.u32 $0x10, s15;
	v8 =	vld.idx.msk [tilespmem:v1+s24+$0x0 ss:$0x1], $0xffff  }
0x5f: {  	s17 =	sor.u32 $0x20, s15;
	p2 =	sne.s32 s23, $0x1;
	v2 =	vld.idx.msk [tilespmem:v1+s16+$0x0 ss:$0x1], $0xffff  }
.Ltmp5:
0x60: {  	s18 =	sor.u32 $0x30, s15;
	v4 =	vld.idx.msk [tilespmem:v1+s17+$0x0 ss:$0x1], $0xffff;
	(pc) =	sbr.rel @!p2 .LBB2_7-.Ltmp5, $4  }
0x61: {  	s19 =	sor.u32 $0x40, s15;
	v3 =	vld.idx.msk [tilespmem:v1+s18+$0x0 ss:$0x1], $0xffff  }
0x62: {  	s21 =	sor.u32 $0x60, s15;
	v5 =	vld.idx.msk [tilespmem:v1+s19+$0x0 ss:$0x1], $0xffff  }
0x63: {  	s20 =	sor.u32 $0x50, s15;
	s22 =	simm.s32 $0x80;
	v7 =	vld.idx.msk [tilespmem:v1+s21+$0x0 ss:$0x1], $0xffff;
	[tilespmem:v0+s15+$0x0 ss:$0x1] =	vst.idx.msk $0xffff, v6  }
0x64: {  	s23 =	sadd.s32 $0xFFFFFFFF, s23;
	p1 =	por $0x1, $0x1;
	v6 =	vld.idx.msk [tilespmem:v1+s20+$0x0 ss:$0x1], $0xffff;
	s15 =	sand.u32 $0x3F80, s22;
	[tilespmem:v0+s24+$0x0 ss:$0x1] =	vst.idx.msk $0xffff, v8  }
.LBB2_6:
0x65: {  	p2 =	sne.s32 s23, $0x1;
	v8 =	vld.idx.msk [tilespmem:v1+s15+$0x0 ss:$0x1], $0xffff;
	s24 =	sor.u32 $0x70, s15;
	[tilespmem:v0+s16+$0x0 ss:$0x1] =	vst.idx.msk $0xffff, v2;
	s16 =	sor.u32 $0x10, s15  }
0x66: {  	s25 =	sor.u32 $0x30, s15;
	s26 =	sor.u32 $0x40, s15;
	v9 =	vld.idx.msk [tilespmem:v1+s24+$0x0 ss:$0x1], $0xffff;
	[tilespmem:v0+s17+$0x0 ss:$0x1] =	vst.idx.msk $0xffff, v4;
	s17 =	sor.u32 $0x20, s15  }
0x67: {  	s28 =	sor.u32 $0x50, s15;
	s29 =	sor.u32 $0x60, s15;
	v2 =	vld.idx.msk [tilespmem:v1+s16+$0x0 ss:$0x1], $0xffff;
	[tilespmem:v0+s18+$0x0 ss:$0x1] =	vst.idx.msk $0xffff, v3;
	s18 =	smov.u32 s25  }
.Ltmp6:
0x68: {  	v4 =	vld.idx.msk [tilespmem:v1+s17+$0x0 ss:$0x1], $0xffff;
	[tilespmem:v0+s19+$0x0 ss:$0x1] =	vst.idx.msk $0xffff, v5;
	s19 =	smov.u32 s26;
	(pc) =	sbr.rel @p2 .LBB2_6-.Ltmp6, $4  }
0x69: {  	v3 =	vld.idx.msk [tilespmem:v1+s18+$0x0 ss:$0x1], $0xffff;
	[tilespmem:v0+s20+$0x0 ss:$0x1] =	vst.idx.msk $0xffff, v6;
	s20 =	smov.u32 s28  }
0x6a: {  	v5 =	vld.idx.msk [tilespmem:v1+s19+$0x0 ss:$0x1], $0xffff;
	[tilespmem:v0+s21+$0x0 ss:$0x1] =	vst.idx.msk $0xffff, v7;
	s21 =	smov.u32 s29  }
0x6b: {  	s22 =	sadd.s32 $0x80, s22;
	[tilespmem:v0+s15+$0x0 ss:$0x1] =	vst.idx.msk $0xffff, v8;
	v6 =	vld.idx.msk [tilespmem:v1+s20+$0x0 ss:$0x1], $0xffff  }
0x6c: {  	s23 =	sadd.s32 $0xFFFFFFFF, s23;
	s15 =	sand.u32 $0x3F80, s22;
	v7 =	vld.idx.msk [tilespmem:v1+s21+$0x0 ss:$0x1], $0xffff;
	[tilespmem:v0+s24+$0x0 ss:$0x1] =	vst.idx.msk $0xffff, v9  }
.Ltmp7:
0x6d: {  	_ = 	snop;
	(pc) =	sbr.rel .LBB2_7-.Ltmp7, $1  }
0x6e: {  	_ =	sdelay $0x3  }
.LBB2_10:
0x6f: {  	_ =	sfence.sel $0x180000  }
0x70: {  	s2 =	simm.s32 $0x1;
	[bflag:$0x0] =	sbarrier.arrive $0xFFFF  }
0x71: {  	s31 =	simm.s32 $0x2;
	[sflag:s2] =	ssyncpa.u1 $0x1  }
0x72: {  	[sflag:s31] =	ssyncpa.u1 $0x1  }
0x73: {  	_ =	strace $0x90000056  }
0x74: {  	s0 =	sadd.s32 @!p0 $0x100000, s0;
	[bflag:$0x2] =	sbarrier.arrive $0xFFFF  }
0x75: {  	[sflag:s0] =	ssyncadd.tile.s32 @!p0 $0x1;
	s0 =	simm.s32 @!p0 $0x3F  }
0x76: {  	_ =	swait.ge @!p0 [sflag:s0], s1  }
0x77: {  	s1 =	ssub.s32 @!p0 $0x0, s1;
	[sflag:s0] =	ssyncset.done @!p0 $0x0  }
0x78: {  	[sflag:s0] =	ssyncadd.s32 @!p0 s1  }
0x79: {  	[bflag:$0x3] =	sbarrier.arrive $0xFFFF  }
0x7a: {  	_ =	shalt  }
.Lfunc_end2:
execute1_lowered:
.L_overlay_start_2:
0x7b: {  	(tag) =	ssettag $0x2  }
0x7c: {  	s2 =	rddreg [dreg:$0x0]  }
0x7d: {  	s3 =	rddreg [dreg:$0x1];
	_ =	strace $0x80000059;
	s0 =	simm.s32 $0x1  }
0x7e: {  	v0 =	vimm.s32 $0x0;
	[sflag:s0] =	ssyncpa.u1 $0x0;
	s0 =	simm.s32 $0x108  }
0x7f: {  	[tilespmem:s0+$0x70] =	vst v0  }
0x80: {  	[tilespmem:s0+$0x60] =	vst v0  }
0x81: {  	[tilespmem:s0+$0x50] =	vst v0  }
0x82: {  	[tilespmem:s0+$0x40] =	vst v0  }
0x83: {  	[tilespmem:s0+$0x30] =	vst v0  }
0x84: {  	s1 =	sadd.s32 $0x122D400, s2;
	s15 =	sadd.s32 $0x9AA000, s2;
	s6 =	sadd.s32 $0x22A00, s2;
	[tilespmem:s0+$0x20] =	vst v0  }
0x85: {  	s14 =	sadd.s32 $0x9B9600, s2;
	s5 =	sand.u32 $0x1, s3;
	s3 =	simm.s32 $0x40;
	[tilespmem:s0+$0x10] =	vst v0  }
.LBB3_1:
0x86: {  	s3 =	sadd.s32 $0x40, s3;
	[tilespmem:s0+$0x0] =	vst v0;
	s0 =	sadd.s32 $0x80, s0  }
0x87: {  	p0 =	slt.u32 s3, $0x3C40;
	[tilespmem:s0+$0x70] =	vst v0  }
0x88: {  	[tilespmem:s0+$0x60] =	vst v0  }
.Ltmp8:
0x89: {  	[tilespmem:s0+$0x50] =	vst v0;
	(pc) =	sbr.rel @p0 .LBB3_1-.Ltmp8, $4  }
0x8a: {  	[tilespmem:s0+$0x40] =	vst v0  }
0x8b: {  	[tilespmem:s0+$0x30] =	vst v0  }
0x8c: {  	[tilespmem:s0+$0x20] =	vst v0  }
0x8d: {  	[tilespmem:s0+$0x10] =	vst v0  }
0x8e: {  	s9 =	stileid.u32  }
0x8f: {  	s2 =	smul.u32 $0x41, s9  }
0x90: {  	s3 =	smin.u32 s9, $0x2  }
0x91: {  	s2 =	sadd.s32 s3, s2  }
0x92: {  	p0 =	slt.u32 s9, $0x2;
	s7 =	smul.u32 $0xF0, s2;
	s2 =	simm.s32 $0x3DE0  }
0x93: {  	s2 =	simm.s32 @!p0 $0x3CF0  }
0x94: {  	s2 =	sadd.s32 s2, s7  }
0x95: {  	s8 =	smin.u32 s2, $0x3D090  }
0x96: {  	s2 =	ssub.s32 s8, s7  }
0x97: {  	p0 =	sgt.s32 s2, $0x0  }
0x98: {  	s29 =	simm.s32 $0x2;
	s10 =	simm.s32 $0x9;
	s2 =	simm.s32 @!p0 $0x0  }
0x99: {  	s4 =	simm.s32 $0xA;
	s11 =	simm.s32 $0xB;
	s28 =	smulhi.u32 $0x88888889, s2  }
0x9a: {  	[dreg:$0x4] =	wrdreg s5;
	s31 =	smul.u32 $0x7A12, s5;
	s12 =	simm.s32 $0x1  }
0x9b: {  	s22 =	simm.s32 $0x0;
	s18 =	simm.s32 $0xC;
	s30 =	sshrl.u32 s28, $0x7  }
0x9c: {  	s20 =	simm.s32 $0x0;
	s21 =	simm.s32 $0x0;
	s3 =	smul.u32 $0xF0, s30  }
.Ltmp9:
0x9d: {  	[tilespmem:s0+$0x0] =	vst v0;
	v0 =	vimm.s32 $0xFFFFFFFF;
	[sflag:s29] =	ssyncpa.u1 $0x0;
	s16 =	sshll.u32 s9, $0x8;
	(pc) =	sbr.rel .LBB3_3-.Ltmp9, $4  }
0x9e: {  	[tilespmem:$0xF208] =	vst v0;
	[sflag:s10] =	ssyncpa.u1 $0x0;
	p0 =	sne.s32 s2, s3;
	s2 =	simm.s32 $0x1  }
0x9f: {  	s14 =	sadd.s32 s31, s14;
	[sflag:s4] =	ssyncpa.u1 $0x0;
	s2 =	simm.s32 @!p0 $0x0  }
0xa0: {  	s15 =	sadd.s32 s31, s15;
	[sflag:s11] =	ssyncpa.u1 $0x0;
	s13 =	sadd.s32 s2, s30  }
0xa1: {  	v0 =	vlaneseq.u32;
	s19 =	smov.u32 s7;
	p0 =	por $0x0, $0x0;
	s17 =	sadd.s32 $0x1, s13  }
.LBB3_18:
0xa2: {  	s0 =	sshrl.u32 s31, $0x2  }
.LBB3_20:
0xa3: {  	_ =	swait.ge [sflag:s18], s0  }
0xa4: {  	s31 =	ssub.s32 $0x0, s0;
	v1 =	vmov s24;
	vm0 =	veq.s32 v0, $0x0;
	[sflag:s18] =	ssyncset.done $0x0  }
0xa5: {  	vm15 =	veq.s32 v0, $0x2;
	v1 =	vsel vm0, s30, v1;
	[sflag:s18] =	ssyncadd.s32 s31  }
0xa6: {  	v1 =	vsel vm15, s22, v1;
	[sflag:s18] =	ssyncpa.u1 $0x1  }
0xa7: {  	[tilespmem:$0xF208] =	vst v1  }
.LBB3_21:
0xa8: {  	s0 =	sadd.s32 $0xF0, s19  }
0xa9: {  	s2 =	smov.u32 s7;
	p1 =	slt.s32 s0, s8  }
0xaa: {  	s2 =	smov.u32 @p1 s0;
	p1 =	sne.s32 s21, s17  }
.Ltmp10:
0xab: {  	_ = 	snop;
	(pc) =	sbr.rel @!p1 .LBB3_22-.Ltmp10, $3  }
0xac: {  	_ =	sdelay $0x1  }
0xad: {  	s22 =	smov.u32 s20;
	s31 =	sadd.s32 $0x1, s21;
	s20 =	smov.u32 s19  }
0xae: {  	p0 =	por !p0, !p0;
	s21 =	smov.u32 s31;
	s19 =	smov.u32 s2  }
.LBB3_3:
0xaf: {  	p1 =	sge.u32 s21, s13  }
0xb0: {  	s0 =	smulhi.u32 @!p1 $0xAAAAAAAB, s21  }
0xb1: {  	s2 =	smov.u32 s19;
	p2 =	sgt.s32 @!p1 s19, $0x3CFA0  }
0xb2: {  	s3 =	sshra.s32 @!p1 s19, $0x1F;
	p2 =	por !p2, p1;
	s0 =	sshrl.u32 @!p1 s0, $0x1  }
0xb3: {  	s3 =	sand.u32 @!p1 s3, s19;
	s2 =	simm.s32 @p2 $0x3CFA0;
	s0 =	smul.u32 @!p1 $0x3, s0  }
0xb4: {  	s2 =	ssub.s32 @!p1 s2, s3  }
0xb5: {  	s2 =	sadd.s32 @!p1 $0xFFFC3060, s2;
	s0 =	ssub.s32 @!p1 s21, s0  }
0xb6: {  	s3 =	sshll.u32 @!p1 s2, $0x2;
	p2 =	sgt.s32 @!p1 s2, $0xEF;
	s0 =	smul.u32 @!p1 $0x3C0, s0  }
0xb7: {  	s4 =	sand.u32 @!p1 $0x7, s19;
	s2 =	ssub.s32 @!p1 $0x3C0, s3;
	p2 =	por !p2, p1  }
0xb8: {  	s3 =	sshrl.u32 @!p1 s19, $0x3;
	s2 =	sshrl.u32 @!p1 s2, $0x2;
	s0 =	sshrl.u32 @!p1 s0, $0x2  }
0xb9: {  	s3 =	sadd.s32 @!p1 s3, s14;
	s2 =	simm.s32 @!p2 $0x0;
	s0 =	sadd.s32 @!p1 $0x10248, s0  }
0xba: {  	[tilespmem:s0], [sflag:$0xA] =	stream.linear.gather @!p1 [hbm4b:s3+s4], s2, $0x38;
	[tilespmem:$0x1F6F8] =	vst v63  }
0xbb: {  	s0 =	sadd.s32 $0xFFFFFFFF, s21  }
0xbc: {  	p1 =	sge.u32 s0, s13  }
0xbd: {  	p2 =	sgt.s32 @!p1 s20, $0x3CFA0  }
0xbe: {  	s2 =	smov.u32 s20;
	s3 =	sshra.s32 @!p1 s20, $0x1F;
	p2 =	por !p2, p1  }
0xbf: {  	s3 =	sand.u32 @!p1 s3, s20;
	s2 =	simm.s32 @p2 $0x3CFA0  }
0xc0: {  	s2 =	ssub.s32 @!p1 s2, s3  }
0xc1: {  	s2 =	sadd.s32 @!p1 $0xFFFC3060, s2  }
0xc2: {  	s4 =	sand.u32 @!p1 $0x1, s0;
	s3 =	sshll.u32 @!p1 s2, $0x2  }
0xc3: {  	p2 =	sgt.s32 @!p1 s2, $0xEF;
	s2 =	ssub.s32 @!p1 $0x3C0, s3;
	s3 =	smulhi.u32 @!p1 $0xAAAAAAAB, s0  }
0xc4: {  	s23 =	smul.u32 @!p1 $0x3C0, s4;
	p2 =	por !p2, p1;
	s2 =	sshrl.u32 @!p1 s2, $0x2  }
0xc5: {  	s5 =	simm.s32 @!p1 $0xA;
	s2 =	simm.s32 @!p2 $0x0;
	s3 =	sshrl.u32 @!p1 s3, $0x1  }
0xc6: {  	s23 =	sshrl.u32 @!p1 s23, $0x2;
	_ =	swait.ge @!p1 [sflag:s5], s2;
	s3 =	smul.u32 @!p1 $0x3, s3  }
0xc7: {  	s23 =	sadd.s32 @!p1 $0x10518, s23;
	s24 =	ssub.s32 @!p1 $0x0, s2;
	[sflag:s5] =	ssyncset.done @!p1 $0x0  }
0xc8: {  	[sflag:s5] =	ssyncadd.s32 @!p1 s24;
	s5 =	sshrl.u32 @!p1 s20, $0x3;
	s0 =	ssub.s32 @!p1 s0, s3  }
0xc9: {  	s24 =	sand.u32 @!p1 $0x7, s20;
	s5 =	sadd.s32 @!p1 s5, s15;
	s0 =	smul.u32 @!p1 $0x3C0, s0  }
0xca: {  	[tilespmem:s23], [sflag:$0xB] =	stream.linear.gather @!p1 [hbm4b:s5+s24], s2, $0x38;
	[tilespmem:$0x1F6F8] =	vst v63  }
0xcb: {  	s3 =	ssub.s32 @!p1 $0x3D090, s20;
	s2 =	smul.u32 @!p1 $0x1E000, s4  }
0xcc: {  	p2 =	slt.s32 @!p1 s3, $0xF0  }
0xcd: {  	p2 =	por !p2, p1;
	s0 =	sshrl.u32 @!p1 s0, $0x2;
	s2 =	sshrl.u32 @!p1 s2, $0x2  }
0xce: {  	s3 =	simm.s32 @p2 $0xF0;
	s0 =	sadd.s32 @!p1 $0x10248, s0;
	s2 =	sor.u32 @!p1 $0x106F8, s2  }
0xcf: {  	[tilespmem:s2], [sflag:$0x9] =	stream.indirect.gather @!p1 [hbm4b:s6+s3], $0x80, s0, s3, $0xb8;
	[tilespmem:$0x1F6F8] =	vst v63  }
0xd0: {  	p1 =	slt.u32 s21, $0x2  }
.Ltmp11:
0xd1: {  	_ = 	snop;
	(pc) =	sbr.rel @p1 .LBB3_21-.Ltmp11, $1  }
0xd2: {  	_ =	sdelay $0x3  }
0xd3: {  	p1 =	sgt.s32 s22, $0x3CFA0  }
0xd4: {  	s0 =	smov.u32 s22;
	s2 =	sshra.s32 s22, $0x1F;
	s3 =	ssub.s32 $0x3D090, s22  }
0xd5: {  	s0 =	simm.s32 @!p1 $0x3CFA0;
	s2 =	sand.u32 s2, s22;
	p1 =	slt.s32 s3, $0xF0  }
0xd6: {  	s0 =	ssub.s32 s0, s2;
	s3 =	simm.s32 @!p1 $0xF0  }
0xd7: {  	s0 =	sadd.s32 $0xFFFC3060, s0;
	s25 =	sshll.u32 s3, $0x7  }
0xd8: {  	s26 =	sshll.u32 s0, $0x2;
	s2 =	sand.u32 $0x3FFFFF80, s25  }
0xd9: {  	p1 =	sgt.s32 s0, $0xEF;
	s29 =	ssub.s32 $0x3C0, s26;
	_ =	swait.ge [sflag:s10], s2  }
0xda: {  	s2 =	ssub.s32 $0x0, s2;
	[sflag:s10] =	ssyncset.done $0x0;
	s0 =	sshrl.u32 s29, $0x2  }
0xdb: {  	[sflag:s10] =	ssyncadd.s32 s2;
	s0 =	simm.s32 @p1 $0x0  }
0xdc: {  	_ =	swait.ge [sflag:s11], s0  }
0xdd: {  	s0 =	ssub.s32 $0x0, s0;
	[sflag:s11] =	ssyncset.done $0x0  }
0xde: {  	[sflag:s11] =	ssyncadd.s32 s0  }
0xdf: {  	v1 =	vld [tilespmem:$0xF208];
	_ =	sdelay $0x4  }
0xe0: {  	(v2sf) =	vpush v1, $0x0  }
0xe1: {  	(v2sf) =	vpush v1, $0x1  }
0xe2: {  	(v2sf) =	vpush v1, $0x2;
	_ =	sdelay $0x3  }
0xe3: {  	s0 =	sadd.s32 $0xF0, s22  }
0xe4: {  	s2 =	ssub.s32 $0x7A120, s22;
	p1 =	slt.s32 s8, s0  }
0xe5: {  	s0 =	smov.u32 @p1 s8;
	p1 =	sgt.s32 s2, $0x0  }
0xe6: {  	s26 =	ssub.s32 s0, s22;
	s2 =	simm.s32 @!p1 $0x0  }
0xe7: {  	p1 =	slt.s32 s2, s26  }
0xe8: {  	s26 =	smov.u32 @p1 s2  }
0xe9: {  	s25 =	simm.s32 $0x1;
	p1 =	slt.s32 s26, $0x1  }
.Ltmp12:
0xea: {  	s25 =	simm.s32 @!p0 $0x0;
	(pc) =	sbr.rel @p1 .LBB3_8-.Ltmp12, $4  }
0xeb: {  	s31 =	smul.u32 $0x3C0, s25  }
0xec: {  	s28 =	spop (v2sf)  }
0xed: {  	s0 =	sshrl.u32 s31, $0x2;
	s30 =	spop (v2sf)  }
0xee: {  	s23 =	sadd.s32 $0x10518, s0;
	s22 =	spop (v2sf)  }
0xef: {  	s0 =	smin.u32 s26, $0x10  }
0xf0: {  	v1 =	vmov s0  }
0xf1: {  	p2 =	sgt.s32 s26, $0x10;
	vm1 =	vgt.u32 v1, v0  }
.Ltmp13:
0xf2: {  	_ = 	snop;
	(pc) =	sbr.rel @!p2 .LBB3_7-.Ltmp13, $2  }
0xf3: {  	_ =	sdelay $0x2  }
0xf4: {  	s4 =	simm.s32 $0x10;
	s24 =	sadd.s32 $0xFFFFFFF0, s26;
	s0 =	smov.u32 s23;
	vm0 =	vmmov vm1  }
.LBB3_6:
0xf5: {  	s2 =	smin.u32 s24, $0x10;
	s4 =	sadd.s32 $0x10, s4;
	v1 =	vld.msk [tilespmem:s0+$0x0 ss:$0x1], vm1  }
0xf6: {  	v2 =	vmov s2;
	p2 =	slt.s32 s4, s26  }
0xf7: {  	vm1 =	vgt.u32 v2, v0  }
.Ltmp14:
0xf8: {  	(pc) =	sbr.rel @p2 .LBB3_6-.Ltmp14, $3  }
0xf9: {  	_ =	sdelay $0x1  }
0xfa: {  	v1 =	vshll.u32 v1, $0x4  }
0xfb: {  	s24 =	sadd.s32 $0xFFFFFFF0, s24;
	[tilespmem:s0+$0x0] =	vst.msk vm0, v1;
	s0 =	sadd.s32 $0x10, s0;
	vm0 =	vmmov vm1  }
.LBB3_7:
0xfc: {  	_ =	sdelay $0x4  }
0xfd: {  	v1 =	vld.msk [tilespmem:s0+$0x0 ss:$0x1], vm1;
	_ =	sdelay $0x4  }
0xfe: {  	v1 =	vshll.u32 v1, $0x4  }
0xff: {  	[tilespmem:s0+$0x0] =	vst.msk vm0, v1  }
.LBB3_8:
0x100: {  	s0 =	sand.u32 $0x1, s21  }
0x101: {  	s0 =	smul.u32 $0xF0, s0  }
0x102: {  	p2 =	sne.s32 s30, $0xFFFFFFFF  }
0x103: {  	v1 =	vld.msk @!p2 [tilespmem:s0+$0x10518], $0x1;
	_ =	sdelay $0x4  }
0x104: {  	(v2sf) =	vpush @!p2 v1, $0x0;
	_ =	sdelay $0xc  }
.Ltmp15:
0x105: {  	_ = 	snop;
	(pc) =	sbr.rel @p1 .LBB3_19-.Ltmp15, $4  }
0x106: {  	_ = 	snop  }
0x107: {  	s29 =	spop @!p2 (v2sf)  }
0x108: {  	s22 =	simm.s32 @!p2 $0x0;
	s24 =	smov.u32 s29  }
0x109: {  	[sflag:s18] =	ssyncpa.u1 $0x0;
	s29 =	smov.u32 @p2 s28;
	s24 =	smov.u32 @p2 s30  }
0x10a: {  	v1 =	vld.msk [tilespmem:s23+$0x0], $0x1;
	_ =	sdelay $0x4  }
0x10b: {  	(v2sf) =	vpush v1, $0x0;
	_ =	sdelay $0xe  }
0x10c: {  	s2 =	smul.u32 $0x1E000, s25;
	s0 =	spop (v2sf)  }
0x10d: {  	s26 =	ssub.s32 $0x0, s26;
	p1 =	seq.s32 s29, s0  }
0x10e: {  	s30 =	sadd.s32 $0x1, s26;
	s2 =	sshrl.u32 s2, $0x2;
	p2 =	sgt.s32 @!p1 s29, $0x0  }
0x10f: {  	s25 =	sor.u32 $0x10738, s2;
	s2 =	smov.u32 s29;
	p2 =	por !p2, p1  }
0x110: {  	s2 =	simm.s32 @p2 $0x0;
	p2 =	seq.s32 s30, $0x0  }
.Ltmp16:
0x111: {  	_ = 	snop;
	(pc) =	sbr.rel @p2 .LBB3_11-.Ltmp16, $4  }
0x112: {  	_ = 	snop  }
0x113: {  	s28 =	simm.s32 $0x0;
	s31 =	sadd.s32 $0x1, s23;
	s2 =	smin.u32 @!p1 s2, $0xC34F0  }
0x114: {  	s4 =	simm.s32 @!p1 $0x1;
	s5 =	simm.s32 @!p1 $0x7988;
	s3 =	sand.u32 @!p1 $0xFFFF8, s2  }
0x115: {  	s4 =	smov.u32 @p1 s28;
	s2 =	sand.u32 @!p1 $0x7, s2;
	s3 =	sadd.s32 @!p1 s1, s3  }
.LBB3_10:
0x116: {  	s9 =	smov.u32 s4  }
0x117: {  	[tilespmem:s5], [sflag:$0x2] =	stream.linear.gather @!p1 [hbm4b:s3+s2], $0x80, $0x38;
	[tilespmem:$0x1F6F8] =	vst v63  }
0x118: {  	s30 =	sadd.s32 $0x1, s30;
	s2 =	smov.u32 s0;
	v1 =	vld.msk [tilespmem:s31+$0x0], $0x1  }
0x119: {  	p2 =	seq.s32 s30, $0x0;
	_ =	sdelay $0x3  }
0x11a: {  	(v2sf) =	vpush v1, $0x0;
	_ =	sdelay $0xe  }
0x11b: {  	s0 =	spop (v2sf)  }
0x11c: {  	p1 =	seq.s32 s2, s0  }
0x11d: {  	p3 =	sgt.s32 @!p1 s2, $0x0;
	s3 =	sshll.u32 @!p1 s4, $0x9;
	s4 =	sadd.s32 @!p1 $0x1, s4  }
.Ltmp17:
0x11e: {  	p3 =	por !p3, p1;
	s3 =	sshra.s32 @!p1 s3, $0x2;
	(pc) =	sbr.rel @!p2 .LBB3_10-.Ltmp17, $4  }
0x11f: {  	s4 =	smov.u32 @p1 s9;
	s2 =	simm.s32 @p3 $0x0;
	s5 =	sadd.s32 @!p1 $0x7988, s3  }
0x120: {  	s2 =	smin.u32 @!p1 s2, $0xC34F0  }
0x121: {  	s3 =	sand.u32 @!p1 $0xFFFF8, s2;
	s2 =	sand.u32 @!p1 $0x7, s2  }
0x122: {  	s31 =	sadd.s32 $0x1, s31;
	s3 =	sadd.s32 @!p1 s1, s3  }
.LBB3_11:
0x123: {  	[tilespmem:s5], [sflag:$0x2] =	stream.linear.gather @!p1 [hbm4b:s3+s2], $0x80, $0x38;
	[tilespmem:$0x1F6F8] =	vst v63  }
.Ltmp18:
0x124: {  	s0 =	sshll.u32 s4, $0x7;
	(pc) =	sbr.rel .LBB3_12-.Ltmp18, $4  }
0x125: {  	s30 =	simm.s32 $0x2;
	s0 =	sand.u32 $0x3FFFFF80, s0  }
0x126: {  	_ =	swait.ge [sflag:s30], s0  }
0x127: {  	s0 =	ssub.s32 $0x0, s0;
	[sflag:s30] =	ssyncset.done $0x0  }
0x128: {  	s31 =	simm.s32 $0x0;
	[sflag:s30] =	ssyncadd.s32 s0  }
.LBB3_13:
0x129: {  	v1 =	vld [tilespmem:s25+$0xFFFFFFC0];
	_ =	sdelay $0x3  }
0x12a: {  	s0 =	sshra.s32 s0, $0x2  }
0x12b: {  	[tilespmem:s0+$0x108] =	vst.add.f32.msk $0xffff, v1  }
0x12c: {  	v1 =	vld [tilespmem:s25+$0xFFFFFFD0];
	_ =	sdelay $0x4  }
0x12d: {  	[tilespmem:s0+$0x118] =	vst.add.f32.msk $0xffff, v1  }
0x12e: {  	v1 =	vld [tilespmem:s25+$0xFFFFFFE0];
	_ =	sdelay $0x4  }
0x12f: {  	[tilespmem:s0+$0x128] =	vst.add.f32.msk $0xffff, v1  }
0x130: {  	v1 =	vld [tilespmem:s25+$0xFFFFFFF0];
	_ =	sdelay $0x4  }
0x131: {  	[tilespmem:s0+$0x138] =	vst.add.f32.msk $0xffff, v1  }
0x132: {  	v1 =	vld [tilespmem:s25+$0x0];
	_ =	sdelay $0x4  }
0x133: {  	[tilespmem:s0+$0x148] =	vst.add.f32.msk $0xffff, v1  }
0x134: {  	v1 =	vld [tilespmem:s25+$0x10];
	_ =	sdelay $0x4  }
0x135: {  	[tilespmem:s0+$0x158] =	vst.add.f32.msk $0xffff, v1  }
0x136: {  	v1 =	vld [tilespmem:s25+$0x20];
	_ =	sdelay $0x4  }
0x137: {  	[tilespmem:s0+$0x168] =	vst.add.f32.msk $0xffff, v1  }
0x138: {  	v1 =	vld [tilespmem:s25+$0x30];
	_ =	sdelay $0x4  }
0x139: {  	[tilespmem:s0+$0x178] =	vst.add.f32.msk $0xffff, v1  }
.LBB3_17:
0x13a: {  	s26 =	sadd.s32 $0x1, s26  }
0x13b: {  	p1 =	seq.s32 s26, $0x0  }
.Ltmp19:
0x13c: {  	_ = 	snop;
	(pc) =	sbr.rel @p1 .LBB3_18-.Ltmp19, $2  }
0x13d: {  	_ =	sdelay $0x2  }
0x13e: {  	s23 =	sadd.s32 $0x1, s23;
	s25 =	sadd.s32 $0x80, s25;
	s29 =	smov.u32 s30  }
.LBB3_12:
0x13f: {  	v1 =	vld.msk [tilespmem:s23+$0x0], $0x1;
	_ =	sdelay $0x4  }
0x140: {  	(v2sf) =	vpush v1, $0x0;
	_ =	sdelay $0xe  }
0x141: {  	s30 =	spop (v2sf)  }
0x142: {  	p1 =	sne.s32 s29, s30  }
.Ltmp20:
0x143: {  	_ = 	snop;
	(pc) =	sbr.rel @!p1 .LBB3_13-.Ltmp20, $2  }
0x144: {  	_ =	sdelay $0x2  }
0x145: {  	s0 =	sshll.u32 s22, $0x9  }
0x146: {  	p1 =	seq.s32 s29, s24  }
.Ltmp21:
0x147: {  	_ = 	snop;
	(pc) =	sbr.rel @!p1 .LBB3_15-.Ltmp21, $1  }
0x148: {  	_ =	sdelay $0x3  }
0x149: {  	s0 =	sshra.s32 s0, $0x2  }
.Ltmp22:
0x14a: {  	s0 =	sadd.s32 $0x108, s0;
	(pc) =	sbr.rel .LBB3_16-.Ltmp22, $4  }
0x14b: {  	[spmem:s16] =	stream.linear.scatter [tilespmem:s0], [sflag:$0x1], $0x80, $0x38;
	[tilespmem:$0x1F6F8] =	vst v63  }
0x14c: {  	_ =	swait.ge [sflag:s12], $0x80  }
0x14d: {  	[sflag:s12] =	ssyncset.done $0x0  }
0x14e: {  	[sflag:s12] =	ssyncadd.s32 $0xFFFFFF80  }
.LBB3_15:
0x14f: {  	s2 =	sshll.u32 s28, $0x9  }
0x150: {  	s2 =	sshra.s32 s2, $0x2  }
0x151: {  	v1 =	vld [tilespmem:s2+$0x7988];
	_ =	sdelay $0x3  }
0x152: {  	s0 =	sshra.s32 s0, $0x2  }
0x153: {  	[tilespmem:s0+$0x108] =	vst.add.f32.msk $0xffff, v1  }
0x154: {  	v1 =	vld [tilespmem:s2+$0x7998];
	_ =	sdelay $0x4  }
0x155: {  	[tilespmem:s0+$0x118] =	vst.add.f32.msk $0xffff, v1  }
0x156: {  	v1 =	vld [tilespmem:s2+$0x79A8];
	_ =	sdelay $0x4  }
0x157: {  	[tilespmem:s0+$0x128] =	vst.add.f32.msk $0xffff, v1  }
0x158: {  	v1 =	vld [tilespmem:s2+$0x79B8];
	_ =	sdelay $0x4  }
0x159: {  	[tilespmem:s0+$0x138] =	vst.add.f32.msk $0xffff, v1  }
0x15a: {  	v1 =	vld [tilespmem:s2+$0x79C8];
	_ =	sdelay $0x4  }
0x15b: {  	[tilespmem:s0+$0x148] =	vst.add.f32.msk $0xffff, v1  }
0x15c: {  	v1 =	vld [tilespmem:s2+$0x79D8];
	_ =	sdelay $0x4  }
0x15d: {  	[tilespmem:s0+$0x158] =	vst.add.f32.msk $0xffff, v1  }
0x15e: {  	v1 =	vld [tilespmem:s2+$0x79E8];
	_ =	sdelay $0x4  }
0x15f: {  	[tilespmem:s0+$0x168] =	vst.add.f32.msk $0xffff, v1  }
0x160: {  	v1 =	vld [tilespmem:s2+$0x79F8];
	_ =	sdelay $0x2  }
0x161: {  	p1 =	sgt.u32 s29, $0xC34F0  }
0x162: {  	s2 =	sand.u32 @!p1 $0xFFFF8, s29  }
0x163: {  	s3 =	sadd.s32 $0x108, s0;
	[tilespmem:s0+$0x178] =	vst.add.f32.msk $0xffff, v1;
	s0 =	sadd.s32 @!p1 s1, s2;
	s2 =	sand.u32 @!p1 $0x7, s29  }
0x164: {  	[hbm4b:s0+s2] =	stream.linear.scatter @!p1 [tilespmem:s3], [sflag:$0xC], $0x80, $0x38;
	[tilespmem:$0x1F6F8] =	vst v63  }
0x165: {  	s0 =	simm.s32 $0x0  }
0x166: {  	s0 =	simm.s32 @!p1 $0x200  }
0x167: {  	s31 =	sadd.s32 s0, s31  }
.LBB3_16:
0x168: {  	s0 =	sadd.s32 $0x1, s22  }
0x169: {  	s2 =	smulhi.u32 $0x88888889, s0;
	_ =	sdelay $0x1  }
0x16a: {  	v1 =	vld [tilespmem:s25+$0xFFFFFFC0];
	s2 =	sshrl.u32 s2, $0x7  }
0x16b: {  	s2 =	smul.u32 $0xF0, s2;
	_ =	sdelay $0x1  }
0x16c: {  	s22 =	ssub.s32 s0, s2  }
0x16d: {  	s0 =	sshll.u32 s22, $0x7  }
0x16e: {  	[tilespmem:s0+$0x108] =	vst v1  }
0x16f: {  	v1 =	vld [tilespmem:s25+$0xFFFFFFD0];
	_ =	sdelay $0x4  }
0x170: {  	[tilespmem:s0+$0x118] =	vst v1  }
0x171: {  	v1 =	vld [tilespmem:s25+$0xFFFFFFE0];
	_ =	sdelay $0x4  }
0x172: {  	[tilespmem:s0+$0x128] =	vst v1  }
0x173: {  	v1 =	vld [tilespmem:s25+$0xFFFFFFF0];
	_ =	sdelay $0x4  }
0x174: {  	[tilespmem:s0+$0x138] =	vst v1  }
0x175: {  	v1 =	vld [tilespmem:s25+$0x0];
	_ =	sdelay $0x4  }
0x176: {  	[tilespmem:s0+$0x148] =	vst v1  }
0x177: {  	v1 =	vld [tilespmem:s25+$0x10];
	_ =	sdelay $0x4  }
0x178: {  	[tilespmem:s0+$0x158] =	vst v1  }
0x179: {  	v1 =	vld [tilespmem:s25+$0x20];
	_ =	sdelay $0x4  }
0x17a: {  	[tilespmem:s0+$0x168] =	vst v1  }
0x17b: {  	v1 =	vld [tilespmem:s25+$0x30]  }
.Ltmp23:
0x17c: {  	_ = 	snop;
	(pc) =	sbr.rel .LBB3_17-.Ltmp23, $2  }
0x17d: {  	_ =	sdelay $0x2  }
0x17e: {  	s28 =	sadd.s32 $0x1, s28;
	[tilespmem:s0+$0x178] =	vst v1  }
.LBB3_19:
.Ltmp24:
0x17f: {  	(pc) =	sbr.rel .LBB3_20-.Ltmp24, $4  }
0x180: {  	_ = 	snop  }
0x181: {  	s0 =	simm.s32 $0x2  }
0x182: {  	_ =	swait.ge [sflag:s0], $0x0  }
0x183: {  	s30 =	smov.u32 s29;
	[sflag:s0] =	ssyncset.done $0x0;
	s0 =	simm.s32 $0x0  }
.LBB3_22:
0x184: {  	_ =	sfence.sel $0x180000  }
0x185: {  	s0 =	simm.s32 $0x9;
	[bflag:$0x0] =	sbarrier.arrive $0xFFFF  }
0x186: {  	s24 =	simm.s32 $0xA;
	[sflag:s0] =	ssyncpa.u1 $0x1  }
0x187: {  	s25 =	simm.s32 $0xB;
	[sflag:s24] =	ssyncpa.u1 $0x1  }
0x188: {  	s26 =	simm.s32 $0x2;
	[sflag:s25] =	ssyncpa.u1 $0x1  }
0x189: {  	[sflag:s26] =	ssyncpa.u1 $0x1  }
0x18a: {  	v0 =	vld [tilespmem:$0xF208];
	_ =	sdelay $0x4  }
0x18b: {  	(v2sf) =	vpush v0, $0x0  }
0x18c: {  	(v2sf) =	vpush v0, $0x1;
	_ =	sdelay $0x1  }
0x18d: {  	(v2sf) =	vpush v0, $0x2;
	_ =	sdelay $0xb  }
0x18e: {  	s0 =	spop (v2sf)  }
0x18f: {  	s2 =	spop (v2sf)  }
0x190: {  	s3 =	smov.u32 s0;
	p0 =	sne.s32 s0, s2  }
0x191: {  	s4 =	spop (v2sf);
	s3 =	simm.s32 @!p0 $0xFFFFFFFF  }
0x192: {  	v2 =	vimm.s32 $0x1;
	v3 =	vlaneseq.u32;
	p0 =	seq.s32 s4, $0xFFFFFFFF;
	v1 =	vmov s3  }
0x193: {  	s16 =	stileid.u32;
	v0 =	vperm.xlane v0, v2;
	p1 =	sne.s32 @!p0 s0, s2;
	v1 =	vperm.xlane v1, v3  }
0x194: {  	vm0 =	vcmask $0x3F04;
	s6 =	simm.s32 $0xF208;
	s0 =	simm.s32 @!p0 $0x1;
	p1 =	por !p1, p0  }
0x195: {  	s3 =	sshll.u32 s16, $0x1;
	s2 =	sshll.u32 @!p0 s4, $0x9;
	s0 =	simm.s32 @p1 $0x0;
	v0 =	vsel vm0, v1, v0  }
0x196: {  	s5 =	sor.u32 $0x1000, s3;
	s2 =	sshra.s32 @!p0 s2, $0x2;
	s0 =	sor.u32 @!p0 s0, s3;
	[tilespmem:$0xF208] =	vst v0  }
0x197: {  	[spmem:s5] =	stream.linear.scatter [tilespmem:s6], [sflag:$0x1], $0x2, $0x38;
	[tilespmem:$0x1F6F8] =	vst v63  }
0x198: {  	s2 =	sadd.s32 @!p0 $0x108, s2;
	s0 =	sshll.u32 @!p0 s0, $0x7  }
0x199: {  	[spmem:s0] =	stream.linear.scatter @!p0 [tilespmem:s2], [sflag:$0x1], $0x80, $0x38;
	[tilespmem:$0x1F6F8] =	vst v63  }
0x19a: {  	s0 =	simm.s32 @!p0 $0x82  }
0x19b: {  	s28 =	simm.s32 $0x1;
	s0 =	simm.s32 @p0 $0x2  }
0x19c: {  	_ =	swait.ge [sflag:s28], s0  }
0x19d: {  	s0 =	ssub.s32 $0x0, s0;
	[sflag:s28] =	ssyncset.done $0x0  }
0x19e: {  	p0 =	sne.s32 s16, $0x0;
	[sflag:s28] =	ssyncadd.s32 s0  }
.Ltmp25:
0x19f: {  	_ =	sfence.stream.spmem;
	(pc) =	sbr.rel @p0 .LBB3_39-.Ltmp25, $4  }
0x1a0: {  	s29 =	simm.s32 $0x3;
	[bflag:$0x0] =	sbarrier.arrive $0xFFFF  }
0x1a1: {  	s30 =	simm.s32 $0x4;
	[sflag:s29] =	ssyncpa.u1 $0x1  }
0x1a2: {  	s31 =	simm.s32 $0x3C;
	[sflag:s30] =	ssyncpa.u1 $0x1  }
0x1a3: {  	s15 =	rddreg [dreg:$0x4];
	[sflag:s31] =	ssyncpa.u1 $0x1  }
0x1a4: {  	_ =	sfence.stream.spmem;
	s0 =	simm.s32 $0x5  }
0x1a5: {  	s2 =	simm.s32 $0x1000;
	s3 =	simm.s32 $0xF218;
	[sflag:s0] =	ssyncpa.u1 $0x0  }
0x1a6: {  	[tilespmem:s3], [sflag:$0x5] =	stream.linear.gather [spmem:s2], $0x20, $0x38;
	[tilespmem:$0x1F6F8] =	vst v63  }
0x1a7: {  	s26 =	simm.s32 $0x0;
	s28 =	simm.s32 $0xF238  }
0x1a8: {  	[tilespmem:s28], [sflag:$0x5] =	stream.linear.gather [spmem:s26], $0x1000, $0x38;
	[tilespmem:$0x1F6F8] =	vst v63  }
0x1a9: {  	_ =	swait.ge [sflag:s0], $0x1020  }
0x1aa: {  	[sflag:s0] =	ssyncset.done $0x0  }
0x1ab: {  	s29 =	simm.s32 $0x0;
	[sflag:s0] =	ssyncadd.s32 $0xFFFFEFE0  }
0x1ac: {  	v0 =	vld.msk [tilespmem:s29+$0xF218], $0x1;
	_ =	sdelay $0x1  }
0x1ad: {  	s30 =	simm.s32 $0x1  }
0x1ae: {  	v1 =	vld.msk [tilespmem:s30+$0xF218], $0x1;
	_ =	sdelay $0x1  }
0x1af: {  	(v2sf) =	vpush v0, $0x0;
	_ =	sdelay $0x2  }
0x1b0: {  	(v2sf) =	vpush v1, $0x0;
	_ =	sdelay $0x2  }
0x1b1: {  	s31 =	simm.s32 $0x2  }
0x1b2: {  	v0 =	vld.msk [tilespmem:s31+$0xF218], $0x1;
	_ =	sdelay $0x2  }
0x1b3: {  	s4 =	simm.s32 $0xFFFFFFFF;
	s5 =	simm.s32 $0xFFFFFFFF;
	s0 =	simm.s32 $0xC  }
.LBB3_24:
0x1b4: {  	s2 =	smov.u32 s5;
	s3 =	smov.u32 s4  }
0x1b5: {  	s4 =	sshra.s32 s0, $0x2;
	p1 =	sne.s32 s0, $0x7C;
	s0 =	sadd.s32 $0x4, s0;
	(v2sf) =	vpush v0, $0x0  }
0x1b6: {  	v0 =	vld.msk [tilespmem:s4+$0xF218], $0x1  }
.Ltmp26:
0x1b7: {  	(pc) =	sbr.rel @p1 .LBB3_24-.Ltmp26, $4  }
0x1b8: {  	s5 =	spop (v2sf)  }
0x1b9: {  	p2 =	sne.s32 s3, $0xFFFFFFFF;
	s4 =	smov.u32 s5  }
0x1ba: {  	p3 =	seq.s32 s5, $0xFFFFFFFF;
	s4 =	smov.u32 @p2 s3  }
0x1bb: {  	s5 =	smov.u32 @p3 s2;
	s4 =	smov.u32 @p3 s3  }
0x1bc: {  	(v2sf) =	vpush v0, $0x0;
	_ =	sdelay $0x8  }
0x1bd: {  	s0 =	spop (v2sf)  }
0x1be: {  	p1 =	sne.s32 s4, $0xFFFFFFFF;
	s2 =	smov.u32 s0  }
0x1bf: {  	s9 =	simm.s32 $0x6;
	p2 =	seq.s32 s0, $0xFFFFFFFF;
	s2 =	smov.u32 @p1 s4  }
0x1c0: {  	s6 =	simm.s32 $0x0;
	s2 =	smov.u32 @p2 s4;
	s3 =	spop (v2sf)  }
0x1c1: {  	s0 =	smov.u32 @p2 s5;
	p1 =	sne.s32 s2, $0xFFFFFFFF;
	s4 =	smov.u32 s3  }
.Ltmp27:
0x1c2: {  	p2 =	seq.s32 s3, $0xFFFFFFFF;
	s4 =	smov.u32 @p1 s2;
	(pc) =	sbr.rel .LBB3_26-.Ltmp27, $4  }
0x1c3: {  	s10 =	simm.s32 $0xF188;
	s4 =	smov.u32 @p2 s2;
	s7 =	spop (v2sf)  }
0x1c4: {  	s11 =	simm.s32 $0x0;
	p1 =	sne.s32 s4, $0xFFFFFFFF;
	s8 =	smov.u32 s7  }
0x1c5: {  	s3 =	smov.u32 @p2 s0;
	p2 =	seq.s32 s7, $0xFFFFFFFF;
	s8 =	smov.u32 @p1 s4  }
0x1c6: {  	[sflag:s9] =	ssyncpa.u1 $0x0;
	s7 =	smov.u32 @p2 s3;
	s8 =	smov.u32 @p2 s4  }
.LBB3_32:
0x1c7: {  	p1 =	sgt.u32 s12, $0xC34F0  }
0x1c8: {  	p2 =	seq.s32 @!p1 s12, s8  }
0x1c9: {  	p1 =	por p1, p2  }
0x1ca: {  	p2 =	sne.s32 @!p1 s12, s7  }
0x1cb: {  	p1 =	por p1, !p2  }
0x1cc: {  	s0 =	sshll.u32 @p1 s11, $0x9  }
0x1cd: {  	s0 =	sand.u32 @!p1 $0xFFFF8, s12  }
0x1ce: {  	s2 =	sand.u32 @!p1 $0x7, s12;
	s0 =	sadd.s32 @!p1 s1, s0  }
0x1cf: {  	[tilespmem:s10], [sflag:$0x6] =	stream.linear.gather @!p1 [hbm4b:s0+s2], $0x80, $0x38;
	[tilespmem:$0x1F6F8] =	vst v63  }
0x1d0: {  	_ =	swait.ge @!p1 [sflag:s9], $0x80  }
0x1d1: {  	[sflag:s9] =	ssyncset.done @!p1 $0x0  }
0x1d2: {  	[sflag:s9] =	ssyncadd.s32 @!p1 $0xFFFFFF80  }
0x1d3: {  	v1 =	vld @!p1 [tilespmem:$0xF188];
	_ =	sdelay $0x2  }
0x1d4: {  	s0 =	sshll.u32 @!p1 s11, $0x9  }
0x1d5: {  	s2 =	sshrl.u32 @!p1 s0, $0x2  }
0x1d6: {  	[tilespmem:s2+$0xF238] =	vst.add.f32.msk @!p1 $0xffff, v1  }
0x1d7: {  	v1 =	vld @!p1 [tilespmem:$0xF198];
	_ =	sdelay $0x4  }
0x1d8: {  	[tilespmem:s2+$0xF248] =	vst.add.f32.msk @!p1 $0xffff, v1  }
0x1d9: {  	v1 =	vld @!p1 [tilespmem:$0xF1A8];
	_ =	sdelay $0x4  }
0x1da: {  	[tilespmem:s2+$0xF258] =	vst.add.f32.msk @!p1 $0xffff, v1  }
0x1db: {  	v1 =	vld @!p1 [tilespmem:$0xF1B8];
	_ =	sdelay $0x4  }
0x1dc: {  	[tilespmem:s2+$0xF268] =	vst.add.f32.msk @!p1 $0xffff, v1  }
0x1dd: {  	v1 =	vld @!p1 [tilespmem:$0xF1C8];
	_ =	sdelay $0x4  }
0x1de: {  	[tilespmem:s2+$0xF278] =	vst.add.f32.msk @!p1 $0xffff, v1  }
0x1df: {  	v1 =	vld @!p1 [tilespmem:$0xF1D8];
	_ =	sdelay $0x4  }
0x1e0: {  	[tilespmem:s2+$0xF288] =	vst.add.f32.msk @!p1 $0xffff, v1  }
0x1e1: {  	v1 =	vld @!p1 [tilespmem:$0xF1E8];
	_ =	sdelay $0x4  }
0x1e2: {  	[tilespmem:s2+$0xF298] =	vst.add.f32.msk @!p1 $0xffff, v1  }
0x1e3: {  	v1 =	vld @!p1 [tilespmem:$0xF1F8];
	_ =	sdelay $0x4  }
0x1e4: {  	[tilespmem:s2+$0xF2A8] =	vst.add.f32.msk @!p1 $0xffff, v1  }
0x1e5: {  	s0 =	sshrl.u32 s0, $0x2;
	[tilespmem:s6+$0xF218] =	vst.msk $0x1, v0  }
0x1e6: {  	v0 =	vld [tilespmem:s0+$0xF238];
	_ =	sdelay $0x2  }
0x1e7: {  	s31 =	sshll.u32 s6, $0x9  }
0x1e8: {  	s2 =	sshra.s32 s31, $0x2  }
0x1e9: {  	[tilespmem:s2+$0xF238] =	vst v0  }
0x1ea: {  	v0 =	vld [tilespmem:s0+$0xF248];
	_ =	sdelay $0x4  }
0x1eb: {  	[tilespmem:s2+$0xF248] =	vst v0  }
0x1ec: {  	v0 =	vld [tilespmem:s0+$0xF258];
	_ =	sdelay $0x4  }
0x1ed: {  	[tilespmem:s2+$0xF258] =	vst v0  }
0x1ee: {  	v0 =	vld [tilespmem:s0+$0xF268];
	_ =	sdelay $0x4  }
0x1ef: {  	[tilespmem:s2+$0xF268] =	vst v0  }
0x1f0: {  	v0 =	vld [tilespmem:s0+$0xF278];
	_ =	sdelay $0x4  }
0x1f1: {  	[tilespmem:s2+$0xF278] =	vst v0  }
0x1f2: {  	v0 =	vld [tilespmem:s0+$0xF288];
	_ =	sdelay $0x4  }
0x1f3: {  	[tilespmem:s2+$0xF288] =	vst v0  }
0x1f4: {  	v0 =	vld [tilespmem:s0+$0xF298];
	_ =	sdelay $0x4  }
0x1f5: {  	[tilespmem:s2+$0xF298] =	vst v0  }
0x1f6: {  	v0 =	vld [tilespmem:s0+$0xF2A8];
	_ =	sdelay $0x4  }
0x1f7: {  	s6 =	sadd.s32 $0x1, s6;
	[tilespmem:s2+$0xF2A8] =	vst v0  }
.LBB3_33:
0x1f8: {  	s11 =	sadd.s32 $0x1, s11  }
0x1f9: {  	p1 =	sne.s32 s11, $0x20  }
.Ltmp28:
0x1fa: {  	_ = 	snop;
	(pc) =	sbr.rel @!p1 .LBB3_34-.Ltmp28, $1  }
0x1fb: {  	_ =	sdelay $0x3  }
.LBB3_26:
0x1fc: {  	v0 =	vld.msk [tilespmem:s11+$0xF218], $0x1;
	_ =	sdelay $0x4  }
0x1fd: {  	(v2sf) =	vpush v0, $0x0;
	_ =	sdelay $0xe  }
0x1fe: {  	s12 =	spop (v2sf)  }
0x1ff: {  	p1 =	seq.s32 s12, $0xFFFFFFFF  }
.Ltmp29:
0x200: {  	_ = 	snop;
	(pc) =	sbr.rel @p1 .LBB3_33-.Ltmp29, $1  }
0x201: {  	_ =	sdelay $0x3  }
0x202: {  	p1 =	slt.s32 s6, $0x1  }
.Ltmp30:
0x203: {  	_ = 	snop;
	(pc) =	sbr.rel @p1 .LBB3_32-.Ltmp30, $1  }
0x204: {  	_ =	sdelay $0x3  }
0x205: {  	s13 =	simm.s32 $0xF218;
	p1 =	por $0x0, $0x0  }
0x206: {  	v1 =	vld.msk @!p1 [tilespmem:s13+$0x0], $0x1;
	_ =	sdelay $0x4  }
0x207: {  	(v2sf) =	vpush @!p1 v1, $0x0;
	_ =	sdelay $0xd  }
0x208: {  	p3 =	sne.s32 s6, $0x1  }
.Ltmp31:
0x209: {  	s0 =	spop @!p1 (v2sf);
	(pc) =	sbr.rel @!p3 .LBB3_30-.Ltmp31, $4  }
0x20a: {  	p2 =	seq.s32 @!p1 s12, s0  }
0x20b: {  	s14 =	simm.s32 $0x0;
	p2 =	por !p2, p1  }
0x20c: {  	s2 =	simm.s32 $0xFFFFFFFF;
	s14 =	simm.s32 @p2 $0xFFFFFFFF  }
0x20d: {  	s0 =	simm.s32 $0x1;
	s14 =	smov.u32 @p1 s2  }
.LBB3_29:
0x20e: {  	s2 =	smov.u32 s14;
	p1 =	sne.s32 s14, $0xFFFFFFFF  }
0x20f: {  	s13 =	sadd.s32 $0x1, s13;
	s14 =	smov.u32 s0;
	s0 =	sadd.s32 $0x1, s0  }
0x210: {  	p2 =	sne.s32 s6, s0;
	v1 =	vld.msk @!p1 [tilespmem:s13+$0x0], $0x1;
	_ =	sdelay $0x4  }
0x211: {  	(v2sf) =	vpush @!p1 v1, $0x0;
	_ =	sdelay $0xe  }
.Ltmp32:
0x212: {  	s3 =	spop @!p1 (v2sf);
	(pc) =	sbr.rel @p2 .LBB3_29-.Ltmp32, $4  }
0x213: {  	p3 =	seq.s32 @!p1 s12, s3  }
0x214: {  	p3 =	por !p3, p1  }
0x215: {  	s14 =	simm.s32 @p3 $0xFFFFFFFF  }
0x216: {  	s14 =	smov.u32 @p1 s2  }
.LBB3_30:
0x217: {  	p1 =	seq.s32 s14, $0xFFFFFFFF  }
.Ltmp33:
0x218: {  	_ = 	snop;
	(pc) =	sbr.rel @p1 .LBB3_32-.Ltmp33, $1  }
0x219: {  	_ =	sdelay $0x3  }
0x21a: {  	s0 =	sshll.u32 s11, $0x7  }
0x21b: {  	s0 =	sand.u32 $0x3FFFFF80, s0  }
0x21c: {  	v0 =	vld [tilespmem:s0+$0xF238];
	_ =	sdelay $0x2  }
0x21d: {  	s2 =	sshll.u32 s14, $0x9  }
0x21e: {  	s2 =	sshra.s32 s2, $0x2  }
0x21f: {  	[tilespmem:s2+$0xF238] =	vst.add.f32.msk $0xffff, v0  }
0x220: {  	v0 =	vld [tilespmem:s0+$0xF248];
	_ =	sdelay $0x4  }
0x221: {  	[tilespmem:s2+$0xF248] =	vst.add.f32.msk $0xffff, v0  }
0x222: {  	v0 =	vld [tilespmem:s0+$0xF258];
	_ =	sdelay $0x4  }
0x223: {  	[tilespmem:s2+$0xF258] =	vst.add.f32.msk $0xffff, v0  }
0x224: {  	v0 =	vld [tilespmem:s0+$0xF268];
	_ =	sdelay $0x4  }
0x225: {  	[tilespmem:s2+$0xF268] =	vst.add.f32.msk $0xffff, v0  }
0x226: {  	v0 =	vld [tilespmem:s0+$0xF278];
	_ =	sdelay $0x4  }
0x227: {  	[tilespmem:s2+$0xF278] =	vst.add.f32.msk $0xffff, v0  }
0x228: {  	v0 =	vld [tilespmem:s0+$0xF288];
	_ =	sdelay $0x4  }
0x229: {  	[tilespmem:s2+$0xF288] =	vst.add.f32.msk $0xffff, v0  }
0x22a: {  	v0 =	vld [tilespmem:s0+$0xF298];
	_ =	sdelay $0x4  }
0x22b: {  	[tilespmem:s2+$0xF298] =	vst.add.f32.msk $0xffff, v0  }
0x22c: {  	v0 =	vld [tilespmem:s0+$0xF2A8]  }
.Ltmp34:
0x22d: {  	_ = 	snop;
	(pc) =	sbr.rel .LBB3_33-.Ltmp34, $2  }
0x22e: {  	_ =	sdelay $0x2  }
0x22f: {  	[tilespmem:s2+$0xF2A8] =	vst.add.f32.msk $0xffff, v0  }
.LBB3_34:
0x230: {  	s0 =	simm.s32 $0x6;
	p1 =	seq.s32 s6, $0x0  }
0x231: {  	[sflag:s0] =	ssyncpa.u1 $0x1;
	v0 =	vimm.s32 @p1 $0xFFFFFFFF  }
0x232: {  	s9 =	sadd.s32 $0xFFFFFFFF, s6;
	[tilespmem:$0x10238] =	vst @p1 v0  }
0x233: {  	v0 =	vld.msk @!p1 [tilespmem:s9+$0xF218], $0x1;
	_ =	sdelay $0x1  }
0x234: {  	v1 =	vld.msk @!p1 [tilespmem:$0xF218], $0x1;
	_ =	sdelay $0x2  }
0x235: {  	p2 =	seq.s32 @!p1 s9, $0x0;
	v0 =	vbroadcast @!p1 v0, $0x0  }
0x236: {  	vm0 =	vmmov @!p1 $0x1;
	p2 =	por !p2, p1  }
0x237: {  	v1 =	vnsel @!p1 vm0, $0xFFFFFFFF, v1;
	vm0 =	vcmask @!p1 $0x308;
	v0 =	vpsel !p2, $0xFFFFFFFF, v0  }
0x238: {  	p2 =	sne.s32 @!p1 s8, s7;
	v0 =	vsel @!p1 vm0, v1, v0  }
0x239: {  	s0 =	simm.s32 @!p1 $0xF238;
	s2 =	simm.s32 @!p1 $0x0;
	p3 =	por !p2, p1;
	[tilespmem:$0x10238] =	vst @!p1 v0  }
0x23a: {  	[spmem:s2] =	stream.linear.scatter @!p1 [tilespmem:s0], [sflag:$0x1], $0x80, $0x38;
	[tilespmem:$0x1F6F8] =	vst v63  }
0x23b: {  	s0 =	sshll.u32 @!p3 s9, $0x9  }
0x23c: {  	s0 =	sshra.s32 @!p3 s0, $0x2  }
0x23d: {  	s2 =	simm.s32 @!p3 $0x80;
	s0 =	sadd.s32 @!p3 $0xF238, s0  }
0x23e: {  	[spmem:s2] =	stream.linear.scatter @!p3 [tilespmem:s0], [sflag:$0x1], $0x80, $0x38;
	[tilespmem:$0x1F6F8] =	vst v63  }
0x23f: {  	s0 =	simm.s32 @!p3 $0x1  }
0x240: {  	_ =	swait.ge @!p3 [sflag:s0], $0x100  }
0x241: {  	p1 =	por p2, p1;
	[sflag:s0] =	ssyncset.done @!p3 $0x0  }
0x242: {  	[sflag:s0] =	ssyncadd.s32 @!p3 $0xFFFFFF00;
	s0 =	simm.s32 @!p1 $0x1  }
0x243: {  	_ =	swait.ge @!p1 [sflag:s0], $0x80  }
0x244: {  	s29 =	simm.s32 $0x10238;
	[sflag:s0] =	ssyncset.done @!p1 $0x0  }
0x245: {  	s30 =	simm.s32 $0x1000;
	s31 =	simm.s32 $0x1;
	[sflag:s0] =	ssyncadd.s32 @!p1 $0xFFFFFF80  }
0x246: {  	[spmem:s30] =	stream.linear.scatter [tilespmem:s29], [sflag:$0x1], $0x10, $0x38;
	[tilespmem:$0x1F6F8] =	vst v63  }
0x247: {  	_ =	swait.ge [sflag:s31], $0x10  }
0x248: {  	[sflag:s31] =	ssyncset.done $0x0  }
0x249: {  	p1 =	seq.s32 s15, $0x0;
	s8 =	rddreg [dreg:$0x1];
	[sflag:s31] =	ssyncadd.s32 $0xFFFFFFF0  }
0x24a: {  	s2 =	sshll.u32 @p1 s8, $0xE;
	s7 =	rddreg [dreg:$0x2]  }
0x24b: {  	s0 =	sadd.s32 @p1 $0x15C3C, s2;
	s2 =	sshll.u32 @p1 s7, $0x11  }
0x24c: {  	_ =	sfence.stream.spmem;
	s0 =	sor.u32 @p1 s2, s0  }
0x24d: {  	[sflag:s0] =	ssyncadd.remote.s32 @p1 $0x1;
	s0 =	simm.s32 @p1 $0x4  }
0x24e: {  	s3 =	simm.s32 @!p1 $0x3C;
	s2 =	sand.u32 $0xFFFFFFFE, s8;
	_ =	swait.ge @p1 [sflag:s0], $0x22  }
0x24f: {  	s4 =	simm.s32 @!p1 $0x0;
	s2 =	sadd.s32 @!p1 $0x4, s2;
	[sflag:s0] =	ssyncset.done @p1 $0x0  }
0x250: {  	s5 =	simm.s32 @!p1 $0x100;
	[sflag:s0] =	ssyncadd.s32 @p1 $0xFFFFFFDE;
	s0 =	sshll.u32 @!p1 s2, $0x1A  }
0x251: {  	s2 =	sshll.u32 @!p1 s2, $0xD;
	s0 =	sor.u32 @!p1 s0, s7;
	_ =	swait.eq @!p1 [sflag:s3], $0x1  }
0x252: {  	s2 =	sor.u32 @!p1 $0x1C04, s2;
	s3 =	simm.s32 @!p1 $0x1C03;
	s0 =	sor.u32 @!p1 $0x80004000, s0  }
0x253: {  	[spmem:s5], [sflag:s2] =	dma.general @!p1 [spmem:s4], [sflag:s3], length:$0x20, [dreg:$0x0], stride_count:$0x0, ici_dest:s0, dma_misc:DstOpCode:WRITE  }
0x254: {  	p2 =	slt.s32 s9, $0x2;
	s4 =	simm.s32 @!p1 $0x200;
	s5 =	simm.s32 @!p1 $0x202  }
0x255: {  	[spmem:s5], [sflag:s2] =	dma.general @!p1 [spmem:s4], [sflag:s3], length:$0x2, [dreg:$0x0], stride_count:$0x0, ici_dest:s0, dma_misc:DstOpCode:WRITE  }
.Ltmp35:
0x256: {  	s0 =	simm.s32 @!p1 $0x3;
	(pc) =	sbr.rel @p2 .LBB3_38-.Ltmp35, $4  }
0x257: {  	s2 =	sshll.u32 @!p1 s8, $0xE;
	_ =	swait.ge @!p1 [sflag:s0], $0x22  }
0x258: {  	s3 =	sshll.u32 @!p1 s7, $0x11;
	s2 =	sadd.s32 @!p1 $0x11C3C, s2;
	[sflag:s0] =	ssyncset.done @!p1 $0x0  }
0x259: {  	[sflag:s0] =	ssyncadd.s32 @!p1 $0xFFFFFFDE;
	s0 =	sor.u32 @!p1 s3, s2  }
0x25a: {  	[sflag:s0] =	ssyncadd.remote.s32 @!p1 $0xFFFFFFFF;
	s0 =	simm.s32 $0x0  }
0x25b: {  	s0 =	simm.s32 $0xF219  }
0x25c: {  	v0 =	vld.msk [tilespmem:s0+$0x0], $0x1;
	_ =	sdelay $0x4  }
0x25d: {  	(v2sf) =	vpush v0, $0x0;
	_ =	sdelay $0xb  }
0x25e: {  	s31 =	sadd.s32 $0xFFFFFFFE, s6  }
0x25f: {  	s0 =	sadd.s32 $0xFFFFFFFF, s31  }
0x260: {  	p2 =	sne.s32 s0, $0x0  }
.Ltmp36:
0x261: {  	s2 =	spop (v2sf);
	(pc) =	sbr.rel @!p2 .LBB3_37-.Ltmp36, $4  }
0x262: {  	s4 =	simm.s32 $0xF2B8;
	s7 =	simm.s32 $0x0;
	p1 =	sgt.u32 s2, $0xC34F0  }
0x263: {  	s5 =	simm.s32 $0x0;
	s6 =	simm.s32 $0xF21A;
	s3 =	sand.u32 @!p1 $0xFFFF8, s2  }
0x264: {  	s2 =	sand.u32 @!p1 $0x7, s2;
	s7 =	simm.s32 @!p1 $0x200;
	s3 =	sadd.s32 @!p1 s1, s3  }
0x265: {  	[hbm4b:s3+s2] =	stream.linear.scatter @!p1 [tilespmem:s4], [sflag:$0x5], $0x80, $0x38;
	[tilespmem:$0x1F6F8] =	vst v63  }
.LBB3_36:
0x266: {  	v0 =	vld.msk [tilespmem:s6+$0x0], $0x1;
	s0 =	sadd.s32 $0xFFFFFFFF, s0;
	s5 =	sadd.s32 s5, s7  }
0x267: {  	p1 =	sne.s32 s0, $0x0;
	_ =	sdelay $0x3  }
0x268: {  	(v2sf) =	vpush v0, $0x0;
	_ =	sdelay $0xe  }
.Ltmp37:
0x269: {  	s2 =	spop (v2sf);
	(pc) =	sbr.rel @p1 .LBB3_36-.Ltmp37, $4  }
0x26a: {  	s7 =	simm.s32 $0x0;
	p2 =	sgt.u32 s2, $0xC34F0  }
0x26b: {  	s4 =	sadd.s32 $0x80, s4;
	s7 =	simm.s32 @!p2 $0x200;
	s3 =	sand.u32 @!p2 $0xFFFF8, s2  }
0x26c: {  	s6 =	sadd.s32 $0x1, s6;
	s2 =	sand.u32 @!p2 $0x7, s2;
	s3 =	sadd.s32 @!p2 s1, s3  }
0x26d: {  	[hbm4b:s3+s2] =	stream.linear.scatter @!p2 [tilespmem:s4], [sflag:$0x5], $0x80, $0x38;
	[tilespmem:$0x1F6F8] =	vst v63  }
.LBB3_37:
0x26e: {  	s0 =	sadd.s32 s5, s7  }
0x26f: {  	s0 =	sshrl.u32 s0, $0x2  }
.LBB3_38:
0x270: {  	s2 =	simm.s32 $0x5  }
0x271: {  	_ =	swait.ge [sflag:s2], s0  }
0x272: {  	s31 =	ssub.s32 $0x0, s0;
	[sflag:s2] =	ssyncset.done $0x0  }
0x273: {  	[sflag:s2] =	ssyncadd.s32 s31  }
0x274: {  	[sflag:s2] =	ssyncpa.u1 $0x1  }
.LBB3_39:
0x275: {  	s0 =	sor.u32 s15, s16  }
0x276: {  	p1 =	sne.s32 s0, $0x0  }
.Ltmp38:
0x277: {  	_ = 	snop;
	(pc) =	sbr.rel @p1 .LBB3_54-.Ltmp38, $3  }
0x278: {  	_ =	sdelay $0x1  }
0x279: {  	[bflag:$0x0] =	sbarrier.arrive $0xFFFF  }
0x27a: {  	_ =	sfence  }
0x27b: {  	s0 =	simm.s32 $0x7  }
0x27c: {  	s2 =	simm.s32 $0x1000;
	s3 =	simm.s32 $0xF218;
	[sflag:s0] =	ssyncpa.u1 $0x0  }
0x27d: {  	[tilespmem:s3], [sflag:$0x7] =	stream.linear.gather [spmem:s2], $0x20, $0x38;
	[tilespmem:$0x1F6F8] =	vst v63  }
0x27e: {  	s30 =	simm.s32 $0xF238;
	s2 =	simm.s32 $0x0  }
0x27f: {  	[tilespmem:s30], [sflag:$0x7] =	stream.linear.gather [spmem:s2], $0x1000, $0x38;
	[tilespmem:$0x1F6F8] =	vst v63  }
.Ltmp39:
0x280: {  	_ = 	snop;
	(pc) =	sbr.rel .LBB3_41-.Ltmp39, $4  }
0x281: {  	_ =	swait.ge [sflag:s0], $0x1020  }
0x282: {  	[sflag:s0] =	ssyncset.done $0x0  }
0x283: {  	s31 =	simm.s32 $0x8;
	[sflag:s0] =	ssyncadd.s32 $0xFFFFEFE0  }
0x284: {  	s3 =	simm.s32 $0x0;
	[sflag:s31] =	ssyncpa.u1 $0x0  }
.LBB3_47:
0x285: {  	p1 =	slt.u32 s4, $0xC34F1  }
0x286: {  	s0 =	sand.u32 @p1 $0xFFFF8, s4  }
0x287: {  	s4 =	sand.u32 @p1 $0x7, s4;
	s5 =	simm.s32 @p1 $0xF188;
	s0 =	sadd.s32 @p1 s1, s0  }
0x288: {  	[tilespmem:s5], [sflag:$0x8] =	stream.linear.gather @p1 [hbm4b:s0+s4], $0x80, $0x38;
	[tilespmem:$0x1F6F8] =	vst v63  }
0x289: {  	s0 =	simm.s32 @p1 $0x8  }
0x28a: {  	_ =	swait.ge @p1 [sflag:s0], $0x80  }
0x28b: {  	[sflag:s0] =	ssyncset.done @p1 $0x0  }
0x28c: {  	[sflag:s0] =	ssyncadd.s32 @p1 $0xFFFFFF80  }
0x28d: {  	v1 =	vld @p1 [tilespmem:$0xF188];
	_ =	sdelay $0x2  }
0x28e: {  	s0 =	sshll.u32 @p1 s3, $0x9  }
0x28f: {  	s4 =	sshrl.u32 @p1 s0, $0x2  }
0x290: {  	[tilespmem:s4+$0xF238] =	vst.add.f32.msk @p1 $0xffff, v1  }
0x291: {  	v1 =	vld @p1 [tilespmem:$0xF198];
	_ =	sdelay $0x4  }
0x292: {  	[tilespmem:s4+$0xF248] =	vst.add.f32.msk @p1 $0xffff, v1  }
0x293: {  	v1 =	vld @p1 [tilespmem:$0xF1A8];
	_ =	sdelay $0x4  }
0x294: {  	[tilespmem:s4+$0xF258] =	vst.add.f32.msk @p1 $0xffff, v1  }
0x295: {  	v1 =	vld @p1 [tilespmem:$0xF1B8];
	_ =	sdelay $0x4  }
0x296: {  	[tilespmem:s4+$0xF268] =	vst.add.f32.msk @p1 $0xffff, v1  }
0x297: {  	v1 =	vld @p1 [tilespmem:$0xF1C8];
	_ =	sdelay $0x4  }
0x298: {  	[tilespmem:s4+$0xF278] =	vst.add.f32.msk @p1 $0xffff, v1  }
0x299: {  	v1 =	vld @p1 [tilespmem:$0xF1D8];
	_ =	sdelay $0x4  }
0x29a: {  	[tilespmem:s4+$0xF288] =	vst.add.f32.msk @p1 $0xffff, v1  }
0x29b: {  	v1 =	vld @p1 [tilespmem:$0xF1E8];
	_ =	sdelay $0x4  }
0x29c: {  	[tilespmem:s4+$0xF298] =	vst.add.f32.msk @p1 $0xffff, v1  }
0x29d: {  	v1 =	vld @p1 [tilespmem:$0xF1F8];
	_ =	sdelay $0x3  }
0x29e: {  	s5 =	sshll.u32 @!p1 s3, $0x9  }
0x29f: {  	s5 =	smov.u32 @p1 s0;
	[tilespmem:s4+$0xF2A8] =	vst.add.f32.msk @p1 $0xffff, v1  }
0x2a0: {  	s0 =	sshrl.u32 s5, $0x2;
	[tilespmem:s2+$0xF218] =	vst.msk $0x1, v0  }
0x2a1: {  	v0 =	vld [tilespmem:s0+$0xF238];
	_ =	sdelay $0x2  }
0x2a2: {  	s31 =	sshll.u32 s2, $0x9  }
0x2a3: {  	s4 =	sshra.s32 s31, $0x2  }
0x2a4: {  	[tilespmem:s4+$0xF238] =	vst v0  }
0x2a5: {  	v0 =	vld [tilespmem:s0+$0xF248];
	_ =	sdelay $0x4  }
0x2a6: {  	[tilespmem:s4+$0xF248] =	vst v0  }
0x2a7: {  	v0 =	vld [tilespmem:s0+$0xF258];
	_ =	sdelay $0x4  }
0x2a8: {  	[tilespmem:s4+$0xF258] =	vst v0  }
0x2a9: {  	v0 =	vld [tilespmem:s0+$0xF268];
	_ =	sdelay $0x4  }
0x2aa: {  	[tilespmem:s4+$0xF268] =	vst v0  }
0x2ab: {  	v0 =	vld [tilespmem:s0+$0xF278];
	_ =	sdelay $0x4  }
0x2ac: {  	[tilespmem:s4+$0xF278] =	vst v0  }
0x2ad: {  	v0 =	vld [tilespmem:s0+$0xF288];
	_ =	sdelay $0x4  }
0x2ae: {  	[tilespmem:s4+$0xF288] =	vst v0  }
0x2af: {  	v0 =	vld [tilespmem:s0+$0xF298];
	_ =	sdelay $0x4  }
0x2b0: {  	[tilespmem:s4+$0xF298] =	vst v0  }
0x2b1: {  	v0 =	vld [tilespmem:s0+$0xF2A8];
	_ =	sdelay $0x4  }
0x2b2: {  	s2 =	sadd.s32 $0x1, s2;
	[tilespmem:s4+$0xF2A8] =	vst v0  }
.LBB3_48:
0x2b3: {  	s3 =	sadd.s32 $0x1, s3  }
0x2b4: {  	p1 =	sne.s32 s3, $0x20  }
.Ltmp40:
0x2b5: {  	_ = 	snop;
	(pc) =	sbr.rel @!p1 .LBB3_49-.Ltmp40, $1  }
0x2b6: {  	_ =	sdelay $0x3  }
.LBB3_41:
0x2b7: {  	v0 =	vld.msk [tilespmem:s3+$0xF218], $0x1;
	_ =	sdelay $0x4  }
0x2b8: {  	(v2sf) =	vpush v0, $0x0;
	_ =	sdelay $0xe  }
0x2b9: {  	s4 =	spop (v2sf)  }
0x2ba: {  	p1 =	seq.s32 s4, $0xFFFFFFFF  }
.Ltmp41:
0x2bb: {  	_ = 	snop;
	(pc) =	sbr.rel @p1 .LBB3_48-.Ltmp41, $1  }
0x2bc: {  	_ =	sdelay $0x3  }
0x2bd: {  	p1 =	slt.s32 s2, $0x1  }
.Ltmp42:
0x2be: {  	_ = 	snop;
	(pc) =	sbr.rel @p1 .LBB3_47-.Ltmp42, $1  }
0x2bf: {  	_ =	sdelay $0x3  }
0x2c0: {  	s5 =	simm.s32 $0xF218;
	p1 =	por $0x0, $0x0  }
0x2c1: {  	v1 =	vld.msk @!p1 [tilespmem:s5+$0x0], $0x1;
	_ =	sdelay $0x4  }
0x2c2: {  	(v2sf) =	vpush @!p1 v1, $0x0;
	_ =	sdelay $0xd  }
0x2c3: {  	p3 =	sne.s32 s2, $0x1  }
.Ltmp43:
0x2c4: {  	s0 =	spop @!p1 (v2sf);
	(pc) =	sbr.rel @!p3 .LBB3_45-.Ltmp43, $4  }
0x2c5: {  	p2 =	seq.s32 @!p1 s4, s0  }
0x2c6: {  	s6 =	simm.s32 $0x0;
	p2 =	por !p2, p1  }
0x2c7: {  	s7 =	simm.s32 $0xFFFFFFFF;
	s6 =	simm.s32 @p2 $0xFFFFFFFF  }
0x2c8: {  	s0 =	simm.s32 $0x1;
	s6 =	smov.u32 @p1 s7  }
.LBB3_44:
0x2c9: {  	s7 =	smov.u32 s6;
	p1 =	sne.s32 s6, $0xFFFFFFFF  }
0x2ca: {  	s5 =	sadd.s32 $0x1, s5;
	s6 =	smov.u32 s0;
	s0 =	sadd.s32 $0x1, s0  }
0x2cb: {  	p2 =	sne.s32 s2, s0;
	v1 =	vld.msk @!p1 [tilespmem:s5+$0x0], $0x1;
	_ =	sdelay $0x4  }
0x2cc: {  	(v2sf) =	vpush @!p1 v1, $0x0;
	_ =	sdelay $0xe  }
.Ltmp44:
0x2cd: {  	s8 =	spop @!p1 (v2sf);
	(pc) =	sbr.rel @p2 .LBB3_44-.Ltmp44, $4  }
0x2ce: {  	p3 =	seq.s32 @!p1 s4, s8  }
0x2cf: {  	p3 =	por !p3, p1  }
0x2d0: {  	s6 =	simm.s32 @p3 $0xFFFFFFFF  }
0x2d1: {  	s6 =	smov.u32 @p1 s7  }
.LBB3_45:
0x2d2: {  	p1 =	seq.s32 s6, $0xFFFFFFFF  }
.Ltmp45:
0x2d3: {  	_ = 	snop;
	(pc) =	sbr.rel @p1 .LBB3_47-.Ltmp45, $1  }
0x2d4: {  	_ =	sdelay $0x3  }
0x2d5: {  	s0 =	sshll.u32 s3, $0x7  }
0x2d6: {  	s0 =	sand.u32 $0x3FFFFF80, s0  }
0x2d7: {  	v0 =	vld [tilespmem:s0+$0xF238];
	_ =	sdelay $0x2  }
0x2d8: {  	s4 =	sshll.u32 s6, $0x9  }
0x2d9: {  	s4 =	sshra.s32 s4, $0x2  }
0x2da: {  	[tilespmem:s4+$0xF238] =	vst.add.f32.msk $0xffff, v0  }
0x2db: {  	v0 =	vld [tilespmem:s0+$0xF248];
	_ =	sdelay $0x4  }
0x2dc: {  	[tilespmem:s4+$0xF248] =	vst.add.f32.msk $0xffff, v0  }
0x2dd: {  	v0 =	vld [tilespmem:s0+$0xF258];
	_ =	sdelay $0x4  }
0x2de: {  	[tilespmem:s4+$0xF258] =	vst.add.f32.msk $0xffff, v0  }
0x2df: {  	v0 =	vld [tilespmem:s0+$0xF268];
	_ =	sdelay $0x4  }
0x2e0: {  	[tilespmem:s4+$0xF268] =	vst.add.f32.msk $0xffff, v0  }
0x2e1: {  	v0 =	vld [tilespmem:s0+$0xF278];
	_ =	sdelay $0x4  }
0x2e2: {  	[tilespmem:s4+$0xF278] =	vst.add.f32.msk $0xffff, v0  }
0x2e3: {  	v0 =	vld [tilespmem:s0+$0xF288];
	_ =	sdelay $0x4  }
0x2e4: {  	[tilespmem:s4+$0xF288] =	vst.add.f32.msk $0xffff, v0  }
0x2e5: {  	v0 =	vld [tilespmem:s0+$0xF298];
	_ =	sdelay $0x4  }
0x2e6: {  	[tilespmem:s4+$0xF298] =	vst.add.f32.msk $0xffff, v0  }
0x2e7: {  	v0 =	vld [tilespmem:s0+$0xF2A8]  }
.Ltmp46:
0x2e8: {  	_ = 	snop;
	(pc) =	sbr.rel .LBB3_48-.Ltmp46, $2  }
0x2e9: {  	_ =	sdelay $0x2  }
0x2ea: {  	[tilespmem:s4+$0xF2A8] =	vst.add.f32.msk $0xffff, v0  }
.LBB3_49:
0x2eb: {  	p1 =	slt.s32 s2, $0x1  }
.Ltmp47:
0x2ec: {  	_ = 	snop;
	(pc) =	sbr.rel @p1 .LBB3_53-.Ltmp47, $3  }
0x2ed: {  	_ =	sdelay $0x1  }
0x2ee: {  	s0 =	simm.s32 $0x8  }
0x2ef: {  	s3 =	simm.s32 $0x0;
	[sflag:s0] =	ssyncpa.u1 $0x1  }
0x2f0: {  	s0 =	simm.s32 $0xF218  }
0x2f1: {  	v0 =	vld.msk [tilespmem:s0+$0x0], $0x1;
	_ =	sdelay $0x4  }
0x2f2: {  	(v2sf) =	vpush v0, $0x0;
	_ =	sdelay $0xe  }
0x2f3: {  	s0 =	sadd.s32 $0xFFFFFFFF, s2;
	s5 =	spop (v2sf)  }
0x2f4: {  	p2 =	sne.s32 s0, $0x0;
	p1 =	sgt.u32 s5, $0xC34F0  }
.Ltmp48:
0x2f5: {  	s6 =	sand.u32 @!p1 $0xFFFF8, s5;
	(pc) =	sbr.rel @!p2 .LBB3_52-.Ltmp48, $4  }
0x2f6: {  	s4 =	simm.s32 $0xF238;
	s5 =	sand.u32 @!p1 $0x7, s5;
	s2 =	sadd.s32 @!p1 s1, s6  }
0x2f7: {  	[hbm4b:s2+s5] =	stream.linear.scatter @!p1 [tilespmem:s4], [sflag:$0x7], $0x80, $0x38;
	[tilespmem:$0x1F6F8] =	vst v63  }
0x2f8: {  	s5 =	simm.s32 $0x0  }
0x2f9: {  	s2 =	simm.s32 $0xF219;
	s5 =	simm.s32 @!p1 $0x200  }
.LBB3_51:
0x2fa: {  	v0 =	vld.msk [tilespmem:s2+$0x0], $0x1;
	s0 =	sadd.s32 $0xFFFFFFFF, s0;
	s3 =	sadd.s32 s3, s5  }
0x2fb: {  	p1 =	sne.s32 s0, $0x0;
	_ =	sdelay $0x3  }
0x2fc: {  	(v2sf) =	vpush v0, $0x0;
	_ =	sdelay $0xe  }
.Ltmp49:
0x2fd: {  	s6 =	spop (v2sf);
	(pc) =	sbr.rel @p1 .LBB3_51-.Ltmp49, $4  }
0x2fe: {  	s5 =	simm.s32 $0x0;
	p2 =	sgt.u32 s6, $0xC34F0  }
0x2ff: {  	s4 =	sadd.s32 $0x80, s4;
	s5 =	simm.s32 @!p2 $0x200;
	s7 =	sand.u32 @!p2 $0xFFFF8, s6  }
0x300: {  	s2 =	sadd.s32 $0x1, s2;
	s6 =	sand.u32 @!p2 $0x7, s6;
	s7 =	sadd.s32 @!p2 s1, s7  }
0x301: {  	[hbm4b:s7+s6] =	stream.linear.scatter @!p2 [tilespmem:s4], [sflag:$0x7], $0x80, $0x38;
	[tilespmem:$0x1F6F8] =	vst v63  }
.LBB3_52:
0x302: {  	s0 =	sadd.s32 s3, s5  }
0x303: {  	s3 =	sshrl.u32 s0, $0x2  }
.LBB3_53:
0x304: {  	s0 =	simm.s32 $0x7  }
0x305: {  	_ =	swait.ge [sflag:s0], s3  }
0x306: {  	s1 =	ssub.s32 $0x0, s3;
	[sflag:s0] =	ssyncset.done $0x0  }
0x307: {  	[sflag:s0] =	ssyncadd.s32 s1  }
0x308: {  	[sflag:s0] =	ssyncpa.u1 $0x1  }
.LBB3_54:
0x309: {  	_ =	sfence;
	s0 =	simm.s32 $0x1  }
0x30a: {  	[sflag:s0] =	ssyncpa.u1 $0x1  }
0x30b: {  	_ =	strace $0x90000059  }
0x30c: {  	[bflag:$0x2] =	sbarrier.arrive $0xFFFF  }
0x30d: {  	s0 =	rddreg [dreg:$0x3]  }
0x30e: {  	s0 =	sadd.s32 @!p0 $0x100000, s0  }
0x30f: {  	[sflag:s0] =	ssyncadd.tile.s32 @!p0 $0x1;
	_ =	shalt  }
.Lfunc_end3:
_tile_overlayer_lowered:
.L_overlay_start_3:
0x310: {  	(tag) =	ssettag $0x3  }
0x311: {  	s0 =	rddreg [dreg:$0x0];
	s2 =	stileid.u32  }
0x312: {  	s1 =	rddreg [dreg:$0x1];
	p0 =	sne.s32 s2, $0x0  }
0x313: {  	s3 =	rddreg [dreg:$0x2];
	[bflag:$0x3] =	sbarrier.arrive $0xFFFF;
	s2 =	simm.s32 @!p0 $0x1C01  }
0x314: {  	[timem:s3], [sflag:s2] =	dma.local @!p0 [hbm:s0], s1  }
0x315: {  	s0 =	simm.s32 @!p0 $0x1  }
0x316: {  	_ =	swait.ge @!p0 [sflag:s0], s1  }
0x317: {  	s1 =	ssub.s32 @!p0 $0x0, s1;
	[sflag:s0] =	ssyncset.done @!p0 $0x0  }
0x318: {  	[sflag:s0] =	ssyncadd.s32 @!p0 s1  }
0x319: {  	[bflag:$0x3] =	sbarrier.arrive $0xFFFF  }
0x31a: {  	_ =	shalt  }

// kernel: scatter_offload_async_start.4
scs
__scs_entry_jumppad:
0x0: {  	(pc) =	sbr.rel $0x88, $3  }
0x1: {  	(tag) =	ssettag $0x0;
	lr =	simm.s32 $0x1  }
0x2: {  	[smem:$0x3F8B] =	sst lr;
	_ =	strace $0xD0000000  }
0x3: {  	_ = 	snop  }
0x4: {  	_ = 	snop  }
0x5: {  	_ = 	snop  }
0x6: {  	_ = 	snop  }
0x7: {  	_ = 	snop  }
__scs_overlays_trampoline_lowered:
0x8: {  	[smem:$0x3F9A] =	sst s0  }
0x9: {  	[smem:$0x3F9B] =	sst s1  }
0xa: {  	[smem:$0x3F9C] =	sst s2  }
0xb: {  	[smem:$0x3F9D] =	sst s3  }
0xc: {  	[smem:$0x3F9E] =	sst s4  }
0xd: {  	[smem:$0x3F9F] =	sst s5  }
0xe: {  	[smem:$0x3FA0] =	sst s6  }
0xf: {  	[smem:$0x3FA1] =	sst s7  }
0x10: {  	[smem:$0x3FA2] =	sst s8  }
0x11: {  	[smem:$0x3FA3] =	sst s9;
	s0 =	simm.s32 @!p0 $0x0  }
0x12: {  	s1 =	sld [smem:$0x3F89];
	s0 =	simm.s32 @p0 $0x1  }
0x13: {  	[smem:$0x3FA4] =	sst s0;
	s0 =	simm.s32 @!p1 $0x0  }
0x14: {  	s2 =	sld [smem:$0x3F88];
	s0 =	simm.s32 @p1 $0x1  }
0x15: {  	[smem:$0x3FA5] =	sst s0;
	s0 =	simm.s32 @!p2 $0x0  }
0x16: {  	s3 =	sld [smem:$0x3FDB];
	s0 =	simm.s32 @p2 $0x1  }
0x17: {  	s4 =	simm.s32 $0x1BF5;
	[smem:$0x3FA7] =	sst s0  }
0x18: {  	s0 =	sld [smem:$0x3F8A];
	_ =	swait.ge [sflag:s4], $0x0  }
0x19: {  	s7 =	sld [smem:$0x3F8B]  }
0x1a: {  	s8 =	sadd.s32 $0xFFFFE003, lr  }
0x1b: {  	s9 =	sadd.s32 $0xFFFFFEF7, lr;
	s5 =	simm.s32 $0xFFFFFFFF;
	p2 =	slt.u32 s8, $0xFFFFF086  }
0x1c: {  	p1 =	slt.u32 s9, $0xF7A;
	s5 =	simm.s32 @!p2 $0x0  }
0x1d: {  	s5 =	simm.s32 @p1 $0x1;
	p0 =	seq.s32 s7, s2  }
0x1e: {  	s7 =	smul.u32 @!p0 $0xF7A, s2;
	p2 =	seq.s32 @!p0 s5, $0x0  }
0x1f: {  	s9 =	smul.u32 $0xF7A, s1;
	s8 =	simm.s32 @!p0 $0x1BF5;
	p2 =	por !p2, p0  }
0x20: {  	[sflag:s8] =	ssyncset.s32 @!p0 $0xFFFFF086;
	s6 =	sadd.s32 @!p0 s3, s7;
	s7 =	simm.s32 @!p0 $0x108  }
0x21: {  	s3 =	sadd.s32 s3, s9;
	s6 =	sadd.s32 @!p0 $0x88, s6;
	s7 =	simm.s32 @p2 $0x1082  }
0x22: {  	[simem:s7], [sflag:s8] =	dma.local @!p0 [hbm:s6], $0xF7A  }
0x23: {  	s9 =	sor.u32 $0xD0000000, s2;
	s6 =	simm.s32 $0x108;
	_ =	swait.ge @!p0 [sflag:s8], $0x0  }
0x24: {  	s3 =	sadd.s32 $0x88, s3;
	s6 =	simm.s32 @!p1 $0x1082;
	[sflag:s4] =	ssyncset.s32 $0xFFFFF086  }
0x25: {  	[simem:s6], [sflag:s4] =	dma.local [hbm:s3], $0xF7A  }
0x26: {  	[smem:$0x3F8B] =	sst s1;
	(tag) =	ssettag s2;
	_ =	strace s9  }
0x27: {  	s1 =	sld [smem:$0x3F9B]  }
0x28: {  	s2 =	sld [smem:$0x3F9C]  }
0x29: {  	s4 =	sld [smem:$0x3F9E]  }
0x2a: {  	p0 =	seq.s32 s5, $0x0;
	s5 =	sld [smem:$0x3F9F]  }
0x2b: {  	s6 =	sld [smem:$0x3FA0]  }
0x2c: {  	s7 =	sld [smem:$0x3FA1]  }
0x2d: {  	s3 =	simm.s32 $0x108;
	s8 =	sld [smem:$0x3FA2]  }
0x2e: {  	s3 =	simm.s32 @!p0 $0x1082;
	s9 =	sld [smem:$0x3FA3]  }
0x2f: {  	lr =	sadd.s32 s0, s3;
	s0 =	sld [smem:$0x3F9A]  }
0x30: {  	s3 =	sld [smem:$0x3F9D]  }
0x31: {  	[smem:$0x3FA6] =	sst s10  }
0x32: {  	s10 =	sld [smem:$0x3FA4];
	_ =	sdelay $0x3  }
0x33: {  	p0 =	seq.s32 s10, $0x1;
	s10 =	sld [smem:$0x3FA6];
	_ =	sdelay $0x3  }
0x34: {  	[smem:$0x3FA6] =	sst s10  }
0x35: {  	s10 =	sld [smem:$0x3FA5];
	_ =	sdelay $0x3  }
0x36: {  	p1 =	seq.s32 s10, $0x1;
	s10 =	sld [smem:$0x3FA6];
	_ =	sdelay $0x3  }
0x37: {  	[smem:$0x3FA6] =	sst s10  }
0x38: {  	s10 =	sld [smem:$0x3FA7]  }
0x39: {  	_ = 	snop;
	(pc) =	sbr.ind lr, $3  }
0x3a: {  	_ = 	snop  }
0x3b: {  	_ = 	snop  }
0x3c: {  	p2 =	seq.s32 s10, $0x1;
	s10 =	sld [smem:$0x3FA6]  }
0x3d: {  	_ =	shalt  }
0x3e: {  	_ =	shalt  }
0x3f: {  	_ =	shalt  }
0x40: {  	_ =	shalt  }
0x41: {  	_ =	shalt  }
0x42: {  	_ =	shalt  }
0x43: {  	_ =	shalt  }
0x44: {  	_ =	shalt  }
0x45: {  	_ =	shalt  }
0x46: {  	_ =	shalt  }
0x47: {  	_ =	shalt  }
0x48: {  	_ =	shalt  }
0x49: {  	_ =	shalt  }
0x4a: {  	_ =	shalt  }
0x4b: {  	_ =	shalt  }
0x4c: {  	_ =	shalt  }
0x4d: {  	_ =	shalt  }
0x4e: {  	_ =	shalt  }
0x4f: {  	_ =	shalt  }
0x50: {  	_ =	shalt  }
0x51: {  	_ =	shalt  }
0x52: {  	_ =	shalt  }
0x53: {  	_ =	shalt  }
0x54: {  	_ =	shalt  }
0x55: {  	_ =	shalt  }
0x56: {  	_ =	shalt  }
0x57: {  	_ =	shalt  }
0x58: {  	_ =	shalt  }
0x59: {  	_ =	shalt  }
0x5a: {  	_ =	shalt  }
0x5b: {  	_ =	shalt  }
0x5c: {  	_ =	shalt  }
0x5d: {  	_ =	shalt  }
0x5e: {  	_ =	shalt  }
0x5f: {  	_ =	shalt  }
0x60: {  	_ =	shalt  }
0x61: {  	_ =	shalt  }
0x62: {  	_ =	shalt  }
0x63: {  	_ =	shalt  }
0x64: {  	_ =	shalt  }
0x65: {  	_ =	shalt  }
0x66: {  	_ =	shalt  }
0x67: {  	_ =	shalt  }
0x68: {  	_ =	shalt  }
0x69: {  	_ =	shalt  }
0x6a: {  	_ =	shalt  }
0x6b: {  	_ =	shalt  }
0x6c: {  	_ =	shalt  }
0x6d: {  	_ =	shalt  }
0x6e: {  	_ =	shalt  }
0x6f: {  	_ =	shalt  }
0x70: {  	_ =	shalt  }
0x71: {  	_ =	shalt  }
0x72: {  	_ =	shalt  }
0x73: {  	_ =	shalt  }
0x74: {  	_ =	shalt  }
0x75: {  	_ =	shalt  }
0x76: {  	_ =	shalt  }
0x77: {  	_ =	shalt  }
0x78: {  	_ =	shalt  }
0x79: {  	_ =	shalt  }
0x7a: {  	_ =	shalt  }
0x7b: {  	_ =	shalt  }
0x7c: {  	_ =	shalt  }
0x7d: {  	_ =	shalt  }
0x7e: {  	_ =	shalt  }
0x7f: {  	_ =	shalt  }
0x80: {  	_ =	shalt  }
0x81: {  	_ =	shalt  }
0x82: {  	_ =	shalt  }
0x83: {  	_ =	shalt  }
0x84: {  	_ =	shalt  }
0x85: {  	_ =	shalt  }
0x86: {  	_ =	shalt  }
0x87: {  	_ =	shalt  }
.Lfunc_end0:
.L_simem_size_0:
called_computation.4_lowered:
.L_overlay_start_0:
0x88: {  	s2 =	sld [smem:$0x3FD9]  }
0x89: {  	s3 =	sld [smem:$0x3FFE];
	_ =	sdelay $0x1  }
0x8a: {  	s1 =	srdreg.scid  }
0x8b: {  	s0 =	sand.u32 $0x1, s1  }
0x8c: {  	s12 =	sshll.u32 s0, $0xA;
	s2 =	sadd.s32 s3, s2  }
0x8d: {  	s2 =	sadd.s32 s2, s12  }
0x8e: {  	[smem:$0x3FB2] =	sst s2  }
0x8f: {  	_ = 	snop  }
0x90: {  	(tm) =	ssettm $0x1  }
0x91: {  	s13 =	sld [smem:$0x3FFB];
	_ =	sdelay $0x3  }
0x92: {  	_ =	strace s13  }
0x93: {  	s2 =	sld [smem:$0x3FFC];
	_ =	sdelay $0x3  }
0x94: {  	_ =	strace s2  }
0x95: {  	s2 =	sld [smem:$0x3FFD];
	_ =	sdelay $0x3  }
0x96: {  	_ =	strace s2  }
0x97: {  	_ =	strace $0x8FFFFFFF  }
0x98: {  	s14 =	sld [smem:$0x3FDB];
	_ =	sdelay $0x1  }
0x99: {  	s15 =	simm.s32 $_scs_section_size  }
0x9a: {  	s4 =	simm.s32 $_size__tile_overlayer_lowered;
	s5 =	simm.s32 $_tile_overlayer_lowered  }
0x9b: {  	s19 =	simm.s32 $0x1BFF;
	s17 =	sshll.u32 s5, $0x1;
	s6 =	sadd.s32 s15, s14  }
0x9c: {  	s20 =	simm.s32 $0x0;
	s16 =	sshll.u32 s4, $0x1;
	s18 =	sadd.s32 s17, s6  }
0x9d: {  	[timem:s20], [sflag:s19] =	dma.local [hbm:s18], s16  }
0x9e: {  	_ =	swait.ge [sflag:s19], s16  }
0x9f: {  	s3 =	ssub.s32 $0x0, s16;
	[sflag:s19] =	ssyncset.done $0x0  }
0xa0: {  	[sflag:s19] =	ssyncadd.s32 s3;
	_ =	sdelay $0x1  }
0xa1: {  	s21 =	simm.s32 $0x1B8B  }
0xa2: {  	_ =	swait.ge [sflag:s21], $0x1  }
0xa3: {  	[sflag:s21] =	ssyncset.done $0x0  }
0xa4: {  	[sflag:s21] =	ssyncadd.s32 $0xFFFFFFFF  }
0xa5: {  	s3 =	sld [smem:$0x0]  }
0xa6: {  	s4 =	sand.u32 $0xFFFFFFFE, s1  }
0xa7: {  	p0 =	sne.s32 s1, s4  }
0xa8: {  	s4 =	sshll.u32 @p0 s4, $0xE  }
0xa9: {  	s5 =	sadd.s32 @p0 $0x11B8D, s4;
	s7 =	sshll.u32 @p0 s3, $0x11  }
0xaa: {  	s5 =	sor.u32 @p0 s7, s5  }
0xab: {  	[sflag:s5] =	ssyncadd.remote.s32 @p0 $0x1;
	_ =	sdelay $0x1  }
0xac: {  	s5 =	simm.s32 @p0 $0x1B8D  }
0xad: {  	_ =	swait.eq @p0 [sflag:s5], $0x1  }
0xae: {  	[sflag:s5] =	ssyncadd.s32 @p0 $0xFFFFFFFF  }
0xaf: {  	s7 =	sshll.u32 @!p0 s1, $0xE  }
0xb0: {  	s7 =	sor.u32 @!p0 $0x4000, s7;
	s5 =	simm.s32 @!p0 $0x1B8D  }
0xb1: {  	s9 =	sshll.u32 @!p0 s3, $0x11;
	s8 =	sadd.s32 @!p0 $0x11B8D, s7;
	_ =	swait.eq @!p0 [sflag:s5], $0x1  }
0xb2: {  	[sflag:s5] =	ssyncadd.s32 @!p0 $0xFFFFFFFF;
	s5 =	sor.u32 @!p0 s9, s8  }
0xb3: {  	s23 =	simm.s32 $0x1B8E;
	s22 =	sld [smem:$0x3FFE];
	[sflag:s5] =	ssyncadd.remote.s32 @!p0 $0x1  }
0xb4: {  	s24 =	simm.s32 $execute0_lowered;
	[smem:$0x3FD2] =	sst s23  }
0xb5: {  	s8 =	sshll.u32 s24, $0x1;
	_ =	strace $0x80000061;
	[dreg:$0x1] =	wrdreg $0xFFFFFFFF  }
0xb6: {  	s25 =	simm.s32 $_size_execute0_lowered;
	s8 =	sadd.s32 s6, s8;
	[dreg:$0x0] =	wrdreg $0x0  }
0xb7: {  	s9 =	sshll.u32 s25, $0x1;
	[dreg:$0x2] =	wrdreg s8  }
0xb8: {  	[dreg:$0x3] =	wrdreg s9  }
0xb9: {  	[dreg:$0x4] =	wrdreg $0xC0  }
0xba: {  	s26 =	simm.s32 $execute1_lowered;
	_ =	task [dreg:s20], $0x5FFFF  }
0xbb: {  	s8 =	sshll.u32 s26, $0x1;
	[dreg:$0x1] =	wrdreg $0xFFFFFFFF  }
0xbc: {  	s6 =	sadd.s32 s6, s8;
	[dreg:$0x0] =	wrdreg $0x60  }
0xbd: {  	[dreg:$0x2] =	wrdreg s6  }
0xbe: {  	[dreg:$0x3] =	wrdreg s22  }
0xbf: {  	[dreg:$0x4] =	wrdreg $0xB  }
0xc0: {  	_ =	task.clear_ibuf [dreg:s20], $0x5FFFF;
	_ =	strace $0x90000061  }
0xc1: {  	s28 =	simm.s32 $0xB;
	_ =	strace $0x80000063  }
0xc2: {  	_ =	swait.ge [sflag:s28], $0x1  }
0xc3: {  	[sflag:s28] =	ssyncadd.s32 $0xFFFFFFFF  }
0xc4: {  	_ =	strace $0x90000063  }
0xc5: {  	s6 =	sld [smem:$0x0];
	_ =	sdelay $0x3  }
0xc6: {  	s4 =	sadd.s32 @p0 $0x11BF3, s4;
	s8 =	sshll.u32 @p0 s6, $0x11  }
0xc7: {  	s4 =	sor.u32 @p0 s8, s4  }
0xc8: {  	[sflag:s4] =	ssyncadd.remote.s32 @p0 $0x1;
	_ =	sdelay $0x1  }
0xc9: {  	s4 =	simm.s32 @p0 $0x1BF3  }
0xca: {  	_ =	swait.eq @p0 [sflag:s4], $0x1  }
0xcb: {  	[sflag:s4] =	ssyncadd.s32 @p0 $0xFFFFFFFF;
	_ =	sdelay $0x1  }
0xcc: {  	s4 =	simm.s32 @!p0 $0x1BF3  }
0xcd: {  	s7 =	sadd.s32 @!p0 $0x11BF3, s7;
	s6 =	sshll.u32 @!p0 s6, $0x11;
	_ =	swait.eq @!p0 [sflag:s4], $0x1  }
0xce: {  	[sflag:s4] =	ssyncadd.s32 @!p0 $0xFFFFFFFF;
	s4 =	sor.u32 @!p0 s6, s7  }
0xcf: {  	[sflag:s4] =	ssyncadd.remote.s32 @!p0 $0x1  }
0xd0: {  	_ =	strace $0x80000064;
	[dreg:$0x1] =	wrdreg $0xFFFFFFFF  }
0xd1: {  	[dreg:$0x0] =	wrdreg $0x2030  }
0xd2: {  	[dreg:$0x2] =	wrdreg s22  }
0xd3: {  	[dreg:$0x3] =	wrdreg s1  }
0xd4: {  	[dreg:$0x4] =	wrdreg s3  }
0xd5: {  	[dreg:$0x5] =	wrdreg $0xC  }
0xd6: {  	_ =	task.clear_ibuf [dreg:s20], $0x6FFFF;
	_ =	strace $0x90000064  }
0xd7: {  	s29 =	simm.s32 $0xC;
	_ =	strace $0x80000066  }
0xd8: {  	_ =	swait.ge [sflag:s29], $0x1  }
0xd9: {  	[sflag:s29] =	ssyncadd.s32 $0xFFFFFFFF  }
0xda: {  	_ =	strace $0x90000066  }
0xdb: {  	_ =	sfence  }
0xdc: {  	s30 =	sld [smem:$0x0];
	_ =	sdelay $0x2  }
0xdd: {  	s31 =	sshll.u32 s1, $0xD;
	s1 =	sshrl.u32 s1, $0x2  }
0xde: {  	s4 =	sand.u32 $0x4000, s31;
	s1 =	sadd.s32 s1, s30  }
0xdf: {  	s0 =	sor.u32 s4, s0;
	s1 =	sshll.u32 s1, $0x11  }
0xe0: {  	s0 =	sor.u32 s1, s0  }
0xe1: {  	s0 =	sadd.s32 $0x8F2B, s0  }
0xe2: {  	[sflag:s0] =	ssyncadd.remote.s32 $0x1  }
0xe3: {  	_ =	sfence.sel $0xFFFF  }
0xe4: {  	[dreg:$0x0] =	wrdreg $0xFFFFFFFF;
	(pc) =	sbr.abs _section_cstart, $3  }
0xe5: {  	[dreg:$0x1] =	wrdreg $0xFFFFFFFF  }
0xe6: {  	_ =	task.clear_ibuf [dreg:s20], $0x2FFFF;
	_ =	strace $0x9FFFFFFF  }
0xe7: {  	(tm) =	ssettm $0x7FFFFFFF  }
tec
execute0_lowered:
.L_overlay_start_1:
0x0: {  	(tag) =	ssettag $0x1  }
0x1: {  	s2 =	rddreg [dreg:$0x0]  }
0x2: {  	s4 =	rddreg [dreg:$0x1]  }
0x3: {  	s0 =	rddreg [dreg:$0x2];
	s3 =	stileid.u32  }
0x4: {  	[bflag:$0x3] =	sbarrier.arrive $0xFFFF;
	s1 =	simm.s32 $_size_execute1_lowered;
	s29 =	srdreg.scid  }
0x5: {  	s7 =	simm.s32 $0x2;
	s8 =	simm.s32 $0x0;
	p0 =	sne.s32 s3, $0x0  }
0x6: {  	s1 =	sshll.u32 s1, $0x1;
	s5 =	simm.s32 @!p0 $0x1C3F;
	s6 =	simm.s32 @!p0 $0x4060  }
0x7: {  	[timem:s6], [sflag:s5] =	dma.local @!p0 [hbm:s2], s1  }
0x8: {  	s12 =	simm.s32 $0x0;
	s10 =	simm.s32 $0x0;
	s2 =	sshll.u32 s29, $0x7  }
.Ltmp0:
0x9: {  	s3 =	sshll.u32 s3, $0x8;
	s30 =	sand.u32 $0x80, s2;
	(pc) =	sbr.rel .LBB2_1-.Ltmp0, $4  }
0xa: {  	s11 =	simm.s32 $0x0;
	_ =	strace $0x80000062;
	s3 =	sor.u32 s3, s30  }
0xb: {  	s5 =	simm.s32 $0x1;
	s2 =	sadd.s32 $0x804800, s4;
	s31 =	ssub.s32 $0xC300, s3  }
0xc: {  	s4 =	sadd.s32 $0x1477600, s4;
	[sflag:s5] =	ssyncpa.u1 $0x0;
	s6 =	sshrl.u32 s31, $0xC  }
0xd: {  	[sflag:s7] =	ssyncpa.u1 $0x0;
	s9 =	smov.u32 s3;
	s7 =	sadd.s32 $0x2, s6  }
.LBB2_4:
0xe: {  	_ = 	snop  }
.LBB2_7:
0xf: {  	_ =	sdelay $0x3  }
0x10: {  	[tilespmem:v0+s16+$0x0 ss:$0x1] =	vst.idx.msk @p1 $0xffff, v2  }
0x11: {  	v56 =	vld.idx.msk [tilespmem:v1+s15+$0x0 ss:$0x1], $0xffff;
	s24 =	sor.u32 $0x70, s15;
	[tilespmem:v0+s17+$0x0 ss:$0x1] =	vst.idx.msk @p1 $0xffff, v4  }
0x12: {  	s25 =	sor.u32 $0x10, s15;
	[tilespmem:v0+s18+$0x0 ss:$0x1] =	vst.idx.msk @p1 $0xffff, v3;
	v57 =	vld.idx.msk [tilespmem:v1+s24+$0x0 ss:$0x1], $0xffff  }
0x13: {  	s26 =	sor.u32 $0x20, s15;
	[tilespmem:v0+s19+$0x0 ss:$0x1] =	vst.idx.msk @p1 $0xffff, v5;
	v58 =	vld.idx.msk [tilespmem:v1+s25+$0x0 ss:$0x1], $0xffff  }
0x14: {  	s28 =	sor.u32 $0x30, s15;
	[tilespmem:v0+s20+$0x0 ss:$0x1] =	vst.idx.msk @p1 $0xffff, v6;
	v59 =	vld.idx.msk [tilespmem:v1+s26+$0x0 ss:$0x1], $0xffff  }
0x15: {  	s29 =	sor.u32 $0x40, s15;
	[tilespmem:v0+s21+$0x0 ss:$0x1] =	vst.idx.msk @p1 $0xffff, v7;
	v60 =	vld.idx.msk [tilespmem:v1+s28+$0x0 ss:$0x1], $0xffff  }
0x16: {  	s30 =	sor.u32 $0x50, s15;
	v61 =	vld.idx.msk [tilespmem:v1+s29+$0x0 ss:$0x1], $0xffff;
	[tilespmem:v0+s15+$0x0 ss:$0x1] =	vst.idx.msk $0xffff, v56  }
0x17: {  	s31 =	sor.u32 $0x60, s15;
	v62 =	vld.idx.msk [tilespmem:v1+s30+$0x0 ss:$0x1], $0xffff;
	[tilespmem:v0+s24+$0x0 ss:$0x1] =	vst.idx.msk $0xffff, v57  }
0x18: {  	v63 =	vld.idx.msk [tilespmem:v1+s31+$0x0 ss:$0x1], $0xffff;
	[tilespmem:v0+s25+$0x0 ss:$0x1] =	vst.idx.msk $0xffff, v58  }
0x19: {  	[tilespmem:v0+s26+$0x0 ss:$0x1] =	vst.idx.msk $0xffff, v59  }
0x1a: {  	[tilespmem:v0+s28+$0x0 ss:$0x1] =	vst.idx.msk $0xffff, v60  }
0x1b: {  	[tilespmem:v0+s29+$0x0 ss:$0x1] =	vst.idx.msk $0xffff, v61  }
0x1c: {  	[tilespmem:v0+s30+$0x0 ss:$0x1] =	vst.idx.msk $0xffff, v62  }
0x1d: {  	[tilespmem:v0+s31+$0x0 ss:$0x1] =	vst.idx.msk $0xffff, v63  }
.LBB2_8:
0x1e: {  	s15 =	sand.u32 $0x1FFFFFF, s10  }
0x1f: {  	s16 =	smulhi.u32 $0x14F8B59, s15;
	_ =	sdelay $0x1  }
0x20: {  	s16 =	sshrl.u32 s16, $0x8  }
0x21: {  	s16 =	smul.u32 $0xC350, s16;
	_ =	sdelay $0x1  }
0x22: {  	s15 =	ssub.s32 s15, s16  }
0x23: {  	s15 =	sshll.u32 s15, $0x4  }
0x24: {  	s15 =	sadd.s32 s4, s15  }
0x25: {  	[hbm4b:s15+s8] =	stream.linear.scatter [tilespmem:s14], [sflag:$0x2], s13, $0x38;
	[tilespmem:$0x10000] =	vst v63  }
.LBB2_9:
0x26: {  	p1 =	slt.u32 s11, $0x2  }
0x27: {  	p2 =	sgt.s32 @!p1 s12, $0xC2D0  }
0x28: {  	s13 =	smov.u32 s12;
	s14 =	sshra.s32 @!p1 s12, $0x1F;
	p2 =	por !p2, p1  }
0x29: {  	s12 =	sand.u32 @!p1 s14, s12;
	s13 =	simm.s32 @p2 $0xC2D0  }
0x2a: {  	s12 =	ssub.s32 @!p1 s13, s12  }
0x2b: {  	s12 =	sadd.s32 @!p1 $0xFFFF3D30, s12  }
0x2c: {  	s13 =	sshll.u32 @!p1 s12, $0x9  }
0x2d: {  	p2 =	sgt.s32 @!p1 s12, $0x7F;
	s12 =	ssub.s32 @!p1 $0x10000, s13  }
0x2e: {  	s14 =	sadd.s32 $0x1000, s9;
	p2 =	por !p2, p1;
	s12 =	sshrl.u32 @!p1 s12, $0x2  }
0x2f: {  	s12 =	simm.s32 @!p2 $0x0;
	p2 =	sgt.s32 s14, $0xC34F  }
0x30: {  	s14 =	smov.u32 @p2 s3;
	p2 =	sne.s32 s11, s7  }
.Ltmp1:
0x31: {  	_ = 	snop;
	(pc) =	sbr.rel @!p2 .LBB2_10-.Ltmp1, $4  }
0x32: {  	s13 =	simm.s32 @!p1 $0x2  }
0x33: {  	_ =	swait.ge @!p1 [sflag:s13], s12;
	s15 =	ssub.s32 @!p1 $0x0, s12  }
0x34: {  	s12 =	smov.u32 s10;
	s11 =	sadd.s32 $0x1, s11;
	[sflag:s13] =	ssyncset.done @!p1 $0x0  }
0x35: {  	s10 =	smov.u32 s9;
	s9 =	smov.u32 s14;
	[sflag:s13] =	ssyncadd.s32 @!p1 s15  }
.LBB2_1:
0x36: {  	p1 =	sgt.u32 s11, s6  }
0x37: {  	s13 =	sand.u32 @!p1 $0x1FFFFFF, s9  }
0x38: {  	p2 =	sgt.s32 @!p1 s9, $0xC2D0;
	s14 =	smulhi.u32 @!p1 $0x14F8B59, s13  }
0x39: {  	s15 =	smov.u32 s9;
	s16 =	sshra.s32 @!p1 s9, $0x1F;
	p2 =	por !p2, p1  }
0x3a: {  	s16 =	sand.u32 @!p1 s16, s9;
	s15 =	simm.s32 @p2 $0xC2D0;
	s14 =	sshrl.u32 @!p1 s14, $0x8  }
0x3b: {  	s15 =	ssub.s32 @!p1 s15, s16;
	s14 =	smul.u32 @!p1 $0xC350, s14  }
0x3c: {  	s16 =	sxor.u32 @!p1 $0xFFFFFFFF, s11;
	s15 =	sadd.s32 @!p1 $0xFFFF3D30, s15  }
0x3d: {  	s16 =	sshll.u32 @!p1 s16, $0xE;
	s13 =	ssub.s32 @!p1 s13, s14;
	s14 =	sshll.u32 @!p1 s15, $0x9  }
0x3e: {  	s16 =	sand.u32 @!p1 $0x4000, s16;
	p2 =	sgt.s32 @!p1 s15, $0x7F;
	s14 =	ssub.s32 @!p1 $0x10000, s14  }
0x3f: {  	p2 =	por !p2, p1;
	s13 =	sshll.u32 @!p1 s13, $0x4;
	s14 =	sshrl.u32 @!p1 s14, $0x2  }
0x40: {  	s15 =	simm.s32 @!p1 $0x0;
	s13 =	sadd.s32 @!p1 s2, s13;
	s14 =	simm.s32 @!p2 $0x0  }
0x41: {  	[tilespmem:s16], [sflag:$0x1] =	stream.linear.gather @!p1 [hbm4b:s13+s15], s14, $0x38;
	[tilespmem:$0x10000] =	vst v63  }
0x42: {  	p1 =	seq.s32 s11, $0x0  }
0x43: {  	p2 =	sge.u32 @!p1 s11, s7  }
0x44: {  	p1 =	por p1, p2  }
.Ltmp2:
0x45: {  	_ = 	snop;
	(pc) =	sbr.rel @p1 .LBB2_9-.Ltmp2, $1  }
0x46: {  	_ =	sdelay $0x3  }
0x47: {  	p1 =	sgt.s32 s10, $0xC2D0;
	s13 =	smov.u32 s10;
	s14 =	sshra.s32 s10, $0x1F  }
0x48: {  	s13 =	simm.s32 @!p1 $0xC2D0;
	s14 =	sand.u32 s14, s10  }
0x49: {  	s13 =	ssub.s32 s13, s14  }
0x4a: {  	s13 =	sadd.s32 $0xFFFF3D30, s13  }
0x4b: {  	s31 =	sshll.u32 s13, $0x9  }
0x4c: {  	s14 =	ssub.s32 $0x10000, s31  }
0x4d: {  	p1 =	sgt.s32 s13, $0x7F;
	s13 =	sshrl.u32 s14, $0x2;
	s14 =	sadd.s32 $0x80, s10  }
0x4e: {  	s13 =	simm.s32 @p1 $0x0;
	p1 =	slt.s32 s14, $0xC350  }
0x4f: {  	s14 =	simm.s32 @!p1 $0xC350  }
0x50: {  	s16 =	ssub.s32 s14, s10  }
0x51: {  	p1 =	slt.s32 s16, $0x1  }
.Ltmp3:
0x52: {  	_ = 	snop;
	(pc) =	sbr.rel @p1 .LBB2_8-.Ltmp3, $4  }
0x53: {  	_ = 	snop  }
0x54: {  	s15 =	sshll.u32 s11, $0xE;
	_ =	swait.ge [sflag:s5], s13  }
0x55: {  	s15 =	sand.u32 $0x4000, s15;
	s17 =	ssub.s32 $0x0, s13;
	[sflag:s5] =	ssyncset.done $0x0  }
0x56: {  	s14 =	sor.u32 $0x8000, s15;
	[sflag:s5] =	ssyncadd.s32 s17  }
0x57: {  	p2 =	sne.s32 s16, $0x1  }
.Ltmp4:
0x58: {  	v1 =	vmov s15;
	v0 =	vmov s14;
	(pc) =	sbr.rel @!p2 .LBB2_4-.Ltmp4, $3  }
0x59: {  	_ =	sdelay $0x1  }
0x5a: {  	s17 =	simm.s32 $0x0  }
0x5b: {  	s23 =	sadd.s32 $0xFFFFFFFF, s16;
	p1 =	por $0x0, $0x0;
	s15 =	sand.u32 $0x3F80, s17  }
0x5c: {  	_ =	sdelay $0x3  }
0x5d: {  	v6 =	vld.idx.msk [tilespmem:v1+s15+$0x0 ss:$0x1], $0xffff;
	s24 =	sor.u32 $0x70, s15  }
0x5e: {  	s16 =	sor.u32 $0x10, s15;
	v8 =	vld.idx.msk [tilespmem:v1+s24+$0x0 ss:$0x1], $0xffff  }
0x5f: {  	s17 =	sor.u32 $0x20, s15;
	p2 =	sne.s32 s23, $0x1;
	v2 =	vld.idx.msk [tilespmem:v1+s16+$0x0 ss:$0x1], $0xffff  }
.Ltmp5:
0x60: {  	s18 =	sor.u32 $0x30, s15;
	v4 =	vld.idx.msk [tilespmem:v1+s17+$0x0 ss:$0x1], $0xffff;
	(pc) =	sbr.rel @!p2 .LBB2_7-.Ltmp5, $4  }
0x61: {  	s19 =	sor.u32 $0x40, s15;
	v3 =	vld.idx.msk [tilespmem:v1+s18+$0x0 ss:$0x1], $0xffff  }
0x62: {  	s21 =	sor.u32 $0x60, s15;
	v5 =	vld.idx.msk [tilespmem:v1+s19+$0x0 ss:$0x1], $0xffff  }
0x63: {  	s20 =	sor.u32 $0x50, s15;
	s22 =	simm.s32 $0x80;
	v7 =	vld.idx.msk [tilespmem:v1+s21+$0x0 ss:$0x1], $0xffff;
	[tilespmem:v0+s15+$0x0 ss:$0x1] =	vst.idx.msk $0xffff, v6  }
0x64: {  	s23 =	sadd.s32 $0xFFFFFFFF, s23;
	p1 =	por $0x1, $0x1;
	v6 =	vld.idx.msk [tilespmem:v1+s20+$0x0 ss:$0x1], $0xffff;
	s15 =	sand.u32 $0x3F80, s22;
	[tilespmem:v0+s24+$0x0 ss:$0x1] =	vst.idx.msk $0xffff, v8  }
.LBB2_6:
0x65: {  	p2 =	sne.s32 s23, $0x1;
	v8 =	vld.idx.msk [tilespmem:v1+s15+$0x0 ss:$0x1], $0xffff;
	s24 =	sor.u32 $0x70, s15;
	[tilespmem:v0+s16+$0x0 ss:$0x1] =	vst.idx.msk $0xffff, v2;
	s16 =	sor.u32 $0x10, s15  }
0x66: {  	s25 =	sor.u32 $0x30, s15;
	s26 =	sor.u32 $0x40, s15;
	v9 =	vld.idx.msk [tilespmem:v1+s24+$0x0 ss:$0x1], $0xffff;
	[tilespmem:v0+s17+$0x0 ss:$0x1] =	vst.idx.msk $0xffff, v4;
	s17 =	sor.u32 $0x20, s15  }
0x67: {  	s28 =	sor.u32 $0x50, s15;
	s29 =	sor.u32 $0x60, s15;
	v2 =	vld.idx.msk [tilespmem:v1+s16+$0x0 ss:$0x1], $0xffff;
	[tilespmem:v0+s18+$0x0 ss:$0x1] =	vst.idx.msk $0xffff, v3;
	s18 =	smov.u32 s25  }
.Ltmp6:
0x68: {  	v4 =	vld.idx.msk [tilespmem:v1+s17+$0x0 ss:$0x1], $0xffff;
	[tilespmem:v0+s19+$0x0 ss:$0x1] =	vst.idx.msk $0xffff, v5;
	s19 =	smov.u32 s26;
	(pc) =	sbr.rel @p2 .LBB2_6-.Ltmp6, $4  }
0x69: {  	v3 =	vld.idx.msk [tilespmem:v1+s18+$0x0 ss:$0x1], $0xffff;
	[tilespmem:v0+s20+$0x0 ss:$0x1] =	vst.idx.msk $0xffff, v6;
	s20 =	smov.u32 s28  }
0x6a: {  	v5 =	vld.idx.msk [tilespmem:v1+s19+$0x0 ss:$0x1], $0xffff;
	[tilespmem:v0+s21+$0x0 ss:$0x1] =	vst.idx.msk $0xffff, v7;
	s21 =	smov.u32 s29  }
0x6b: {  	s22 =	sadd.s32 $0x80, s22;
	[tilespmem:v0+s15+$0x0 ss:$0x1] =	vst.idx.msk $0xffff, v8;
	v6 =	vld.idx.msk [tilespmem:v1+s20+$0x0 ss:$0x1], $0xffff  }
0x6c: {  	s23 =	sadd.s32 $0xFFFFFFFF, s23;
	s15 =	sand.u32 $0x3F80, s22;
	v7 =	vld.idx.msk [tilespmem:v1+s21+$0x0 ss:$0x1], $0xffff;
	[tilespmem:v0+s24+$0x0 ss:$0x1] =	vst.idx.msk $0xffff, v9  }
.Ltmp7:
0x6d: {  	_ = 	snop;
	(pc) =	sbr.rel .LBB2_7-.Ltmp7, $1  }
0x6e: {  	_ =	sdelay $0x3  }
.LBB2_10:
0x6f: {  	_ =	sfence.sel $0x180000  }
0x70: {  	s2 =	simm.s32 $0x1;
	[bflag:$0x0] =	sbarrier.arrive $0xFFFF  }
0x71: {  	s31 =	simm.s32 $0x2;
	[sflag:s2] =	ssyncpa.u1 $0x1  }
0x72: {  	[sflag:s31] =	ssyncpa.u1 $0x1  }
0x73: {  	_ =	strace $0x90000062  }
0x74: {  	s0 =	sadd.s32 @!p0 $0x100000, s0;
	[bflag:$0x2] =	sbarrier.arrive $0xFFFF  }
0x75: {  	[sflag:s0] =	ssyncadd.tile.s32 @!p0 $0x1;
	s0 =	simm.s32 @!p0 $0x3F  }
0x76: {  	_ =	swait.ge @!p0 [sflag:s0], s1  }
0x77: {  	s1 =	ssub.s32 @!p0 $0x0, s1;
	[sflag:s0] =	ssyncset.done @!p0 $0x0  }
0x78: {  	[sflag:s0] =	ssyncadd.s32 @!p0 s1  }
0x79: {  	[bflag:$0x3] =	sbarrier.arrive $0xFFFF  }
0x7a: {  	_ =	shalt  }
.Lfunc_end2:
execute1_lowered:
.L_overlay_start_2:
0x7b: {  	(tag) =	ssettag $0x2  }
0x7c: {  	s15 =	rddreg [dreg:$0x0]  }
0x7d: {  	s2 =	rddreg [dreg:$0x1];
	_ =	strace $0x80000065;
	s0 =	simm.s32 $0x1  }
0x7e: {  	v0 =	vimm.s32 $0x0;
	[sflag:s0] =	ssyncpa.u1 $0x0;
	s0 =	simm.s32 $0x108  }
0x7f: {  	[tilespmem:s0+$0x70] =	vst v0  }
0x80: {  	[tilespmem:s0+$0x60] =	vst v0  }
0x81: {  	[tilespmem:s0+$0x50] =	vst v0  }
0x82: {  	[tilespmem:s0+$0x40] =	vst v0  }
0x83: {  	[tilespmem:s0+$0x30] =	vst v0  }
0x84: {  	s3 =	simm.s32 $0x40;
	s1 =	sadd.s32 $0x1477600, s15;
	[tilespmem:s0+$0x20] =	vst v0  }
0x85: {  	s6 =	sadd.s32 $0x13400, s15;
	s14 =	sadd.s32 $0x7F5200, s15;
	s5 =	sand.u32 $0x1, s2;
	[tilespmem:s0+$0x10] =	vst v0  }
.LBB3_1:
0x86: {  	s3 =	sadd.s32 $0x40, s3;
	[tilespmem:s0+$0x0] =	vst v0;
	s0 =	sadd.s32 $0x80, s0  }
0x87: {  	p0 =	slt.u32 s3, $0x3C40;
	[tilespmem:s0+$0x70] =	vst v0  }
0x88: {  	[tilespmem:s0+$0x60] =	vst v0  }
.Ltmp8:
0x89: {  	[tilespmem:s0+$0x50] =	vst v0;
	(pc) =	sbr.rel @p0 .LBB3_1-.Ltmp8, $4  }
0x8a: {  	[tilespmem:s0+$0x40] =	vst v0  }
0x8b: {  	[tilespmem:s0+$0x30] =	vst v0  }
0x8c: {  	[tilespmem:s0+$0x20] =	vst v0  }
0x8d: {  	[tilespmem:s0+$0x10] =	vst v0  }
0x8e: {  	s9 =	stileid.u32  }
0x8f: {  	s2 =	smul.u32 $0x41, s9  }
0x90: {  	s3 =	smin.u32 s9, $0x2  }
0x91: {  	s2 =	sadd.s32 s3, s2  }
0x92: {  	p0 =	slt.u32 s9, $0x2;
	s7 =	smul.u32 $0xF0, s2;
	s2 =	simm.s32 $0x3DE0  }
0x93: {  	s2 =	simm.s32 @!p0 $0x3CF0  }
0x94: {  	s2 =	sadd.s32 s2, s7  }
0x95: {  	s8 =	smin.u32 s2, $0x3D090  }
0x96: {  	s2 =	ssub.s32 s8, s7  }
0x97: {  	p0 =	sgt.s32 s2, $0x0  }
0x98: {  	s29 =	simm.s32 $0x2;
	s10 =	simm.s32 $0x9;
	s2 =	simm.s32 @!p0 $0x0  }
0x99: {  	s4 =	simm.s32 $0xA;
	s11 =	simm.s32 $0xB;
	s28 =	smulhi.u32 $0x88888889, s2  }
0x9a: {  	[dreg:$0x4] =	wrdreg s5;
	s31 =	smul.u32 $0x7A12, s5;
	s12 =	simm.s32 $0x1  }
0x9b: {  	s22 =	simm.s32 $0x0;
	s18 =	simm.s32 $0xC;
	s30 =	sshrl.u32 s28, $0x7  }
0x9c: {  	s20 =	simm.s32 $0x0;
	s21 =	simm.s32 $0x0;
	s3 =	smul.u32 $0xF0, s30  }
.Ltmp9:
0x9d: {  	[tilespmem:s0+$0x0] =	vst v0;
	v0 =	vimm.s32 $0xFFFFFFFF;
	[sflag:s29] =	ssyncpa.u1 $0x0;
	s16 =	sshll.u32 s9, $0x8;
	(pc) =	sbr.rel .LBB3_3-.Ltmp9, $4  }
0x9e: {  	[tilespmem:$0xF208] =	vst v0;
	[sflag:s10] =	ssyncpa.u1 $0x0;
	p0 =	sne.s32 s2, s3;
	s2 =	simm.s32 $0x1  }
0x9f: {  	s14 =	sadd.s32 s31, s14;
	[sflag:s4] =	ssyncpa.u1 $0x0;
	s2 =	simm.s32 @!p0 $0x0  }
0xa0: {  	s15 =	sadd.s32 s31, s15;
	[sflag:s11] =	ssyncpa.u1 $0x0;
	s13 =	sadd.s32 s2, s30  }
0xa1: {  	v0 =	vlaneseq.u32;
	s19 =	smov.u32 s7;
	p0 =	por $0x0, $0x0;
	s17 =	sadd.s32 $0x1, s13  }
.LBB3_18:
0xa2: {  	s0 =	sshrl.u32 s31, $0x2  }
.LBB3_20:
0xa3: {  	_ =	swait.ge [sflag:s18], s0  }
0xa4: {  	s31 =	ssub.s32 $0x0, s0;
	v1 =	vmov s24;
	vm0 =	veq.s32 v0, $0x0;
	[sflag:s18] =	ssyncset.done $0x0  }
0xa5: {  	vm15 =	veq.s32 v0, $0x2;
	v1 =	vsel vm0, s30, v1;
	[sflag:s18] =	ssyncadd.s32 s31  }
0xa6: {  	v1 =	vsel vm15, s22, v1;
	[sflag:s18] =	ssyncpa.u1 $0x1  }
0xa7: {  	[tilespmem:$0xF208] =	vst v1  }
.LBB3_21:
0xa8: {  	s0 =	sadd.s32 $0xF0, s19  }
0xa9: {  	s2 =	smov.u32 s7;
	p1 =	slt.s32 s0, s8  }
0xaa: {  	s2 =	smov.u32 @p1 s0;
	p1 =	sne.s32 s21, s17  }
.Ltmp10:
0xab: {  	_ = 	snop;
	(pc) =	sbr.rel @!p1 .LBB3_22-.Ltmp10, $3  }
0xac: {  	_ =	sdelay $0x1  }
0xad: {  	s22 =	smov.u32 s20;
	s31 =	sadd.s32 $0x1, s21;
	s20 =	smov.u32 s19  }
0xae: {  	p0 =	por !p0, !p0;
	s21 =	smov.u32 s31;
	s19 =	smov.u32 s2  }
.LBB3_3:
0xaf: {  	p1 =	sge.u32 s21, s13  }
0xb0: {  	s0 =	smulhi.u32 @!p1 $0xAAAAAAAB, s21  }
0xb1: {  	s2 =	smov.u32 s19;
	p2 =	sgt.s32 @!p1 s19, $0x3CFA0  }
0xb2: {  	s3 =	sshra.s32 @!p1 s19, $0x1F;
	p2 =	por !p2, p1;
	s0 =	sshrl.u32 @!p1 s0, $0x1  }
0xb3: {  	s3 =	sand.u32 @!p1 s3, s19;
	s2 =	simm.s32 @p2 $0x3CFA0;
	s0 =	smul.u32 @!p1 $0x3, s0  }
0xb4: {  	s2 =	ssub.s32 @!p1 s2, s3  }
0xb5: {  	s2 =	sadd.s32 @!p1 $0xFFFC3060, s2;
	s0 =	ssub.s32 @!p1 s21, s0  }
0xb6: {  	s3 =	sshll.u32 @!p1 s2, $0x2;
	p2 =	sgt.s32 @!p1 s2, $0xEF;
	s0 =	smul.u32 @!p1 $0x3C0, s0  }
0xb7: {  	s4 =	sand.u32 @!p1 $0x7, s19;
	s2 =	ssub.s32 @!p1 $0x3C0, s3;
	p2 =	por !p2, p1  }
0xb8: {  	s3 =	sshrl.u32 @!p1 s19, $0x3;
	s2 =	sshrl.u32 @!p1 s2, $0x2;
	s0 =	sshrl.u32 @!p1 s0, $0x2  }
0xb9: {  	s3 =	sadd.s32 @!p1 s3, s14;
	s2 =	simm.s32 @!p2 $0x0;
	s0 =	sadd.s32 @!p1 $0x10248, s0  }
0xba: {  	[tilespmem:s0], [sflag:$0xA] =	stream.linear.gather @!p1 [hbm4b:s3+s4], s2, $0x38;
	[tilespmem:$0x1F6F8] =	vst v63  }
0xbb: {  	s0 =	sadd.s32 $0xFFFFFFFF, s21  }
0xbc: {  	p1 =	sge.u32 s0, s13  }
0xbd: {  	p2 =	sgt.s32 @!p1 s20, $0x3CFA0  }
0xbe: {  	s2 =	smov.u32 s20;
	s3 =	sshra.s32 @!p1 s20, $0x1F;
	p2 =	por !p2, p1  }
0xbf: {  	s3 =	sand.u32 @!p1 s3, s20;
	s2 =	simm.s32 @p2 $0x3CFA0  }
0xc0: {  	s2 =	ssub.s32 @!p1 s2, s3  }
0xc1: {  	s2 =	sadd.s32 @!p1 $0xFFFC3060, s2  }
0xc2: {  	s4 =	sand.u32 @!p1 $0x1, s0;
	s3 =	sshll.u32 @!p1 s2, $0x2  }
0xc3: {  	p2 =	sgt.s32 @!p1 s2, $0xEF;
	s2 =	ssub.s32 @!p1 $0x3C0, s3;
	s3 =	smulhi.u32 @!p1 $0xAAAAAAAB, s0  }
0xc4: {  	s23 =	smul.u32 @!p1 $0x3C0, s4;
	p2 =	por !p2, p1;
	s2 =	sshrl.u32 @!p1 s2, $0x2  }
0xc5: {  	s5 =	simm.s32 @!p1 $0xA;
	s2 =	simm.s32 @!p2 $0x0;
	s3 =	sshrl.u32 @!p1 s3, $0x1  }
0xc6: {  	s23 =	sshrl.u32 @!p1 s23, $0x2;
	_ =	swait.ge @!p1 [sflag:s5], s2;
	s3 =	smul.u32 @!p1 $0x3, s3  }
0xc7: {  	s23 =	sadd.s32 @!p1 $0x10518, s23;
	s24 =	ssub.s32 @!p1 $0x0, s2;
	[sflag:s5] =	ssyncset.done @!p1 $0x0  }
0xc8: {  	[sflag:s5] =	ssyncadd.s32 @!p1 s24;
	s5 =	sshrl.u32 @!p1 s20, $0x3;
	s0 =	ssub.s32 @!p1 s0, s3  }
0xc9: {  	s24 =	sand.u32 @!p1 $0x7, s20;
	s5 =	sadd.s32 @!p1 s5, s15;
	s0 =	smul.u32 @!p1 $0x3C0, s0  }
0xca: {  	[tilespmem:s23], [sflag:$0xB] =	stream.linear.gather @!p1 [hbm4b:s5+s24], s2, $0x38;
	[tilespmem:$0x1F6F8] =	vst v63  }
0xcb: {  	s3 =	ssub.s32 @!p1 $0x3D090, s20;
	s2 =	smul.u32 @!p1 $0x1E000, s4  }
0xcc: {  	p2 =	slt.s32 @!p1 s3, $0xF0  }
0xcd: {  	p2 =	por !p2, p1;
	s0 =	sshrl.u32 @!p1 s0, $0x2;
	s2 =	sshrl.u32 @!p1 s2, $0x2  }
0xce: {  	s3 =	simm.s32 @p2 $0xF0;
	s0 =	sadd.s32 @!p1 $0x10248, s0;
	s2 =	sor.u32 @!p1 $0x106F8, s2  }
0xcf: {  	[tilespmem:s2], [sflag:$0x9] =	stream.indirect.gather @!p1 [hbm4b:s6+s3], $0x80, s0, s3, $0xb8;
	[tilespmem:$0x1F6F8] =	vst v63  }
0xd0: {  	p1 =	slt.u32 s21, $0x2  }
.Ltmp11:
0xd1: {  	_ = 	snop;
	(pc) =	sbr.rel @p1 .LBB3_21-.Ltmp11, $1  }
0xd2: {  	_ =	sdelay $0x3  }
0xd3: {  	p1 =	sgt.s32 s22, $0x3CFA0  }
0xd4: {  	s0 =	smov.u32 s22;
	s2 =	sshra.s32 s22, $0x1F;
	s3 =	ssub.s32 $0x3D090, s22  }
0xd5: {  	s0 =	simm.s32 @!p1 $0x3CFA0;
	s2 =	sand.u32 s2, s22;
	p1 =	slt.s32 s3, $0xF0  }
0xd6: {  	s0 =	ssub.s32 s0, s2;
	s3 =	simm.s32 @!p1 $0xF0  }
0xd7: {  	s0 =	sadd.s32 $0xFFFC3060, s0;
	s25 =	sshll.u32 s3, $0x7  }
0xd8: {  	s26 =	sshll.u32 s0, $0x2;
	s2 =	sand.u32 $0x3FFFFF80, s25  }
0xd9: {  	p1 =	sgt.s32 s0, $0xEF;
	s29 =	ssub.s32 $0x3C0, s26;
	_ =	swait.ge [sflag:s10], s2  }
0xda: {  	s2 =	ssub.s32 $0x0, s2;
	[sflag:s10] =	ssyncset.done $0x0;
	s0 =	sshrl.u32 s29, $0x2  }
0xdb: {  	[sflag:s10] =	ssyncadd.s32 s2;
	s0 =	simm.s32 @p1 $0x0  }
0xdc: {  	_ =	swait.ge [sflag:s11], s0  }
0xdd: {  	s0 =	ssub.s32 $0x0, s0;
	[sflag:s11] =	ssyncset.done $0x0  }
0xde: {  	[sflag:s11] =	ssyncadd.s32 s0  }
0xdf: {  	v1 =	vld [tilespmem:$0xF208];
	_ =	sdelay $0x4  }
0xe0: {  	(v2sf) =	vpush v1, $0x0  }
0xe1: {  	(v2sf) =	vpush v1, $0x1  }
0xe2: {  	(v2sf) =	vpush v1, $0x2;
	_ =	sdelay $0x3  }
0xe3: {  	s0 =	sadd.s32 $0xF0, s22  }
0xe4: {  	s2 =	ssub.s32 $0x7A120, s22;
	p1 =	slt.s32 s8, s0  }
0xe5: {  	s0 =	smov.u32 @p1 s8;
	p1 =	sgt.s32 s2, $0x0  }
0xe6: {  	s26 =	ssub.s32 s0, s22;
	s2 =	simm.s32 @!p1 $0x0  }
0xe7: {  	p1 =	slt.s32 s2, s26  }
0xe8: {  	s26 =	smov.u32 @p1 s2  }
0xe9: {  	s25 =	simm.s32 $0x1;
	p1 =	slt.s32 s26, $0x1  }
.Ltmp12:
0xea: {  	s25 =	simm.s32 @!p0 $0x0;
	(pc) =	sbr.rel @p1 .LBB3_8-.Ltmp12, $4  }
0xeb: {  	s31 =	smul.u32 $0x3C0, s25  }
0xec: {  	s28 =	spop (v2sf)  }
0xed: {  	s0 =	sshrl.u32 s31, $0x2;
	s30 =	spop (v2sf)  }
0xee: {  	s23 =	sadd.s32 $0x10518, s0;
	s22 =	spop (v2sf)  }
0xef: {  	s0 =	smin.u32 s26, $0x10  }
0xf0: {  	v1 =	vmov s0  }
0xf1: {  	p2 =	sgt.s32 s26, $0x10;
	vm1 =	vgt.u32 v1, v0  }
.Ltmp13:
0xf2: {  	_ = 	snop;
	(pc) =	sbr.rel @!p2 .LBB3_7-.Ltmp13, $2  }
0xf3: {  	_ =	sdelay $0x2  }
0xf4: {  	s4 =	simm.s32 $0x10;
	s24 =	sadd.s32 $0xFFFFFFF0, s26;
	s0 =	smov.u32 s23;
	vm0 =	vmmov vm1  }
.LBB3_6:
0xf5: {  	s2 =	smin.u32 s24, $0x10;
	s4 =	sadd.s32 $0x10, s4;
	v1 =	vld.msk [tilespmem:s0+$0x0 ss:$0x1], vm1  }
0xf6: {  	v2 =	vmov s2;
	p2 =	slt.s32 s4, s26  }
0xf7: {  	vm1 =	vgt.u32 v2, v0  }
.Ltmp14:
0xf8: {  	(pc) =	sbr.rel @p2 .LBB3_6-.Ltmp14, $3  }
0xf9: {  	_ =	sdelay $0x1  }
0xfa: {  	v1 =	vshll.u32 v1, $0x4  }
0xfb: {  	s24 =	sadd.s32 $0xFFFFFFF0, s24;
	[tilespmem:s0+$0x0] =	vst.msk vm0, v1;
	s0 =	sadd.s32 $0x10, s0;
	vm0 =	vmmov vm1  }
.LBB3_7:
0xfc: {  	_ =	sdelay $0x4  }
0xfd: {  	v1 =	vld.msk [tilespmem:s0+$0x0 ss:$0x1], vm1;
	_ =	sdelay $0x4  }
0xfe: {  	v1 =	vshll.u32 v1, $0x4  }
0xff: {  	[tilespmem:s0+$0x0] =	vst.msk vm0, v1  }
.LBB3_8:
0x100: {  	s0 =	sand.u32 $0x1, s21  }
0x101: {  	s0 =	smul.u32 $0xF0, s0  }
0x102: {  	p2 =	sne.s32 s30, $0xFFFFFFFF  }
0x103: {  	v1 =	vld.msk @!p2 [tilespmem:s0+$0x10518], $0x1;
	_ =	sdelay $0x4  }
0x104: {  	(v2sf) =	vpush @!p2 v1, $0x0;
	_ =	sdelay $0xc  }
.Ltmp15:
0x105: {  	_ = 	snop;
	(pc) =	sbr.rel @p1 .LBB3_19-.Ltmp15, $4  }
0x106: {  	_ = 	snop  }
0x107: {  	s29 =	spop @!p2 (v2sf)  }
0x108: {  	s22 =	simm.s32 @!p2 $0x0;
	s24 =	smov.u32 s29  }
0x109: {  	[sflag:s18] =	ssyncpa.u1 $0x0;
	s29 =	smov.u32 @p2 s28;
	s24 =	smov.u32 @p2 s30  }
0x10a: {  	v1 =	vld.msk [tilespmem:s23+$0x0], $0x1;
	_ =	sdelay $0x4  }
0x10b: {  	(v2sf) =	vpush v1, $0x0;
	_ =	sdelay $0xe  }
0x10c: {  	s2 =	smul.u32 $0x1E000, s25;
	s0 =	spop (v2sf)  }
0x10d: {  	s26 =	ssub.s32 $0x0, s26;
	p1 =	seq.s32 s29, s0  }
0x10e: {  	s30 =	sadd.s32 $0x1, s26;
	s2 =	sshrl.u32 s2, $0x2;
	p2 =	sgt.s32 @!p1 s29, $0x0  }
0x10f: {  	s25 =	sor.u32 $0x10738, s2;
	s2 =	smov.u32 s29;
	p2 =	por !p2, p1  }
0x110: {  	s2 =	simm.s32 @p2 $0x0;
	p2 =	seq.s32 s30, $0x0  }
.Ltmp16:
0x111: {  	_ = 	snop;
	(pc) =	sbr.rel @p2 .LBB3_11-.Ltmp16, $4  }
0x112: {  	_ = 	snop  }
0x113: {  	s28 =	simm.s32 $0x0;
	s31 =	sadd.s32 $0x1, s23;
	s2 =	smin.u32 @!p1 s2, $0xC34F0  }
0x114: {  	s4 =	simm.s32 @!p1 $0x1;
	s5 =	simm.s32 @!p1 $0x7988;
	s3 =	sand.u32 @!p1 $0xFFFF8, s2  }
0x115: {  	s4 =	smov.u32 @p1 s28;
	s2 =	sand.u32 @!p1 $0x7, s2;
	s3 =	sadd.s32 @!p1 s1, s3  }
.LBB3_10:
0x116: {  	s9 =	smov.u32 s4  }
0x117: {  	[tilespmem:s5], [sflag:$0x2] =	stream.linear.gather @!p1 [hbm4b:s3+s2], $0x80, $0x38;
	[tilespmem:$0x1F6F8] =	vst v63  }
0x118: {  	s30 =	sadd.s32 $0x1, s30;
	s2 =	smov.u32 s0;
	v1 =	vld.msk [tilespmem:s31+$0x0], $0x1  }
0x119: {  	p2 =	seq.s32 s30, $0x0;
	_ =	sdelay $0x3  }
0x11a: {  	(v2sf) =	vpush v1, $0x0;
	_ =	sdelay $0xe  }
0x11b: {  	s0 =	spop (v2sf)  }
0x11c: {  	p1 =	seq.s32 s2, s0  }
0x11d: {  	p3 =	sgt.s32 @!p1 s2, $0x0;
	s3 =	sshll.u32 @!p1 s4, $0x9;
	s4 =	sadd.s32 @!p1 $0x1, s4  }
.Ltmp17:
0x11e: {  	p3 =	por !p3, p1;
	s3 =	sshra.s32 @!p1 s3, $0x2;
	(pc) =	sbr.rel @!p2 .LBB3_10-.Ltmp17, $4  }
0x11f: {  	s4 =	smov.u32 @p1 s9;
	s2 =	simm.s32 @p3 $0x0;
	s5 =	sadd.s32 @!p1 $0x7988, s3  }
0x120: {  	s2 =	smin.u32 @!p1 s2, $0xC34F0  }
0x121: {  	s3 =	sand.u32 @!p1 $0xFFFF8, s2;
	s2 =	sand.u32 @!p1 $0x7, s2  }
0x122: {  	s31 =	sadd.s32 $0x1, s31;
	s3 =	sadd.s32 @!p1 s1, s3  }
.LBB3_11:
0x123: {  	[tilespmem:s5], [sflag:$0x2] =	stream.linear.gather @!p1 [hbm4b:s3+s2], $0x80, $0x38;
	[tilespmem:$0x1F6F8] =	vst v63  }
.Ltmp18:
0x124: {  	s0 =	sshll.u32 s4, $0x7;
	(pc) =	sbr.rel .LBB3_12-.Ltmp18, $4  }
0x125: {  	s30 =	simm.s32 $0x2;
	s0 =	sand.u32 $0x3FFFFF80, s0  }
0x126: {  	_ =	swait.ge [sflag:s30], s0  }
0x127: {  	s0 =	ssub.s32 $0x0, s0;
	[sflag:s30] =	ssyncset.done $0x0  }
0x128: {  	s31 =	simm.s32 $0x0;
	[sflag:s30] =	ssyncadd.s32 s0  }
.LBB3_13:
0x129: {  	v1 =	vld [tilespmem:s25+$0xFFFFFFC0];
	_ =	sdelay $0x3  }
0x12a: {  	s0 =	sshra.s32 s0, $0x2  }
0x12b: {  	[tilespmem:s0+$0x108] =	vst.add.f32.msk $0xffff, v1  }
0x12c: {  	v1 =	vld [tilespmem:s25+$0xFFFFFFD0];
	_ =	sdelay $0x4  }
0x12d: {  	[tilespmem:s0+$0x118] =	vst.add.f32.msk $0xffff, v1  }
0x12e: {  	v1 =	vld [tilespmem:s25+$0xFFFFFFE0];
	_ =	sdelay $0x4  }
0x12f: {  	[tilespmem:s0+$0x128] =	vst.add.f32.msk $0xffff, v1  }
0x130: {  	v1 =	vld [tilespmem:s25+$0xFFFFFFF0];
	_ =	sdelay $0x4  }
0x131: {  	[tilespmem:s0+$0x138] =	vst.add.f32.msk $0xffff, v1  }
0x132: {  	v1 =	vld [tilespmem:s25+$0x0];
	_ =	sdelay $0x4  }
0x133: {  	[tilespmem:s0+$0x148] =	vst.add.f32.msk $0xffff, v1  }
0x134: {  	v1 =	vld [tilespmem:s25+$0x10];
	_ =	sdelay $0x4  }
0x135: {  	[tilespmem:s0+$0x158] =	vst.add.f32.msk $0xffff, v1  }
0x136: {  	v1 =	vld [tilespmem:s25+$0x20];
	_ =	sdelay $0x4  }
0x137: {  	[tilespmem:s0+$0x168] =	vst.add.f32.msk $0xffff, v1  }
0x138: {  	v1 =	vld [tilespmem:s25+$0x30];
	_ =	sdelay $0x4  }
0x139: {  	[tilespmem:s0+$0x178] =	vst.add.f32.msk $0xffff, v1  }
.LBB3_17:
0x13a: {  	s26 =	sadd.s32 $0x1, s26  }
0x13b: {  	p1 =	seq.s32 s26, $0x0  }
.Ltmp19:
0x13c: {  	_ = 	snop;
	(pc) =	sbr.rel @p1 .LBB3_18-.Ltmp19, $2  }
0x13d: {  	_ =	sdelay $0x2  }
0x13e: {  	s23 =	sadd.s32 $0x1, s23;
	s25 =	sadd.s32 $0x80, s25;
	s29 =	smov.u32 s30  }
.LBB3_12:
0x13f: {  	v1 =	vld.msk [tilespmem:s23+$0x0], $0x1;
	_ =	sdelay $0x4  }
0x140: {  	(v2sf) =	vpush v1, $0x0;
	_ =	sdelay $0xe  }
0x141: {  	s30 =	spop (v2sf)  }
0x142: {  	p1 =	sne.s32 s29, s30  }
.Ltmp20:
0x143: {  	_ = 	snop;
	(pc) =	sbr.rel @!p1 .LBB3_13-.Ltmp20, $2  }
0x144: {  	_ =	sdelay $0x2  }
0x145: {  	s0 =	sshll.u32 s22, $0x9  }
0x146: {  	p1 =	seq.s32 s29, s24  }
.Ltmp21:
0x147: {  	_ = 	snop;
	(pc) =	sbr.rel @!p1 .LBB3_15-.Ltmp21, $1  }
0x148: {  	_ =	sdelay $0x3  }
0x149: {  	s0 =	sshra.s32 s0, $0x2  }
.Ltmp22:
0x14a: {  	s0 =	sadd.s32 $0x108, s0;
	(pc) =	sbr.rel .LBB3_16-.Ltmp22, $4  }
0x14b: {  	[spmem:s16] =	stream.linear.scatter [tilespmem:s0], [sflag:$0x1], $0x80, $0x38;
	[tilespmem:$0x1F6F8] =	vst v63  }
0x14c: {  	_ =	swait.ge [sflag:s12], $0x80  }
0x14d: {  	[sflag:s12] =	ssyncset.done $0x0  }
0x14e: {  	[sflag:s12] =	ssyncadd.s32 $0xFFFFFF80  }
.LBB3_15:
0x14f: {  	s2 =	sshll.u32 s28, $0x9  }
0x150: {  	s2 =	sshra.s32 s2, $0x2  }
0x151: {  	v1 =	vld [tilespmem:s2+$0x7988];
	_ =	sdelay $0x3  }
0x152: {  	s0 =	sshra.s32 s0, $0x2  }
0x153: {  	[tilespmem:s0+$0x108] =	vst.add.f32.msk $0xffff, v1  }
0x154: {  	v1 =	vld [tilespmem:s2+$0x7998];
	_ =	sdelay $0x4  }
0x155: {  	[tilespmem:s0+$0x118] =	vst.add.f32.msk $0xffff, v1  }
0x156: {  	v1 =	vld [tilespmem:s2+$0x79A8];
	_ =	sdelay $0x4  }
0x157: {  	[tilespmem:s0+$0x128] =	vst.add.f32.msk $0xffff, v1  }
0x158: {  	v1 =	vld [tilespmem:s2+$0x79B8];
	_ =	sdelay $0x4  }
0x159: {  	[tilespmem:s0+$0x138] =	vst.add.f32.msk $0xffff, v1  }
0x15a: {  	v1 =	vld [tilespmem:s2+$0x79C8];
	_ =	sdelay $0x4  }
0x15b: {  	[tilespmem:s0+$0x148] =	vst.add.f32.msk $0xffff, v1  }
0x15c: {  	v1 =	vld [tilespmem:s2+$0x79D8];
	_ =	sdelay $0x4  }
0x15d: {  	[tilespmem:s0+$0x158] =	vst.add.f32.msk $0xffff, v1  }
0x15e: {  	v1 =	vld [tilespmem:s2+$0x79E8];
	_ =	sdelay $0x4  }
0x15f: {  	[tilespmem:s0+$0x168] =	vst.add.f32.msk $0xffff, v1  }
0x160: {  	v1 =	vld [tilespmem:s2+$0x79F8];
	_ =	sdelay $0x2  }
0x161: {  	p1 =	sgt.u32 s29, $0xC34F0  }
0x162: {  	s2 =	sand.u32 @!p1 $0xFFFF8, s29  }
0x163: {  	s3 =	sadd.s32 $0x108, s0;
	[tilespmem:s0+$0x178] =	vst.add.f32.msk $0xffff, v1;
	s0 =	sadd.s32 @!p1 s1, s2;
	s2 =	sand.u32 @!p1 $0x7, s29  }
0x164: {  	[hbm4b:s0+s2] =	stream.linear.scatter @!p1 [tilespmem:s3], [sflag:$0xC], $0x80, $0x38;
	[tilespmem:$0x1F6F8] =	vst v63  }
0x165: {  	s0 =	simm.s32 $0x0  }
0x166: {  	s0 =	simm.s32 @!p1 $0x200  }
0x167: {  	s31 =	sadd.s32 s0, s31  }
.LBB3_16:
0x168: {  	s0 =	sadd.s32 $0x1, s22  }
0x169: {  	s2 =	smulhi.u32 $0x88888889, s0;
	_ =	sdelay $0x1  }
0x16a: {  	v1 =	vld [tilespmem:s25+$0xFFFFFFC0];
	s2 =	sshrl.u32 s2, $0x7  }
0x16b: {  	s2 =	smul.u32 $0xF0, s2;
	_ =	sdelay $0x1  }
0x16c: {  	s22 =	ssub.s32 s0, s2  }
0x16d: {  	s0 =	sshll.u32 s22, $0x7  }
0x16e: {  	[tilespmem:s0+$0x108] =	vst v1  }
0x16f: {  	v1 =	vld [tilespmem:s25+$0xFFFFFFD0];
	_ =	sdelay $0x4  }
0x170: {  	[tilespmem:s0+$0x118] =	vst v1  }
0x171: {  	v1 =	vld [tilespmem:s25+$0xFFFFFFE0];
	_ =	sdelay $0x4  }
0x172: {  	[tilespmem:s0+$0x128] =	vst v1  }
0x173: {  	v1 =	vld [tilespmem:s25+$0xFFFFFFF0];
	_ =	sdelay $0x4  }
0x174: {  	[tilespmem:s0+$0x138] =	vst v1  }
0x175: {  	v1 =	vld [tilespmem:s25+$0x0];
	_ =	sdelay $0x4  }
0x176: {  	[tilespmem:s0+$0x148] =	vst v1  }
0x177: {  	v1 =	vld [tilespmem:s25+$0x10];
	_ =	sdelay $0x4  }
0x178: {  	[tilespmem:s0+$0x158] =	vst v1  }
0x179: {  	v1 =	vld [tilespmem:s25+$0x20];
	_ =	sdelay $0x4  }
0x17a: {  	[tilespmem:s0+$0x168] =	vst v1  }
0x17b: {  	v1 =	vld [tilespmem:s25+$0x30]  }
.Ltmp23:
0x17c: {  	_ = 	snop;
	(pc) =	sbr.rel .LBB3_17-.Ltmp23, $2  }
0x17d: {  	_ =	sdelay $0x2  }
0x17e: {  	s28 =	sadd.s32 $0x1, s28;
	[tilespmem:s0+$0x178] =	vst v1  }
.LBB3_19:
.Ltmp24:
0x17f: {  	(pc) =	sbr.rel .LBB3_20-.Ltmp24, $4  }
0x180: {  	_ = 	snop  }
0x181: {  	s0 =	simm.s32 $0x2  }
0x182: {  	_ =	swait.ge [sflag:s0], $0x0  }
0x183: {  	s30 =	smov.u32 s29;
	[sflag:s0] =	ssyncset.done $0x0;
	s0 =	simm.s32 $0x0  }
.LBB3_22:
0x184: {  	_ =	sfence.sel $0x180000  }
0x185: {  	s0 =	simm.s32 $0x9;
	[bflag:$0x0] =	sbarrier.arrive $0xFFFF  }
0x186: {  	s24 =	simm.s32 $0xA;
	[sflag:s0] =	ssyncpa.u1 $0x1  }
0x187: {  	s25 =	simm.s32 $0xB;
	[sflag:s24] =	ssyncpa.u1 $0x1  }
0x188: {  	s26 =	simm.s32 $0x2;
	[sflag:s25] =	ssyncpa.u1 $0x1  }
0x189: {  	[sflag:s26] =	ssyncpa.u1 $0x1  }
0x18a: {  	v0 =	vld [tilespmem:$0xF208];
	_ =	sdelay $0x4  }
0x18b: {  	(v2sf) =	vpush v0, $0x0  }
0x18c: {  	(v2sf) =	vpush v0, $0x1;
	_ =	sdelay $0x1  }
0x18d: {  	(v2sf) =	vpush v0, $0x2;
	_ =	sdelay $0xb  }
0x18e: {  	s0 =	spop (v2sf)  }
0x18f: {  	s2 =	spop (v2sf)  }
0x190: {  	s3 =	smov.u32 s0;
	p0 =	sne.s32 s0, s2  }
0x191: {  	s4 =	spop (v2sf);
	s3 =	simm.s32 @!p0 $0xFFFFFFFF  }
0x192: {  	v2 =	vimm.s32 $0x1;
	v3 =	vlaneseq.u32;
	p0 =	seq.s32 s4, $0xFFFFFFFF;
	v1 =	vmov s3  }
0x193: {  	s16 =	stileid.u32;
	v0 =	vperm.xlane v0, v2;
	p1 =	sne.s32 @!p0 s0, s2;
	v1 =	vperm.xlane v1, v3  }
0x194: {  	vm0 =	vcmask $0x3F04;
	s6 =	simm.s32 $0xF208;
	s0 =	simm.s32 @!p0 $0x1;
	p1 =	por !p1, p0  }
0x195: {  	s3 =	sshll.u32 s16, $0x1;
	s2 =	sshll.u32 @!p0 s4, $0x9;
	s0 =	simm.s32 @p1 $0x0;
	v0 =	vsel vm0, v1, v0  }
0x196: {  	s5 =	sor.u32 $0x1000, s3;
	s2 =	sshra.s32 @!p0 s2, $0x2;
	s0 =	sor.u32 @!p0 s0, s3;
	[tilespmem:$0xF208] =	vst v0  }
0x197: {  	[spmem:s5] =	stream.linear.scatter [tilespmem:s6], [sflag:$0x1], $0x2, $0x38;
	[tilespmem:$0x1F6F8] =	vst v63  }
0x198: {  	s2 =	sadd.s32 @!p0 $0x108, s2;
	s0 =	sshll.u32 @!p0 s0, $0x7  }
0x199: {  	[spmem:s0] =	stream.linear.scatter @!p0 [tilespmem:s2], [sflag:$0x1], $0x80, $0x38;
	[tilespmem:$0x1F6F8] =	vst v63  }
0x19a: {  	s0 =	simm.s32 @!p0 $0x82  }
0x19b: {  	s28 =	simm.s32 $0x1;
	s0 =	simm.s32 @p0 $0x2  }
0x19c: {  	_ =	swait.ge [sflag:s28], s0  }
0x19d: {  	s0 =	ssub.s32 $0x0, s0;
	[sflag:s28] =	ssyncset.done $0x0  }
0x19e: {  	p0 =	sne.s32 s16, $0x0;
	[sflag:s28] =	ssyncadd.s32 s0  }
.Ltmp25:
0x19f: {  	_ =	sfence.stream.spmem;
	(pc) =	sbr.rel @p0 .LBB3_39-.Ltmp25, $4  }
0x1a0: {  	s29 =	simm.s32 $0x3;
	[bflag:$0x0] =	sbarrier.arrive $0xFFFF  }
0x1a1: {  	s30 =	simm.s32 $0x4;
	[sflag:s29] =	ssyncpa.u1 $0x1  }
0x1a2: {  	s31 =	simm.s32 $0x3C;
	[sflag:s30] =	ssyncpa.u1 $0x1  }
0x1a3: {  	s15 =	rddreg [dreg:$0x4];
	[sflag:s31] =	ssyncpa.u1 $0x1  }
0x1a4: {  	_ =	sfence.stream.spmem;
	s0 =	simm.s32 $0x5  }
0x1a5: {  	s2 =	simm.s32 $0x1000;
	s3 =	simm.s32 $0xF218;
	[sflag:s0] =	ssyncpa.u1 $0x0  }
0x1a6: {  	[tilespmem:s3], [sflag:$0x5] =	stream.linear.gather [spmem:s2], $0x20, $0x38;
	[tilespmem:$0x1F6F8] =	vst v63  }
0x1a7: {  	s26 =	simm.s32 $0x0;
	s28 =	simm.s32 $0xF238  }
0x1a8: {  	[tilespmem:s28], [sflag:$0x5] =	stream.linear.gather [spmem:s26], $0x1000, $0x38;
	[tilespmem:$0x1F6F8] =	vst v63  }
0x1a9: {  	_ =	swait.ge [sflag:s0], $0x1020  }
0x1aa: {  	[sflag:s0] =	ssyncset.done $0x0  }
0x1ab: {  	s29 =	simm.s32 $0x0;
	[sflag:s0] =	ssyncadd.s32 $0xFFFFEFE0  }
0x1ac: {  	v0 =	vld.msk [tilespmem:s29+$0xF218], $0x1;
	_ =	sdelay $0x1  }
0x1ad: {  	s30 =	simm.s32 $0x1  }
0x1ae: {  	v1 =	vld.msk [tilespmem:s30+$0xF218], $0x1;
	_ =	sdelay $0x1  }
0x1af: {  	(v2sf) =	vpush v0, $0x0;
	_ =	sdelay $0x2  }
0x1b0: {  	(v2sf) =	vpush v1, $0x0;
	_ =	sdelay $0x2  }
0x1b1: {  	s31 =	simm.s32 $0x2  }
0x1b2: {  	v0 =	vld.msk [tilespmem:s31+$0xF218], $0x1;
	_ =	sdelay $0x2  }
0x1b3: {  	s4 =	simm.s32 $0xFFFFFFFF;
	s5 =	simm.s32 $0xFFFFFFFF;
	s0 =	simm.s32 $0xC  }
.LBB3_24:
0x1b4: {  	s2 =	smov.u32 s5;
	s3 =	smov.u32 s4  }
0x1b5: {  	s4 =	sshra.s32 s0, $0x2;
	p1 =	sne.s32 s0, $0x7C;
	s0 =	sadd.s32 $0x4, s0;
	(v2sf) =	vpush v0, $0x0  }
0x1b6: {  	v0 =	vld.msk [tilespmem:s4+$0xF218], $0x1  }
.Ltmp26:
0x1b7: {  	(pc) =	sbr.rel @p1 .LBB3_24-.Ltmp26, $4  }
0x1b8: {  	s5 =	spop (v2sf)  }
0x1b9: {  	p2 =	sne.s32 s3, $0xFFFFFFFF;
	s4 =	smov.u32 s5  }
0x1ba: {  	p3 =	seq.s32 s5, $0xFFFFFFFF;
	s4 =	smov.u32 @p2 s3  }
0x1bb: {  	s5 =	smov.u32 @p3 s2;
	s4 =	smov.u32 @p3 s3  }
0x1bc: {  	(v2sf) =	vpush v0, $0x0;
	_ =	sdelay $0x8  }
0x1bd: {  	s0 =	spop (v2sf)  }
0x1be: {  	p1 =	sne.s32 s4, $0xFFFFFFFF;
	s2 =	smov.u32 s0  }
0x1bf: {  	s9 =	simm.s32 $0x6;
	p2 =	seq.s32 s0, $0xFFFFFFFF;
	s2 =	smov.u32 @p1 s4  }
0x1c0: {  	s6 =	simm.s32 $0x0;
	s2 =	smov.u32 @p2 s4;
	s3 =	spop (v2sf)  }
0x1c1: {  	s0 =	smov.u32 @p2 s5;
	p1 =	sne.s32 s2, $0xFFFFFFFF;
	s4 =	smov.u32 s3  }
.Ltmp27:
0x1c2: {  	p2 =	seq.s32 s3, $0xFFFFFFFF;
	s4 =	smov.u32 @p1 s2;
	(pc) =	sbr.rel .LBB3_26-.Ltmp27, $4  }
0x1c3: {  	s10 =	simm.s32 $0xF188;
	s4 =	smov.u32 @p2 s2;
	s7 =	spop (v2sf)  }
0x1c4: {  	s11 =	simm.s32 $0x0;
	p1 =	sne.s32 s4, $0xFFFFFFFF;
	s8 =	smov.u32 s7  }
0x1c5: {  	s3 =	smov.u32 @p2 s0;
	p2 =	seq.s32 s7, $0xFFFFFFFF;
	s8 =	smov.u32 @p1 s4  }
0x1c6: {  	[sflag:s9] =	ssyncpa.u1 $0x0;
	s7 =	smov.u32 @p2 s3;
	s8 =	smov.u32 @p2 s4  }
.LBB3_32:
0x1c7: {  	p1 =	sgt.u32 s12, $0xC34F0  }
0x1c8: {  	p2 =	seq.s32 @!p1 s12, s8  }
0x1c9: {  	p1 =	por p1, p2  }
0x1ca: {  	p2 =	sne.s32 @!p1 s12, s7  }
0x1cb: {  	p1 =	por p1, !p2  }
0x1cc: {  	s0 =	sshll.u32 @p1 s11, $0x9  }
0x1cd: {  	s0 =	sand.u32 @!p1 $0xFFFF8, s12  }
0x1ce: {  	s2 =	sand.u32 @!p1 $0x7, s12;
	s0 =	sadd.s32 @!p1 s1, s0  }
0x1cf: {  	[tilespmem:s10], [sflag:$0x6] =	stream.linear.gather @!p1 [hbm4b:s0+s2], $0x80, $0x38;
	[tilespmem:$0x1F6F8] =	vst v63  }
0x1d0: {  	_ =	swait.ge @!p1 [sflag:s9], $0x80  }
0x1d1: {  	[sflag:s9] =	ssyncset.done @!p1 $0x0  }
0x1d2: {  	[sflag:s9] =	ssyncadd.s32 @!p1 $0xFFFFFF80  }
0x1d3: {  	v1 =	vld @!p1 [tilespmem:$0xF188];
	_ =	sdelay $0x2  }
0x1d4: {  	s0 =	sshll.u32 @!p1 s11, $0x9  }
0x1d5: {  	s2 =	sshrl.u32 @!p1 s0, $0x2  }
0x1d6: {  	[tilespmem:s2+$0xF238] =	vst.add.f32.msk @!p1 $0xffff, v1  }
0x1d7: {  	v1 =	vld @!p1 [tilespmem:$0xF198];
	_ =	sdelay $0x4  }
0x1d8: {  	[tilespmem:s2+$0xF248] =	vst.add.f32.msk @!p1 $0xffff, v1  }
0x1d9: {  	v1 =	vld @!p1 [tilespmem:$0xF1A8];
	_ =	sdelay $0x4  }
0x1da: {  	[tilespmem:s2+$0xF258] =	vst.add.f32.msk @!p1 $0xffff, v1  }
0x1db: {  	v1 =	vld @!p1 [tilespmem:$0xF1B8];
	_ =	sdelay $0x4  }
0x1dc: {  	[tilespmem:s2+$0xF268] =	vst.add.f32.msk @!p1 $0xffff, v1  }
0x1dd: {  	v1 =	vld @!p1 [tilespmem:$0xF1C8];
	_ =	sdelay $0x4  }
0x1de: {  	[tilespmem:s2+$0xF278] =	vst.add.f32.msk @!p1 $0xffff, v1  }
0x1df: {  	v1 =	vld @!p1 [tilespmem:$0xF1D8];
	_ =	sdelay $0x4  }
0x1e0: {  	[tilespmem:s2+$0xF288] =	vst.add.f32.msk @!p1 $0xffff, v1  }
0x1e1: {  	v1 =	vld @!p1 [tilespmem:$0xF1E8];
	_ =	sdelay $0x4  }
0x1e2: {  	[tilespmem:s2+$0xF298] =	vst.add.f32.msk @!p1 $0xffff, v1  }
0x1e3: {  	v1 =	vld @!p1 [tilespmem:$0xF1F8];
	_ =	sdelay $0x4  }
0x1e4: {  	[tilespmem:s2+$0xF2A8] =	vst.add.f32.msk @!p1 $0xffff, v1  }
0x1e5: {  	s0 =	sshrl.u32 s0, $0x2;
	[tilespmem:s6+$0xF218] =	vst.msk $0x1, v0  }
0x1e6: {  	v0 =	vld [tilespmem:s0+$0xF238];
	_ =	sdelay $0x2  }
0x1e7: {  	s31 =	sshll.u32 s6, $0x9  }
0x1e8: {  	s2 =	sshra.s32 s31, $0x2  }
0x1e9: {  	[tilespmem:s2+$0xF238] =	vst v0  }
0x1ea: {  	v0 =	vld [tilespmem:s0+$0xF248];
	_ =	sdelay $0x4  }
0x1eb: {  	[tilespmem:s2+$0xF248] =	vst v0  }
0x1ec: {  	v0 =	vld [tilespmem:s0+$0xF258];
	_ =	sdelay $0x4  }
0x1ed: {  	[tilespmem:s2+$0xF258] =	vst v0  }
0x1ee: {  	v0 =	vld [tilespmem:s0+$0xF268];
	_ =	sdelay $0x4  }
0x1ef: {  	[tilespmem:s2+$0xF268] =	vst v0  }
0x1f0: {  	v0 =	vld [tilespmem:s0+$0xF278];
	_ =	sdelay $0x4  }
0x1f1: {  	[tilespmem:s2+$0xF278] =	vst v0  }
0x1f2: {  	v0 =	vld [tilespmem:s0+$0xF288];
	_ =	sdelay $0x4  }
0x1f3: {  	[tilespmem:s2+$0xF288] =	vst v0  }
0x1f4: {  	v0 =	vld [tilespmem:s0+$0xF298];
	_ =	sdelay $0x4  }
0x1f5: {  	[tilespmem:s2+$0xF298] =	vst v0  }
0x1f6: {  	v0 =	vld [tilespmem:s0+$0xF2A8];
	_ =	sdelay $0x4  }
0x1f7: {  	s6 =	sadd.s32 $0x1, s6;
	[tilespmem:s2+$0xF2A8] =	vst v0  }
.LBB3_33:
0x1f8: {  	s11 =	sadd.s32 $0x1, s11  }
0x1f9: {  	p1 =	sne.s32 s11, $0x20  }
.Ltmp28:
0x1fa: {  	_ = 	snop;
	(pc) =	sbr.rel @!p1 .LBB3_34-.Ltmp28, $1  }
0x1fb: {  	_ =	sdelay $0x3  }
.LBB3_26:
0x1fc: {  	v0 =	vld.msk [tilespmem:s11+$0xF218], $0x1;
	_ =	sdelay $0x4  }
0x1fd: {  	(v2sf) =	vpush v0, $0x0;
	_ =	sdelay $0xe  }
0x1fe: {  	s12 =	spop (v2sf)  }
0x1ff: {  	p1 =	seq.s32 s12, $0xFFFFFFFF  }
.Ltmp29:
0x200: {  	_ = 	snop;
	(pc) =	sbr.rel @p1 .LBB3_33-.Ltmp29, $1  }
0x201: {  	_ =	sdelay $0x3  }
0x202: {  	p1 =	slt.s32 s6, $0x1  }
.Ltmp30:
0x203: {  	_ = 	snop;
	(pc) =	sbr.rel @p1 .LBB3_32-.Ltmp30, $1  }
0x204: {  	_ =	sdelay $0x3  }
0x205: {  	s13 =	simm.s32 $0xF218;
	p1 =	por $0x0, $0x0  }
0x206: {  	v1 =	vld.msk @!p1 [tilespmem:s13+$0x0], $0x1;
	_ =	sdelay $0x4  }
0x207: {  	(v2sf) =	vpush @!p1 v1, $0x0;
	_ =	sdelay $0xd  }
0x208: {  	p3 =	sne.s32 s6, $0x1  }
.Ltmp31:
0x209: {  	s0 =	spop @!p1 (v2sf);
	(pc) =	sbr.rel @!p3 .LBB3_30-.Ltmp31, $4  }
0x20a: {  	p2 =	seq.s32 @!p1 s12, s0  }
0x20b: {  	s14 =	simm.s32 $0x0;
	p2 =	por !p2, p1  }
0x20c: {  	s2 =	simm.s32 $0xFFFFFFFF;
	s14 =	simm.s32 @p2 $0xFFFFFFFF  }
0x20d: {  	s0 =	simm.s32 $0x1;
	s14 =	smov.u32 @p1 s2  }
.LBB3_29:
0x20e: {  	s2 =	smov.u32 s14;
	p1 =	sne.s32 s14, $0xFFFFFFFF  }
0x20f: {  	s13 =	sadd.s32 $0x1, s13;
	s14 =	smov.u32 s0;
	s0 =	sadd.s32 $0x1, s0  }
0x210: {  	p2 =	sne.s32 s6, s0;
	v1 =	vld.msk @!p1 [tilespmem:s13+$0x0], $0x1;
	_ =	sdelay $0x4  }
0x211: {  	(v2sf) =	vpush @!p1 v1, $0x0;
	_ =	sdelay $0xe  }
.Ltmp32:
0x212: {  	s3 =	spop @!p1 (v2sf);
	(pc) =	sbr.rel @p2 .LBB3_29-.Ltmp32, $4  }
0x213: {  	p3 =	seq.s32 @!p1 s12, s3  }
0x214: {  	p3 =	por !p3, p1  }
0x215: {  	s14 =	simm.s32 @p3 $0xFFFFFFFF  }
0x216: {  	s14 =	smov.u32 @p1 s2  }
.LBB3_30:
0x217: {  	p1 =	seq.s32 s14, $0xFFFFFFFF  }
.Ltmp33:
0x218: {  	_ = 	snop;
	(pc) =	sbr.rel @p1 .LBB3_32-.Ltmp33, $1  }
0x219: {  	_ =	sdelay $0x3  }
0x21a: {  	s0 =	sshll.u32 s11, $0x7  }
0x21b: {  	s0 =	sand.u32 $0x3FFFFF80, s0  }
0x21c: {  	v0 =	vld [tilespmem:s0+$0xF238];
	_ =	sdelay $0x2  }
0x21d: {  	s2 =	sshll.u32 s14, $0x9  }
0x21e: {  	s2 =	sshra.s32 s2, $0x2  }
0x21f: {  	[tilespmem:s2+$0xF238] =	vst.add.f32.msk $0xffff, v0  }
0x220: {  	v0 =	vld [tilespmem:s0+$0xF248];
	_ =	sdelay $0x4  }
0x221: {  	[tilespmem:s2+$0xF248] =	vst.add.f32.msk $0xffff, v0  }
0x222: {  	v0 =	vld [tilespmem:s0+$0xF258];
	_ =	sdelay $0x4  }
0x223: {  	[tilespmem:s2+$0xF258] =	vst.add.f32.msk $0xffff, v0  }
0x224: {  	v0 =	vld [tilespmem:s0+$0xF268];
	_ =	sdelay $0x4  }
0x225: {  	[tilespmem:s2+$0xF268] =	vst.add.f32.msk $0xffff, v0  }
0x226: {  	v0 =	vld [tilespmem:s0+$0xF278];
	_ =	sdelay $0x4  }
0x227: {  	[tilespmem:s2+$0xF278] =	vst.add.f32.msk $0xffff, v0  }
0x228: {  	v0 =	vld [tilespmem:s0+$0xF288];
	_ =	sdelay $0x4  }
0x229: {  	[tilespmem:s2+$0xF288] =	vst.add.f32.msk $0xffff, v0  }
0x22a: {  	v0 =	vld [tilespmem:s0+$0xF298];
	_ =	sdelay $0x4  }
0x22b: {  	[tilespmem:s2+$0xF298] =	vst.add.f32.msk $0xffff, v0  }
0x22c: {  	v0 =	vld [tilespmem:s0+$0xF2A8]  }
.Ltmp34:
0x22d: {  	_ = 	snop;
	(pc) =	sbr.rel .LBB3_33-.Ltmp34, $2  }
0x22e: {  	_ =	sdelay $0x2  }
0x22f: {  	[tilespmem:s2+$0xF2A8] =	vst.add.f32.msk $0xffff, v0  }
.LBB3_34:
0x230: {  	s0 =	simm.s32 $0x6;
	p1 =	seq.s32 s6, $0x0  }
0x231: {  	[sflag:s0] =	ssyncpa.u1 $0x1;
	v0 =	vimm.s32 @p1 $0xFFFFFFFF  }
0x232: {  	s9 =	sadd.s32 $0xFFFFFFFF, s6;
	[tilespmem:$0x10238] =	vst @p1 v0  }
0x233: {  	v0 =	vld.msk @!p1 [tilespmem:s9+$0xF218], $0x1;
	_ =	sdelay $0x1  }
0x234: {  	v1 =	vld.msk @!p1 [tilespmem:$0xF218], $0x1;
	_ =	sdelay $0x2  }
0x235: {  	p2 =	seq.s32 @!p1 s9, $0x0;
	v0 =	vbroadcast @!p1 v0, $0x0  }
0x236: {  	vm0 =	vmmov @!p1 $0x1;
	p2 =	por !p2, p1  }
0x237: {  	v1 =	vnsel @!p1 vm0, $0xFFFFFFFF, v1;
	vm0 =	vcmask @!p1 $0x308;
	v0 =	vpsel !p2, $0xFFFFFFFF, v0  }
0x238: {  	p2 =	sne.s32 @!p1 s8, s7;
	v0 =	vsel @!p1 vm0, v1, v0  }
0x239: {  	s0 =	simm.s32 @!p1 $0xF238;
	s2 =	simm.s32 @!p1 $0x0;
	p3 =	por !p2, p1;
	[tilespmem:$0x10238] =	vst @!p1 v0  }
0x23a: {  	[spmem:s2] =	stream.linear.scatter @!p1 [tilespmem:s0], [sflag:$0x1], $0x80, $0x38;
	[tilespmem:$0x1F6F8] =	vst v63  }
0x23b: {  	s0 =	sshll.u32 @!p3 s9, $0x9  }
0x23c: {  	s0 =	sshra.s32 @!p3 s0, $0x2  }
0x23d: {  	s2 =	simm.s32 @!p3 $0x80;
	s0 =	sadd.s32 @!p3 $0xF238, s0  }
0x23e: {  	[spmem:s2] =	stream.linear.scatter @!p3 [tilespmem:s0], [sflag:$0x1], $0x80, $0x38;
	[tilespmem:$0x1F6F8] =	vst v63  }
0x23f: {  	s0 =	simm.s32 @!p3 $0x1  }
0x240: {  	_ =	swait.ge @!p3 [sflag:s0], $0x100  }
0x241: {  	p1 =	por p2, p1;
	[sflag:s0] =	ssyncset.done @!p3 $0x0  }
0x242: {  	[sflag:s0] =	ssyncadd.s32 @!p3 $0xFFFFFF00;
	s0 =	simm.s32 @!p1 $0x1  }
0x243: {  	_ =	swait.ge @!p1 [sflag:s0], $0x80  }
0x244: {  	s29 =	simm.s32 $0x10238;
	[sflag:s0] =	ssyncset.done @!p1 $0x0  }
0x245: {  	s30 =	simm.s32 $0x1000;
	s31 =	simm.s32 $0x1;
	[sflag:s0] =	ssyncadd.s32 @!p1 $0xFFFFFF80  }
0x246: {  	[spmem:s30] =	stream.linear.scatter [tilespmem:s29], [sflag:$0x1], $0x10, $0x38;
	[tilespmem:$0x1F6F8] =	vst v63  }
0x247: {  	_ =	swait.ge [sflag:s31], $0x10  }
0x248: {  	[sflag:s31] =	ssyncset.done $0x0  }
0x249: {  	p1 =	seq.s32 s15, $0x0;
	s8 =	rddreg [dreg:$0x1];
	[sflag:s31] =	ssyncadd.s32 $0xFFFFFFF0  }
0x24a: {  	s2 =	sshll.u32 @p1 s8, $0xE;
	s7 =	rddreg [dreg:$0x2]  }
0x24b: {  	s0 =	sadd.s32 @p1 $0x15C3C, s2;
	s2 =	sshll.u32 @p1 s7, $0x11  }
0x24c: {  	_ =	sfence.stream.spmem;
	s0 =	sor.u32 @p1 s2, s0  }
0x24d: {  	[sflag:s0] =	ssyncadd.remote.s32 @p1 $0x1;
	s0 =	simm.s32 @p1 $0x4  }
0x24e: {  	s3 =	simm.s32 @!p1 $0x3C;
	s2 =	sand.u32 $0xFFFFFFFE, s8;
	_ =	swait.ge @p1 [sflag:s0], $0x22  }
0x24f: {  	s4 =	simm.s32 @!p1 $0x0;
	s2 =	sadd.s32 @!p1 $0x4, s2;
	[sflag:s0] =	ssyncset.done @p1 $0x0  }
0x250: {  	s5 =	simm.s32 @!p1 $0x100;
	[sflag:s0] =	ssyncadd.s32 @p1 $0xFFFFFFDE;
	s0 =	sshll.u32 @!p1 s2, $0x1A  }
0x251: {  	s2 =	sshll.u32 @!p1 s2, $0xD;
	s0 =	sor.u32 @!p1 s0, s7;
	_ =	swait.eq @!p1 [sflag:s3], $0x1  }
0x252: {  	s2 =	sor.u32 @!p1 $0x1C04, s2;
	s3 =	simm.s32 @!p1 $0x1C03;
	s0 =	sor.u32 @!p1 $0x80004000, s0  }
0x253: {  	[spmem:s5], [sflag:s2] =	dma.general @!p1 [spmem:s4], [sflag:s3], length:$0x20, [dreg:$0x0], stride_count:$0x0, ici_dest:s0, dma_misc:DstOpCode:WRITE  }
0x254: {  	p2 =	slt.s32 s9, $0x2;
	s4 =	simm.s32 @!p1 $0x200;
	s5 =	simm.s32 @!p1 $0x202  }
0x255: {  	[spmem:s5], [sflag:s2] =	dma.general @!p1 [spmem:s4], [sflag:s3], length:$0x2, [dreg:$0x0], stride_count:$0x0, ici_dest:s0, dma_misc:DstOpCode:WRITE  }
.Ltmp35:
0x256: {  	s0 =	simm.s32 @!p1 $0x3;
	(pc) =	sbr.rel @p2 .LBB3_38-.Ltmp35, $4  }
0x257: {  	s2 =	sshll.u32 @!p1 s8, $0xE;
	_ =	swait.ge @!p1 [sflag:s0], $0x22  }
0x258: {  	s3 =	sshll.u32 @!p1 s7, $0x11;
	s2 =	sadd.s32 @!p1 $0x11C3C, s2;
	[sflag:s0] =	ssyncset.done @!p1 $0x0  }
0x259: {  	[sflag:s0] =	ssyncadd.s32 @!p1 $0xFFFFFFDE;
	s0 =	sor.u32 @!p1 s3, s2  }
0x25a: {  	[sflag:s0] =	ssyncadd.remote.s32 @!p1 $0xFFFFFFFF;
	s0 =	simm.s32 $0x0  }
0x25b: {  	s0 =	simm.s32 $0xF219  }
0x25c: {  	v0 =	vld.msk [tilespmem:s0+$0x0], $0x1;
	_ =	sdelay $0x4  }
0x25d: {  	(v2sf) =	vpush v0, $0x0;
	_ =	sdelay $0xb  }
0x25e: {  	s31 =	sadd.s32 $0xFFFFFFFE, s6  }
0x25f: {  	s0 =	sadd.s32 $0xFFFFFFFF, s31  }
0x260: {  	p2 =	sne.s32 s0, $0x0  }
.Ltmp36:
0x261: {  	s2 =	spop (v2sf);
	(pc) =	sbr.rel @!p2 .LBB3_37-.Ltmp36, $4  }
0x262: {  	s4 =	simm.s32 $0xF2B8;
	s7 =	simm.s32 $0x0;
	p1 =	sgt.u32 s2, $0xC34F0  }
0x263: {  	s5 =	simm.s32 $0x0;
	s6 =	simm.s32 $0xF21A;
	s3 =	sand.u32 @!p1 $0xFFFF8, s2  }
0x264: {  	s2 =	sand.u32 @!p1 $0x7, s2;
	s7 =	simm.s32 @!p1 $0x200;
	s3 =	sadd.s32 @!p1 s1, s3  }
0x265: {  	[hbm4b:s3+s2] =	stream.linear.scatter @!p1 [tilespmem:s4], [sflag:$0x5], $0x80, $0x38;
	[tilespmem:$0x1F6F8] =	vst v63  }
.LBB3_36:
0x266: {  	v0 =	vld.msk [tilespmem:s6+$0x0], $0x1;
	s0 =	sadd.s32 $0xFFFFFFFF, s0;
	s5 =	sadd.s32 s5, s7  }
0x267: {  	p1 =	sne.s32 s0, $0x0;
	_ =	sdelay $0x3  }
0x268: {  	(v2sf) =	vpush v0, $0x0;
	_ =	sdelay $0xe  }
.Ltmp37:
0x269: {  	s2 =	spop (v2sf);
	(pc) =	sbr.rel @p1 .LBB3_36-.Ltmp37, $4  }
0x26a: {  	s7 =	simm.s32 $0x0;
	p2 =	sgt.u32 s2, $0xC34F0  }
0x26b: {  	s4 =	sadd.s32 $0x80, s4;
	s7 =	simm.s32 @!p2 $0x200;
	s3 =	sand.u32 @!p2 $0xFFFF8, s2  }
0x26c: {  	s6 =	sadd.s32 $0x1, s6;
	s2 =	sand.u32 @!p2 $0x7, s2;
	s3 =	sadd.s32 @!p2 s1, s3  }
0x26d: {  	[hbm4b:s3+s2] =	stream.linear.scatter @!p2 [tilespmem:s4], [sflag:$0x5], $0x80, $0x38;
	[tilespmem:$0x1F6F8] =	vst v63  }
.LBB3_37:
0x26e: {  	s0 =	sadd.s32 s5, s7  }
0x26f: {  	s0 =	sshrl.u32 s0, $0x2  }
.LBB3_38:
0x270: {  	s2 =	simm.s32 $0x5  }
0x271: {  	_ =	swait.ge [sflag:s2], s0  }
0x272: {  	s31 =	ssub.s32 $0x0, s0;
	[sflag:s2] =	ssyncset.done $0x0  }
0x273: {  	[sflag:s2] =	ssyncadd.s32 s31  }
0x274: {  	[sflag:s2] =	ssyncpa.u1 $0x1  }
.LBB3_39:
0x275: {  	s0 =	sor.u32 s15, s16  }
0x276: {  	p1 =	sne.s32 s0, $0x0  }
.Ltmp38:
0x277: {  	_ = 	snop;
	(pc) =	sbr.rel @p1 .LBB3_54-.Ltmp38, $3  }
0x278: {  	_ =	sdelay $0x1  }
0x279: {  	[bflag:$0x0] =	sbarrier.arrive $0xFFFF  }
0x27a: {  	_ =	sfence  }
0x27b: {  	s0 =	simm.s32 $0x7  }
0x27c: {  	s2 =	simm.s32 $0x1000;
	s3 =	simm.s32 $0xF218;
	[sflag:s0] =	ssyncpa.u1 $0x0  }
0x27d: {  	[tilespmem:s3], [sflag:$0x7] =	stream.linear.gather [spmem:s2], $0x20, $0x38;
	[tilespmem:$0x1F6F8] =	vst v63  }
0x27e: {  	s30 =	simm.s32 $0xF238;
	s2 =	simm.s32 $0x0  }
0x27f: {  	[tilespmem:s30], [sflag:$0x7] =	stream.linear.gather [spmem:s2], $0x1000, $0x38;
	[tilespmem:$0x1F6F8] =	vst v63  }
.Ltmp39:
0x280: {  	_ = 	snop;
	(pc) =	sbr.rel .LBB3_41-.Ltmp39, $4  }
0x281: {  	_ =	swait.ge [sflag:s0], $0x1020  }
0x282: {  	[sflag:s0] =	ssyncset.done $0x0  }
0x283: {  	s31 =	simm.s32 $0x8;
	[sflag:s0] =	ssyncadd.s32 $0xFFFFEFE0  }
0x284: {  	s3 =	simm.s32 $0x0;
	[sflag:s31] =	ssyncpa.u1 $0x0  }
.LBB3_47:
0x285: {  	p1 =	slt.u32 s4, $0xC34F1  }
0x286: {  	s0 =	sand.u32 @p1 $0xFFFF8, s4  }
0x287: {  	s4 =	sand.u32 @p1 $0x7, s4;
	s5 =	simm.s32 @p1 $0xF188;
	s0 =	sadd.s32 @p1 s1, s0  }
0x288: {  	[tilespmem:s5], [sflag:$0x8] =	stream.linear.gather @p1 [hbm4b:s0+s4], $0x80, $0x38;
	[tilespmem:$0x1F6F8] =	vst v63  }
0x289: {  	s0 =	simm.s32 @p1 $0x8  }
0x28a: {  	_ =	swait.ge @p1 [sflag:s0], $0x80  }
0x28b: {  	[sflag:s0] =	ssyncset.done @p1 $0x0  }
0x28c: {  	[sflag:s0] =	ssyncadd.s32 @p1 $0xFFFFFF80  }
0x28d: {  	v1 =	vld @p1 [tilespmem:$0xF188];
	_ =	sdelay $0x2  }
0x28e: {  	s0 =	sshll.u32 @p1 s3, $0x9  }
0x28f: {  	s4 =	sshrl.u32 @p1 s0, $0x2  }
0x290: {  	[tilespmem:s4+$0xF238] =	vst.add.f32.msk @p1 $0xffff, v1  }
0x291: {  	v1 =	vld @p1 [tilespmem:$0xF198];
	_ =	sdelay $0x4  }
0x292: {  	[tilespmem:s4+$0xF248] =	vst.add.f32.msk @p1 $0xffff, v1  }
0x293: {  	v1 =	vld @p1 [tilespmem:$0xF1A8];
	_ =	sdelay $0x4  }
0x294: {  	[tilespmem:s4+$0xF258] =	vst.add.f32.msk @p1 $0xffff, v1  }
0x295: {  	v1 =	vld @p1 [tilespmem:$0xF1B8];
	_ =	sdelay $0x4  }
0x296: {  	[tilespmem:s4+$0xF268] =	vst.add.f32.msk @p1 $0xffff, v1  }
0x297: {  	v1 =	vld @p1 [tilespmem:$0xF1C8];
	_ =	sdelay $0x4  }
0x298: {  	[tilespmem:s4+$0xF278] =	vst.add.f32.msk @p1 $0xffff, v1  }
0x299: {  	v1 =	vld @p1 [tilespmem:$0xF1D8];
	_ =	sdelay $0x4  }
0x29a: {  	[tilespmem:s4+$0xF288] =	vst.add.f32.msk @p1 $0xffff, v1  }
0x29b: {  	v1 =	vld @p1 [tilespmem:$0xF1E8];
	_ =	sdelay $0x4  }
0x29c: {  	[tilespmem:s4+$0xF298] =	vst.add.f32.msk @p1 $0xffff, v1  }
0x29d: {  	v1 =	vld @p1 [tilespmem:$0xF1F8];
	_ =	sdelay $0x3  }
0x29e: {  	s5 =	sshll.u32 @!p1 s3, $0x9  }
0x29f: {  	s5 =	smov.u32 @p1 s0;
	[tilespmem:s4+$0xF2A8] =	vst.add.f32.msk @p1 $0xffff, v1  }
0x2a0: {  	s0 =	sshrl.u32 s5, $0x2;
	[tilespmem:s2+$0xF218] =	vst.msk $0x1, v0  }
0x2a1: {  	v0 =	vld [tilespmem:s0+$0xF238];
	_ =	sdelay $0x2  }
0x2a2: {  	s31 =	sshll.u32 s2, $0x9  }
0x2a3: {  	s4 =	sshra.s32 s31, $0x2  }
0x2a4: {  	[tilespmem:s4+$0xF238] =	vst v0  }
0x2a5: {  	v0 =	vld [tilespmem:s0+$0xF248];
	_ =	sdelay $0x4  }
0x2a6: {  	[tilespmem:s4+$0xF248] =	vst v0  }
0x2a7: {  	v0 =	vld [tilespmem:s0+$0xF258];
	_ =	sdelay $0x4  }
0x2a8: {  	[tilespmem:s4+$0xF258] =	vst v0  }
0x2a9: {  	v0 =	vld [tilespmem:s0+$0xF268];
	_ =	sdelay $0x4  }
0x2aa: {  	[tilespmem:s4+$0xF268] =	vst v0  }
0x2ab: {  	v0 =	vld [tilespmem:s0+$0xF278];
	_ =	sdelay $0x4  }
0x2ac: {  	[tilespmem:s4+$0xF278] =	vst v0  }
0x2ad: {  	v0 =	vld [tilespmem:s0+$0xF288];
	_ =	sdelay $0x4  }
0x2ae: {  	[tilespmem:s4+$0xF288] =	vst v0  }
0x2af: {  	v0 =	vld [tilespmem:s0+$0xF298];
	_ =	sdelay $0x4  }
0x2b0: {  	[tilespmem:s4+$0xF298] =	vst v0  }
0x2b1: {  	v0 =	vld [tilespmem:s0+$0xF2A8];
	_ =	sdelay $0x4  }
0x2b2: {  	s2 =	sadd.s32 $0x1, s2;
	[tilespmem:s4+$0xF2A8] =	vst v0  }
.LBB3_48:
0x2b3: {  	s3 =	sadd.s32 $0x1, s3  }
0x2b4: {  	p1 =	sne.s32 s3, $0x20  }
.Ltmp40:
0x2b5: {  	_ = 	snop;
	(pc) =	sbr.rel @!p1 .LBB3_49-.Ltmp40, $1  }
0x2b6: {  	_ =	sdelay $0x3  }
.LBB3_41:
0x2b7: {  	v0 =	vld.msk [tilespmem:s3+$0xF218], $0x1;
	_ =	sdelay $0x4  }
0x2b8: {  	(v2sf) =	vpush v0, $0x0;
	_ =	sdelay $0xe  }
0x2b9: {  	s4 =	spop (v2sf)  }
0x2ba: {  	p1 =	seq.s32 s4, $0xFFFFFFFF  }
.Ltmp41:
0x2bb: {  	_ = 	snop;
	(pc) =	sbr.rel @p1 .LBB3_48-.Ltmp41, $1  }
0x2bc: {  	_ =	sdelay $0x3  }
0x2bd: {  	p1 =	slt.s32 s2, $0x1  }
.Ltmp42:
0x2be: {  	_ = 	snop;
	(pc) =	sbr.rel @p1 .LBB3_47-.Ltmp42, $1  }
0x2bf: {  	_ =	sdelay $0x3  }
0x2c0: {  	s5 =	simm.s32 $0xF218;
	p1 =	por $0x0, $0x0  }
0x2c1: {  	v1 =	vld.msk @!p1 [tilespmem:s5+$0x0], $0x1;
	_ =	sdelay $0x4  }
0x2c2: {  	(v2sf) =	vpush @!p1 v1, $0x0;
	_ =	sdelay $0xd  }
0x2c3: {  	p3 =	sne.s32 s2, $0x1  }
.Ltmp43:
0x2c4: {  	s0 =	spop @!p1 (v2sf);
	(pc) =	sbr.rel @!p3 .LBB3_45-.Ltmp43, $4  }
0x2c5: {  	p2 =	seq.s32 @!p1 s4, s0  }
0x2c6: {  	s6 =	simm.s32 $0x0;
	p2 =	por !p2, p1  }
0x2c7: {  	s7 =	simm.s32 $0xFFFFFFFF;
	s6 =	simm.s32 @p2 $0xFFFFFFFF  }
0x2c8: {  	s0 =	simm.s32 $0x1;
	s6 =	smov.u32 @p1 s7  }
.LBB3_44:
0x2c9: {  	s7 =	smov.u32 s6;
	p1 =	sne.s32 s6, $0xFFFFFFFF  }
0x2ca: {  	s5 =	sadd.s32 $0x1, s5;
	s6 =	smov.u32 s0;
	s0 =	sadd.s32 $0x1, s0  }
0x2cb: {  	p2 =	sne.s32 s2, s0;
	v1 =	vld.msk @!p1 [tilespmem:s5+$0x0], $0x1;
	_ =	sdelay $0x4  }
0x2cc: {  	(v2sf) =	vpush @!p1 v1, $0x0;
	_ =	sdelay $0xe  }
.Ltmp44:
0x2cd: {  	s8 =	spop @!p1 (v2sf);
	(pc) =	sbr.rel @p2 .LBB3_44-.Ltmp44, $4  }
0x2ce: {  	p3 =	seq.s32 @!p1 s4, s8  }
0x2cf: {  	p3 =	por !p3, p1  }
0x2d0: {  	s6 =	simm.s32 @p3 $0xFFFFFFFF  }
0x2d1: {  	s6 =	smov.u32 @p1 s7  }
.LBB3_45:
0x2d2: {  	p1 =	seq.s32 s6, $0xFFFFFFFF  }
.Ltmp45:
0x2d3: {  	_ = 	snop;
	(pc) =	sbr.rel @p1 .LBB3_47-.Ltmp45, $1  }
0x2d4: {  	_ =	sdelay $0x3  }
0x2d5: {  	s0 =	sshll.u32 s3, $0x7  }
0x2d6: {  	s0 =	sand.u32 $0x3FFFFF80, s0  }
0x2d7: {  	v0 =	vld [tilespmem:s0+$0xF238];
	_ =	sdelay $0x2  }
0x2d8: {  	s4 =	sshll.u32 s6, $0x9  }
0x2d9: {  	s4 =	sshra.s32 s4, $0x2  }
0x2da: {  	[tilespmem:s4+$0xF238] =	vst.add.f32.msk $0xffff, v0  }
0x2db: {  	v0 =	vld [tilespmem:s0+$0xF248];
	_ =	sdelay $0x4  }
0x2dc: {  	[tilespmem:s4+$0xF248] =	vst.add.f32.msk $0xffff, v0  }
0x2dd: {  	v0 =	vld [tilespmem:s0+$0xF258];
	_ =	sdelay $0x4  }
0x2de: {  	[tilespmem:s4+$0xF258] =	vst.add.f32.msk $0xffff, v0  }
0x2df: {  	v0 =	vld [tilespmem:s0+$0xF268];
	_ =	sdelay $0x4  }
0x2e0: {  	[tilespmem:s4+$0xF268] =	vst.add.f32.msk $0xffff, v0  }
0x2e1: {  	v0 =	vld [tilespmem:s0+$0xF278];
	_ =	sdelay $0x4  }
0x2e2: {  	[tilespmem:s4+$0xF278] =	vst.add.f32.msk $0xffff, v0  }
0x2e3: {  	v0 =	vld [tilespmem:s0+$0xF288];
	_ =	sdelay $0x4  }
0x2e4: {  	[tilespmem:s4+$0xF288] =	vst.add.f32.msk $0xffff, v0  }
0x2e5: {  	v0 =	vld [tilespmem:s0+$0xF298];
	_ =	sdelay $0x4  }
0x2e6: {  	[tilespmem:s4+$0xF298] =	vst.add.f32.msk $0xffff, v0  }
0x2e7: {  	v0 =	vld [tilespmem:s0+$0xF2A8]  }
.Ltmp46:
0x2e8: {  	_ = 	snop;
	(pc) =	sbr.rel .LBB3_48-.Ltmp46, $2  }
0x2e9: {  	_ =	sdelay $0x2  }
0x2ea: {  	[tilespmem:s4+$0xF2A8] =	vst.add.f32.msk $0xffff, v0  }
.LBB3_49:
0x2eb: {  	p1 =	slt.s32 s2, $0x1  }
.Ltmp47:
0x2ec: {  	_ = 	snop;
	(pc) =	sbr.rel @p1 .LBB3_53-.Ltmp47, $3  }
0x2ed: {  	_ =	sdelay $0x1  }
0x2ee: {  	s0 =	simm.s32 $0x8  }
0x2ef: {  	s3 =	simm.s32 $0x0;
	[sflag:s0] =	ssyncpa.u1 $0x1  }
0x2f0: {  	s0 =	simm.s32 $0xF218  }
0x2f1: {  	v0 =	vld.msk [tilespmem:s0+$0x0], $0x1;
	_ =	sdelay $0x4  }
0x2f2: {  	(v2sf) =	vpush v0, $0x0;
	_ =	sdelay $0xe  }
0x2f3: {  	s0 =	sadd.s32 $0xFFFFFFFF, s2;
	s5 =	spop (v2sf)  }
0x2f4: {  	p2 =	sne.s32 s0, $0x0;
	p1 =	sgt.u32 s5, $0xC34F0  }
.Ltmp48:
0x2f5: {  	s6 =	sand.u32 @!p1 $0xFFFF8, s5;
	(pc) =	sbr.rel @!p2 .LBB3_52-.Ltmp48, $4  }
0x2f6: {  	s4 =	simm.s32 $0xF238;
	s5 =	sand.u32 @!p1 $0x7, s5;
	s2 =	sadd.s32 @!p1 s1, s6  }
0x2f7: {  	[hbm4b:s2+s5] =	stream.linear.scatter @!p1 [tilespmem:s4], [sflag:$0x7], $0x80, $0x38;
	[tilespmem:$0x1F6F8] =	vst v63  }
0x2f8: {  	s5 =	simm.s32 $0x0  }
0x2f9: {  	s2 =	simm.s32 $0xF219;
	s5 =	simm.s32 @!p1 $0x200  }
.LBB3_51:
0x2fa: {  	v0 =	vld.msk [tilespmem:s2+$0x0], $0x1;
	s0 =	sadd.s32 $0xFFFFFFFF, s0;
	s3 =	sadd.s32 s3, s5  }
0x2fb: {  	p1 =	sne.s32 s0, $0x0;
	_ =	sdelay $0x3  }
0x2fc: {  	(v2sf) =	vpush v0, $0x0;
	_ =	sdelay $0xe  }
.Ltmp49:
0x2fd: {  	s6 =	spop (v2sf);
	(pc) =	sbr.rel @p1 .LBB3_51-.Ltmp49, $4  }
0x2fe: {  	s5 =	simm.s32 $0x0;
	p2 =	sgt.u32 s6, $0xC34F0  }
0x2ff: {  	s4 =	sadd.s32 $0x80, s4;
	s5 =	simm.s32 @!p2 $0x200;
	s7 =	sand.u32 @!p2 $0xFFFF8, s6  }
0x300: {  	s2 =	sadd.s32 $0x1, s2;
	s6 =	sand.u32 @!p2 $0x7, s6;
	s7 =	sadd.s32 @!p2 s1, s7  }
0x301: {  	[hbm4b:s7+s6] =	stream.linear.scatter @!p2 [tilespmem:s4], [sflag:$0x7], $0x80, $0x38;
	[tilespmem:$0x1F6F8] =	vst v63  }
.LBB3_52:
0x302: {  	s0 =	sadd.s32 s3, s5  }
0x303: {  	s3 =	sshrl.u32 s0, $0x2  }
.LBB3_53:
0x304: {  	s0 =	simm.s32 $0x7  }
0x305: {  	_ =	swait.ge [sflag:s0], s3  }
0x306: {  	s1 =	ssub.s32 $0x0, s3;
	[sflag:s0] =	ssyncset.done $0x0  }
0x307: {  	[sflag:s0] =	ssyncadd.s32 s1  }
0x308: {  	[sflag:s0] =	ssyncpa.u1 $0x1  }
.LBB3_54:
0x309: {  	_ =	sfence;
	s0 =	simm.s32 $0x1  }
0x30a: {  	[sflag:s0] =	ssyncpa.u1 $0x1  }
0x30b: {  	_ =	strace $0x90000065  }
0x30c: {  	[bflag:$0x2] =	sbarrier.arrive $0xFFFF  }
0x30d: {  	s0 =	rddreg [dreg:$0x3]  }
0x30e: {  	s0 =	sadd.s32 @!p0 $0x100000, s0  }
0x30f: {  	[sflag:s0] =	ssyncadd.tile.s32 @!p0 $0x1;
	_ =	shalt  }
.Lfunc_end3:
_tile_overlayer_lowered:
.L_overlay_start_3:
0x310: {  	(tag) =	ssettag $0x3  }
0x311: {  	s0 =	rddreg [dreg:$0x0];
	s2 =	stileid.u32  }
0x312: {  	s1 =	rddreg [dreg:$0x1];
	p0 =	sne.s32 s2, $0x0  }
0x313: {  	s3 =	rddreg [dreg:$0x2];
	[bflag:$0x3] =	sbarrier.arrive $0xFFFF;
	s2 =	simm.s32 @!p0 $0x1C01  }
0x314: {  	[timem:s3], [sflag:s2] =	dma.local @!p0 [hbm:s0], s1  }
0x315: {  	s0 =	simm.s32 @!p0 $0x1  }
0x316: {  	_ =	swait.ge @!p0 [sflag:s0], s1  }
0x317: {  	s1 =	ssub.s32 @!p0 $0x0, s1;
	[sflag:s0] =	ssyncset.done @!p0 $0x0  }
0x318: {  	[sflag:s0] =	ssyncadd.s32 @!p0 s1  }
0x319: {  	[bflag:$0x3] =	sbarrier.arrive $0xFFFF  }
0x31a: {  	_ =	shalt  }

// kernel: scatter_offload_async_start.5
scs
__scs_entry_jumppad:
0x0: {  	(pc) =	sbr.rel $0x88, $3  }
0x1: {  	(tag) =	ssettag $0x0;
	lr =	simm.s32 $0x1  }
0x2: {  	[smem:$0x3F8B] =	sst lr;
	_ =	strace $0xD0000000  }
0x3: {  	_ = 	snop  }
0x4: {  	_ = 	snop  }
0x5: {  	_ = 	snop  }
0x6: {  	_ = 	snop  }
0x7: {  	_ = 	snop  }
__scs_overlays_trampoline_lowered:
0x8: {  	[smem:$0x3F9A] =	sst s0  }
0x9: {  	[smem:$0x3F9B] =	sst s1  }
0xa: {  	[smem:$0x3F9C] =	sst s2  }
0xb: {  	[smem:$0x3F9D] =	sst s3  }
0xc: {  	[smem:$0x3F9E] =	sst s4  }
0xd: {  	[smem:$0x3F9F] =	sst s5  }
0xe: {  	[smem:$0x3FA0] =	sst s6  }
0xf: {  	[smem:$0x3FA1] =	sst s7  }
0x10: {  	[smem:$0x3FA2] =	sst s8  }
0x11: {  	[smem:$0x3FA3] =	sst s9;
	s0 =	simm.s32 @!p0 $0x0  }
0x12: {  	s1 =	sld [smem:$0x3F89];
	s0 =	simm.s32 @p0 $0x1  }
0x13: {  	[smem:$0x3FA4] =	sst s0;
	s0 =	simm.s32 @!p1 $0x0  }
0x14: {  	s2 =	sld [smem:$0x3F88];
	s0 =	simm.s32 @p1 $0x1  }
0x15: {  	[smem:$0x3FA5] =	sst s0;
	s0 =	simm.s32 @!p2 $0x0  }
0x16: {  	s3 =	sld [smem:$0x3FDB];
	s0 =	simm.s32 @p2 $0x1  }
0x17: {  	s4 =	simm.s32 $0x1BF5;
	[smem:$0x3FA7] =	sst s0  }
0x18: {  	s0 =	sld [smem:$0x3F8A];
	_ =	swait.ge [sflag:s4], $0x0  }
0x19: {  	s7 =	sld [smem:$0x3F8B]  }
0x1a: {  	s8 =	sadd.s32 $0xFFFFE003, lr  }
0x1b: {  	s9 =	sadd.s32 $0xFFFFFEF7, lr;
	s5 =	simm.s32 $0xFFFFFFFF;
	p2 =	slt.u32 s8, $0xFFFFF086  }
0x1c: {  	p1 =	slt.u32 s9, $0xF7A;
	s5 =	simm.s32 @!p2 $0x0  }
0x1d: {  	s5 =	simm.s32 @p1 $0x1;
	p0 =	seq.s32 s7, s2  }
0x1e: {  	s7 =	smul.u32 @!p0 $0xF7A, s2;
	p2 =	seq.s32 @!p0 s5, $0x0  }
0x1f: {  	s9 =	smul.u32 $0xF7A, s1;
	s8 =	simm.s32 @!p0 $0x1BF5;
	p2 =	por !p2, p0  }
0x20: {  	[sflag:s8] =	ssyncset.s32 @!p0 $0xFFFFF086;
	s6 =	sadd.s32 @!p0 s3, s7;
	s7 =	simm.s32 @!p0 $0x108  }
0x21: {  	s3 =	sadd.s32 s3, s9;
	s6 =	sadd.s32 @!p0 $0x88, s6;
	s7 =	simm.s32 @p2 $0x1082  }
0x22: {  	[simem:s7], [sflag:s8] =	dma.local @!p0 [hbm:s6], $0xF7A  }
0x23: {  	s9 =	sor.u32 $0xD0000000, s2;
	s6 =	simm.s32 $0x108;
	_ =	swait.ge @!p0 [sflag:s8], $0x0  }
0x24: {  	s3 =	sadd.s32 $0x88, s3;
	s6 =	simm.s32 @!p1 $0x1082;
	[sflag:s4] =	ssyncset.s32 $0xFFFFF086  }
0x25: {  	[simem:s6], [sflag:s4] =	dma.local [hbm:s3], $0xF7A  }
0x26: {  	[smem:$0x3F8B] =	sst s1;
	(tag) =	ssettag s2;
	_ =	strace s9  }
0x27: {  	s1 =	sld [smem:$0x3F9B]  }
0x28: {  	s2 =	sld [smem:$0x3F9C]  }
0x29: {  	s4 =	sld [smem:$0x3F9E]  }
0x2a: {  	p0 =	seq.s32 s5, $0x0;
	s5 =	sld [smem:$0x3F9F]  }
0x2b: {  	s6 =	sld [smem:$0x3FA0]  }
0x2c: {  	s7 =	sld [smem:$0x3FA1]  }
0x2d: {  	s3 =	simm.s32 $0x108;
	s8 =	sld [smem:$0x3FA2]  }
0x2e: {  	s3 =	simm.s32 @!p0 $0x1082;
	s9 =	sld [smem:$0x3FA3]  }
0x2f: {  	lr =	sadd.s32 s0, s3;
	s0 =	sld [smem:$0x3F9A]  }
0x30: {  	s3 =	sld [smem:$0x3F9D]  }
0x31: {  	[smem:$0x3FA6] =	sst s10  }
0x32: {  	s10 =	sld [smem:$0x3FA4];
	_ =	sdelay $0x3  }
0x33: {  	p0 =	seq.s32 s10, $0x1;
	s10 =	sld [smem:$0x3FA6];
	_ =	sdelay $0x3  }
0x34: {  	[smem:$0x3FA6] =	sst s10  }
0x35: {  	s10 =	sld [smem:$0x3FA5];
	_ =	sdelay $0x3  }
0x36: {  	p1 =	seq.s32 s10, $0x1;
	s10 =	sld [smem:$0x3FA6];
	_ =	sdelay $0x3  }
0x37: {  	[smem:$0x3FA6] =	sst s10  }
0x38: {  	s10 =	sld [smem:$0x3FA7]  }
0x39: {  	_ = 	snop;
	(pc) =	sbr.ind lr, $3  }
0x3a: {  	_ = 	snop  }
0x3b: {  	_ = 	snop  }
0x3c: {  	p2 =	seq.s32 s10, $0x1;
	s10 =	sld [smem:$0x3FA6]  }
0x3d: {  	_ =	shalt  }
0x3e: {  	_ =	shalt  }
0x3f: {  	_ =	shalt  }
0x40: {  	_ =	shalt  }
0x41: {  	_ =	shalt  }
0x42: {  	_ =	shalt  }
0x43: {  	_ =	shalt  }
0x44: {  	_ =	shalt  }
0x45: {  	_ =	shalt  }
0x46: {  	_ =	shalt  }
0x47: {  	_ =	shalt  }
0x48: {  	_ =	shalt  }
0x49: {  	_ =	shalt  }
0x4a: {  	_ =	shalt  }
0x4b: {  	_ =	shalt  }
0x4c: {  	_ =	shalt  }
0x4d: {  	_ =	shalt  }
0x4e: {  	_ =	shalt  }
0x4f: {  	_ =	shalt  }
0x50: {  	_ =	shalt  }
0x51: {  	_ =	shalt  }
0x52: {  	_ =	shalt  }
0x53: {  	_ =	shalt  }
0x54: {  	_ =	shalt  }
0x55: {  	_ =	shalt  }
0x56: {  	_ =	shalt  }
0x57: {  	_ =	shalt  }
0x58: {  	_ =	shalt  }
0x59: {  	_ =	shalt  }
0x5a: {  	_ =	shalt  }
0x5b: {  	_ =	shalt  }
0x5c: {  	_ =	shalt  }
0x5d: {  	_ =	shalt  }
0x5e: {  	_ =	shalt  }
0x5f: {  	_ =	shalt  }
0x60: {  	_ =	shalt  }
0x61: {  	_ =	shalt  }
0x62: {  	_ =	shalt  }
0x63: {  	_ =	shalt  }
0x64: {  	_ =	shalt  }
0x65: {  	_ =	shalt  }
0x66: {  	_ =	shalt  }
0x67: {  	_ =	shalt  }
0x68: {  	_ =	shalt  }
0x69: {  	_ =	shalt  }
0x6a: {  	_ =	shalt  }
0x6b: {  	_ =	shalt  }
0x6c: {  	_ =	shalt  }
0x6d: {  	_ =	shalt  }
0x6e: {  	_ =	shalt  }
0x6f: {  	_ =	shalt  }
0x70: {  	_ =	shalt  }
0x71: {  	_ =	shalt  }
0x72: {  	_ =	shalt  }
0x73: {  	_ =	shalt  }
0x74: {  	_ =	shalt  }
0x75: {  	_ =	shalt  }
0x76: {  	_ =	shalt  }
0x77: {  	_ =	shalt  }
0x78: {  	_ =	shalt  }
0x79: {  	_ =	shalt  }
0x7a: {  	_ =	shalt  }
0x7b: {  	_ =	shalt  }
0x7c: {  	_ =	shalt  }
0x7d: {  	_ =	shalt  }
0x7e: {  	_ =	shalt  }
0x7f: {  	_ =	shalt  }
0x80: {  	_ =	shalt  }
0x81: {  	_ =	shalt  }
0x82: {  	_ =	shalt  }
0x83: {  	_ =	shalt  }
0x84: {  	_ =	shalt  }
0x85: {  	_ =	shalt  }
0x86: {  	_ =	shalt  }
0x87: {  	_ =	shalt  }
.Lfunc_end0:
.L_simem_size_0:
called_computation.5_lowered:
.L_overlay_start_0:
0x88: {  	s2 =	sld [smem:$0x3FD9]  }
0x89: {  	s3 =	sld [smem:$0x3FFE];
	_ =	sdelay $0x1  }
0x8a: {  	s1 =	srdreg.scid  }
0x8b: {  	s0 =	sand.u32 $0x1, s1  }
0x8c: {  	s12 =	sshll.u32 s0, $0xA;
	s2 =	sadd.s32 s3, s2  }
0x8d: {  	s2 =	sadd.s32 s2, s12  }
0x8e: {  	[smem:$0x3FB2] =	sst s2  }
0x8f: {  	_ = 	snop  }
0x90: {  	(tm) =	ssettm $0x1  }
0x91: {  	s13 =	sld [smem:$0x3FFB];
	_ =	sdelay $0x3  }
0x92: {  	_ =	strace s13  }
0x93: {  	s2 =	sld [smem:$0x3FFC];
	_ =	sdelay $0x3  }
0x94: {  	_ =	strace s2  }
0x95: {  	s2 =	sld [smem:$0x3FFD];
	_ =	sdelay $0x3  }
0x96: {  	_ =	strace s2  }
0x97: {  	_ =	strace $0x8FFFFFFF  }
0x98: {  	s14 =	sld [smem:$0x3FDB];
	_ =	sdelay $0x1  }
0x99: {  	s15 =	simm.s32 $_scs_section_size  }
0x9a: {  	s4 =	simm.s32 $_size__tile_overlayer_lowered;
	s5 =	simm.s32 $_tile_overlayer_lowered  }
0x9b: {  	s19 =	simm.s32 $0x1BFF;
	s17 =	sshll.u32 s5, $0x1;
	s6 =	sadd.s32 s15, s14  }
0x9c: {  	s20 =	simm.s32 $0x0;
	s16 =	sshll.u32 s4, $0x1;
	s18 =	sadd.s32 s17, s6  }
0x9d: {  	[timem:s20], [sflag:s19] =	dma.local [hbm:s18], s16  }
0x9e: {  	_ =	swait.ge [sflag:s19], s16  }
0x9f: {  	s3 =	ssub.s32 $0x0, s16;
	[sflag:s19] =	ssyncset.done $0x0  }
0xa0: {  	[sflag:s19] =	ssyncadd.s32 s3;
	_ =	sdelay $0x1  }
0xa1: {  	s21 =	simm.s32 $0x1B8B  }
0xa2: {  	_ =	swait.ge [sflag:s21], $0x1  }
0xa3: {  	[sflag:s21] =	ssyncset.done $0x0  }
0xa4: {  	[sflag:s21] =	ssyncadd.s32 $0xFFFFFFFF  }
0xa5: {  	s3 =	sld [smem:$0x0]  }
0xa6: {  	s4 =	sand.u32 $0xFFFFFFFE, s1  }
0xa7: {  	p0 =	sne.s32 s1, s4  }
0xa8: {  	s4 =	sshll.u32 @p0 s4, $0xE  }
0xa9: {  	s5 =	sadd.s32 @p0 $0x11B8D, s4;
	s7 =	sshll.u32 @p0 s3, $0x11  }
0xaa: {  	s5 =	sor.u32 @p0 s7, s5  }
0xab: {  	[sflag:s5] =	ssyncadd.remote.s32 @p0 $0x1;
	_ =	sdelay $0x1  }
0xac: {  	s5 =	simm.s32 @p0 $0x1B8D  }
0xad: {  	_ =	swait.eq @p0 [sflag:s5], $0x1  }
0xae: {  	[sflag:s5] =	ssyncadd.s32 @p0 $0xFFFFFFFF  }
0xaf: {  	s7 =	sshll.u32 @!p0 s1, $0xE  }
0xb0: {  	s7 =	sor.u32 @!p0 $0x4000, s7;
	s5 =	simm.s32 @!p0 $0x1B8D  }
0xb1: {  	s9 =	sshll.u32 @!p0 s3, $0x11;
	s8 =	sadd.s32 @!p0 $0x11B8D, s7;
	_ =	swait.eq @!p0 [sflag:s5], $0x1  }
0xb2: {  	[sflag:s5] =	ssyncadd.s32 @!p0 $0xFFFFFFFF;
	s5 =	sor.u32 @!p0 s9, s8  }
0xb3: {  	s23 =	simm.s32 $0x1B8E;
	s22 =	sld [smem:$0x3FFE];
	[sflag:s5] =	ssyncadd.remote.s32 @!p0 $0x1  }
0xb4: {  	s24 =	simm.s32 $execute0_lowered;
	[smem:$0x3FD2] =	sst s23  }
0xb5: {  	s8 =	sshll.u32 s24, $0x1;
	_ =	strace $0x8000005B;
	[dreg:$0x1] =	wrdreg $0xFFFFFFFF  }
0xb6: {  	s25 =	simm.s32 $_size_execute0_lowered;
	s8 =	sadd.s32 s6, s8;
	[dreg:$0x0] =	wrdreg $0x0  }
0xb7: {  	s9 =	sshll.u32 s25, $0x1;
	[dreg:$0x2] =	wrdreg s8  }
0xb8: {  	[dreg:$0x3] =	wrdreg s9  }
0xb9: {  	[dreg:$0x4] =	wrdreg $0xC0  }
0xba: {  	s26 =	simm.s32 $execute1_lowered;
	_ =	task [dreg:s20], $0x5FFFF  }
0xbb: {  	s8 =	sshll.u32 s26, $0x1;
	[dreg:$0x1] =	wrdreg $0xFFFFFFFF  }
0xbc: {  	s6 =	sadd.s32 s6, s8;
	[dreg:$0x0] =	wrdreg $0x60  }
0xbd: {  	[dreg:$0x2] =	wrdreg s6  }
0xbe: {  	[dreg:$0x3] =	wrdreg s22  }
0xbf: {  	[dreg:$0x4] =	wrdreg $0x9  }
0xc0: {  	_ =	task.clear_ibuf [dreg:s20], $0x5FFFF;
	_ =	strace $0x9000005B  }
0xc1: {  	s28 =	simm.s32 $0x9;
	_ =	strace $0x8000005D  }
0xc2: {  	_ =	swait.ge [sflag:s28], $0x1  }
0xc3: {  	[sflag:s28] =	ssyncadd.s32 $0xFFFFFFFF  }
0xc4: {  	_ =	strace $0x9000005D  }
0xc5: {  	s6 =	sld [smem:$0x0];
	_ =	sdelay $0x3  }
0xc6: {  	s4 =	sadd.s32 @p0 $0x11BF3, s4;
	s8 =	sshll.u32 @p0 s6, $0x11  }
0xc7: {  	s4 =	sor.u32 @p0 s8, s4  }
0xc8: {  	[sflag:s4] =	ssyncadd.remote.s32 @p0 $0x1;
	_ =	sdelay $0x1  }
0xc9: {  	s4 =	simm.s32 @p0 $0x1BF3  }
0xca: {  	_ =	swait.eq @p0 [sflag:s4], $0x1  }
0xcb: {  	[sflag:s4] =	ssyncadd.s32 @p0 $0xFFFFFFFF;
	_ =	sdelay $0x1  }
0xcc: {  	s4 =	simm.s32 @!p0 $0x1BF3  }
0xcd: {  	s7 =	sadd.s32 @!p0 $0x11BF3, s7;
	s6 =	sshll.u32 @!p0 s6, $0x11;
	_ =	swait.eq @!p0 [sflag:s4], $0x1  }
0xce: {  	[sflag:s4] =	ssyncadd.s32 @!p0 $0xFFFFFFFF;
	s4 =	sor.u32 @!p0 s6, s7  }
0xcf: {  	[sflag:s4] =	ssyncadd.remote.s32 @!p0 $0x1  }
0xd0: {  	_ =	strace $0x8000005E;
	[dreg:$0x1] =	wrdreg $0xFFFFFFFF  }
0xd1: {  	[dreg:$0x0] =	wrdreg $0x2030  }
0xd2: {  	[dreg:$0x2] =	wrdreg s22  }
0xd3: {  	[dreg:$0x3] =	wrdreg s1  }
0xd4: {  	[dreg:$0x4] =	wrdreg s3  }
0xd5: {  	[dreg:$0x5] =	wrdreg $0xA  }
0xd6: {  	_ =	task.clear_ibuf [dreg:s20], $0x6FFFF;
	_ =	strace $0x9000005E  }
0xd7: {  	s29 =	simm.s32 $0xA;
	_ =	strace $0x80000060  }
0xd8: {  	_ =	swait.ge [sflag:s29], $0x1  }
0xd9: {  	[sflag:s29] =	ssyncadd.s32 $0xFFFFFFFF  }
0xda: {  	_ =	strace $0x90000060  }
0xdb: {  	_ =	sfence  }
0xdc: {  	s30 =	sld [smem:$0x0];
	_ =	sdelay $0x2  }
0xdd: {  	s31 =	sshll.u32 s1, $0xD;
	s1 =	sshrl.u32 s1, $0x2  }
0xde: {  	s4 =	sand.u32 $0x4000, s31;
	s1 =	sadd.s32 s1, s30  }
0xdf: {  	s0 =	sor.u32 s4, s0;
	s1 =	sshll.u32 s1, $0x11  }
0xe0: {  	s0 =	sor.u32 s1, s0  }
0xe1: {  	s0 =	sadd.s32 $0x8F2B, s0  }
0xe2: {  	[sflag:s0] =	ssyncadd.remote.s32 $0x1  }
0xe3: {  	_ =	sfence.sel $0xFFFF  }
0xe4: {  	[dreg:$0x0] =	wrdreg $0xFFFFFFFF;
	(pc) =	sbr.abs _section_cstart, $3  }
0xe5: {  	[dreg:$0x1] =	wrdreg $0xFFFFFFFF  }
0xe6: {  	_ =	task.clear_ibuf [dreg:s20], $0x2FFFF;
	_ =	strace $0x9FFFFFFF  }
0xe7: {  	(tm) =	ssettm $0x7FFFFFFF  }
tec
execute0_lowered:
.L_overlay_start_1:
0x0: {  	(tag) =	ssettag $0x1  }
0x1: {  	s2 =	rddreg [dreg:$0x0]  }
0x2: {  	s4 =	rddreg [dreg:$0x1]  }
0x3: {  	s0 =	rddreg [dreg:$0x2];
	s3 =	stileid.u32  }
0x4: {  	[bflag:$0x3] =	sbarrier.arrive $0xFFFF;
	s1 =	simm.s32 $_size_execute1_lowered;
	s29 =	srdreg.scid  }
0x5: {  	s7 =	simm.s32 $0x2;
	s8 =	simm.s32 $0x0;
	p0 =	sne.s32 s3, $0x0  }
0x6: {  	s1 =	sshll.u32 s1, $0x1;
	s5 =	simm.s32 @!p0 $0x1C3F;
	s6 =	simm.s32 @!p0 $0x4060  }
0x7: {  	[timem:s6], [sflag:s5] =	dma.local @!p0 [hbm:s2], s1  }
0x8: {  	s12 =	simm.s32 $0x0;
	s10 =	simm.s32 $0x0;
	s2 =	sshll.u32 s29, $0x7  }
.Ltmp0:
0x9: {  	s3 =	sshll.u32 s3, $0x8;
	s30 =	sand.u32 $0x80, s2;
	(pc) =	sbr.rel .LBB2_1-.Ltmp0, $4  }
0xa: {  	s11 =	simm.s32 $0x0;
	_ =	strace $0x8000005C;
	s3 =	sor.u32 s3, s30  }
0xb: {  	s5 =	simm.s32 $0x1;
	s2 =	sadd.s32 $0x804800, s4;
	s31 =	ssub.s32 $0xC300, s3  }
0xc: {  	s4 =	sadd.s32 $0x12F0A00, s4;
	[sflag:s5] =	ssyncpa.u1 $0x0;
	s6 =	sshrl.u32 s31, $0xC  }
0xd: {  	[sflag:s7] =	ssyncpa.u1 $0x0;
	s9 =	smov.u32 s3;
	s7 =	sadd.s32 $0x2, s6  }
.LBB2_4:
0xe: {  	_ = 	snop  }
.LBB2_7:
0xf: {  	_ =	sdelay $0x3  }
0x10: {  	[tilespmem:v0+s16+$0x0 ss:$0x1] =	vst.idx.msk @p1 $0xffff, v2  }
0x11: {  	v56 =	vld.idx.msk [tilespmem:v1+s15+$0x0 ss:$0x1], $0xffff;
	s24 =	sor.u32 $0x70, s15;
	[tilespmem:v0+s17+$0x0 ss:$0x1] =	vst.idx.msk @p1 $0xffff, v4  }
0x12: {  	s25 =	sor.u32 $0x10, s15;
	[tilespmem:v0+s18+$0x0 ss:$0x1] =	vst.idx.msk @p1 $0xffff, v3;
	v57 =	vld.idx.msk [tilespmem:v1+s24+$0x0 ss:$0x1], $0xffff  }
0x13: {  	s26 =	sor.u32 $0x20, s15;
	[tilespmem:v0+s19+$0x0 ss:$0x1] =	vst.idx.msk @p1 $0xffff, v5;
	v58 =	vld.idx.msk [tilespmem:v1+s25+$0x0 ss:$0x1], $0xffff  }
0x14: {  	s28 =	sor.u32 $0x30, s15;
	[tilespmem:v0+s20+$0x0 ss:$0x1] =	vst.idx.msk @p1 $0xffff, v6;
	v59 =	vld.idx.msk [tilespmem:v1+s26+$0x0 ss:$0x1], $0xffff  }
0x15: {  	s29 =	sor.u32 $0x40, s15;
	[tilespmem:v0+s21+$0x0 ss:$0x1] =	vst.idx.msk @p1 $0xffff, v7;
	v60 =	vld.idx.msk [tilespmem:v1+s28+$0x0 ss:$0x1], $0xffff  }
0x16: {  	s30 =	sor.u32 $0x50, s15;
	v61 =	vld.idx.msk [tilespmem:v1+s29+$0x0 ss:$0x1], $0xffff;
	[tilespmem:v0+s15+$0x0 ss:$0x1] =	vst.idx.msk $0xffff, v56  }
0x17: {  	s31 =	sor.u32 $0x60, s15;
	v62 =	vld.idx.msk [tilespmem:v1+s30+$0x0 ss:$0x1], $0xffff;
	[tilespmem:v0+s24+$0x0 ss:$0x1] =	vst.idx.msk $0xffff, v57  }
0x18: {  	v63 =	vld.idx.msk [tilespmem:v1+s31+$0x0 ss:$0x1], $0xffff;
	[tilespmem:v0+s25+$0x0 ss:$0x1] =	vst.idx.msk $0xffff, v58  }
0x19: {  	[tilespmem:v0+s26+$0x0 ss:$0x1] =	vst.idx.msk $0xffff, v59  }
0x1a: {  	[tilespmem:v0+s28+$0x0 ss:$0x1] =	vst.idx.msk $0xffff, v60  }
0x1b: {  	[tilespmem:v0+s29+$0x0 ss:$0x1] =	vst.idx.msk $0xffff, v61  }
0x1c: {  	[tilespmem:v0+s30+$0x0 ss:$0x1] =	vst.idx.msk $0xffff, v62  }
0x1d: {  	[tilespmem:v0+s31+$0x0 ss:$0x1] =	vst.idx.msk $0xffff, v63  }
.LBB2_8:
0x1e: {  	s15 =	sand.u32 $0x1FFFFFF, s10  }
0x1f: {  	s16 =	smulhi.u32 $0x14F8B59, s15;
	_ =	sdelay $0x1  }
0x20: {  	s16 =	sshrl.u32 s16, $0x8  }
0x21: {  	s16 =	smul.u32 $0xC350, s16;
	_ =	sdelay $0x1  }
0x22: {  	s15 =	ssub.s32 s15, s16  }
0x23: {  	s15 =	sshll.u32 s15, $0x4  }
0x24: {  	s15 =	sadd.s32 s4, s15  }
0x25: {  	[hbm4b:s15+s8] =	stream.linear.scatter [tilespmem:s14], [sflag:$0x2], s13, $0x38;
	[tilespmem:$0x10000] =	vst v63  }
.LBB2_9:
0x26: {  	p1 =	slt.u32 s11, $0x2  }
0x27: {  	p2 =	sgt.s32 @!p1 s12, $0xC2D0  }
0x28: {  	s13 =	smov.u32 s12;
	s14 =	sshra.s32 @!p1 s12, $0x1F;
	p2 =	por !p2, p1  }
0x29: {  	s12 =	sand.u32 @!p1 s14, s12;
	s13 =	simm.s32 @p2 $0xC2D0  }
0x2a: {  	s12 =	ssub.s32 @!p1 s13, s12  }
0x2b: {  	s12 =	sadd.s32 @!p1 $0xFFFF3D30, s12  }
0x2c: {  	s13 =	sshll.u32 @!p1 s12, $0x9  }
0x2d: {  	p2 =	sgt.s32 @!p1 s12, $0x7F;
	s12 =	ssub.s32 @!p1 $0x10000, s13  }
0x2e: {  	s14 =	sadd.s32 $0x1000, s9;
	p2 =	por !p2, p1;
	s12 =	sshrl.u32 @!p1 s12, $0x2  }
0x2f: {  	s12 =	simm.s32 @!p2 $0x0;
	p2 =	sgt.s32 s14, $0xC34F  }
0x30: {  	s14 =	smov.u32 @p2 s3;
	p2 =	sne.s32 s11, s7  }
.Ltmp1:
0x31: {  	_ = 	snop;
	(pc) =	sbr.rel @!p2 .LBB2_10-.Ltmp1, $4  }
0x32: {  	s13 =	simm.s32 @!p1 $0x2  }
0x33: {  	_ =	swait.ge @!p1 [sflag:s13], s12;
	s15 =	ssub.s32 @!p1 $0x0, s12  }
0x34: {  	s12 =	smov.u32 s10;
	s11 =	sadd.s32 $0x1, s11;
	[sflag:s13] =	ssyncset.done @!p1 $0x0  }
0x35: {  	s10 =	smov.u32 s9;
	s9 =	smov.u32 s14;
	[sflag:s13] =	ssyncadd.s32 @!p1 s15  }
.LBB2_1:
0x36: {  	p1 =	sgt.u32 s11, s6  }
0x37: {  	s13 =	sand.u32 @!p1 $0x1FFFFFF, s9  }
0x38: {  	p2 =	sgt.s32 @!p1 s9, $0xC2D0;
	s14 =	smulhi.u32 @!p1 $0x14F8B59, s13  }
0x39: {  	s15 =	smov.u32 s9;
	s16 =	sshra.s32 @!p1 s9, $0x1F;
	p2 =	por !p2, p1  }
0x3a: {  	s16 =	sand.u32 @!p1 s16, s9;
	s15 =	simm.s32 @p2 $0xC2D0;
	s14 =	sshrl.u32 @!p1 s14, $0x8  }
0x3b: {  	s15 =	ssub.s32 @!p1 s15, s16;
	s14 =	smul.u32 @!p1 $0xC350, s14  }
0x3c: {  	s16 =	sxor.u32 @!p1 $0xFFFFFFFF, s11;
	s15 =	sadd.s32 @!p1 $0xFFFF3D30, s15  }
0x3d: {  	s16 =	sshll.u32 @!p1 s16, $0xE;
	s13 =	ssub.s32 @!p1 s13, s14;
	s14 =	sshll.u32 @!p1 s15, $0x9  }
0x3e: {  	s16 =	sand.u32 @!p1 $0x4000, s16;
	p2 =	sgt.s32 @!p1 s15, $0x7F;
	s14 =	ssub.s32 @!p1 $0x10000, s14  }
0x3f: {  	p2 =	por !p2, p1;
	s13 =	sshll.u32 @!p1 s13, $0x4;
	s14 =	sshrl.u32 @!p1 s14, $0x2  }
0x40: {  	s15 =	simm.s32 @!p1 $0x0;
	s13 =	sadd.s32 @!p1 s2, s13;
	s14 =	simm.s32 @!p2 $0x0  }
0x41: {  	[tilespmem:s16], [sflag:$0x1] =	stream.linear.gather @!p1 [hbm4b:s13+s15], s14, $0x38;
	[tilespmem:$0x10000] =	vst v63  }
0x42: {  	p1 =	seq.s32 s11, $0x0  }
0x43: {  	p2 =	sge.u32 @!p1 s11, s7  }
0x44: {  	p1 =	por p1, p2  }
.Ltmp2:
0x45: {  	_ = 	snop;
	(pc) =	sbr.rel @p1 .LBB2_9-.Ltmp2, $1  }
0x46: {  	_ =	sdelay $0x3  }
0x47: {  	p1 =	sgt.s32 s10, $0xC2D0;
	s13 =	smov.u32 s10;
	s14 =	sshra.s32 s10, $0x1F  }
0x48: {  	s13 =	simm.s32 @!p1 $0xC2D0;
	s14 =	sand.u32 s14, s10  }
0x49: {  	s13 =	ssub.s32 s13, s14  }
0x4a: {  	s13 =	sadd.s32 $0xFFFF3D30, s13  }
0x4b: {  	s31 =	sshll.u32 s13, $0x9  }
0x4c: {  	s14 =	ssub.s32 $0x10000, s31  }
0x4d: {  	p1 =	sgt.s32 s13, $0x7F;
	s13 =	sshrl.u32 s14, $0x2;
	s14 =	sadd.s32 $0x80, s10  }
0x4e: {  	s13 =	simm.s32 @p1 $0x0;
	p1 =	slt.s32 s14, $0xC350  }
0x4f: {  	s14 =	simm.s32 @!p1 $0xC350  }
0x50: {  	s16 =	ssub.s32 s14, s10  }
0x51: {  	p1 =	slt.s32 s16, $0x1  }
.Ltmp3:
0x52: {  	_ = 	snop;
	(pc) =	sbr.rel @p1 .LBB2_8-.Ltmp3, $4  }
0x53: {  	_ = 	snop  }
0x54: {  	s15 =	sshll.u32 s11, $0xE;
	_ =	swait.ge [sflag:s5], s13  }
0x55: {  	s15 =	sand.u32 $0x4000, s15;
	s17 =	ssub.s32 $0x0, s13;
	[sflag:s5] =	ssyncset.done $0x0  }
0x56: {  	s14 =	sor.u32 $0x8000, s15;
	[sflag:s5] =	ssyncadd.s32 s17  }
0x57: {  	p2 =	sne.s32 s16, $0x1  }
.Ltmp4:
0x58: {  	v1 =	vmov s15;
	v0 =	vmov s14;
	(pc) =	sbr.rel @!p2 .LBB2_4-.Ltmp4, $3  }
0x59: {  	_ =	sdelay $0x1  }
0x5a: {  	s17 =	simm.s32 $0x0  }
0x5b: {  	s23 =	sadd.s32 $0xFFFFFFFF, s16;
	p1 =	por $0x0, $0x0;
	s15 =	sand.u32 $0x3F80, s17  }
0x5c: {  	_ =	sdelay $0x3  }
0x5d: {  	v6 =	vld.idx.msk [tilespmem:v1+s15+$0x0 ss:$0x1], $0xffff;
	s24 =	sor.u32 $0x70, s15  }
0x5e: {  	s16 =	sor.u32 $0x10, s15;
	v8 =	vld.idx.msk [tilespmem:v1+s24+$0x0 ss:$0x1], $0xffff  }
0x5f: {  	s17 =	sor.u32 $0x20, s15;
	p2 =	sne.s32 s23, $0x1;
	v2 =	vld.idx.msk [tilespmem:v1+s16+$0x0 ss:$0x1], $0xffff  }
.Ltmp5:
0x60: {  	s18 =	sor.u32 $0x30, s15;
	v4 =	vld.idx.msk [tilespmem:v1+s17+$0x0 ss:$0x1], $0xffff;
	(pc) =	sbr.rel @!p2 .LBB2_7-.Ltmp5, $4  }
0x61: {  	s19 =	sor.u32 $0x40, s15;
	v3 =	vld.idx.msk [tilespmem:v1+s18+$0x0 ss:$0x1], $0xffff  }
0x62: {  	s21 =	sor.u32 $0x60, s15;
	v5 =	vld.idx.msk [tilespmem:v1+s19+$0x0 ss:$0x1], $0xffff  }
0x63: {  	s20 =	sor.u32 $0x50, s15;
	s22 =	simm.s32 $0x80;
	v7 =	vld.idx.msk [tilespmem:v1+s21+$0x0 ss:$0x1], $0xffff;
	[tilespmem:v0+s15+$0x0 ss:$0x1] =	vst.idx.msk $0xffff, v6  }
0x64: {  	s23 =	sadd.s32 $0xFFFFFFFF, s23;
	p1 =	por $0x1, $0x1;
	v6 =	vld.idx.msk [tilespmem:v1+s20+$0x0 ss:$0x1], $0xffff;
	s15 =	sand.u32 $0x3F80, s22;
	[tilespmem:v0+s24+$0x0 ss:$0x1] =	vst.idx.msk $0xffff, v8  }
.LBB2_6:
0x65: {  	p2 =	sne.s32 s23, $0x1;
	v8 =	vld.idx.msk [tilespmem:v1+s15+$0x0 ss:$0x1], $0xffff;
	s24 =	sor.u32 $0x70, s15;
	[tilespmem:v0+s16+$0x0 ss:$0x1] =	vst.idx.msk $0xffff, v2;
	s16 =	sor.u32 $0x10, s15  }
0x66: {  	s25 =	sor.u32 $0x30, s15;
	s26 =	sor.u32 $0x40, s15;
	v9 =	vld.idx.msk [tilespmem:v1+s24+$0x0 ss:$0x1], $0xffff;
	[tilespmem:v0+s17+$0x0 ss:$0x1] =	vst.idx.msk $0xffff, v4;
	s17 =	sor.u32 $0x20, s15  }
0x67: {  	s28 =	sor.u32 $0x50, s15;
	s29 =	sor.u32 $0x60, s15;
	v2 =	vld.idx.msk [tilespmem:v1+s16+$0x0 ss:$0x1], $0xffff;
	[tilespmem:v0+s18+$0x0 ss:$0x1] =	vst.idx.msk $0xffff, v3;
	s18 =	smov.u32 s25  }
.Ltmp6:
0x68: {  	v4 =	vld.idx.msk [tilespmem:v1+s17+$0x0 ss:$0x1], $0xffff;
	[tilespmem:v0+s19+$0x0 ss:$0x1] =	vst.idx.msk $0xffff, v5;
	s19 =	smov.u32 s26;
	(pc) =	sbr.rel @p2 .LBB2_6-.Ltmp6, $4  }
0x69: {  	v3 =	vld.idx.msk [tilespmem:v1+s18+$0x0 ss:$0x1], $0xffff;
	[tilespmem:v0+s20+$0x0 ss:$0x1] =	vst.idx.msk $0xffff, v6;
	s20 =	smov.u32 s28  }
0x6a: {  	v5 =	vld.idx.msk [tilespmem:v1+s19+$0x0 ss:$0x1], $0xffff;
	[tilespmem:v0+s21+$0x0 ss:$0x1] =	vst.idx.msk $0xffff, v7;
	s21 =	smov.u32 s29  }
0x6b: {  	s22 =	sadd.s32 $0x80, s22;
	[tilespmem:v0+s15+$0x0 ss:$0x1] =	vst.idx.msk $0xffff, v8;
	v6 =	vld.idx.msk [tilespmem:v1+s20+$0x0 ss:$0x1], $0xffff  }
0x6c: {  	s23 =	sadd.s32 $0xFFFFFFFF, s23;
	s15 =	sand.u32 $0x3F80, s22;
	v7 =	vld.idx.msk [tilespmem:v1+s21+$0x0 ss:$0x1], $0xffff;
	[tilespmem:v0+s24+$0x0 ss:$0x1] =	vst.idx.msk $0xffff, v9  }
.Ltmp7:
0x6d: {  	_ = 	snop;
	(pc) =	sbr.rel .LBB2_7-.Ltmp7, $1  }
0x6e: {  	_ =	sdelay $0x3  }
.LBB2_10:
0x6f: {  	_ =	sfence.sel $0x180000  }
0x70: {  	s2 =	simm.s32 $0x1;
	[bflag:$0x0] =	sbarrier.arrive $0xFFFF  }
0x71: {  	s31 =	simm.s32 $0x2;
	[sflag:s2] =	ssyncpa.u1 $0x1  }
0x72: {  	[sflag:s31] =	ssyncpa.u1 $0x1  }
0x73: {  	_ =	strace $0x9000005C  }
0x74: {  	s0 =	sadd.s32 @!p0 $0x100000, s0;
	[bflag:$0x2] =	sbarrier.arrive $0xFFFF  }
0x75: {  	[sflag:s0] =	ssyncadd.tile.s32 @!p0 $0x1;
	s0 =	simm.s32 @!p0 $0x3F  }
0x76: {  	_ =	swait.ge @!p0 [sflag:s0], s1  }
0x77: {  	s1 =	ssub.s32 @!p0 $0x0, s1;
	[sflag:s0] =	ssyncset.done @!p0 $0x0  }
0x78: {  	[sflag:s0] =	ssyncadd.s32 @!p0 s1  }
0x79: {  	[bflag:$0x3] =	sbarrier.arrive $0xFFFF  }
0x7a: {  	_ =	shalt  }
.Lfunc_end2:
execute1_lowered:
.L_overlay_start_2:
0x7b: {  	(tag) =	ssettag $0x2  }
0x7c: {  	s2 =	rddreg [dreg:$0x0]  }
0x7d: {  	s3 =	rddreg [dreg:$0x1];
	_ =	strace $0x8000005F;
	s0 =	simm.s32 $0x1  }
0x7e: {  	v0 =	vimm.s32 $0x0;
	[sflag:s0] =	ssyncpa.u1 $0x0;
	s0 =	simm.s32 $0x108  }
0x7f: {  	[tilespmem:s0+$0x70] =	vst v0  }
0x80: {  	[tilespmem:s0+$0x60] =	vst v0  }
0x81: {  	[tilespmem:s0+$0x50] =	vst v0  }
0x82: {  	[tilespmem:s0+$0x40] =	vst v0  }
0x83: {  	s1 =	sadd.s32 $0x12F0A00, s2;
	[tilespmem:s0+$0x30] =	vst v0  }
0x84: {  	s15 =	sadd.s32 $0x9AA000, s2;
	s6 =	sadd.s32 $0x9C8C00, s2;
	[tilespmem:s0+$0x20] =	vst v0  }
0x85: {  	s14 =	sadd.s32 $0x9B9600, s2;
	s5 =	sand.u32 $0x1, s3;
	s3 =	simm.s32 $0x40;
	[tilespmem:s0+$0x10] =	vst v0  }
.LBB3_1:
0x86: {  	s3 =	sadd.s32 $0x40, s3;
	[tilespmem:s0+$0x0] =	vst v0;
	s0 =	sadd.s32 $0x80, s0  }
0x87: {  	p0 =	slt.u32 s3, $0x3C40;
	[tilespmem:s0+$0x70] =	vst v0  }
0x88: {  	[tilespmem:s0+$0x60] =	vst v0  }
.Ltmp8:
0x89: {  	[tilespmem:s0+$0x50] =	vst v0;
	(pc) =	sbr.rel @p0 .LBB3_1-.Ltmp8, $4  }
0x8a: {  	[tilespmem:s0+$0x40] =	vst v0  }
0x8b: {  	[tilespmem:s0+$0x30] =	vst v0  }
0x8c: {  	[tilespmem:s0+$0x20] =	vst v0  }
0x8d: {  	[tilespmem:s0+$0x10] =	vst v0  }
0x8e: {  	s9 =	stileid.u32  }
0x8f: {  	s2 =	smul.u32 $0x41, s9  }
0x90: {  	s3 =	smin.u32 s9, $0x2  }
0x91: {  	s2 =	sadd.s32 s3, s2  }
0x92: {  	p0 =	slt.u32 s9, $0x2;
	s7 =	smul.u32 $0xF0, s2;
	s2 =	simm.s32 $0x3DE0  }
0x93: {  	s2 =	simm.s32 @!p0 $0x3CF0  }
0x94: {  	s2 =	sadd.s32 s2, s7  }
0x95: {  	s8 =	smin.u32 s2, $0x3D090  }
0x96: {  	s2 =	ssub.s32 s8, s7  }
0x97: {  	p0 =	sgt.s32 s2, $0x0  }
0x98: {  	s29 =	simm.s32 $0x2;
	s10 =	simm.s32 $0x9;
	s2 =	simm.s32 @!p0 $0x0  }
0x99: {  	s4 =	simm.s32 $0xA;
	s11 =	simm.s32 $0xB;
	s28 =	smulhi.u32 $0x88888889, s2  }
0x9a: {  	[dreg:$0x4] =	wrdreg s5;
	s31 =	smul.u32 $0x7A12, s5;
	s12 =	simm.s32 $0x1  }
0x9b: {  	s22 =	simm.s32 $0x0;
	s18 =	simm.s32 $0xC;
	s30 =	sshrl.u32 s28, $0x7  }
0x9c: {  	s20 =	simm.s32 $0x0;
	s21 =	simm.s32 $0x0;
	s3 =	smul.u32 $0xF0, s30  }
.Ltmp9:
0x9d: {  	[tilespmem:s0+$0x0] =	vst v0;
	v0 =	vimm.s32 $0xFFFFFFFF;
	[sflag:s29] =	ssyncpa.u1 $0x0;
	s16 =	sshll.u32 s9, $0x8;
	(pc) =	sbr.rel .LBB3_3-.Ltmp9, $4  }
0x9e: {  	[tilespmem:$0xF208] =	vst v0;
	[sflag:s10] =	ssyncpa.u1 $0x0;
	p0 =	sne.s32 s2, s3;
	s2 =	simm.s32 $0x1  }
0x9f: {  	s14 =	sadd.s32 s31, s14;
	[sflag:s4] =	ssyncpa.u1 $0x0;
	s2 =	simm.s32 @!p0 $0x0  }
0xa0: {  	s15 =	sadd.s32 s31, s15;
	[sflag:s11] =	ssyncpa.u1 $0x0;
	s13 =	sadd.s32 s2, s30  }
0xa1: {  	v0 =	vlaneseq.u32;
	s19 =	smov.u32 s7;
	p0 =	por $0x0, $0x0;
	s17 =	sadd.s32 $0x1, s13  }
.LBB3_18:
0xa2: {  	s0 =	sshrl.u32 s31, $0x2  }
.LBB3_20:
0xa3: {  	_ =	swait.ge [sflag:s18], s0  }
0xa4: {  	s31 =	ssub.s32 $0x0, s0;
	v1 =	vmov s24;
	vm0 =	veq.s32 v0, $0x0;
	[sflag:s18] =	ssyncset.done $0x0  }
0xa5: {  	vm15 =	veq.s32 v0, $0x2;
	v1 =	vsel vm0, s30, v1;
	[sflag:s18] =	ssyncadd.s32 s31  }
0xa6: {  	v1 =	vsel vm15, s22, v1;
	[sflag:s18] =	ssyncpa.u1 $0x1  }
0xa7: {  	[tilespmem:$0xF208] =	vst v1  }
.LBB3_21:
0xa8: {  	s0 =	sadd.s32 $0xF0, s19  }
0xa9: {  	s2 =	smov.u32 s7;
	p1 =	slt.s32 s0, s8  }
0xaa: {  	s2 =	smov.u32 @p1 s0;
	p1 =	sne.s32 s21, s17  }
.Ltmp10:
0xab: {  	_ = 	snop;
	(pc) =	sbr.rel @!p1 .LBB3_22-.Ltmp10, $3  }
0xac: {  	_ =	sdelay $0x1  }
0xad: {  	s22 =	smov.u32 s20;
	s31 =	sadd.s32 $0x1, s21;
	s20 =	smov.u32 s19  }
0xae: {  	p0 =	por !p0, !p0;
	s21 =	smov.u32 s31;
	s19 =	smov.u32 s2  }
.LBB3_3:
0xaf: {  	p1 =	sge.u32 s21, s13  }
0xb0: {  	s0 =	smulhi.u32 @!p1 $0xAAAAAAAB, s21  }
0xb1: {  	s2 =	smov.u32 s19;
	p2 =	sgt.s32 @!p1 s19, $0x3CFA0  }
0xb2: {  	s3 =	sshra.s32 @!p1 s19, $0x1F;
	p2 =	por !p2, p1;
	s0 =	sshrl.u32 @!p1 s0, $0x1  }
0xb3: {  	s3 =	sand.u32 @!p1 s3, s19;
	s2 =	simm.s32 @p2 $0x3CFA0;
	s0 =	smul.u32 @!p1 $0x3, s0  }
0xb4: {  	s2 =	ssub.s32 @!p1 s2, s3  }
0xb5: {  	s2 =	sadd.s32 @!p1 $0xFFFC3060, s2;
	s0 =	ssub.s32 @!p1 s21, s0  }
0xb6: {  	s3 =	sshll.u32 @!p1 s2, $0x2;
	p2 =	sgt.s32 @!p1 s2, $0xEF;
	s0 =	smul.u32 @!p1 $0x3C0, s0  }
0xb7: {  	s4 =	sand.u32 @!p1 $0x7, s19;
	s2 =	ssub.s32 @!p1 $0x3C0, s3;
	p2 =	por !p2, p1  }
0xb8: {  	s3 =	sshrl.u32 @!p1 s19, $0x3;
	s2 =	sshrl.u32 @!p1 s2, $0x2;
	s0 =	sshrl.u32 @!p1 s0, $0x2  }
0xb9: {  	s3 =	sadd.s32 @!p1 s3, s14;
	s2 =	simm.s32 @!p2 $0x0;
	s0 =	sadd.s32 @!p1 $0x10248, s0  }
0xba: {  	[tilespmem:s0], [sflag:$0xA] =	stream.linear.gather @!p1 [hbm4b:s3+s4], s2, $0x38;
	[tilespmem:$0x1F6F8] =	vst v63  }
0xbb: {  	s0 =	sadd.s32 $0xFFFFFFFF, s21  }
0xbc: {  	p1 =	sge.u32 s0, s13  }
0xbd: {  	p2 =	sgt.s32 @!p1 s20, $0x3CFA0  }
0xbe: {  	s2 =	smov.u32 s20;
	s3 =	sshra.s32 @!p1 s20, $0x1F;
	p2 =	por !p2, p1  }
0xbf: {  	s3 =	sand.u32 @!p1 s3, s20;
	s2 =	simm.s32 @p2 $0x3CFA0  }
0xc0: {  	s2 =	ssub.s32 @!p1 s2, s3  }
0xc1: {  	s2 =	sadd.s32 @!p1 $0xFFFC3060, s2  }
0xc2: {  	s4 =	sand.u32 @!p1 $0x1, s0;
	s3 =	sshll.u32 @!p1 s2, $0x2  }
0xc3: {  	p2 =	sgt.s32 @!p1 s2, $0xEF;
	s2 =	ssub.s32 @!p1 $0x3C0, s3;
	s3 =	smulhi.u32 @!p1 $0xAAAAAAAB, s0  }
0xc4: {  	s23 =	smul.u32 @!p1 $0x3C0, s4;
	p2 =	por !p2, p1;
	s2 =	sshrl.u32 @!p1 s2, $0x2  }
0xc5: {  	s5 =	simm.s32 @!p1 $0xA;
	s2 =	simm.s32 @!p2 $0x0;
	s3 =	sshrl.u32 @!p1 s3, $0x1  }
0xc6: {  	s23 =	sshrl.u32 @!p1 s23, $0x2;
	_ =	swait.ge @!p1 [sflag:s5], s2;
	s3 =	smul.u32 @!p1 $0x3, s3  }
0xc7: {  	s23 =	sadd.s32 @!p1 $0x10518, s23;
	s24 =	ssub.s32 @!p1 $0x0, s2;
	[sflag:s5] =	ssyncset.done @!p1 $0x0  }
0xc8: {  	[sflag:s5] =	ssyncadd.s32 @!p1 s24;
	s5 =	sshrl.u32 @!p1 s20, $0x3;
	s0 =	ssub.s32 @!p1 s0, s3  }
0xc9: {  	s24 =	sand.u32 @!p1 $0x7, s20;
	s5 =	sadd.s32 @!p1 s5, s15;
	s0 =	smul.u32 @!p1 $0x3C0, s0  }
0xca: {  	[tilespmem:s23], [sflag:$0xB] =	stream.linear.gather @!p1 [hbm4b:s5+s24], s2, $0x38;
	[tilespmem:$0x1F6F8] =	vst v63  }
0xcb: {  	s3 =	ssub.s32 @!p1 $0x3D090, s20;
	s2 =	smul.u32 @!p1 $0x1E000, s4  }
0xcc: {  	p2 =	slt.s32 @!p1 s3, $0xF0  }
0xcd: {  	p2 =	por !p2, p1;
	s0 =	sshrl.u32 @!p1 s0, $0x2;
	s2 =	sshrl.u32 @!p1 s2, $0x2  }
0xce: {  	s3 =	simm.s32 @p2 $0xF0;
	s0 =	sadd.s32 @!p1 $0x10248, s0;
	s2 =	sor.u32 @!p1 $0x106F8, s2  }
0xcf: {  	[tilespmem:s2], [sflag:$0x9] =	stream.indirect.gather @!p1 [hbm4b:s6+s3], $0x80, s0, s3, $0xb8;
	[tilespmem:$0x1F6F8] =	vst v63  }
0xd0: {  	p1 =	slt.u32 s21, $0x2  }
.Ltmp11:
0xd1: {  	_ = 	snop;
	(pc) =	sbr.rel @p1 .LBB3_21-.Ltmp11, $1  }
0xd2: {  	_ =	sdelay $0x3  }
0xd3: {  	p1 =	sgt.s32 s22, $0x3CFA0  }
0xd4: {  	s0 =	smov.u32 s22;
	s2 =	sshra.s32 s22, $0x1F;
	s3 =	ssub.s32 $0x3D090, s22  }
0xd5: {  	s0 =	simm.s32 @!p1 $0x3CFA0;
	s2 =	sand.u32 s2, s22;
	p1 =	slt.s32 s3, $0xF0  }
0xd6: {  	s0 =	ssub.s32 s0, s2;
	s3 =	simm.s32 @!p1 $0xF0  }
0xd7: {  	s0 =	sadd.s32 $0xFFFC3060, s0;
	s25 =	sshll.u32 s3, $0x7  }
0xd8: {  	s26 =	sshll.u32 s0, $0x2;
	s2 =	sand.u32 $0x3FFFFF80, s25  }
0xd9: {  	p1 =	sgt.s32 s0, $0xEF;
	s29 =	ssub.s32 $0x3C0, s26;
	_ =	swait.ge [sflag:s10], s2  }
0xda: {  	s2 =	ssub.s32 $0x0, s2;
	[sflag:s10] =	ssyncset.done $0x0;
	s0 =	sshrl.u32 s29, $0x2  }
0xdb: {  	[sflag:s10] =	ssyncadd.s32 s2;
	s0 =	simm.s32 @p1 $0x0  }
0xdc: {  	_ =	swait.ge [sflag:s11], s0  }
0xdd: {  	s0 =	ssub.s32 $0x0, s0;
	[sflag:s11] =	ssyncset.done $0x0  }
0xde: {  	[sflag:s11] =	ssyncadd.s32 s0  }
0xdf: {  	v1 =	vld [tilespmem:$0xF208];
	_ =	sdelay $0x4  }
0xe0: {  	(v2sf) =	vpush v1, $0x0  }
0xe1: {  	(v2sf) =	vpush v1, $0x1  }
0xe2: {  	(v2sf) =	vpush v1, $0x2;
	_ =	sdelay $0x3  }
0xe3: {  	s0 =	sadd.s32 $0xF0, s22  }
0xe4: {  	s2 =	ssub.s32 $0x7A120, s22;
	p1 =	slt.s32 s8, s0  }
0xe5: {  	s0 =	smov.u32 @p1 s8;
	p1 =	sgt.s32 s2, $0x0  }
0xe6: {  	s26 =	ssub.s32 s0, s22;
	s2 =	simm.s32 @!p1 $0x0  }
0xe7: {  	p1 =	slt.s32 s2, s26  }
0xe8: {  	s26 =	smov.u32 @p1 s2  }
0xe9: {  	s25 =	simm.s32 $0x1;
	p1 =	slt.s32 s26, $0x1  }
.Ltmp12:
0xea: {  	s25 =	simm.s32 @!p0 $0x0;
	(pc) =	sbr.rel @p1 .LBB3_8-.Ltmp12, $4  }
0xeb: {  	s31 =	smul.u32 $0x3C0, s25  }
0xec: {  	s28 =	spop (v2sf)  }
0xed: {  	s0 =	sshrl.u32 s31, $0x2;
	s30 =	spop (v2sf)  }
0xee: {  	s23 =	sadd.s32 $0x10518, s0;
	s22 =	spop (v2sf)  }
0xef: {  	s0 =	smin.u32 s26, $0x10  }
0xf0: {  	v1 =	vmov s0  }
0xf1: {  	p2 =	sgt.s32 s26, $0x10;
	vm1 =	vgt.u32 v1, v0  }
.Ltmp13:
0xf2: {  	_ = 	snop;
	(pc) =	sbr.rel @!p2 .LBB3_7-.Ltmp13, $2  }
0xf3: {  	_ =	sdelay $0x2  }
0xf4: {  	s4 =	simm.s32 $0x10;
	s24 =	sadd.s32 $0xFFFFFFF0, s26;
	s0 =	smov.u32 s23;
	vm0 =	vmmov vm1  }
.LBB3_6:
0xf5: {  	s2 =	smin.u32 s24, $0x10;
	s4 =	sadd.s32 $0x10, s4;
	v1 =	vld.msk [tilespmem:s0+$0x0 ss:$0x1], vm1  }
0xf6: {  	v2 =	vmov s2;
	p2 =	slt.s32 s4, s26  }
0xf7: {  	vm1 =	vgt.u32 v2, v0  }
.Ltmp14:
0xf8: {  	(pc) =	sbr.rel @p2 .LBB3_6-.Ltmp14, $3  }
0xf9: {  	_ =	sdelay $0x1  }
0xfa: {  	v1 =	vshll.u32 v1, $0x4  }
0xfb: {  	s24 =	sadd.s32 $0xFFFFFFF0, s24;
	[tilespmem:s0+$0x0] =	vst.msk vm0, v1;
	s0 =	sadd.s32 $0x10, s0;
	vm0 =	vmmov vm1  }
.LBB3_7:
0xfc: {  	_ =	sdelay $0x4  }
0xfd: {  	v1 =	vld.msk [tilespmem:s0+$0x0 ss:$0x1], vm1;
	_ =	sdelay $0x4  }
0xfe: {  	v1 =	vshll.u32 v1, $0x4  }
0xff: {  	[tilespmem:s0+$0x0] =	vst.msk vm0, v1  }
.LBB3_8:
0x100: {  	s0 =	sand.u32 $0x1, s21  }
0x101: {  	s0 =	smul.u32 $0xF0, s0  }
0x102: {  	p2 =	sne.s32 s30, $0xFFFFFFFF  }
0x103: {  	v1 =	vld.msk @!p2 [tilespmem:s0+$0x10518], $0x1;
	_ =	sdelay $0x4  }
0x104: {  	(v2sf) =	vpush @!p2 v1, $0x0;
	_ =	sdelay $0xc  }
.Ltmp15:
0x105: {  	_ = 	snop;
	(pc) =	sbr.rel @p1 .LBB3_19-.Ltmp15, $4  }
0x106: {  	_ = 	snop  }
0x107: {  	s29 =	spop @!p2 (v2sf)  }
0x108: {  	s22 =	simm.s32 @!p2 $0x0;
	s24 =	smov.u32 s29  }
0x109: {  	[sflag:s18] =	ssyncpa.u1 $0x0;
	s29 =	smov.u32 @p2 s28;
	s24 =	smov.u32 @p2 s30  }
0x10a: {  	v1 =	vld.msk [tilespmem:s23+$0x0], $0x1;
	_ =	sdelay $0x4  }
0x10b: {  	(v2sf) =	vpush v1, $0x0;
	_ =	sdelay $0xe  }
0x10c: {  	s2 =	smul.u32 $0x1E000, s25;
	s0 =	spop (v2sf)  }
0x10d: {  	s26 =	ssub.s32 $0x0, s26;
	p1 =	seq.s32 s29, s0  }
0x10e: {  	s30 =	sadd.s32 $0x1, s26;
	s2 =	sshrl.u32 s2, $0x2;
	p2 =	sgt.s32 @!p1 s29, $0x0  }
0x10f: {  	s25 =	sor.u32 $0x10738, s2;
	s2 =	smov.u32 s29;
	p2 =	por !p2, p1  }
0x110: {  	s2 =	simm.s32 @p2 $0x0;
	p2 =	seq.s32 s30, $0x0  }
.Ltmp16:
0x111: {  	_ = 	snop;
	(pc) =	sbr.rel @p2 .LBB3_11-.Ltmp16, $4  }
0x112: {  	_ = 	snop  }
0x113: {  	s28 =	simm.s32 $0x0;
	s31 =	sadd.s32 $0x1, s23;
	s2 =	smin.u32 @!p1 s2, $0xC34F0  }
0x114: {  	s4 =	simm.s32 @!p1 $0x1;
	s5 =	simm.s32 @!p1 $0x7988;
	s3 =	sand.u32 @!p1 $0xFFFF8, s2  }
0x115: {  	s4 =	smov.u32 @p1 s28;
	s2 =	sand.u32 @!p1 $0x7, s2;
	s3 =	sadd.s32 @!p1 s1, s3  }
.LBB3_10:
0x116: {  	s9 =	smov.u32 s4  }
0x117: {  	[tilespmem:s5], [sflag:$0x2] =	stream.linear.gather @!p1 [hbm4b:s3+s2], $0x80, $0x38;
	[tilespmem:$0x1F6F8] =	vst v63  }
0x118: {  	s30 =	sadd.s32 $0x1, s30;
	s2 =	smov.u32 s0;
	v1 =	vld.msk [tilespmem:s31+$0x0], $0x1  }
0x119: {  	p2 =	seq.s32 s30, $0x0;
	_ =	sdelay $0x3  }
0x11a: {  	(v2sf) =	vpush v1, $0x0;
	_ =	sdelay $0xe  }
0x11b: {  	s0 =	spop (v2sf)  }
0x11c: {  	p1 =	seq.s32 s2, s0  }
0x11d: {  	p3 =	sgt.s32 @!p1 s2, $0x0;
	s3 =	sshll.u32 @!p1 s4, $0x9;
	s4 =	sadd.s32 @!p1 $0x1, s4  }
.Ltmp17:
0x11e: {  	p3 =	por !p3, p1;
	s3 =	sshra.s32 @!p1 s3, $0x2;
	(pc) =	sbr.rel @!p2 .LBB3_10-.Ltmp17, $4  }
0x11f: {  	s4 =	smov.u32 @p1 s9;
	s2 =	simm.s32 @p3 $0x0;
	s5 =	sadd.s32 @!p1 $0x7988, s3  }
0x120: {  	s2 =	smin.u32 @!p1 s2, $0xC34F0  }
0x121: {  	s3 =	sand.u32 @!p1 $0xFFFF8, s2;
	s2 =	sand.u32 @!p1 $0x7, s2  }
0x122: {  	s31 =	sadd.s32 $0x1, s31;
	s3 =	sadd.s32 @!p1 s1, s3  }
.LBB3_11:
0x123: {  	[tilespmem:s5], [sflag:$0x2] =	stream.linear.gather @!p1 [hbm4b:s3+s2], $0x80, $0x38;
	[tilespmem:$0x1F6F8] =	vst v63  }
.Ltmp18:
0x124: {  	s0 =	sshll.u32 s4, $0x7;
	(pc) =	sbr.rel .LBB3_12-.Ltmp18, $4  }
0x125: {  	s30 =	simm.s32 $0x2;
	s0 =	sand.u32 $0x3FFFFF80, s0  }
0x126: {  	_ =	swait.ge [sflag:s30], s0  }
0x127: {  	s0 =	ssub.s32 $0x0, s0;
	[sflag:s30] =	ssyncset.done $0x0  }
0x128: {  	s31 =	simm.s32 $0x0;
	[sflag:s30] =	ssyncadd.s32 s0  }
.LBB3_13:
0x129: {  	v1 =	vld [tilespmem:s25+$0xFFFFFFC0];
	_ =	sdelay $0x3  }
0x12a: {  	s0 =	sshra.s32 s0, $0x2  }
0x12b: {  	[tilespmem:s0+$0x108] =	vst.add.f32.msk $0xffff, v1  }
0x12c: {  	v1 =	vld [tilespmem:s25+$0xFFFFFFD0];
	_ =	sdelay $0x4  }
0x12d: {  	[tilespmem:s0+$0x118] =	vst.add.f32.msk $0xffff, v1  }
0x12e: {  	v1 =	vld [tilespmem:s25+$0xFFFFFFE0];
	_ =	sdelay $0x4  }
0x12f: {  	[tilespmem:s0+$0x128] =	vst.add.f32.msk $0xffff, v1  }
0x130: {  	v1 =	vld [tilespmem:s25+$0xFFFFFFF0];
	_ =	sdelay $0x4  }
0x131: {  	[tilespmem:s0+$0x138] =	vst.add.f32.msk $0xffff, v1  }
0x132: {  	v1 =	vld [tilespmem:s25+$0x0];
	_ =	sdelay $0x4  }
0x133: {  	[tilespmem:s0+$0x148] =	vst.add.f32.msk $0xffff, v1  }
0x134: {  	v1 =	vld [tilespmem:s25+$0x10];
	_ =	sdelay $0x4  }
0x135: {  	[tilespmem:s0+$0x158] =	vst.add.f32.msk $0xffff, v1  }
0x136: {  	v1 =	vld [tilespmem:s25+$0x20];
	_ =	sdelay $0x4  }
0x137: {  	[tilespmem:s0+$0x168] =	vst.add.f32.msk $0xffff, v1  }
0x138: {  	v1 =	vld [tilespmem:s25+$0x30];
	_ =	sdelay $0x4  }
0x139: {  	[tilespmem:s0+$0x178] =	vst.add.f32.msk $0xffff, v1  }
.LBB3_17:
0x13a: {  	s26 =	sadd.s32 $0x1, s26  }
0x13b: {  	p1 =	seq.s32 s26, $0x0  }
.Ltmp19:
0x13c: {  	_ = 	snop;
	(pc) =	sbr.rel @p1 .LBB3_18-.Ltmp19, $2  }
0x13d: {  	_ =	sdelay $0x2  }
0x13e: {  	s23 =	sadd.s32 $0x1, s23;
	s25 =	sadd.s32 $0x80, s25;
	s29 =	smov.u32 s30  }
.LBB3_12:
0x13f: {  	v1 =	vld.msk [tilespmem:s23+$0x0], $0x1;
	_ =	sdelay $0x4  }
0x140: {  	(v2sf) =	vpush v1, $0x0;
	_ =	sdelay $0xe  }
0x141: {  	s30 =	spop (v2sf)  }
0x142: {  	p1 =	sne.s32 s29, s30  }
.Ltmp20:
0x143: {  	_ = 	snop;
	(pc) =	sbr.rel @!p1 .LBB3_13-.Ltmp20, $2  }
0x144: {  	_ =	sdelay $0x2  }
0x145: {  	s0 =	sshll.u32 s22, $0x9  }
0x146: {  	p1 =	seq.s32 s29, s24  }
.Ltmp21:
0x147: {  	_ = 	snop;
	(pc) =	sbr.rel @!p1 .LBB3_15-.Ltmp21, $1  }
0x148: {  	_ =	sdelay $0x3  }
0x149: {  	s0 =	sshra.s32 s0, $0x2  }
.Ltmp22:
0x14a: {  	s0 =	sadd.s32 $0x108, s0;
	(pc) =	sbr.rel .LBB3_16-.Ltmp22, $4  }
0x14b: {  	[spmem:s16] =	stream.linear.scatter [tilespmem:s0], [sflag:$0x1], $0x80, $0x38;
	[tilespmem:$0x1F6F8] =	vst v63  }
0x14c: {  	_ =	swait.ge [sflag:s12], $0x80  }
0x14d: {  	[sflag:s12] =	ssyncset.done $0x0  }
0x14e: {  	[sflag:s12] =	ssyncadd.s32 $0xFFFFFF80  }
.LBB3_15:
0x14f: {  	s2 =	sshll.u32 s28, $0x9  }
0x150: {  	s2 =	sshra.s32 s2, $0x2  }
0x151: {  	v1 =	vld [tilespmem:s2+$0x7988];
	_ =	sdelay $0x3  }
0x152: {  	s0 =	sshra.s32 s0, $0x2  }
0x153: {  	[tilespmem:s0+$0x108] =	vst.add.f32.msk $0xffff, v1  }
0x154: {  	v1 =	vld [tilespmem:s2+$0x7998];
	_ =	sdelay $0x4  }
0x155: {  	[tilespmem:s0+$0x118] =	vst.add.f32.msk $0xffff, v1  }
0x156: {  	v1 =	vld [tilespmem:s2+$0x79A8];
	_ =	sdelay $0x4  }
0x157: {  	[tilespmem:s0+$0x128] =	vst.add.f32.msk $0xffff, v1  }
0x158: {  	v1 =	vld [tilespmem:s2+$0x79B8];
	_ =	sdelay $0x4  }
0x159: {  	[tilespmem:s0+$0x138] =	vst.add.f32.msk $0xffff, v1  }
0x15a: {  	v1 =	vld [tilespmem:s2+$0x79C8];
	_ =	sdelay $0x4  }
0x15b: {  	[tilespmem:s0+$0x148] =	vst.add.f32.msk $0xffff, v1  }
0x15c: {  	v1 =	vld [tilespmem:s2+$0x79D8];
	_ =	sdelay $0x4  }
0x15d: {  	[tilespmem:s0+$0x158] =	vst.add.f32.msk $0xffff, v1  }
0x15e: {  	v1 =	vld [tilespmem:s2+$0x79E8];
	_ =	sdelay $0x4  }
0x15f: {  	[tilespmem:s0+$0x168] =	vst.add.f32.msk $0xffff, v1  }
0x160: {  	v1 =	vld [tilespmem:s2+$0x79F8];
	_ =	sdelay $0x2  }
0x161: {  	p1 =	sgt.u32 s29, $0xC34F0  }
0x162: {  	s2 =	sand.u32 @!p1 $0xFFFF8, s29  }
0x163: {  	s3 =	sadd.s32 $0x108, s0;
	[tilespmem:s0+$0x178] =	vst.add.f32.msk $0xffff, v1;
	s0 =	sadd.s32 @!p1 s1, s2;
	s2 =	sand.u32 @!p1 $0x7, s29  }
0x164: {  	[hbm4b:s0+s2] =	stream.linear.scatter @!p1 [tilespmem:s3], [sflag:$0xC], $0x80, $0x38;
	[tilespmem:$0x1F6F8] =	vst v63  }
0x165: {  	s0 =	simm.s32 $0x0  }
0x166: {  	s0 =	simm.s32 @!p1 $0x200  }
0x167: {  	s31 =	sadd.s32 s0, s31  }
.LBB3_16:
0x168: {  	s0 =	sadd.s32 $0x1, s22  }
0x169: {  	s2 =	smulhi.u32 $0x88888889, s0;
	_ =	sdelay $0x1  }
0x16a: {  	v1 =	vld [tilespmem:s25+$0xFFFFFFC0];
	s2 =	sshrl.u32 s2, $0x7  }
0x16b: {  	s2 =	smul.u32 $0xF0, s2;
	_ =	sdelay $0x1  }
0x16c: {  	s22 =	ssub.s32 s0, s2  }
0x16d: {  	s0 =	sshll.u32 s22, $0x7  }
0x16e: {  	[tilespmem:s0+$0x108] =	vst v1  }
0x16f: {  	v1 =	vld [tilespmem:s25+$0xFFFFFFD0];
	_ =	sdelay $0x4  }
0x170: {  	[tilespmem:s0+$0x118] =	vst v1  }
0x171: {  	v1 =	vld [tilespmem:s25+$0xFFFFFFE0];
	_ =	sdelay $0x4  }
0x172: {  	[tilespmem:s0+$0x128] =	vst v1  }
0x173: {  	v1 =	vld [tilespmem:s25+$0xFFFFFFF0];
	_ =	sdelay $0x4  }
0x174: {  	[tilespmem:s0+$0x138] =	vst v1  }
0x175: {  	v1 =	vld [tilespmem:s25+$0x0];
	_ =	sdelay $0x4  }
0x176: {  	[tilespmem:s0+$0x148] =	vst v1  }
0x177: {  	v1 =	vld [tilespmem:s25+$0x10];
	_ =	sdelay $0x4  }
0x178: {  	[tilespmem:s0+$0x158] =	vst v1  }
0x179: {  	v1 =	vld [tilespmem:s25+$0x20];
	_ =	sdelay $0x4  }
0x17a: {  	[tilespmem:s0+$0x168] =	vst v1  }
0x17b: {  	v1 =	vld [tilespmem:s25+$0x30]  }
.Ltmp23:
0x17c: {  	_ = 	snop;
	(pc) =	sbr.rel .LBB3_17-.Ltmp23, $2  }
0x17d: {  	_ =	sdelay $0x2  }
0x17e: {  	s28 =	sadd.s32 $0x1, s28;
	[tilespmem:s0+$0x178] =	vst v1  }
.LBB3_19:
.Ltmp24:
0x17f: {  	(pc) =	sbr.rel .LBB3_20-.Ltmp24, $4  }
0x180: {  	_ = 	snop  }
0x181: {  	s0 =	simm.s32 $0x2  }
0x182: {  	_ =	swait.ge [sflag:s0], $0x0  }
0x183: {  	s30 =	smov.u32 s29;
	[sflag:s0] =	ssyncset.done $0x0;
	s0 =	simm.s32 $0x0  }
.LBB3_22:
0x184: {  	_ =	sfence.sel $0x180000  }
0x185: {  	s0 =	simm.s32 $0x9;
	[bflag:$0x0] =	sbarrier.arrive $0xFFFF  }
0x186: {  	s24 =	simm.s32 $0xA;
	[sflag:s0] =	ssyncpa.u1 $0x1  }
0x187: {  	s25 =	simm.s32 $0xB;
	[sflag:s24] =	ssyncpa.u1 $0x1  }
0x188: {  	s26 =	simm.s32 $0x2;
	[sflag:s25] =	ssyncpa.u1 $0x1  }
0x189: {  	[sflag:s26] =	ssyncpa.u1 $0x1  }
0x18a: {  	v0 =	vld [tilespmem:$0xF208];
	_ =	sdelay $0x4  }
0x18b: {  	(v2sf) =	vpush v0, $0x0  }
0x18c: {  	(v2sf) =	vpush v0, $0x1;
	_ =	sdelay $0x1  }
0x18d: {  	(v2sf) =	vpush v0, $0x2;
	_ =	sdelay $0xb  }
0x18e: {  	s0 =	spop (v2sf)  }
0x18f: {  	s2 =	spop (v2sf)  }
0x190: {  	s3 =	smov.u32 s0;
	p0 =	sne.s32 s0, s2  }
0x191: {  	s4 =	spop (v2sf);
	s3 =	simm.s32 @!p0 $0xFFFFFFFF  }
0x192: {  	v2 =	vimm.s32 $0x1;
	v3 =	vlaneseq.u32;
	p0 =	seq.s32 s4, $0xFFFFFFFF;
	v1 =	vmov s3  }
0x193: {  	s16 =	stileid.u32;
	v0 =	vperm.xlane v0, v2;
	p1 =	sne.s32 @!p0 s0, s2;
	v1 =	vperm.xlane v1, v3  }
0x194: {  	vm0 =	vcmask $0x3F04;
	s6 =	simm.s32 $0xF208;
	s0 =	simm.s32 @!p0 $0x1;
	p1 =	por !p1, p0  }
0x195: {  	s3 =	sshll.u32 s16, $0x1;
	s2 =	sshll.u32 @!p0 s4, $0x9;
	s0 =	simm.s32 @p1 $0x0;
	v0 =	vsel vm0, v1, v0  }
0x196: {  	s5 =	sor.u32 $0x1000, s3;
	s2 =	sshra.s32 @!p0 s2, $0x2;
	s0 =	sor.u32 @!p0 s0, s3;
	[tilespmem:$0xF208] =	vst v0  }
0x197: {  	[spmem:s5] =	stream.linear.scatter [tilespmem:s6], [sflag:$0x1], $0x2, $0x38;
	[tilespmem:$0x1F6F8] =	vst v63  }
0x198: {  	s2 =	sadd.s32 @!p0 $0x108, s2;
	s0 =	sshll.u32 @!p0 s0, $0x7  }
0x199: {  	[spmem:s0] =	stream.linear.scatter @!p0 [tilespmem:s2], [sflag:$0x1], $0x80, $0x38;
	[tilespmem:$0x1F6F8] =	vst v63  }
0x19a: {  	s0 =	simm.s32 @!p0 $0x82  }
0x19b: {  	s28 =	simm.s32 $0x1;
	s0 =	simm.s32 @p0 $0x2  }
0x19c: {  	_ =	swait.ge [sflag:s28], s0  }
0x19d: {  	s0 =	ssub.s32 $0x0, s0;
	[sflag:s28] =	ssyncset.done $0x0  }
0x19e: {  	p0 =	sne.s32 s16, $0x0;
	[sflag:s28] =	ssyncadd.s32 s0  }
.Ltmp25:
0x19f: {  	_ =	sfence.stream.spmem;
	(pc) =	sbr.rel @p0 .LBB3_39-.Ltmp25, $4  }
0x1a0: {  	s29 =	simm.s32 $0x3;
	[bflag:$0x0] =	sbarrier.arrive $0xFFFF  }
0x1a1: {  	s30 =	simm.s32 $0x4;
	[sflag:s29] =	ssyncpa.u1 $0x1  }
0x1a2: {  	s31 =	simm.s32 $0x3C;
	[sflag:s30] =	ssyncpa.u1 $0x1  }
0x1a3: {  	s15 =	rddreg [dreg:$0x4];
	[sflag:s31] =	ssyncpa.u1 $0x1  }
0x1a4: {  	_ =	sfence.stream.spmem;
	s0 =	simm.s32 $0x5  }
0x1a5: {  	s2 =	simm.s32 $0x1000;
	s3 =	simm.s32 $0xF218;
	[sflag:s0] =	ssyncpa.u1 $0x0  }
0x1a6: {  	[tilespmem:s3], [sflag:$0x5] =	stream.linear.gather [spmem:s2], $0x20, $0x38;
	[tilespmem:$0x1F6F8] =	vst v63  }
0x1a7: {  	s26 =	simm.s32 $0x0;
	s28 =	simm.s32 $0xF238  }
0x1a8: {  	[tilespmem:s28], [sflag:$0x5] =	stream.linear.gather [spmem:s26], $0x1000, $0x38;
	[tilespmem:$0x1F6F8] =	vst v63  }
0x1a9: {  	_ =	swait.ge [sflag:s0], $0x1020  }
0x1aa: {  	[sflag:s0] =	ssyncset.done $0x0  }
0x1ab: {  	s29 =	simm.s32 $0x0;
	[sflag:s0] =	ssyncadd.s32 $0xFFFFEFE0  }
0x1ac: {  	v0 =	vld.msk [tilespmem:s29+$0xF218], $0x1;
	_ =	sdelay $0x1  }
0x1ad: {  	s30 =	simm.s32 $0x1  }
0x1ae: {  	v1 =	vld.msk [tilespmem:s30+$0xF218], $0x1;
	_ =	sdelay $0x1  }
0x1af: {  	(v2sf) =	vpush v0, $0x0;
	_ =	sdelay $0x2  }
0x1b0: {  	(v2sf) =	vpush v1, $0x0;
	_ =	sdelay $0x2  }
0x1b1: {  	s31 =	simm.s32 $0x2  }
0x1b2: {  	v0 =	vld.msk [tilespmem:s31+$0xF218], $0x1;
	_ =	sdelay $0x2  }
0x1b3: {  	s4 =	simm.s32 $0xFFFFFFFF;
	s5 =	simm.s32 $0xFFFFFFFF;
	s0 =	simm.s32 $0xC  }
.LBB3_24:
0x1b4: {  	s2 =	smov.u32 s5;
	s3 =	smov.u32 s4  }
0x1b5: {  	s4 =	sshra.s32 s0, $0x2;
	p1 =	sne.s32 s0, $0x7C;
	s0 =	sadd.s32 $0x4, s0;
	(v2sf) =	vpush v0, $0x0  }
0x1b6: {  	v0 =	vld.msk [tilespmem:s4+$0xF218], $0x1  }
.Ltmp26:
0x1b7: {  	(pc) =	sbr.rel @p1 .LBB3_24-.Ltmp26, $4  }
0x1b8: {  	s5 =	spop (v2sf)  }
0x1b9: {  	p2 =	sne.s32 s3, $0xFFFFFFFF;
	s4 =	smov.u32 s5  }
0x1ba: {  	p3 =	seq.s32 s5, $0xFFFFFFFF;
	s4 =	smov.u32 @p2 s3  }
0x1bb: {  	s5 =	smov.u32 @p3 s2;
	s4 =	smov.u32 @p3 s3  }
0x1bc: {  	(v2sf) =	vpush v0, $0x0;
	_ =	sdelay $0x8  }
0x1bd: {  	s0 =	spop (v2sf)  }
0x1be: {  	p1 =	sne.s32 s4, $0xFFFFFFFF;
	s2 =	smov.u32 s0  }
0x1bf: {  	s9 =	simm.s32 $0x6;
	p2 =	seq.s32 s0, $0xFFFFFFFF;
	s2 =	smov.u32 @p1 s4  }
0x1c0: {  	s6 =	simm.s32 $0x0;
	s2 =	smov.u32 @p2 s4;
	s3 =	spop (v2sf)  }
0x1c1: {  	s0 =	smov.u32 @p2 s5;
	p1 =	sne.s32 s2, $0xFFFFFFFF;
	s4 =	smov.u32 s3  }
.Ltmp27:
0x1c2: {  	p2 =	seq.s32 s3, $0xFFFFFFFF;
	s4 =	smov.u32 @p1 s2;
	(pc) =	sbr.rel .LBB3_26-.Ltmp27, $4  }
0x1c3: {  	s10 =	simm.s32 $0xF188;
	s4 =	smov.u32 @p2 s2;
	s7 =	spop (v2sf)  }
0x1c4: {  	s11 =	simm.s32 $0x0;
	p1 =	sne.s32 s4, $0xFFFFFFFF;
	s8 =	smov.u32 s7  }
0x1c5: {  	s3 =	smov.u32 @p2 s0;
	p2 =	seq.s32 s7, $0xFFFFFFFF;
	s8 =	smov.u32 @p1 s4  }
0x1c6: {  	[sflag:s9] =	ssyncpa.u1 $0x0;
	s7 =	smov.u32 @p2 s3;
	s8 =	smov.u32 @p2 s4  }
.LBB3_32:
0x1c7: {  	p1 =	sgt.u32 s12, $0xC34F0  }
0x1c8: {  	p2 =	seq.s32 @!p1 s12, s8  }
0x1c9: {  	p1 =	por p1, p2  }
0x1ca: {  	p2 =	sne.s32 @!p1 s12, s7  }
0x1cb: {  	p1 =	por p1, !p2  }
0x1cc: {  	s0 =	sshll.u32 @p1 s11, $0x9  }
0x1cd: {  	s0 =	sand.u32 @!p1 $0xFFFF8, s12  }
0x1ce: {  	s2 =	sand.u32 @!p1 $0x7, s12;
	s0 =	sadd.s32 @!p1 s1, s0  }
0x1cf: {  	[tilespmem:s10], [sflag:$0x6] =	stream.linear.gather @!p1 [hbm4b:s0+s2], $0x80, $0x38;
	[tilespmem:$0x1F6F8] =	vst v63  }
0x1d0: {  	_ =	swait.ge @!p1 [sflag:s9], $0x80  }
0x1d1: {  	[sflag:s9] =	ssyncset.done @!p1 $0x0  }
0x1d2: {  	[sflag:s9] =	ssyncadd.s32 @!p1 $0xFFFFFF80  }
0x1d3: {  	v1 =	vld @!p1 [tilespmem:$0xF188];
	_ =	sdelay $0x2  }
0x1d4: {  	s0 =	sshll.u32 @!p1 s11, $0x9  }
0x1d5: {  	s2 =	sshrl.u32 @!p1 s0, $0x2  }
0x1d6: {  	[tilespmem:s2+$0xF238] =	vst.add.f32.msk @!p1 $0xffff, v1  }
0x1d7: {  	v1 =	vld @!p1 [tilespmem:$0xF198];
	_ =	sdelay $0x4  }
0x1d8: {  	[tilespmem:s2+$0xF248] =	vst.add.f32.msk @!p1 $0xffff, v1  }
0x1d9: {  	v1 =	vld @!p1 [tilespmem:$0xF1A8];
	_ =	sdelay $0x4  }
0x1da: {  	[tilespmem:s2+$0xF258] =	vst.add.f32.msk @!p1 $0xffff, v1  }
0x1db: {  	v1 =	vld @!p1 [tilespmem:$0xF1B8];
	_ =	sdelay $0x4  }
0x1dc: {  	[tilespmem:s2+$0xF268] =	vst.add.f32.msk @!p1 $0xffff, v1  }
0x1dd: {  	v1 =	vld @!p1 [tilespmem:$0xF1C8];
	_ =	sdelay $0x4  }
0x1de: {  	[tilespmem:s2+$0xF278] =	vst.add.f32.msk @!p1 $0xffff, v1  }
0x1df: {  	v1 =	vld @!p1 [tilespmem:$0xF1D8];
	_ =	sdelay $0x4  }
0x1e0: {  	[tilespmem:s2+$0xF288] =	vst.add.f32.msk @!p1 $0xffff, v1  }
0x1e1: {  	v1 =	vld @!p1 [tilespmem:$0xF1E8];
	_ =	sdelay $0x4  }
0x1e2: {  	[tilespmem:s2+$0xF298] =	vst.add.f32.msk @!p1 $0xffff, v1  }
0x1e3: {  	v1 =	vld @!p1 [tilespmem:$0xF1F8];
	_ =	sdelay $0x4  }
0x1e4: {  	[tilespmem:s2+$0xF2A8] =	vst.add.f32.msk @!p1 $0xffff, v1  }
0x1e5: {  	s0 =	sshrl.u32 s0, $0x2;
	[tilespmem:s6+$0xF218] =	vst.msk $0x1, v0  }
0x1e6: {  	v0 =	vld [tilespmem:s0+$0xF238];
	_ =	sdelay $0x2  }
0x1e7: {  	s31 =	sshll.u32 s6, $0x9  }
0x1e8: {  	s2 =	sshra.s32 s31, $0x2  }
0x1e9: {  	[tilespmem:s2+$0xF238] =	vst v0  }
0x1ea: {  	v0 =	vld [tilespmem:s0+$0xF248];
	_ =	sdelay $0x4  }
0x1eb: {  	[tilespmem:s2+$0xF248] =	vst v0  }
0x1ec: {  	v0 =	vld [tilespmem:s0+$0xF258];
	_ =	sdelay $0x4  }
0x1ed: {  	[tilespmem:s2+$0xF258] =	vst v0  }
0x1ee: {  	v0 =	vld [tilespmem:s0+$0xF268];
	_ =	sdelay $0x4  }
0x1ef: {  	[tilespmem:s2+$0xF268] =	vst v0  }
0x1f0: {  	v0 =	vld [tilespmem:s0+$0xF278];
	_ =	sdelay $0x4  }
0x1f1: {  	[tilespmem:s2+$0xF278] =	vst v0  }
0x1f2: {  	v0 =	vld [tilespmem:s0+$0xF288];
	_ =	sdelay $0x4  }
0x1f3: {  	[tilespmem:s2+$0xF288] =	vst v0  }
0x1f4: {  	v0 =	vld [tilespmem:s0+$0xF298];
	_ =	sdelay $0x4  }
0x1f5: {  	[tilespmem:s2+$0xF298] =	vst v0  }
0x1f6: {  	v0 =	vld [tilespmem:s0+$0xF2A8];
	_ =	sdelay $0x4  }
0x1f7: {  	s6 =	sadd.s32 $0x1, s6;
	[tilespmem:s2+$0xF2A8] =	vst v0  }
.LBB3_33:
0x1f8: {  	s11 =	sadd.s32 $0x1, s11  }
0x1f9: {  	p1 =	sne.s32 s11, $0x20  }
.Ltmp28:
0x1fa: {  	_ = 	snop;
	(pc) =	sbr.rel @!p1 .LBB3_34-.Ltmp28, $1  }
0x1fb: {  	_ =	sdelay $0x3  }
.LBB3_26:
0x1fc: {  	v0 =	vld.msk [tilespmem:s11+$0xF218], $0x1;
	_ =	sdelay $0x4  }
0x1fd: {  	(v2sf) =	vpush v0, $0x0;
	_ =	sdelay $0xe  }
0x1fe: {  	s12 =	spop (v2sf)  }
0x1ff: {  	p1 =	seq.s32 s12, $0xFFFFFFFF  }
.Ltmp29:
0x200: {  	_ = 	snop;
	(pc) =	sbr.rel @p1 .LBB3_33-.Ltmp29, $1  }
0x201: {  	_ =	sdelay $0x3  }
0x202: {  	p1 =	slt.s32 s6, $0x1  }
.Ltmp30:
0x203: {  	_ = 	snop;
	(pc) =	sbr.rel @p1 .LBB3_32-.Ltmp30, $1  }
0x204: {  	_ =	sdelay $0x3  }
0x205: {  	s13 =	simm.s32 $0xF218;
	p1 =	por $0x0, $0x0  }
0x206: {  	v1 =	vld.msk @!p1 [tilespmem:s13+$0x0], $0x1;
	_ =	sdelay $0x4  }
0x207: {  	(v2sf) =	vpush @!p1 v1, $0x0;
	_ =	sdelay $0xd  }
0x208: {  	p3 =	sne.s32 s6, $0x1  }
.Ltmp31:
0x209: {  	s0 =	spop @!p1 (v2sf);
	(pc) =	sbr.rel @!p3 .LBB3_30-.Ltmp31, $4  }
0x20a: {  	p2 =	seq.s32 @!p1 s12, s0  }
0x20b: {  	s14 =	simm.s32 $0x0;
	p2 =	por !p2, p1  }
0x20c: {  	s2 =	simm.s32 $0xFFFFFFFF;
	s14 =	simm.s32 @p2 $0xFFFFFFFF  }
0x20d: {  	s0 =	simm.s32 $0x1;
	s14 =	smov.u32 @p1 s2  }
.LBB3_29:
0x20e: {  	s2 =	smov.u32 s14;
	p1 =	sne.s32 s14, $0xFFFFFFFF  }
0x20f: {  	s13 =	sadd.s32 $0x1, s13;
	s14 =	smov.u32 s0;
	s0 =	sadd.s32 $0x1, s0  }
0x210: {  	p2 =	sne.s32 s6, s0;
	v1 =	vld.msk @!p1 [tilespmem:s13+$0x0], $0x1;
	_ =	sdelay $0x4  }
0x211: {  	(v2sf) =	vpush @!p1 v1, $0x0;
	_ =	sdelay $0xe  }
.Ltmp32:
0x212: {  	s3 =	spop @!p1 (v2sf);
	(pc) =	sbr.rel @p2 .LBB3_29-.Ltmp32, $4  }
0x213: {  	p3 =	seq.s32 @!p1 s12, s3  }
0x214: {  	p3 =	por !p3, p1  }
0x215: {  	s14 =	simm.s32 @p3 $0xFFFFFFFF  }
0x216: {  	s14 =	smov.u32 @p1 s2  }
.LBB3_30:
0x217: {  	p1 =	seq.s32 s14, $0xFFFFFFFF  }
.Ltmp33:
0x218: {  	_ = 	snop;
	(pc) =	sbr.rel @p1 .LBB3_32-.Ltmp33, $1  }
0x219: {  	_ =	sdelay $0x3  }
0x21a: {  	s0 =	sshll.u32 s11, $0x7  }
0x21b: {  	s0 =	sand.u32 $0x3FFFFF80, s0  }
0x21c: {  	v0 =	vld [tilespmem:s0+$0xF238];
	_ =	sdelay $0x2  }
0x21d: {  	s2 =	sshll.u32 s14, $0x9  }
0x21e: {  	s2 =	sshra.s32 s2, $0x2  }
0x21f: {  	[tilespmem:s2+$0xF238] =	vst.add.f32.msk $0xffff, v0  }
0x220: {  	v0 =	vld [tilespmem:s0+$0xF248];
	_ =	sdelay $0x4  }
0x221: {  	[tilespmem:s2+$0xF248] =	vst.add.f32.msk $0xffff, v0  }
0x222: {  	v0 =	vld [tilespmem:s0+$0xF258];
	_ =	sdelay $0x4  }
0x223: {  	[tilespmem:s2+$0xF258] =	vst.add.f32.msk $0xffff, v0  }
0x224: {  	v0 =	vld [tilespmem:s0+$0xF268];
	_ =	sdelay $0x4  }
0x225: {  	[tilespmem:s2+$0xF268] =	vst.add.f32.msk $0xffff, v0  }
0x226: {  	v0 =	vld [tilespmem:s0+$0xF278];
	_ =	sdelay $0x4  }
0x227: {  	[tilespmem:s2+$0xF278] =	vst.add.f32.msk $0xffff, v0  }
0x228: {  	v0 =	vld [tilespmem:s0+$0xF288];
	_ =	sdelay $0x4  }
0x229: {  	[tilespmem:s2+$0xF288] =	vst.add.f32.msk $0xffff, v0  }
0x22a: {  	v0 =	vld [tilespmem:s0+$0xF298];
	_ =	sdelay $0x4  }
0x22b: {  	[tilespmem:s2+$0xF298] =	vst.add.f32.msk $0xffff, v0  }
0x22c: {  	v0 =	vld [tilespmem:s0+$0xF2A8]  }
.Ltmp34:
0x22d: {  	_ = 	snop;
	(pc) =	sbr.rel .LBB3_33-.Ltmp34, $2  }
0x22e: {  	_ =	sdelay $0x2  }
0x22f: {  	[tilespmem:s2+$0xF2A8] =	vst.add.f32.msk $0xffff, v0  }
.LBB3_34:
0x230: {  	s0 =	simm.s32 $0x6;
	p1 =	seq.s32 s6, $0x0  }
0x231: {  	[sflag:s0] =	ssyncpa.u1 $0x1;
	v0 =	vimm.s32 @p1 $0xFFFFFFFF  }
0x232: {  	s9 =	sadd.s32 $0xFFFFFFFF, s6;
	[tilespmem:$0x10238] =	vst @p1 v0  }
0x233: {  	v0 =	vld.msk @!p1 [tilespmem:s9+$0xF218], $0x1;
	_ =	sdelay $0x1  }
0x234: {  	v1 =	vld.msk @!p1 [tilespmem:$0xF218], $0x1;
	_ =	sdelay $0x2  }
0x235: {  	p2 =	seq.s32 @!p1 s9, $0x0;
	v0 =	vbroadcast @!p1 v0, $0x0  }
0x236: {  	vm0 =	vmmov @!p1 $0x1;
	p2 =	por !p2, p1  }
0x237: {  	v1 =	vnsel @!p1 vm0, $0xFFFFFFFF, v1;
	vm0 =	vcmask @!p1 $0x308;
	v0 =	vpsel !p2, $0xFFFFFFFF, v0  }
0x238: {  	p2 =	sne.s32 @!p1 s8, s7;
	v0 =	vsel @!p1 vm0, v1, v0  }
0x239: {  	s0 =	simm.s32 @!p1 $0xF238;
	s2 =	simm.s32 @!p1 $0x0;
	p3 =	por !p2, p1;
	[tilespmem:$0x10238] =	vst @!p1 v0  }
0x23a: {  	[spmem:s2] =	stream.linear.scatter @!p1 [tilespmem:s0], [sflag:$0x1], $0x80, $0x38;
	[tilespmem:$0x1F6F8] =	vst v63  }
0x23b: {  	s0 =	sshll.u32 @!p3 s9, $0x9  }
0x23c: {  	s0 =	sshra.s32 @!p3 s0, $0x2  }
0x23d: {  	s2 =	simm.s32 @!p3 $0x80;
	s0 =	sadd.s32 @!p3 $0xF238, s0  }
0x23e: {  	[spmem:s2] =	stream.linear.scatter @!p3 [tilespmem:s0], [sflag:$0x1], $0x80, $0x38;
	[tilespmem:$0x1F6F8] =	vst v63  }
0x23f: {  	s0 =	simm.s32 @!p3 $0x1  }
0x240: {  	_ =	swait.ge @!p3 [sflag:s0], $0x100  }
0x241: {  	p1 =	por p2, p1;
	[sflag:s0] =	ssyncset.done @!p3 $0x0  }
0x242: {  	[sflag:s0] =	ssyncadd.s32 @!p3 $0xFFFFFF00;
	s0 =	simm.s32 @!p1 $0x1  }
0x243: {  	_ =	swait.ge @!p1 [sflag:s0], $0x80  }
0x244: {  	s29 =	simm.s32 $0x10238;
	[sflag:s0] =	ssyncset.done @!p1 $0x0  }
0x245: {  	s30 =	simm.s32 $0x1000;
	s31 =	simm.s32 $0x1;
	[sflag:s0] =	ssyncadd.s32 @!p1 $0xFFFFFF80  }
0x246: {  	[spmem:s30] =	stream.linear.scatter [tilespmem:s29], [sflag:$0x1], $0x10, $0x38;
	[tilespmem:$0x1F6F8] =	vst v63  }
0x247: {  	_ =	swait.ge [sflag:s31], $0x10  }
0x248: {  	[sflag:s31] =	ssyncset.done $0x0  }
0x249: {  	p1 =	seq.s32 s15, $0x0;
	s8 =	rddreg [dreg:$0x1];
	[sflag:s31] =	ssyncadd.s32 $0xFFFFFFF0  }
0x24a: {  	s2 =	sshll.u32 @p1 s8, $0xE;
	s7 =	rddreg [dreg:$0x2]  }
0x24b: {  	s0 =	sadd.s32 @p1 $0x15C3C, s2;
	s2 =	sshll.u32 @p1 s7, $0x11  }
0x24c: {  	_ =	sfence.stream.spmem;
	s0 =	sor.u32 @p1 s2, s0  }
0x24d: {  	[sflag:s0] =	ssyncadd.remote.s32 @p1 $0x1;
	s0 =	simm.s32 @p1 $0x4  }
0x24e: {  	s3 =	simm.s32 @!p1 $0x3C;
	s2 =	sand.u32 $0xFFFFFFFE, s8;
	_ =	swait.ge @p1 [sflag:s0], $0x22  }
0x24f: {  	s4 =	simm.s32 @!p1 $0x0;
	s2 =	sadd.s32 @!p1 $0x4, s2;
	[sflag:s0] =	ssyncset.done @p1 $0x0  }
0x250: {  	s5 =	simm.s32 @!p1 $0x100;
	[sflag:s0] =	ssyncadd.s32 @p1 $0xFFFFFFDE;
	s0 =	sshll.u32 @!p1 s2, $0x1A  }
0x251: {  	s2 =	sshll.u32 @!p1 s2, $0xD;
	s0 =	sor.u32 @!p1 s0, s7;
	_ =	swait.eq @!p1 [sflag:s3], $0x1  }
0x252: {  	s2 =	sor.u32 @!p1 $0x1C04, s2;
	s3 =	simm.s32 @!p1 $0x1C03;
	s0 =	sor.u32 @!p1 $0x80004000, s0  }
0x253: {  	[spmem:s5], [sflag:s2] =	dma.general @!p1 [spmem:s4], [sflag:s3], length:$0x20, [dreg:$0x0], stride_count:$0x0, ici_dest:s0, dma_misc:DstOpCode:WRITE  }
0x254: {  	p2 =	slt.s32 s9, $0x2;
	s4 =	simm.s32 @!p1 $0x200;
	s5 =	simm.s32 @!p1 $0x202  }
0x255: {  	[spmem:s5], [sflag:s2] =	dma.general @!p1 [spmem:s4], [sflag:s3], length:$0x2, [dreg:$0x0], stride_count:$0x0, ici_dest:s0, dma_misc:DstOpCode:WRITE  }
.Ltmp35:
0x256: {  	s0 =	simm.s32 @!p1 $0x3;
	(pc) =	sbr.rel @p2 .LBB3_38-.Ltmp35, $4  }
0x257: {  	s2 =	sshll.u32 @!p1 s8, $0xE;
	_ =	swait.ge @!p1 [sflag:s0], $0x22  }
0x258: {  	s3 =	sshll.u32 @!p1 s7, $0x11;
	s2 =	sadd.s32 @!p1 $0x11C3C, s2;
	[sflag:s0] =	ssyncset.done @!p1 $0x0  }
0x259: {  	[sflag:s0] =	ssyncadd.s32 @!p1 $0xFFFFFFDE;
	s0 =	sor.u32 @!p1 s3, s2  }
0x25a: {  	[sflag:s0] =	ssyncadd.remote.s32 @!p1 $0xFFFFFFFF;
	s0 =	simm.s32 $0x0  }
0x25b: {  	s0 =	simm.s32 $0xF219  }
0x25c: {  	v0 =	vld.msk [tilespmem:s0+$0x0], $0x1;
	_ =	sdelay $0x4  }
0x25d: {  	(v2sf) =	vpush v0, $0x0;
	_ =	sdelay $0xb  }
0x25e: {  	s31 =	sadd.s32 $0xFFFFFFFE, s6  }
0x25f: {  	s0 =	sadd.s32 $0xFFFFFFFF, s31  }
0x260: {  	p2 =	sne.s32 s0, $0x0  }
.Ltmp36:
0x261: {  	s2 =	spop (v2sf);
	(pc) =	sbr.rel @!p2 .LBB3_37-.Ltmp36, $4  }
0x262: {  	s4 =	simm.s32 $0xF2B8;
	s7 =	simm.s32 $0x0;
	p1 =	sgt.u32 s2, $0xC34F0  }
0x263: {  	s5 =	simm.s32 $0x0;
	s6 =	simm.s32 $0xF21A;
	s3 =	sand.u32 @!p1 $0xFFFF8, s2  }
0x264: {  	s2 =	sand.u32 @!p1 $0x7, s2;
	s7 =	simm.s32 @!p1 $0x200;
	s3 =	sadd.s32 @!p1 s1, s3  }
0x265: {  	[hbm4b:s3+s2] =	stream.linear.scatter @!p1 [tilespmem:s4], [sflag:$0x5], $0x80, $0x38;
	[tilespmem:$0x1F6F8] =	vst v63  }
.LBB3_36:
0x266: {  	v0 =	vld.msk [tilespmem:s6+$0x0], $0x1;
	s0 =	sadd.s32 $0xFFFFFFFF, s0;
	s5 =	sadd.s32 s5, s7  }
0x267: {  	p1 =	sne.s32 s0, $0x0;
	_ =	sdelay $0x3  }
0x268: {  	(v2sf) =	vpush v0, $0x0;
	_ =	sdelay $0xe  }
.Ltmp37:
0x269: {  	s2 =	spop (v2sf);
	(pc) =	sbr.rel @p1 .LBB3_36-.Ltmp37, $4  }
0x26a: {  	s7 =	simm.s32 $0x0;
	p2 =	sgt.u32 s2, $0xC34F0  }
0x26b: {  	s4 =	sadd.s32 $0x80, s4;
	s7 =	simm.s32 @!p2 $0x200;
	s3 =	sand.u32 @!p2 $0xFFFF8, s2  }
0x26c: {  	s6 =	sadd.s32 $0x1, s6;
	s2 =	sand.u32 @!p2 $0x7, s2;
	s3 =	sadd.s32 @!p2 s1, s3  }
0x26d: {  	[hbm4b:s3+s2] =	stream.linear.scatter @!p2 [tilespmem:s4], [sflag:$0x5], $0x80, $0x38;
	[tilespmem:$0x1F6F8] =	vst v63  }
.LBB3_37:
0x26e: {  	s0 =	sadd.s32 s5, s7  }
0x26f: {  	s0 =	sshrl.u32 s0, $0x2  }
.LBB3_38:
0x270: {  	s2 =	simm.s32 $0x5  }
0x271: {  	_ =	swait.ge [sflag:s2], s0  }
0x272: {  	s31 =	ssub.s32 $0x0, s0;
	[sflag:s2] =	ssyncset.done $0x0  }
0x273: {  	[sflag:s2] =	ssyncadd.s32 s31  }
0x274: {  	[sflag:s2] =	ssyncpa.u1 $0x1  }
.LBB3_39:
0x275: {  	s0 =	sor.u32 s15, s16  }
0x276: {  	p1 =	sne.s32 s0, $0x0  }
.Ltmp38:
0x277: {  	_ = 	snop;
	(pc) =	sbr.rel @p1 .LBB3_54-.Ltmp38, $3  }
0x278: {  	_ =	sdelay $0x1  }
0x279: {  	[bflag:$0x0] =	sbarrier.arrive $0xFFFF  }
0x27a: {  	_ =	sfence  }
0x27b: {  	s0 =	simm.s32 $0x7  }
0x27c: {  	s2 =	simm.s32 $0x1000;
	s3 =	simm.s32 $0xF218;
	[sflag:s0] =	ssyncpa.u1 $0x0  }
0x27d: {  	[tilespmem:s3], [sflag:$0x7] =	stream.linear.gather [spmem:s2], $0x20, $0x38;
	[tilespmem:$0x1F6F8] =	vst v63  }
0x27e: {  	s30 =	simm.s32 $0xF238;
	s2 =	simm.s32 $0x0  }
0x27f: {  	[tilespmem:s30], [sflag:$0x7] =	stream.linear.gather [spmem:s2], $0x1000, $0x38;
	[tilespmem:$0x1F6F8] =	vst v63  }
.Ltmp39:
0x280: {  	_ = 	snop;
	(pc) =	sbr.rel .LBB3_41-.Ltmp39, $4  }
0x281: {  	_ =	swait.ge [sflag:s0], $0x1020  }
0x282: {  	[sflag:s0] =	ssyncset.done $0x0  }
0x283: {  	s31 =	simm.s32 $0x8;
	[sflag:s0] =	ssyncadd.s32 $0xFFFFEFE0  }
0x284: {  	s3 =	simm.s32 $0x0;
	[sflag:s31] =	ssyncpa.u1 $0x0  }
.LBB3_47:
0x285: {  	p1 =	slt.u32 s4, $0xC34F1  }
0x286: {  	s0 =	sand.u32 @p1 $0xFFFF8, s4  }
0x287: {  	s4 =	sand.u32 @p1 $0x7, s4;
	s5 =	simm.s32 @p1 $0xF188;
	s0 =	sadd.s32 @p1 s1, s0  }
0x288: {  	[tilespmem:s5], [sflag:$0x8] =	stream.linear.gather @p1 [hbm4b:s0+s4], $0x80, $0x38;
	[tilespmem:$0x1F6F8] =	vst v63  }
0x289: {  	s0 =	simm.s32 @p1 $0x8  }
0x28a: {  	_ =	swait.ge @p1 [sflag:s0], $0x80  }
0x28b: {  	[sflag:s0] =	ssyncset.done @p1 $0x0  }
0x28c: {  	[sflag:s0] =	ssyncadd.s32 @p1 $0xFFFFFF80  }
0x28d: {  	v1 =	vld @p1 [tilespmem:$0xF188];
	_ =	sdelay $0x2  }
0x28e: {  	s0 =	sshll.u32 @p1 s3, $0x9  }
0x28f: {  	s4 =	sshrl.u32 @p1 s0, $0x2  }
0x290: {  	[tilespmem:s4+$0xF238] =	vst.add.f32.msk @p1 $0xffff, v1  }
0x291: {  	v1 =	vld @p1 [tilespmem:$0xF198];
	_ =	sdelay $0x4  }
0x292: {  	[tilespmem:s4+$0xF248] =	vst.add.f32.msk @p1 $0xffff, v1  }
0x293: {  	v1 =	vld @p1 [tilespmem:$0xF1A8];
	_ =	sdelay $0x4  }
0x294: {  	[tilespmem:s4+$0xF258] =	vst.add.f32.msk @p1 $0xffff, v1  }
0x295: {  	v1 =	vld @p1 [tilespmem:$0xF1B8];
	_ =	sdelay $0x4  }
0x296: {  	[tilespmem:s4+$0xF268] =	vst.add.f32.msk @p1 $0xffff, v1  }
0x297: {  	v1 =	vld @p1 [tilespmem:$0xF1C8];
	_ =	sdelay $0x4  }
0x298: {  	[tilespmem:s4+$0xF278] =	vst.add.f32.msk @p1 $0xffff, v1  }
0x299: {  	v1 =	vld @p1 [tilespmem:$0xF1D8];
	_ =	sdelay $0x4  }
0x29a: {  	[tilespmem:s4+$0xF288] =	vst.add.f32.msk @p1 $0xffff, v1  }
0x29b: {  	v1 =	vld @p1 [tilespmem:$0xF1E8];
	_ =	sdelay $0x4  }
0x29c: {  	[tilespmem:s4+$0xF298] =	vst.add.f32.msk @p1 $0xffff, v1  }
0x29d: {  	v1 =	vld @p1 [tilespmem:$0xF1F8];
	_ =	sdelay $0x3  }
0x29e: {  	s5 =	sshll.u32 @!p1 s3, $0x9  }
0x29f: {  	s5 =	smov.u32 @p1 s0;
	[tilespmem:s4+$0xF2A8] =	vst.add.f32.msk @p1 $0xffff, v1  }
0x2a0: {  	s0 =	sshrl.u32 s5, $0x2;
	[tilespmem:s2+$0xF218] =	vst.msk $0x1, v0  }
0x2a1: {  	v0 =	vld [tilespmem:s0+$0xF238];
	_ =	sdelay $0x2  }
0x2a2: {  	s31 =	sshll.u32 s2, $0x9  }
0x2a3: {  	s4 =	sshra.s32 s31, $0x2  }
0x2a4: {  	[tilespmem:s4+$0xF238] =	vst v0  }
0x2a5: {  	v0 =	vld [tilespmem:s0+$0xF248];
	_ =	sdelay $0x4  }
0x2a6: {  	[tilespmem:s4+$0xF248] =	vst v0  }
0x2a7: {  	v0 =	vld [tilespmem:s0+$0xF258];
	_ =	sdelay $0x4  }
0x2a8: {  	[tilespmem:s4+$0xF258] =	vst v0  }
0x2a9: {  	v0 =	vld [tilespmem:s0+$0xF268];
	_ =	sdelay $0x4  }
0x2aa: {  	[tilespmem:s4+$0xF268] =	vst v0  }
0x2ab: {  	v0 =	vld [tilespmem:s0+$0xF278];
	_ =	sdelay $0x4  }
0x2ac: {  	[tilespmem:s4+$0xF278] =	vst v0  }
0x2ad: {  	v0 =	vld [tilespmem:s0+$0xF288];
	_ =	sdelay $0x4  }
0x2ae: {  	[tilespmem:s4+$0xF288] =	vst v0  }
0x2af: {  	v0 =	vld [tilespmem:s0+$0xF298];
	_ =	sdelay $0x4  }
0x2b0: {  	[tilespmem:s4+$0xF298] =	vst v0  }
0x2b1: {  	v0 =	vld [tilespmem:s0+$0xF2A8];
	_ =	sdelay $0x4  }
0x2b2: {  	s2 =	sadd.s32 $0x1, s2;
	[tilespmem:s4+$0xF2A8] =	vst v0  }
.LBB3_48:
0x2b3: {  	s3 =	sadd.s32 $0x1, s3  }
0x2b4: {  	p1 =	sne.s32 s3, $0x20  }
.Ltmp40:
0x2b5: {  	_ = 	snop;
	(pc) =	sbr.rel @!p1 .LBB3_49-.Ltmp40, $1  }
0x2b6: {  	_ =	sdelay $0x3  }
.LBB3_41:
0x2b7: {  	v0 =	vld.msk [tilespmem:s3+$0xF218], $0x1;
	_ =	sdelay $0x4  }
0x2b8: {  	(v2sf) =	vpush v0, $0x0;
	_ =	sdelay $0xe  }
0x2b9: {  	s4 =	spop (v2sf)  }
0x2ba: {  	p1 =	seq.s32 s4, $0xFFFFFFFF  }
.Ltmp41:
0x2bb: {  	_ = 	snop;
	(pc) =	sbr.rel @p1 .LBB3_48-.Ltmp41, $1  }
0x2bc: {  	_ =	sdelay $0x3  }
0x2bd: {  	p1 =	slt.s32 s2, $0x1  }
.Ltmp42:
0x2be: {  	_ = 	snop;
	(pc) =	sbr.rel @p1 .LBB3_47-.Ltmp42, $1  }
0x2bf: {  	_ =	sdelay $0x3  }
0x2c0: {  	s5 =	simm.s32 $0xF218;
	p1 =	por $0x0, $0x0  }
0x2c1: {  	v1 =	vld.msk @!p1 [tilespmem:s5+$0x0], $0x1;
	_ =	sdelay $0x4  }
0x2c2: {  	(v2sf) =	vpush @!p1 v1, $0x0;
	_ =	sdelay $0xd  }
0x2c3: {  	p3 =	sne.s32 s2, $0x1  }
.Ltmp43:
0x2c4: {  	s0 =	spop @!p1 (v2sf);
	(pc) =	sbr.rel @!p3 .LBB3_45-.Ltmp43, $4  }
0x2c5: {  	p2 =	seq.s32 @!p1 s4, s0  }
0x2c6: {  	s6 =	simm.s32 $0x0;
	p2 =	por !p2, p1  }
0x2c7: {  	s7 =	simm.s32 $0xFFFFFFFF;
	s6 =	simm.s32 @p2 $0xFFFFFFFF  }
0x2c8: {  	s0 =	simm.s32 $0x1;
	s6 =	smov.u32 @p1 s7  }
.LBB3_44:
0x2c9: {  	s7 =	smov.u32 s6;
	p1 =	sne.s32 s6, $0xFFFFFFFF  }
0x2ca: {  	s5 =	sadd.s32 $0x1, s5;
	s6 =	smov.u32 s0;
	s0 =	sadd.s32 $0x1, s0  }
0x2cb: {  	p2 =	sne.s32 s2, s0;
	v1 =	vld.msk @!p1 [tilespmem:s5+$0x0], $0x1;
	_ =	sdelay $0x4  }
0x2cc: {  	(v2sf) =	vpush @!p1 v1, $0x0;
	_ =	sdelay $0xe  }
.Ltmp44:
0x2cd: {  	s8 =	spop @!p1 (v2sf);
	(pc) =	sbr.rel @p2 .LBB3_44-.Ltmp44, $4  }
0x2ce: {  	p3 =	seq.s32 @!p1 s4, s8  }
0x2cf: {  	p3 =	por !p3, p1  }
0x2d0: {  	s6 =	simm.s32 @p3 $0xFFFFFFFF  }
0x2d1: {  	s6 =	smov.u32 @p1 s7  }
.LBB3_45:
0x2d2: {  	p1 =	seq.s32 s6, $0xFFFFFFFF  }
.Ltmp45:
0x2d3: {  	_ = 	snop;
	(pc) =	sbr.rel @p1 .LBB3_47-.Ltmp45, $1  }
0x2d4: {  	_ =	sdelay $0x3  }
0x2d5: {  	s0 =	sshll.u32 s3, $0x7  }
0x2d6: {  	s0 =	sand.u32 $0x3FFFFF80, s0  }
0x2d7: {  	v0 =	vld [tilespmem:s0+$0xF238];
	_ =	sdelay $0x2  }
0x2d8: {  	s4 =	sshll.u32 s6, $0x9  }
0x2d9: {  	s4 =	sshra.s32 s4, $0x2  }
0x2da: {  	[tilespmem:s4+$0xF238] =	vst.add.f32.msk $0xffff, v0  }
0x2db: {  	v0 =	vld [tilespmem:s0+$0xF248];
	_ =	sdelay $0x4  }
0x2dc: {  	[tilespmem:s4+$0xF248] =	vst.add.f32.msk $0xffff, v0  }
0x2dd: {  	v0 =	vld [tilespmem:s0+$0xF258];
	_ =	sdelay $0x4  }
0x2de: {  	[tilespmem:s4+$0xF258] =	vst.add.f32.msk $0xffff, v0  }
0x2df: {  	v0 =	vld [tilespmem:s0+$0xF268];
	_ =	sdelay $0x4  }
0x2e0: {  	[tilespmem:s4+$0xF268] =	vst.add.f32.msk $0xffff, v0  }
0x2e1: {  	v0 =	vld [tilespmem:s0+$0xF278];
	_ =	sdelay $0x4  }
0x2e2: {  	[tilespmem:s4+$0xF278] =	vst.add.f32.msk $0xffff, v0  }
0x2e3: {  	v0 =	vld [tilespmem:s0+$0xF288];
	_ =	sdelay $0x4  }
0x2e4: {  	[tilespmem:s4+$0xF288] =	vst.add.f32.msk $0xffff, v0  }
0x2e5: {  	v0 =	vld [tilespmem:s0+$0xF298];
	_ =	sdelay $0x4  }
0x2e6: {  	[tilespmem:s4+$0xF298] =	vst.add.f32.msk $0xffff, v0  }
0x2e7: {  	v0 =	vld [tilespmem:s0+$0xF2A8]  }
.Ltmp46:
0x2e8: {  	_ = 	snop;
	(pc) =	sbr.rel .LBB3_48-.Ltmp46, $2  }
0x2e9: {  	_ =	sdelay $0x2  }
0x2ea: {  	[tilespmem:s4+$0xF2A8] =	vst.add.f32.msk $0xffff, v0  }
.LBB3_49:
0x2eb: {  	p1 =	slt.s32 s2, $0x1  }
.Ltmp47:
0x2ec: {  	_ = 	snop;
	(pc) =	sbr.rel @p1 .LBB3_53-.Ltmp47, $3  }
0x2ed: {  	_ =	sdelay $0x1  }
0x2ee: {  	s0 =	simm.s32 $0x8  }
0x2ef: {  	s3 =	simm.s32 $0x0;
	[sflag:s0] =	ssyncpa.u1 $0x1  }
0x2f0: {  	s0 =	simm.s32 $0xF218  }
0x2f1: {  	v0 =	vld.msk [tilespmem:s0+$0x0], $0x1;
	_ =	sdelay $0x4  }
0x2f2: {  	(v2sf) =	vpush v0, $0x0;
	_ =	sdelay $0xe  }
0x2f3: {  	s0 =	sadd.s32 $0xFFFFFFFF, s2;
	s5 =	spop (v2sf)  }
0x2f4: {  	p2 =	sne.s32 s0, $0x0;
	p1 =	sgt.u32 s5, $0xC34F0  }
.Ltmp48:
0x2f5: {  	s6 =	sand.u32 @!p1 $0xFFFF8, s5;
	(pc) =	sbr.rel @!p2 .LBB3_52-.Ltmp48, $4  }
0x2f6: {  	s4 =	simm.s32 $0xF238;
	s5 =	sand.u32 @!p1 $0x7, s5;
	s2 =	sadd.s32 @!p1 s1, s6  }
0x2f7: {  	[hbm4b:s2+s5] =	stream.linear.scatter @!p1 [tilespmem:s4], [sflag:$0x7], $0x80, $0x38;
	[tilespmem:$0x1F6F8] =	vst v63  }
0x2f8: {  	s5 =	simm.s32 $0x0  }
0x2f9: {  	s2 =	simm.s32 $0xF219;
	s5 =	simm.s32 @!p1 $0x200  }
.LBB3_51:
0x2fa: {  	v0 =	vld.msk [tilespmem:s2+$0x0], $0x1;
	s0 =	sadd.s32 $0xFFFFFFFF, s0;
	s3 =	sadd.s32 s3, s5  }
0x2fb: {  	p1 =	sne.s32 s0, $0x0;
	_ =	sdelay $0x3  }
0x2fc: {  	(v2sf) =	vpush v0, $0x0;
	_ =	sdelay $0xe  }
.Ltmp49:
0x2fd: {  	s6 =	spop (v2sf);
	(pc) =	sbr.rel @p1 .LBB3_51-.Ltmp49, $4  }
0x2fe: {  	s5 =	simm.s32 $0x0;
	p2 =	sgt.u32 s6, $0xC34F0  }
0x2ff: {  	s4 =	sadd.s32 $0x80, s4;
	s5 =	simm.s32 @!p2 $0x200;
	s7 =	sand.u32 @!p2 $0xFFFF8, s6  }
0x300: {  	s2 =	sadd.s32 $0x1, s2;
	s6 =	sand.u32 @!p2 $0x7, s6;
	s7 =	sadd.s32 @!p2 s1, s7  }
0x301: {  	[hbm4b:s7+s6] =	stream.linear.scatter @!p2 [tilespmem:s4], [sflag:$0x7], $0x80, $0x38;
	[tilespmem:$0x1F6F8] =	vst v63  }
.LBB3_52:
0x302: {  	s0 =	sadd.s32 s3, s5  }
0x303: {  	s3 =	sshrl.u32 s0, $0x2  }
.LBB3_53:
0x304: {  	s0 =	simm.s32 $0x7  }
0x305: {  	_ =	swait.ge [sflag:s0], s3  }
0x306: {  	s1 =	ssub.s32 $0x0, s3;
	[sflag:s0] =	ssyncset.done $0x0  }
0x307: {  	[sflag:s0] =	ssyncadd.s32 s1  }
0x308: {  	[sflag:s0] =	ssyncpa.u1 $0x1  }
.LBB3_54:
0x309: {  	_ =	sfence;
	s0 =	simm.s32 $0x1  }
0x30a: {  	[sflag:s0] =	ssyncpa.u1 $0x1  }
0x30b: {  	_ =	strace $0x9000005F  }
0x30c: {  	[bflag:$0x2] =	sbarrier.arrive $0xFFFF  }
0x30d: {  	s0 =	rddreg [dreg:$0x3]  }
0x30e: {  	s0 =	sadd.s32 @!p0 $0x100000, s0  }
0x30f: {  	[sflag:s0] =	ssyncadd.tile.s32 @!p0 $0x1;
	_ =	shalt  }
.Lfunc_end3:
_tile_overlayer_lowered:
.L_overlay_start_3:
0x310: {  	(tag) =	ssettag $0x3  }
0x311: {  	s0 =	rddreg [dreg:$0x0];
	s2 =	stileid.u32  }
0x312: {  	s1 =	rddreg [dreg:$0x1];
	p0 =	sne.s32 s2, $0x0  }
0x313: {  	s3 =	rddreg [dreg:$0x2];
	[bflag:$0x3] =	sbarrier.arrive $0xFFFF;
	s2 =	simm.s32 @!p0 $0x1C01  }
0x314: {  	[timem:s3], [sflag:s2] =	dma.local @!p0 [hbm:s0], s1  }
0x315: {  	s0 =	simm.s32 @!p0 $0x1  }
0x316: {  	_ =	swait.ge @!p0 [sflag:s0], s1  }
0x317: {  	s1 =	ssub.s32 @!p0 $0x0, s1;
	[sflag:s0] =	ssyncset.done @!p0 $0x0  }
0x318: {  	[sflag:s0] =	ssyncadd.s32 @!p0 s1  }
0x319: {  	[bflag:$0x3] =	sbarrier.arrive $0xFFFF  }
0x31a: {  	_ =	shalt  }

// kernel: scatter_offload_async_start
scs
__scs_entry_jumppad:
0x0: {  	(pc) =	sbr.rel $0x88, $3  }
0x1: {  	(tag) =	ssettag $0x0;
	lr =	simm.s32 $0x1  }
0x2: {  	[smem:$0x3F8B] =	sst lr;
	_ =	strace $0xD0000000  }
0x3: {  	_ = 	snop  }
0x4: {  	_ = 	snop  }
0x5: {  	_ = 	snop  }
0x6: {  	_ = 	snop  }
0x7: {  	_ = 	snop  }
__scs_overlays_trampoline_lowered:
0x8: {  	[smem:$0x3F9A] =	sst s0  }
0x9: {  	[smem:$0x3F9B] =	sst s1  }
0xa: {  	[smem:$0x3F9C] =	sst s2  }
0xb: {  	[smem:$0x3F9D] =	sst s3  }
0xc: {  	[smem:$0x3F9E] =	sst s4  }
0xd: {  	[smem:$0x3F9F] =	sst s5  }
0xe: {  	[smem:$0x3FA0] =	sst s6  }
0xf: {  	[smem:$0x3FA1] =	sst s7  }
0x10: {  	[smem:$0x3FA2] =	sst s8  }
0x11: {  	[smem:$0x3FA3] =	sst s9;
	s0 =	simm.s32 @!p0 $0x0  }
0x12: {  	s1 =	sld [smem:$0x3F89];
	s0 =	simm.s32 @p0 $0x1  }
0x13: {  	[smem:$0x3FA4] =	sst s0;
	s0 =	simm.s32 @!p1 $0x0  }
0x14: {  	s2 =	sld [smem:$0x3F88];
	s0 =	simm.s32 @p1 $0x1  }
0x15: {  	[smem:$0x3FA5] =	sst s0;
	s0 =	simm.s32 @!p2 $0x0  }
0x16: {  	s3 =	sld [smem:$0x3FDB];
	s0 =	simm.s32 @p2 $0x1  }
0x17: {  	s4 =	simm.s32 $0x1BF5;
	[smem:$0x3FA7] =	sst s0  }
0x18: {  	s0 =	sld [smem:$0x3F8A];
	_ =	swait.ge [sflag:s4], $0x0  }
0x19: {  	s7 =	sld [smem:$0x3F8B]  }
0x1a: {  	s8 =	sadd.s32 $0xFFFFE003, lr  }
0x1b: {  	s9 =	sadd.s32 $0xFFFFFEF7, lr;
	s5 =	simm.s32 $0xFFFFFFFF;
	p2 =	slt.u32 s8, $0xFFFFF086  }
0x1c: {  	p1 =	slt.u32 s9, $0xF7A;
	s5 =	simm.s32 @!p2 $0x0  }
0x1d: {  	s5 =	simm.s32 @p1 $0x1;
	p0 =	seq.s32 s7, s2  }
0x1e: {  	s7 =	smul.u32 @!p0 $0xF7A, s2;
	p2 =	seq.s32 @!p0 s5, $0x0  }
0x1f: {  	s9 =	smul.u32 $0xF7A, s1;
	s8 =	simm.s32 @!p0 $0x1BF5;
	p2 =	por !p2, p0  }
0x20: {  	[sflag:s8] =	ssyncset.s32 @!p0 $0xFFFFF086;
	s6 =	sadd.s32 @!p0 s3, s7;
	s7 =	simm.s32 @!p0 $0x108  }
0x21: {  	s3 =	sadd.s32 s3, s9;
	s6 =	sadd.s32 @!p0 $0x88, s6;
	s7 =	simm.s32 @p2 $0x1082  }
0x22: {  	[simem:s7], [sflag:s8] =	dma.local @!p0 [hbm:s6], $0xF7A  }
0x23: {  	s9 =	sor.u32 $0xD0000000, s2;
	s6 =	simm.s32 $0x108;
	_ =	swait.ge @!p0 [sflag:s8], $0x0  }
0x24: {  	s3 =	sadd.s32 $0x88, s3;
	s6 =	simm.s32 @!p1 $0x1082;
	[sflag:s4] =	ssyncset.s32 $0xFFFFF086  }
0x25: {  	[simem:s6], [sflag:s4] =	dma.local [hbm:s3], $0xF7A  }
0x26: {  	[smem:$0x3F8B] =	sst s1;
	(tag) =	ssettag s2;
	_ =	strace s9  }
0x27: {  	s1 =	sld [smem:$0x3F9B]  }
0x28: {  	s2 =	sld [smem:$0x3F9C]  }
0x29: {  	s4 =	sld [smem:$0x3F9E]  }
0x2a: {  	p0 =	seq.s32 s5, $0x0;
	s5 =	sld [smem:$0x3F9F]  }
0x2b: {  	s6 =	sld [smem:$0x3FA0]  }
0x2c: {  	s7 =	sld [smem:$0x3FA1]  }
0x2d: {  	s3 =	simm.s32 $0x108;
	s8 =	sld [smem:$0x3FA2]  }
0x2e: {  	s3 =	simm.s32 @!p0 $0x1082;
	s9 =	sld [smem:$0x3FA3]  }
0x2f: {  	lr =	sadd.s32 s0, s3;
	s0 =	sld [smem:$0x3F9A]  }
0x30: {  	s3 =	sld [smem:$0x3F9D]  }
0x31: {  	[smem:$0x3FA6] =	sst s10  }
0x32: {  	s10 =	sld [smem:$0x3FA4];
	_ =	sdelay $0x3  }
0x33: {  	p0 =	seq.s32 s10, $0x1;
	s10 =	sld [smem:$0x3FA6];
	_ =	sdelay $0x3  }
0x34: {  	[smem:$0x3FA6] =	sst s10  }
0x35: {  	s10 =	sld [smem:$0x3FA5];
	_ =	sdelay $0x3  }
0x36: {  	p1 =	seq.s32 s10, $0x1;
	s10 =	sld [smem:$0x3FA6];
	_ =	sdelay $0x3  }
0x37: {  	[smem:$0x3FA6] =	sst s10  }
0x38: {  	s10 =	sld [smem:$0x3FA7]  }
0x39: {  	_ = 	snop;
	(pc) =	sbr.ind lr, $3  }
0x3a: {  	_ = 	snop  }
0x3b: {  	_ = 	snop  }
0x3c: {  	p2 =	seq.s32 s10, $0x1;
	s10 =	sld [smem:$0x3FA6]  }
0x3d: {  	_ =	shalt  }
0x3e: {  	_ =	shalt  }
0x3f: {  	_ =	shalt  }
0x40: {  	_ =	shalt  }
0x41: {  	_ =	shalt  }
0x42: {  	_ =	shalt  }
0x43: {  	_ =	shalt  }
0x44: {  	_ =	shalt  }
0x45: {  	_ =	shalt  }
0x46: {  	_ =	shalt  }
0x47: {  	_ =	shalt  }
0x48: {  	_ =	shalt  }
0x49: {  	_ =	shalt  }
0x4a: {  	_ =	shalt  }
0x4b: {  	_ =	shalt  }
0x4c: {  	_ =	shalt  }
0x4d: {  	_ =	shalt  }
0x4e: {  	_ =	shalt  }
0x4f: {  	_ =	shalt  }
0x50: {  	_ =	shalt  }
0x51: {  	_ =	shalt  }
0x52: {  	_ =	shalt  }
0x53: {  	_ =	shalt  }
0x54: {  	_ =	shalt  }
0x55: {  	_ =	shalt  }
0x56: {  	_ =	shalt  }
0x57: {  	_ =	shalt  }
0x58: {  	_ =	shalt  }
0x59: {  	_ =	shalt  }
0x5a: {  	_ =	shalt  }
0x5b: {  	_ =	shalt  }
0x5c: {  	_ =	shalt  }
0x5d: {  	_ =	shalt  }
0x5e: {  	_ =	shalt  }
0x5f: {  	_ =	shalt  }
0x60: {  	_ =	shalt  }
0x61: {  	_ =	shalt  }
0x62: {  	_ =	shalt  }
0x63: {  	_ =	shalt  }
0x64: {  	_ =	shalt  }
0x65: {  	_ =	shalt  }
0x66: {  	_ =	shalt  }
0x67: {  	_ =	shalt  }
0x68: {  	_ =	shalt  }
0x69: {  	_ =	shalt  }
0x6a: {  	_ =	shalt  }
0x6b: {  	_ =	shalt  }
0x6c: {  	_ =	shalt  }
0x6d: {  	_ =	shalt  }
0x6e: {  	_ =	shalt  }
0x6f: {  	_ =	shalt  }
0x70: {  	_ =	shalt  }
0x71: {  	_ =	shalt  }
0x72: {  	_ =	shalt  }
0x73: {  	_ =	shalt  }
0x74: {  	_ =	shalt  }
0x75: {  	_ =	shalt  }
0x76: {  	_ =	shalt  }
0x77: {  	_ =	shalt  }
0x78: {  	_ =	shalt  }
0x79: {  	_ =	shalt  }
0x7a: {  	_ =	shalt  }
0x7b: {  	_ =	shalt  }
0x7c: {  	_ =	shalt  }
0x7d: {  	_ =	shalt  }
0x7e: {  	_ =	shalt  }
0x7f: {  	_ =	shalt  }
0x80: {  	_ =	shalt  }
0x81: {  	_ =	shalt  }
0x82: {  	_ =	shalt  }
0x83: {  	_ =	shalt  }
0x84: {  	_ =	shalt  }
0x85: {  	_ =	shalt  }
0x86: {  	_ =	shalt  }
0x87: {  	_ =	shalt  }
.Lfunc_end0:
.L_simem_size_0:
called_computation_lowered:
.L_overlay_start_0:
0x88: {  	s0 =	sld [smem:$0x3FD9]  }
0x89: {  	s1 =	sld [smem:$0x3FFE];
	_ =	sdelay $0x3  }
0x8a: {  	s0 =	sadd.s32 s1, s0  }
0x8b: {  	[smem:$0x3FB2] =	sst s0  }
0x8c: {  	_ = 	snop  }
0x8d: {  	(tm) =	ssettm $0x1  }
0x8e: {  	s14 =	sld [smem:$0x3FFB];
	_ =	sdelay $0x3  }
0x8f: {  	_ =	strace s14  }
0x90: {  	s0 =	sld [smem:$0x3FFC];
	_ =	sdelay $0x3  }
0x91: {  	_ =	strace s0  }
0x92: {  	s0 =	sld [smem:$0x3FFD];
	_ =	sdelay $0x3  }
0x93: {  	_ =	strace s0  }
0x94: {  	_ =	strace $0x8FFFFFFF  }
0x95: {  	s15 =	sld [smem:$0x3FDB];
	_ =	sdelay $0x1  }
0x96: {  	s16 =	simm.s32 $_scs_section_size  }
0x97: {  	s2 =	simm.s32 $_size__tile_overlayer_lowered;
	s3 =	simm.s32 $_tile_overlayer_lowered  }
0x98: {  	s4 =	simm.s32 $0x1BFF;
	s17 =	sshll.u32 s3, $0x1;
	s1 =	sadd.s32 s16, s15  }
0x99: {  	s18 =	simm.s32 $0x0;
	s2 =	sshll.u32 s2, $0x1;
	s3 =	sadd.s32 s17, s1  }
0x9a: {  	[timem:s18], [sflag:s4] =	dma.local [hbm:s3], s2  }
0x9b: {  	_ =	swait.ge [sflag:s4], s2  }
0x9c: {  	s2 =	ssub.s32 $0x0, s2;
	[sflag:s4] =	ssyncset.done $0x0  }
0x9d: {  	[sflag:s4] =	ssyncadd.s32 s2;
	_ =	sdelay $0x1  }
0x9e: {  	s19 =	simm.s32 $0x1B8B  }
0x9f: {  	_ =	swait.ge [sflag:s19], $0x1  }
0xa0: {  	[sflag:s19] =	ssyncset.done $0x0  }
0xa1: {  	s21 =	simm.s32 $0x1B8E;
	s20 =	sld [smem:$0x3FFE];
	[sflag:s19] =	ssyncadd.s32 $0xFFFFFFFF  }
0xa2: {  	s22 =	simm.s32 $execute0_lowered;
	[smem:$0x3FD2] =	sst s21  }
0xa3: {  	s3 =	sshll.u32 s22, $0x1;
	_ =	strace $0x80000046;
	[dreg:$0x1] =	wrdreg $0xFFFFFFFF  }
0xa4: {  	s23 =	simm.s32 $_size_execute0_lowered;
	s3 =	sadd.s32 s1, s3;
	[dreg:$0x0] =	wrdreg $0x0  }
0xa5: {  	s4 =	sshll.u32 s23, $0x1;
	[dreg:$0x2] =	wrdreg s3  }
0xa6: {  	[dreg:$0x3] =	wrdreg s4  }
0xa7: {  	[dreg:$0x4] =	wrdreg $0xC0  }
0xa8: {  	s24 =	simm.s32 $execute1_lowered;
	_ =	task [dreg:s18], $0x5FFFF  }
0xa9: {  	s3 =	sshll.u32 s24, $0x1;
	[dreg:$0x1] =	wrdreg $0xFFFFFFFF  }
0xaa: {  	s1 =	sadd.s32 s1, s3;
	[dreg:$0x0] =	wrdreg $0x60  }
0xab: {  	[dreg:$0x2] =	wrdreg s1  }
0xac: {  	[dreg:$0x3] =	wrdreg s20  }
0xad: {  	[dreg:$0x4] =	wrdreg $0x9  }
0xae: {  	_ =	task.clear_ibuf [dreg:s18], $0x5FFFF;
	_ =	strace $0x90000046  }
0xaf: {  	s25 =	simm.s32 $0x9;
	_ =	strace $0x80000048  }
0xb0: {  	_ =	swait.ge [sflag:s25], $0x1  }
0xb1: {  	[sflag:s25] =	ssyncadd.s32 $0xFFFFFFFF  }
0xb2: {  	_ =	strace $0x90000048  }
0xb3: {  	_ =	strace $0x80000049;
	[dreg:$0x1] =	wrdreg $0xFFFFFFFF  }
0xb4: {  	[dreg:$0x0] =	wrdreg $0x2030  }
0xb5: {  	[dreg:$0x2] =	wrdreg s20  }
0xb6: {  	[dreg:$0x3] =	wrdreg $0xA  }
0xb7: {  	_ =	task.clear_ibuf [dreg:s18], $0x4FFFF;
	_ =	strace $0x90000049  }
0xb8: {  	s26 =	simm.s32 $0xA;
	_ =	strace $0x8000004B  }
0xb9: {  	_ =	swait.ge [sflag:s26], $0x1  }
0xba: {  	[sflag:s26] =	ssyncadd.s32 $0xFFFFFFFF  }
0xbb: {  	_ =	strace $0x9000004B  }
0xbc: {  	_ =	sfence  }
0xbd: {  	s28 =	sld [smem:$0x0];
	_ =	sdelay $0x1  }
0xbe: {  	s29 =	srdreg.scid  }
0xbf: {  	s30 =	sshll.u32 s29, $0xD;
	s31 =	sshrl.u32 s29, $0x2  }
0xc0: {  	s2 =	sand.u32 $0x1, s29;
	s3 =	sand.u32 $0x4000, s30;
	s1 =	sadd.s32 s31, s28  }
0xc1: {  	s2 =	sor.u32 s3, s2;
	s1 =	sshll.u32 s1, $0x11  }
0xc2: {  	s1 =	sor.u32 s1, s2  }
0xc3: {  	s1 =	sadd.s32 $0x8F2B, s1  }
0xc4: {  	[sflag:s1] =	ssyncadd.remote.s32 $0x1  }
0xc5: {  	_ =	sfence.sel $0xFFFF  }
0xc6: {  	[dreg:$0x0] =	wrdreg $0xFFFFFFFF;
	(pc) =	sbr.abs _section_cstart, $3  }
0xc7: {  	[dreg:$0x1] =	wrdreg $0xFFFFFFFF  }
0xc8: {  	_ =	task.clear_ibuf [dreg:s18], $0x2FFFF;
	_ =	strace $0x9FFFFFFF  }
0xc9: {  	(tm) =	ssettm $0x7FFFFFFF  }
tec
execute0_lowered:
.L_overlay_start_1:
0x0: {  	(tag) =	ssettag $0x1  }
0x1: {  	s2 =	rddreg [dreg:$0x0]  }
0x2: {  	s4 =	rddreg [dreg:$0x1]  }
0x3: {  	s0 =	rddreg [dreg:$0x2];
	s3 =	stileid.u32  }
0x4: {  	[bflag:$0x3] =	sbarrier.arrive $0xFFFF;
	s1 =	simm.s32 $_size_execute1_lowered;
	p0 =	sne.s32 s3, $0x0  }
0x5: {  	s1 =	sshll.u32 s1, $0x1;
	s5 =	simm.s32 @!p0 $0x1C3F;
	s6 =	simm.s32 @!p0 $0x4060  }
0x6: {  	[timem:s6], [sflag:s5] =	dma.local @!p0 [hbm:s2], s1  }
0x7: {  	s2 =	smul.u32 $0xC40, s3  }
.Ltmp0:
0x8: {  	s31 =	simm.s32 $0x2;
	s7 =	simm.s32 $0xC40;
	(pc) =	sbr.rel .LBB2_1-.Ltmp0, $4  }
0x9: {  	s8 =	simm.s32 $0x24C0;
	s10 =	simm.s32 $0x0;
	s9 =	simm.s32 $0x0  }
0xa: {  	s3 =	simm.s32 $0x1;
	_ =	strace $0x80000047;
	s30 =	sshrl.u32 s2, $0x3  }
0xb: {  	s6 =	simm.s32 $0x0;
	[sflag:s3] =	ssyncpa.u1 $0x0;
	s5 =	sadd.s32 s30, s4  }
0xc: {  	s4 =	sadd.s32 $0x7F3800, s4;
	[sflag:s31] =	ssyncpa.u1 $0x0;
	s5 =	sadd.s32 $0x7F1E00, s5  }
.LBB2_9:
0xd: {  	p1 =	seq.s32 s9, $0x2  }
.Ltmp1:
0xe: {  	_ = 	snop;
	(pc) =	sbr.rel @p1 .LBB2_11-.Ltmp1, $1  }
0xf: {  	_ =	sdelay $0x3  }
.LBB2_10:
0x10: {  	s9 =	sadd.s32 $0x1, s9;
	s10 =	smov.u32 s2  }
.LBB2_1:
0x11: {  	p1 =	sne.s32 s9, $0x0  }
.Ltmp2:
0x12: {  	_ = 	snop;
	(pc) =	sbr.rel @!p1 .LBB2_2-.Ltmp2, $1  }
0x13: {  	_ =	sdelay $0x3  }
0x14: {  	s11 =	sand.u32 $0x1, s9  }
0x15: {  	p1 =	seq.s32 s11, $0x0  }
.Ltmp3:
0x16: {  	_ = 	snop;
	(pc) =	sbr.rel @p1 .LBB2_9-.Ltmp3, $1  }
0x17: {  	_ =	sdelay $0x3  }
0x18: {  	_ =	swait.ge [sflag:s3], $0xC40  }
0x19: {  	[sflag:s3] =	ssyncset.done $0x0  }
0x1a: {  	s16 =	simm.s32 $0xD30;
	[sflag:s3] =	ssyncadd.s32 $0xFFFFF3C0  }
0x1b: {  	v0 =	vld [tilespmem:s16+$0x0]  }
0x1c: {  	v1 =	vld [tilespmem:s16+$0xFFFFFF20]  }
0x1d: {  	v2 =	vld [tilespmem:s16+$0xFFFFFF30]  }
0x1e: {  	v3 =	vld [tilespmem:s16+$0xFFFFFF40]  }
0x1f: {  	s11 =	simm.s32 $0x25B0;
	v4 =	vld [tilespmem:s16+$0xFFFFFF50]  }
0x20: {  	v5 =	vld [tilespmem:s16+$0xFFFFFF60];
	[tilespmem:s11+$0x0] =	vst v0  }
0x21: {  	[tilespmem:s11+$0xFFFFFF20] =	vst v1;
	v0 =	vld [tilespmem:s16+$0xFFFFFF70]  }
0x22: {  	[tilespmem:s11+$0xFFFFFF30] =	vst v2;
	v1 =	vld [tilespmem:s16+$0xFFFFFF80]  }
0x23: {  	[tilespmem:s11+$0xFFFFFF40] =	vst v3;
	v2 =	vld [tilespmem:s16+$0xFFFFFF90]  }
0x24: {  	[tilespmem:s11+$0xFFFFFF50] =	vst v4;
	v3 =	vld [tilespmem:s16+$0xFFFFFFA0]  }
0x25: {  	[tilespmem:s11+$0xFFFFFF60] =	vst v5;
	v5 =	vld [tilespmem:s16+$0xFFFFFFB0]  }
0x26: {  	[tilespmem:s11+$0xFFFFFF70] =	vst v0;
	v0 =	vld [tilespmem:s16+$0xFFFFFFC0]  }
0x27: {  	[tilespmem:s11+$0xFFFFFF80] =	vst v1;
	v1 =	vld [tilespmem:s16+$0xFFFFFFD0]  }
0x28: {  	[tilespmem:s11+$0xFFFFFF90] =	vst v2;
	v2 =	vld [tilespmem:s16+$0xFFFFFFE0]  }
0x29: {  	s15 =	simm.s32 $0x0;
	s12 =	simm.s32 $0xBF0;
	[tilespmem:s11+$0xFFFFFFA0] =	vst v3;
	v3 =	vld [tilespmem:s16+$0xFFFFFFF0]  }
0x2a: {  	s13 =	simm.s32 $0x30C0;
	s14 =	simm.s32 $0x1840;
	v4 =	vld [tilespmem:s16+$0xFFFFFF10];
	[tilespmem:s11+$0xFFFFFFB0] =	vst v5;
	s16 =	simm.s32 $0xE30  }
.LBB2_5:
0x2b: {  	v5 =	vld [tilespmem:s16+$0x0];
	s15 =	sadd.s32 $0x100, s15;
	[tilespmem:s11+$0xFFFFFFC0] =	vst v0  }
0x2c: {  	v0 =	vld [tilespmem:s16+$0xFFFFFF20];
	p1 =	slt.u32 s15, $0xB00;
	[tilespmem:s11+$0xFFFFFFD0] =	vst v1  }
0x2d: {  	v1 =	vld [tilespmem:s16+$0xFFFFFF30];
	[tilespmem:s11+$0xFFFFFFE0] =	vst v2  }
0x2e: {  	v2 =	vld [tilespmem:s16+$0xFFFFFF40];
	[tilespmem:s11+$0xFFFFFFF0] =	vst v3  }
0x2f: {  	v3 =	vld [tilespmem:s16+$0xFFFFFF50];
	[tilespmem:s11+$0xFFFFFF10] =	vst v4;
	s11 =	sadd.s32 $0x100, s11  }
0x30: {  	v4 =	vld [tilespmem:s16+$0xFFFFFF60];
	[tilespmem:s11+$0x0] =	vst v5  }
0x31: {  	[tilespmem:s11+$0xFFFFFF20] =	vst v0;
	v0 =	vld [tilespmem:s16+$0xFFFFFF70]  }
0x32: {  	[tilespmem:s11+$0xFFFFFF30] =	vst v1;
	v1 =	vld [tilespmem:s16+$0xFFFFFF80]  }
0x33: {  	[tilespmem:s11+$0xFFFFFF40] =	vst v2;
	v2 =	vld [tilespmem:s16+$0xFFFFFF90]  }
0x34: {  	[tilespmem:s11+$0xFFFFFF50] =	vst v3;
	v3 =	vld [tilespmem:s16+$0xFFFFFFA0]  }
0x35: {  	[tilespmem:s11+$0xFFFFFF60] =	vst v4;
	v5 =	vld [tilespmem:s16+$0xFFFFFFB0]  }
.Ltmp4:
0x36: {  	[tilespmem:s11+$0xFFFFFF70] =	vst v0;
	v0 =	vld [tilespmem:s16+$0xFFFFFFC0];
	(pc) =	sbr.rel @p1 .LBB2_5-.Ltmp4, $4  }
0x37: {  	[tilespmem:s11+$0xFFFFFF80] =	vst v1;
	v1 =	vld [tilespmem:s16+$0xFFFFFFD0]  }
0x38: {  	[tilespmem:s11+$0xFFFFFF90] =	vst v2;
	v2 =	vld [tilespmem:s16+$0xFFFFFFE0]  }
0x39: {  	[tilespmem:s11+$0xFFFFFFA0] =	vst v3;
	v3 =	vld [tilespmem:s16+$0xFFFFFFF0]  }
0x3a: {  	v4 =	vld [tilespmem:s16+$0xFFFFFF10];
	[tilespmem:s11+$0xFFFFFFB0] =	vst v5;
	s16 =	sadd.s32 $0x100, s16  }
0x3b: {  	[tilespmem:s11+$0xFFFFFFC0] =	vst v0  }
0x3c: {  	[tilespmem:s11+$0xFFFFFFD0] =	vst v1  }
0x3d: {  	[tilespmem:s11+$0xFFFFFFE0] =	vst v2  }
0x3e: {  	[tilespmem:s11+$0xFFFFFFF0] =	vst v3  }
0x3f: {  	[tilespmem:s11+$0xFFFFFF10] =	vst v4  }
.LBB2_7:
0x40: {  	s12 =	sadd.s32 $0x10, s12  }
0x41: {  	v0 =	vld [tilespmem:s14+$0x0];
	p1 =	slt.u32 s12, $0xC30  }
.Ltmp5:
0x42: {  	_ = 	snop;
	(pc) =	sbr.rel @p1 .LBB2_7-.Ltmp5, $2  }
0x43: {  	_ =	sdelay $0x2  }
0x44: {  	s14 =	sadd.s32 $0x10, s14;
	[tilespmem:s13+$0x0] =	vst v0;
	s13 =	sadd.s32 $0x10, s13  }
.Ltmp6:
0x45: {  	(pc) =	sbr.rel .LBB2_9-.Ltmp6, $4  }
0x46: {  	_ = 	snop  }
0x47: {  	s10 =	sshrl.u32 s10, $0x3  }
0x48: {  	s10 =	sadd.s32 s4, s10  }
0x49: {  	[hbm4b:s10+s6] =	stream.linear.scatter [tilespmem:s8], [sflag:$0x2], $0xC40, $0x38;
	[tilespmem:$0x3100] =	vst v63  }
.LBB2_2:
.Ltmp7:
0x4a: {  	(pc) =	sbr.rel .LBB2_10-.Ltmp7, $2  }
0x4b: {  	_ =	sdelay $0x2  }
0x4c: {  	[tilespmem:s7], [sflag:$0x1] =	stream.linear.gather [hbm4b:s5+s6], $0xC40, $0x38;
	[tilespmem:$0x3100] =	vst v63  }
.LBB2_11:
0x4d: {  	s2 =	simm.s32 $0x2  }
0x4e: {  	_ =	swait.ge [sflag:s2], $0xC40  }
0x4f: {  	[sflag:s2] =	ssyncset.done $0x0  }
0x50: {  	[sflag:s2] =	ssyncadd.s32 $0xFFFFF3C0  }
0x51: {  	_ =	sfence.sel $0x180000  }
0x52: {  	s3 =	simm.s32 $0x1;
	[bflag:$0x0] =	sbarrier.arrive $0xFFFF  }
0x53: {  	[sflag:s3] =	ssyncpa.u1 $0x1  }
0x54: {  	[sflag:s2] =	ssyncpa.u1 $0x1  }
0x55: {  	_ =	strace $0x90000047  }
0x56: {  	s0 =	sadd.s32 @!p0 $0x100000, s0;
	[bflag:$0x2] =	sbarrier.arrive $0xFFFF  }
0x57: {  	[sflag:s0] =	ssyncadd.tile.s32 @!p0 $0x1;
	s0 =	simm.s32 @!p0 $0x3F  }
0x58: {  	_ =	swait.ge @!p0 [sflag:s0], s1  }
0x59: {  	s1 =	ssub.s32 @!p0 $0x0, s1;
	[sflag:s0] =	ssyncset.done @!p0 $0x0  }
0x5a: {  	[sflag:s0] =	ssyncadd.s32 @!p0 s1  }
0x5b: {  	[bflag:$0x3] =	sbarrier.arrive $0xFFFF  }
0x5c: {  	_ =	shalt  }
.Lfunc_end2:
execute1_lowered:
.L_overlay_start_2:
0x5d: {  	(tag) =	ssettag $0x2  }
0x5e: {  	s0 =	rddreg [dreg:$0x0];
	s14 =	stileid.u32  }
0x5f: {  	_ =	strace $0x8000004A;
	s2 =	simm.s32 $0x1;
	s1 =	smul.u32 $0x7, s14  }
0x60: {  	v1 =	vimm.s32 $0xFFFFFFFF;
	s3 =	smin.u32 s14, $0xD;
	[sflag:s2] =	ssyncpa.u1 $0x0  }
0x61: {  	[tilespmem:$0x10] =	vst v1;
	s1 =	sadd.s32 s3, s1  }
0x62: {  	v0 =	vimm.f32 $0.0e+00;
	p0 =	slt.u32 s14, $0xD;
	[tilespmem:$0x20] =	vst v1;
	s3 =	smul.u32 $0xFA0, s1;
	s1 =	simm.s32 $0x7D00  }
0x63: {  	[tilespmem:$0x30] =	vst v0;
	s1 =	simm.s32 @!p0 $0x6D60  }
0x64: {  	[tilespmem:$0x40] =	vst v0;
	s1 =	sadd.s32 s1, s3  }
0x65: {  	[tilespmem:$0x50] =	vst v0;
	s4 =	smin.u32 s1, $0x7A120  }
0x66: {  	[tilespmem:$0x60] =	vst v1;
	s9 =	ssub.s32 s4, s3  }
0x67: {  	s7 =	simm.s32 $0x2;
	s8 =	simm.s32 $0x8;
	[tilespmem:$0x70] =	vst v1;
	p0 =	sgt.s32 s9, $0x0  }
0x68: {  	s31 =	simm.s32 $0x9;
	s16 =	simm.s32 $0x0;
	[tilespmem:$0x80] =	vst v1;
	s9 =	simm.s32 @!p0 $0x0  }
0x69: {  	s17 =	simm.s32 $0xF0;
	s18 =	simm.s32 $0xFFFFFFFF;
	v1 =	vimm.s32 $0x0;
	[tilespmem:$0xB0] =	vst v0;
	s5 =	smulhi.u32 $0x10624DD3, s9  }
0x6a: {  	s19 =	simm.s32 $0xFFFFE1C0;
	s20 =	simm.s32 $0xFFFFFFFE;
	s21 =	simm.s32 $0xF;
	[tilespmem:$0x90] =	vst v1  }
0x6b: {  	[tilespmem:$0xA0] =	vst v1;
	[sflag:s7] =	ssyncpa.u1 $0x0;
	s7 =	simm.s32 $0x7;
	s10 =	sshrl.u32 s5, $0x8  }
0x6c: {  	s25 =	simm.s32 $0x0;
	[sflag:s7] =	ssyncpa.u1 $0x0;
	s11 =	smul.u32 $0xFA0, s10  }
0x6d: {  	s24 =	simm.s32 $0x0;
	s6 =	sadd.s32 $0x7E2800, s0;
	[sflag:s8] =	ssyncpa.u1 $0x0  }
.Ltmp8:
0x6e: {  	[sflag:s31] =	ssyncpa.u1 $0x0;
	p0 =	sne.s32 s9, s11;
	(pc) =	sbr.rel .LBB3_1-.Ltmp8, $4  }
0x6f: {  	s23 =	smov.u32 s3;
	s1 =	sadd.s32 $0x7F3800, s0;
	s2 =	simm.s32 @!p0 $0x0  }
0x70: {  	s5 =	sadd.s32 $0x7D3200, s0;
	p0 =	por $0x0, $0x0;
	s9 =	sadd.s32 s2, s10  }
0x71: {  	vm0 =	vmmov $0xffff;
	v2 =	vlaneseq.u32;
	s10 =	sshll.u32 s14, $0x1;
	s14 =	sshllo.u32 s14, $0x1;
	s11 =	sadd.s32 $0x1, s9  }
0x72: {  	vm1 =	vmxor vm1, vm1;
	vm2 =	vmmov $0x1;
	vm3 =	vcmask $0x3F3C;
	s12 =	sadd.s32 $0x2, s9;
	s13 =	sor.u32 $0x81, s10;
	s15 =	sor.u32 $0x80, s10  }
.LBB3_9:
0x73: {  	p1 =	slt.u32 s24, $0x3  }
0x74: {  	s0 =	simm.s32 @!p1 $0x2  }
0x75: {  	_ =	swait.ge @!p1 [sflag:s0], $0xFA0  }
0x76: {  	[sflag:s0] =	ssyncset.done @!p1 $0x0  }
0x77: {  	[sflag:s0] =	ssyncadd.s32 @!p1 $0xFFFFF060;
	s0 =	simm.s32 @!p1 $0x9  }
0x78: {  	_ =	swait.ge @!p1 [sflag:s0], $0x10  }
0x79: {  	[sflag:s0] =	ssyncset.done @!p1 $0x0  }
0x7a: {  	[sflag:s0] =	ssyncadd.s32 @!p1 $0xFFFFFFF0;
	p1 =	sne.s32 s24, s12  }
.Ltmp9:
0x7b: {  	s2 =	sadd.s32 $0xFA0, s23;
	(pc) =	sbr.rel @!p1 .LBB3_10-.Ltmp9, $4  }
0x7c: {  	s22 =	smov.u32 s3;
	s31 =	sadd.s32 $0x1, s24;
	s17 =	sadd.s32 $0xFA0, s17  }
0x7d: {  	s18 =	sadd.s32 $0x1, s18;
	s25 =	smov.u32 s23;
	p2 =	slt.s32 s2, s4  }
0x7e: {  	p0 =	por !p0, !p0;
	s19 =	sadd.s32 $0xFA0, s19;
	s22 =	smov.u32 @p2 s2  }
0x7f: {  	s20 =	sadd.s32 $0x1, s20;
	s23 =	smov.u32 s22;
	s24 =	smov.u32 s31  }
.LBB3_1:
0x80: {  	p1 =	sge.u32 s24, s9  }
0x81: {  	s0 =	smulhi.u32 @!p1 $0xAAAAAAAB, s24;
	_ =	sdelay $0x1  }
0x82: {  	s0 =	sshrl.u32 @!p1 s0, $0x1  }
0x83: {  	s0 =	smul.u32 @!p1 $0x3, s0;
	_ =	sdelay $0x1  }
0x84: {  	s0 =	ssub.s32 @!p1 s24, s0  }
0x85: {  	s0 =	smul.u32 @!p1 $0x3E80, s0;
	_ =	sdelay $0x1  }
0x86: {  	s2 =	sshrl.u32 @!p1 s23, $0x3;
	s0 =	sshrl.u32 @!p1 s0, $0x2  }
0x87: {  	s22 =	sand.u32 @!p1 $0x7, s23;
	s2 =	sadd.s32 @!p1 s5, s2;
	s0 =	sadd.s32 @!p1 $0x100, s0  }
0x88: {  	[tilespmem:s0], [sflag:$0x7] =	stream.linear.gather @!p1 [hbm4b:s2+s22], $0xFA0, $0x38;
	[tilespmem:$0x8DC0] =	vst v63  }
0x89: {  	s0 =	sadd.s32 $0xFFFFFFFF, s24  }
0x8a: {  	p1 =	sge.u32 s0, s9  }
.Ltmp10:
0x8b: {  	_ = 	snop;
	(pc) =	sbr.rel @p1 .LBB3_5-.Ltmp10, $1  }
0x8c: {  	_ =	sdelay $0x3  }
0x8d: {  	s2 =	smulhi.u32 $0xAAAAAAAB, s0;
	_ =	sdelay $0x1  }
0x8e: {  	s2 =	sshrl.u32 s2, $0x1  }
0x8f: {  	s2 =	smul.u32 $0x3, s2;
	_ =	sdelay $0x1  }
0x90: {  	s2 =	ssub.s32 s0, s2  }
0x91: {  	s2 =	smul.u32 $0x3E80, s2  }
0x92: {  	_ =	swait.ge [sflag:s7], $0xFA0  }
0x93: {  	[sflag:s7] =	ssyncset.done $0x0;
	s2 =	sshrl.u32 s2, $0x2  }
0x94: {  	[sflag:s7] =	ssyncadd.s32 $0xFFFFF060;
	(ifvalue) =	ssetifvalue $0xFFFFFFFF;
	v3 =	vld.msk [tilespmem:s2+$0x100 ss:$0x1], $0xffff;
	_ =	sdelay $0x2  }
0x95: {  	s30 =	smulhi.u32 $0xAAAAAAAB, s18;
	p1 =	sne.s32 s24, $0x1  }
0x96: {  	v4 =	vimm.s32 @!p1 $0x0  }
0x97: {  	s2 =	sshrl.u32 s30, $0x1;
	v4 =	vperm.xlane @!p1 v3, v4  }
0x98: {  	s22 =	sshll.u32 s24, $0x4;
	s2 =	smul.u32 $0xFFFF4480, s2;
	vm4 =	vlt.u32 v3, $0xC400  }
0x99: {  	s22 =	sand.u32 $0x10, s22;
	v3 =	vnsel vm4, $0xFFFFFFFE, v3;
	vm4 =	vlt.u32 @!p1 v4, $0xC400  }
0x9a: {  	s2 =	sshra.s32 s2, $0x2;
	[tilespmem:s22+$0x60] =	vst v3;
	v3 =	vnsel @!p1 vm4, $0xFFFFFFFE, v4  }
0x9b: {  	s28 =	sadd.s32 s2, s17;
	[tilespmem:$0x80] =	vst @!p1 v3  }
0x9c: {  	v3 =	vld.msk [tilespmem:s28+$0x0 ss:$0x1], $0xffff;
	_ =	sdelay $0x4  }
0x9d: {  	(xrf1) =	vunique.msk.u32 $0xffff, v3;
	_ =	sdelay $0xd  }
0x9e: {  	v4 =	vimm.s32 $0xFFFFFFFF;
	v5, _, _ =	vpop (xrf1)  }
0x9f: {  	vm5 =	vne.s32 v3, v4;
	vm4 =	veq.s32 v5, v2  }
0xa0: {  	vm6 =	vlt.u32 v3, $0xC400;
	vm4 =	vmand vm5, vm4  }
0xa1: {  	vm4 =	vmand vm6, vm4  }
0xa2: {  	v4 =	vnsel vm4, $0xFFFFFFFF, v3  }
0xa3: {  	s31 =	sand.u32 $0x1, s0  }
0xa4: {  	s0 =	simm.s32 $0xFA0;
	p1 =	seq.s32 s31, $0x1  }
0xa5: {  	s0 =	simm.s32 @!p1 $0x0  }
0xa6: {  	s26 =	sadd.s32 $0x3F70, s0;
	(ifvalue) =	ssetifvalue $0xFFFFFFFF  }
0xa7: {  	v3 =	vperm.xlane v3, v1;
	[tilespmem:s26], [sflag:$0x8] =	stream.indirect_vreg.gather [hbm4b:s1+s16], $0x1, v4, vm0, $0x4038;
	v4 =	vnsel vm6, $0xFFFFFFFE, v4;
	[tilespmem:$0x8DC0] =	vst v63  }
0xa8: {  	s2 =	simm.s32 $0x0;
	s22 =	sadd.s32 $0xFFFFFFF0, s28;
	[tilespmem:s28+$0x0] =	vst v4  }
.LBB3_3:
0xa9: {  	v4 =	vld.msk [tilespmem:s22+$0x0 ss:$0x1], $0xffff;
	s2 =	sadd.s32 $0x10, s2;
	v5 =	vmov v3;
	s28 =	smov.u32 s22  }
0xaa: {  	p1 =	slt.u32 s2, $0xF90;
	_ =	sdelay $0x4  }
0xab: {  	v3 =	vperm.xlane v4, v1;
	(xrf1) =	vunique.msk.u32 $0xffff, v4;
	_ =	sdelay $0xd  }
0xac: {  	v6, _, _ =	vpop (xrf1)  }
0xad: {  	vm5 =	vne.s32 v4, v5;
	vm4 =	veq.s32 v6, v2  }
0xae: {  	vm6 =	vlt.u32 v4, $0xC400;
	vm4 =	vmand vm5, vm4  }
0xaf: {  	vm4 =	vmand vm6, vm4  }
0xb0: {  	v4 =	vnsel vm4, $0xFFFFFFFF, v4  }
.Ltmp11:
0xb1: {  	v5 =	vnsel vm6, $0xFFFFFFFE, v4;
	(pc) =	sbr.rel @p1 .LBB3_3-.Ltmp11, $3  }
0xb2: {  	_ =	sdelay $0x1  }
0xb3: {  	s22 =	sadd.s32 $0xFFFFFFF0, s22;
	s26 =	sadd.s32 $0xFFFFFFF0, s26;
	(ifvalue) =	ssetifvalue $0xFFFFFFFF  }
0xb4: {  	[tilespmem:s26], [sflag:$0x8] =	stream.indirect_vreg.gather [hbm4b:s1+s16], $0x1, v4, vm0, $0x4038;
	[tilespmem:s28+$0x0] =	vst v5  }
0xb5: {  	s2 =	sshrl.u32 s25, $0x3  }
0xb6: {  	s0 =	sadd.s32 $0x4F20, s0;
	s2 =	sadd.s32 s6, s2  }
0xb7: {  	[tilespmem:s0], [sflag:$0x8] =	stream.linear.gather [hbm:s2], $0xFA0, $0x38;
	[tilespmem:$0x8DC0] =	vst v63  }
.LBB3_5:
0xb8: {  	p1 =	slt.u32 s24, $0x2  }
0xb9: {  	p2 =	sge.u32 @!p1 s24, s12  }
0xba: {  	p1 =	por p1, p2  }
.Ltmp12:
0xbb: {  	_ = 	snop;
	(pc) =	sbr.rel @p1 .LBB3_9-.Ltmp12, $1  }
0xbc: {  	_ =	sdelay $0x3  }
0xbd: {  	s0 =	sadd.s32 $0xFFFFFFFE, s24  }
0xbe: {  	s2 =	smulhi.u32 $0xAAAAAAAB, s0;
	_ =	sdelay $0x1  }
0xbf: {  	s2 =	sshrl.u32 s2, $0x1  }
0xc0: {  	s2 =	smul.u32 $0x3, s2;
	_ =	sdelay $0x1  }
0xc1: {  	s0 =	ssub.s32 s0, s2  }
0xc2: {  	_ =	swait.ge [sflag:s8], $0x1F40;
	s0 =	smul.u32 $0xFA0, s0  }
0xc3: {  	p1 =	sne.s32 s24, s11;
	[sflag:s8] =	ssyncset.done $0x0  }
0xc4: {  	[sflag:s8] =	ssyncadd.s32 $0xFFFFE0C0;
	s2 =	sadd.s32 @!p1 $0x109F, s0  }
0xc5: {  	[spmem:s13] =	stream.linear.scatter @!p1 [tilespmem:s2], [sflag:$0x1], $0x1, $0x38;
	[tilespmem:$0x8DC0] =	vst v63  }
0xc6: {  	s2 =	simm.s32 @!p1 $0x1  }
0xc7: {  	_ =	swait.ge @!p1 [sflag:s2], $0x1  }
0xc8: {  	s22 =	sshll.u32 s24, $0x4;
	[sflag:s2] =	ssyncset.done @!p1 $0x0  }
0xc9: {  	s25 =	sand.u32 $0x10, s22;
	[sflag:s2] =	ssyncadd.s32 @!p1 $0xFFFFFFFF  }
0xca: {  	s2 =	sxor.u32 $0x10, s25;
	v4 =	vld [tilespmem:s25+$0x10]  }
0xcb: {  	v5 =	vld [tilespmem:s2+$0x60]  }
0xcc: {  	v3 =	vld [tilespmem:$0x80];
	_ =	sdelay $0x2  }
0xcd: {  	(v2sf) =	vpush v4, $0x0  }
0xce: {  	(v2sf) =	vpush v5, $0x0  }
0xcf: {  	(v2sf) =	vpush v3, $0x0;
	_ =	sdelay $0xc  }
0xd0: {  	s22 =	spop (v2sf)  }
0xd1: {  	s26 =	spop (v2sf)  }
0xd2: {  	s28 =	spop (v2sf)  }
0xd3: {  	p2 =	seq.s32 s22, s26;
	p3 =	seq.s32 s28, s22  }
0xd4: {  	p3 =	por p2, p3  }
0xd5: {  	s26 =	sand.u32 $0x1, s24;
	v4 =	vpsel p3, $0xFFFFFFFF, v4  }
0xd6: {  	s29 =	smul.u32 $0xFA0, s26;
	[tilespmem:s25+$0x10] =	vst.msk $0x1, v4  }
0xd7: {  	v4 =	vld [tilespmem:$0x30]  }
0xd8: {  	v5 =	vld [tilespmem:s29+$0x4F20]  }
0xd9: {  	v6 =	vld [tilespmem:s25+$0x40];
	_ =	sdelay $0x3  }
0xda: {  	vm4 =	vmmov vm1;
	v5 =	vadd.f32 v5, v4  }
0xdb: {  	vm5 =	vmmov vm2;
	vm4 =	vmmov @p2 vm2;
	s22 =	sshll.u32 s26, $0x4;
	v4 =	vadd.f32 v6, v4  }
0xdc: {  	s26 =	sor.u32 $0x8DA0, s22;
	vm5 =	vmmov @p3 vm1;
	[tilespmem:s29+$0x4F20] =	vst.msk vm4, v5  }
0xdd: {  	[tilespmem:s26+$0x0] =	vst.msk vm5, v4  }
0xde: {  	v4 =	vld [tilespmem:s29+$0x3F70];
	_ =	sdelay $0x3  }
0xdf: {  	v5 =	vimm.f32 $0.0e+00  }
0xe0: {  	v4 =	vshift.insert v4, v5, s21  }
0xe1: {  	s22 =	sor.u32 $0x40, s2  }
0xe2: {  	[tilespmem:s22+$0x0] =	vst.msk $0x1, v4  }
0xe3: {  	[tilespmem:s29+$0x3F7F] =	vst.msk $0x1, v5  }
0xe4: {  	v4 =	vld [tilespmem:s0+$0x1090];
	_ =	sdelay $0x1  }
0xe5: {  	s22 =	smulhi.u32 $0xAAAAAAAB, s20;
	s0 =	simm.s32 $0x1  }
0xe6: {  	s0 =	simm.s32 @!p0 $0x0  }
0xe7: {  	s22 =	sshrl.u32 s22, $0x1;
	s0 =	smul.u32 $0x3E80, s0  }
0xe8: {  	s22 =	smul.u32 $0xFFFF4480, s22;
	v4 =	vshift.insert v4, v1, s21  }
0xe9: {  	s0 =	sshrl.u32 s0, $0x2  }
0xea: {  	s22 =	sshra.s32 s22, $0x2;
	s30 =	sadd.s32 $0x4F20, s0;
	[tilespmem:s2+$0x10] =	vst.msk $0x1, v4  }
0xeb: {  	s22 =	sadd.s32 s22, s19;
	v6 =	vld [tilespmem:s30+$0x0]  }
0xec: {  	v7 =	vld [tilespmem:s22+$0x0];
	_ =	sdelay $0x3  }
0xed: {  	v5 =	vadd.f32 v6, v5  }
0xee: {  	vm4 =	vne.s32 v7, $0xFFFFFFFF  }
0xef: {  	(xrf2) =	vadd.seg.scan.f32 vm4, v5;
	_ =	sdelay $0x3  }
0xf0: {  	s31 =	sadd.s32 $0x2FE0, s0;
	v5 =	vperm.xlane v4, v1  }
0xf1: {  	v6 =	vld [tilespmem:s31+$0x0]  }
0xf2: {  	vm5 =	veq.s32 v7, v3;
	vm6 =	veq.s32 v7, v5  }
0xf3: {  	vm7 =	vgt.u32 v7, $0xFFFFFFFD;
	vm6 =	vmor vm6, vm5  }
0xf4: {  	vm6 =	vmor vm6, vm7  }
0xf5: {  	v9 =	vld [tilespmem:$0xA0];
	v7 =	vsel vm6, $0xFFFFFFFF, v7  }
0xf6: {  	v10 =	vld [tilespmem:$0x90];
	v6 =	vsel vm5, $0x0, v6;
	v8, _, _ =	vpop (xrf2)  }
0xf7: {  	v6 =	vadd.f32 v8, v6  }
0xf8: {  	s0 =	sadd.s32 $0x6E60, s0  }
0xf9: {  	vm4 =	vmand vm4, vm3;
	[tilespmem:s0+$0x0] =	vst v6;
	(ifvalue) =	ssetifvalue $0xFFFFFFFF  }
0xfa: {  	vm6 =	veq.s32 v9, $0x1;
	[hbm4b:s1+s16] =	stream.indirect_vreg.scatter [tilespmem:s0], [sflag:$0x2], $0x1, v7, vm0, $0x4038;
	v7 =	vsel vm4, $0x0, v8;
	[tilespmem:$0x8DC0] =	vst v63  }
0xfb: {  	s2 =	simm.s32 $0x0;
	s22 =	sadd.s32 $0x10, s22;
	vm4 =	vmor vm6, vm5;
	v6 =	vsel vm5, v8, v10;
	v7 =	vshift.insert v7, v0, s21  }
.LBB3_7:
0xfc: {  	v8 =	vld [tilespmem:s22+$0x0];
	s30 =	sadd.s32 $0x10, s30  }
0xfd: {  	s31 =	sadd.s32 $0x10, s31;
	v9 =	vld [tilespmem:s30+$0x0]  }
0xfe: {  	s2 =	sadd.s32 $0x10, s2;
	v10 =	vld [tilespmem:s31+$0x0]  }
0xff: {  	p2 =	slt.u32 s2, $0xF90;
	_ =	sdelay $0x2  }
0x100: {  	v7 =	vadd.f32 v9, v7  }
0x101: {  	vm5 =	vne.s32 v8, $0xFFFFFFFF  }
0x102: {  	vm6 =	vmand vm5, vm3;
	(xrf2) =	vadd.seg.scan.f32 vm5, v7;
	_ =	sdelay $0x5  }
0x103: {  	vm7 =	veq.s32 v8, v5;
	vm5 =	veq.s32 v8, v3  }
0x104: {  	vm8 =	vgt.u32 v8, $0xFFFFFFFD;
	vm4 =	vmor vm4, vm5;
	vm7 =	vmor vm7, vm5  }
0x105: {  	vm7 =	vmor vm7, vm8  }
0x106: {  	v8 =	vsel vm7, $0xFFFFFFFF, v8  }
.Ltmp13:
0x107: {  	v7 =	vsel vm5, $0x0, v10;
	v9, _, _ =	vpop (xrf2);
	(pc) =	sbr.rel @p2 .LBB3_7-.Ltmp13, $4  }
0x108: {  	v6 =	vsel vm5, v9, v6;
	v10 =	vadd.f32 v9, v7;
	v7 =	vsel vm6, $0x0, v9  }
0x109: {  	s0 =	sadd.s32 $0x10, s0;
	v7 =	vshift.insert v7, v0, s21  }
0x10a: {  	s22 =	sadd.s32 $0x10, s22;
	[tilespmem:s0+$0x0] =	vst v10;
	(ifvalue) =	ssetifvalue $0xFFFFFFFF  }
0x10b: {  	[hbm4b:s1+s16] =	stream.indirect_vreg.scatter [tilespmem:s0], [sflag:$0x2], $0x1, v8, vm0, $0x4038;
	[tilespmem:$0x8DC0] =	vst v63  }
0x10c: {  	v3 =	vld [tilespmem:s29+$0x7DF0];
	_ =	sdelay $0x4  }
0x10d: {  	v3 =	vshift.insert v3, v0, s21  }
0x10e: {  	s0 =	simm.s32 $0x30  }
0x10f: {  	[tilespmem:s0+$0x0] =	vst.msk $0x1, v3  }
0x110: {  	v3 =	vsel vm4, $0x1, v1;
	[tilespmem:$0x90] =	vst v6  }
0x111: {  	s0 =	sadd.s32 @!p1 $0x7DFF, s29;
	[tilespmem:$0xA0] =	vst v3  }
0x112: {  	[spmem:s14] =	stream.linear.scatter @!p1 [tilespmem:s0], [sflag:$0x1], $0x1, $0x38;
	[tilespmem:$0x8DC0] =	vst v63  }
0x113: {  	s0 =	simm.s32 @!p1 $0x1  }
0x114: {  	v3 =	vmctz.xlane @!p1 vm4;
	_ =	swait.ge @!p1 [sflag:s0], $0x1  }
0x115: {  	(v2sf) =	vpush @!p1 v4, $0x0  }
0x116: {  	(v2sf) =	vpush @!p1 v3, $0x0;
	_ =	sdelay $0xd  }
0x117: {  	s2 =	spop @!p1 (v2sf)  }
0x118: {  	s22 =	spop @!p1 (v2sf)  }
0x119: {  	p2 =	sne.s32 @!p1 s28, s2;
	p3 =	slt.s32 @!p1 s22, $0xF  }
0x11a: {  	[sflag:s0] =	ssyncset.done @!p1 $0x0;
	p2 =	por p2, p1;
	p3 =	por !p3, p1  }
0x11b: {  	[sflag:s0] =	ssyncadd.s32 @!p1 $0xFFFFFFFF;
	v3 =	vimm.s32 @!p2 $0xFFFFFFFF;
	s22 =	simm.s32 @p3 $0xF  }
0x11c: {  	[tilespmem:$0x80] =	vst @!p2 v3;
	s2 =	sadd.s32 @!p1 $0x90, s22  }
0x11d: {  	[spmem:s10] =	stream.linear.scatter @!p1 [tilespmem:s2], [sflag:$0x1], $0x1, $0x38;
	[tilespmem:$0x8DC0] =	vst v63  }
0x11e: {  	_ =	swait.ge @!p1 [sflag:s0], $0x1  }
0x11f: {  	[sflag:s0] =	ssyncset.done @!p1 $0x0  }
0x120: {  	s2 =	simm.s32 @!p1 $0x80;
	[sflag:s0] =	ssyncadd.s32 @!p1 $0xFFFFFFFF  }
0x121: {  	[spmem:s15] =	stream.linear.scatter @!p1 [tilespmem:s2], [sflag:$0x1], $0x1, $0x38;
	[tilespmem:$0x8DC0] =	vst v63  }
0x122: {  	_ =	swait.ge @!p1 [sflag:s0], $0x1  }
0x123: {  	[sflag:s0] =	ssyncset.done @!p1 $0x0  }
0x124: {  	[sflag:s0] =	ssyncadd.s32 @!p1 $0xFFFFFFFF;
	(ifvalue) =	ssetifvalue $0xFFFFFFFF;
	v3 =	vld [tilespmem:s25+$0x10];
	_ =	sdelay $0x3  }
.Ltmp14:
0x125: {  	_ = 	snop;
	(pc) =	sbr.rel .LBB3_9-.Ltmp14, $3  }
0x126: {  	_ =	sdelay $0x1  }
0x127: {  	(ifvalue) =	ssetifvalue $0xFFFFFFFF  }
0x128: {  	[hbm4b:s1+s16] =	stream.indirect_vreg.scatter [tilespmem:s26], [sflag:$0x9], $0x1, v3, vm0, $0x4038;
	[tilespmem:$0x8DC0] =	vst v63  }
.LBB3_10:
0x129: {  	_ =	sfence.sel $0x180000  }
0x12a: {  	s0 =	simm.s32 $0x7;
	[bflag:$0x0] =	sbarrier.arrive $0xFFFF  }
0x12b: {  	s26 =	simm.s32 $0x8;
	[sflag:s0] =	ssyncpa.u1 $0x1  }
0x12c: {  	s28 =	simm.s32 $0x9;
	[sflag:s26] =	ssyncpa.u1 $0x1  }
0x12d: {  	[sflag:s28] =	ssyncpa.u1 $0x1  }
0x12e: {  	_ =	sfence.stream.spmem  }
0x12f: {  	s29 =	simm.s32 $0x3;
	[bflag:$0x0] =	sbarrier.arrive $0xFFFF  }
0x130: {  	s30 =	simm.s32 $0x4;
	[sflag:s29] =	ssyncpa.u1 $0x1  }
0x131: {  	s31 =	simm.s32 $0x3C;
	s2 =	stileid.u32;
	[sflag:s30] =	ssyncpa.u1 $0x1  }
0x132: {  	p0 =	sne.s32 s2, $0x0;
	[sflag:s31] =	ssyncpa.u1 $0x1  }
0x133: {  	s0 =	simm.s32 @p0 $0x1;
	_ =	sfence @p0  }
0x134: {  	[sflag:s0] =	ssyncpa.u1 @p0 $0x1;
	s0 =	simm.s32 @p0 $0x2  }
0x135: {  	[sflag:s0] =	ssyncpa.u1 @p0 $0x1  }
0x136: {  	_ =	strace @p0 $0x9000004A  }
0x137: {  	[bflag:$0x2] =	sbarrier.arrive @p0 $0xFFFF  }
0x138: {  	_ =	shalt @p0  }
.LBB3_11:
0x139: {  	_ =	sfence.stream.spmem;
	s0 =	simm.s32 $0x5  }
0x13a: {  	s2 =	simm.s32 $0x80;
	s3 =	simm.s32 $0xC0;
	[sflag:s0] =	ssyncpa.u1 $0x0  }
0x13b: {  	[tilespmem:s3], [sflag:$0x5] =	stream.linear.gather [spmem:s2], $0x20, $0x38;
	[tilespmem:$0x8DC0] =	vst v63  }
0x13c: {  	s2 =	simm.s32 $0x0;
	s3 =	simm.s32 $0xE0  }
0x13d: {  	[tilespmem:s3], [sflag:$0x5] =	stream.linear.gather [spmem:s2], $0x20, $0x38;
	[tilespmem:$0x8DC0] =	vst v63  }
.Ltmp15:
0x13e: {  	_ = 	snop;
	(pc) =	sbr.rel .LBB3_12-.Ltmp15, $4  }
0x13f: {  	_ =	swait.ge [sflag:s0], $0x40  }
0x140: {  	[sflag:s0] =	ssyncset.done $0x0  }
0x141: {  	s31 =	simm.s32 $0x6;
	[sflag:s0] =	ssyncadd.s32 $0xFFFFFFC0  }
0x142: {  	s4 =	simm.s32 $0x0;
	[sflag:s31] =	ssyncpa.u1 $0x0  }
.LBB3_17:
0x143: {  	p0 =	sgt.u32 s5, $0xC3FF  }
0x144: {  	s0 =	sshrl.u32 @!p0 s5, $0x3  }
0x145: {  	s5 =	sand.u32 @!p0 $0x7, s5;
	s6 =	simm.s32 @!p0 $0xB0;
	s0 =	sadd.s32 @!p0 s1, s0  }
0x146: {  	[tilespmem:s6], [sflag:$0x6] =	stream.linear.gather @!p0 [hbm4b:s0+s5], $0x1, $0x38;
	[tilespmem:$0x8DC0] =	vst v63  }
0x147: {  	s0 =	simm.s32 @!p0 $0x6  }
0x148: {  	_ =	swait.ge @!p0 [sflag:s0], $0x1  }
0x149: {  	[sflag:s0] =	ssyncset.done @!p0 $0x0  }
0x14a: {  	[sflag:s0] =	ssyncadd.s32 @!p0 $0xFFFFFFFF  }
0x14b: {  	v2 =	vmov @!p0 s4;
	v1 =	vld.msk @!p0 [tilespmem:$0xB0], $0x1;
	_ =	sdelay $0x3  }
0x14c: {  	s0 =	simm.s32 @!p0 $0xE0  }
0x14d: {  	[tilespmem:v2+s0+$0x0], v1 =	vst.idx.ret.add.f32.msk @!p0 $0x1, v1  }
0x14e: {  	[tilespmem:s2+$0xC0] =	vst.msk $0x1, v0  }
0x14f: {  	v0 =	vld.msk [tilespmem:s4+$0xE0], $0x1;
	_ =	sdelay $0x4  }
0x150: {  	[tilespmem:s2+$0xE0] =	vst.msk $0x1, v0;
	s2 =	sadd.s32 $0x1, s2  }
.LBB3_19:
0x151: {  	s4 =	sadd.s32 $0x1, s4  }
0x152: {  	p0 =	sne.s32 s4, $0x20  }
.Ltmp16:
0x153: {  	_ = 	snop;
	(pc) =	sbr.rel @!p0 .LBB3_20-.Ltmp16, $1  }
0x154: {  	_ =	sdelay $0x3  }
.LBB3_12:
0x155: {  	v0 =	vld.msk [tilespmem:s4+$0xC0], $0x1;
	_ =	sdelay $0x4  }
0x156: {  	(v2sf) =	vpush v0, $0x0;
	_ =	sdelay $0xe  }
0x157: {  	s5 =	spop (v2sf)  }
0x158: {  	p0 =	seq.s32 s5, $0xFFFFFFFF  }
.Ltmp17:
0x159: {  	_ = 	snop;
	(pc) =	sbr.rel @p0 .LBB3_19-.Ltmp17, $1  }
0x15a: {  	_ =	sdelay $0x3  }
0x15b: {  	p0 =	slt.s32 s2, $0x1  }
.Ltmp18:
0x15c: {  	_ = 	snop;
	(pc) =	sbr.rel @p0 .LBB3_17-.Ltmp18, $1  }
0x15d: {  	_ =	sdelay $0x3  }
0x15e: {  	s0 =	simm.s32 $0xC0;
	p0 =	por $0x0, $0x0  }
0x15f: {  	v1 =	vld.msk @!p0 [tilespmem:s0+$0x0], $0x1;
	_ =	sdelay $0x4  }
0x160: {  	(v2sf) =	vpush @!p0 v1, $0x0;
	_ =	sdelay $0xd  }
0x161: {  	p2 =	sne.s32 s2, $0x1  }
.Ltmp19:
0x162: {  	s6 =	spop @!p0 (v2sf);
	(pc) =	sbr.rel @!p2 .LBB3_16-.Ltmp19, $4  }
0x163: {  	p1 =	seq.s32 @!p0 s5, s6  }
0x164: {  	s6 =	simm.s32 $0x0;
	p1 =	por !p1, p0  }
0x165: {  	s8 =	simm.s32 $0xFFFFFFFF;
	s6 =	simm.s32 @p1 $0xFFFFFFFF  }
0x166: {  	s7 =	simm.s32 $0x1;
	s6 =	smov.u32 @p0 s8  }
.LBB3_15:
0x167: {  	s8 =	smov.u32 s6;
	p0 =	sne.s32 s6, $0xFFFFFFFF  }
0x168: {  	s0 =	sadd.s32 $0x1, s0;
	s6 =	smov.u32 s7;
	s7 =	sadd.s32 $0x1, s7  }
0x169: {  	p1 =	sne.s32 s2, s7;
	v1 =	vld.msk @!p0 [tilespmem:s0+$0x0], $0x1;
	_ =	sdelay $0x4  }
0x16a: {  	(v2sf) =	vpush @!p0 v1, $0x0;
	_ =	sdelay $0xe  }
.Ltmp20:
0x16b: {  	s9 =	spop @!p0 (v2sf);
	(pc) =	sbr.rel @p1 .LBB3_15-.Ltmp20, $4  }
0x16c: {  	p2 =	seq.s32 @!p0 s5, s9  }
0x16d: {  	p2 =	por !p2, p0  }
0x16e: {  	s6 =	simm.s32 @p2 $0xFFFFFFFF  }
0x16f: {  	s6 =	smov.u32 @p0 s8  }
.LBB3_16:
0x170: {  	p0 =	sne.s32 s6, $0xFFFFFFFF  }
.Ltmp21:
0x171: {  	_ = 	snop;
	(pc) =	sbr.rel @!p0 .LBB3_17-.Ltmp21, $1  }
0x172: {  	_ =	sdelay $0x3  }
0x173: {  	v0 =	vld.msk [tilespmem:s4+$0xE0], $0x1;
	v1 =	vmov s6  }
.Ltmp22:
0x174: {  	_ = 	snop;
	(pc) =	sbr.rel .LBB3_19-.Ltmp22, $2  }
0x175: {  	_ =	sdelay $0x2  }
0x176: {  	[tilespmem:v1+s3+$0x0], v0 =	vst.idx.ret.add.f32.msk $0x1, v0  }
.LBB3_20:
0x177: {  	p0 =	slt.s32 s2, $0x1  }
.Ltmp23:
0x178: {  	_ = 	snop;
	(pc) =	sbr.rel @p0 .LBB3_24-.Ltmp23, $3  }
0x179: {  	_ =	sdelay $0x1  }
0x17a: {  	s0 =	simm.s32 $0x6  }
0x17b: {  	s3 =	simm.s32 $0x0;
	[sflag:s0] =	ssyncpa.u1 $0x1  }
0x17c: {  	s0 =	simm.s32 $0xC0  }
0x17d: {  	v0 =	vld.msk [tilespmem:s0+$0x0], $0x1;
	_ =	sdelay $0x4  }
0x17e: {  	(v2sf) =	vpush v0, $0x0;
	_ =	sdelay $0xe  }
0x17f: {  	s2 =	sadd.s32 $0xFFFFFFFF, s2;
	s4 =	spop (v2sf)  }
0x180: {  	p1 =	sne.s32 s2, $0x0;
	p0 =	sgt.u32 s4, $0xC3FF  }
.Ltmp24:
0x181: {  	s5 =	sshrl.u32 @!p0 s4, $0x3;
	(pc) =	sbr.rel @!p1 .LBB3_23-.Ltmp24, $4  }
0x182: {  	s0 =	simm.s32 $0xE0;
	s4 =	sand.u32 @!p0 $0x7, s4;
	s5 =	sadd.s32 @!p0 s1, s5  }
0x183: {  	[hbm4b:s5+s4] =	stream.linear.scatter @!p0 [tilespmem:s0], [sflag:$0x5], $0x1, $0x38;
	[tilespmem:$0x8DC0] =	vst v63  }
0x184: {  	s5 =	simm.s32 $0x0  }
0x185: {  	s4 =	simm.s32 $0xC1;
	s5 =	simm.s32 @!p0 $0x4  }
.LBB3_22:
0x186: {  	v0 =	vld.msk [tilespmem:s4+$0x0], $0x1;
	s2 =	sadd.s32 $0xFFFFFFFF, s2;
	s3 =	sadd.s32 s3, s5  }
0x187: {  	p0 =	sne.s32 s2, $0x0;
	_ =	sdelay $0x3  }
0x188: {  	(v2sf) =	vpush v0, $0x0;
	_ =	sdelay $0xe  }
.Ltmp25:
0x189: {  	s6 =	spop (v2sf);
	(pc) =	sbr.rel @p0 .LBB3_22-.Ltmp25, $4  }
0x18a: {  	s5 =	simm.s32 $0x0;
	p1 =	sgt.u32 s6, $0xC3FF  }
0x18b: {  	s0 =	sadd.s32 $0x1, s0;
	s5 =	simm.s32 @!p1 $0x4;
	s7 =	sshrl.u32 @!p1 s6, $0x3  }
0x18c: {  	s4 =	sadd.s32 $0x1, s4;
	s6 =	sand.u32 @!p1 $0x7, s6;
	s7 =	sadd.s32 @!p1 s1, s7  }
0x18d: {  	[hbm4b:s7+s6] =	stream.linear.scatter @!p1 [tilespmem:s0], [sflag:$0x5], $0x1, $0x38;
	[tilespmem:$0x8DC0] =	vst v63  }
.LBB3_23:
0x18e: {  	s0 =	sadd.s32 s3, s5  }
0x18f: {  	s3 =	sshrl.u32 s0, $0x2  }
.LBB3_24:
0x190: {  	s0 =	simm.s32 $0x5  }
0x191: {  	_ =	swait.ge [sflag:s0], s3  }
0x192: {  	s1 =	ssub.s32 $0x0, s3;
	[sflag:s0] =	ssyncset.done $0x0  }
0x193: {  	[sflag:s0] =	ssyncadd.s32 s1  }
0x194: {  	[sflag:s0] =	ssyncpa.u1 $0x1  }
0x195: {  	s29 =	simm.s32 $0x1;
	_ =	sfence  }
0x196: {  	s30 =	simm.s32 $0x2;
	[sflag:s29] =	ssyncpa.u1 $0x1  }
0x197: {  	[sflag:s30] =	ssyncpa.u1 $0x1  }
0x198: {  	_ =	strace $0x9000004A  }
0x199: {  	[bflag:$0x2] =	sbarrier.arrive $0xFFFF  }
0x19a: {  	s31 =	rddreg [dreg:$0x1]  }
0x19b: {  	s0 =	sadd.s32 $0x100000, s31  }
0x19c: {  	[sflag:s0] =	ssyncadd.tile.s32 $0x1;
	_ =	shalt  }
.Lfunc_end3:
_tile_overlayer_lowered:
.L_overlay_start_3:
0x19d: {  	(tag) =	ssettag $0x3  }
0x19e: {  	s0 =	rddreg [dreg:$0x0];
	s2 =	stileid.u32  }
0x19f: {  	s1 =	rddreg [dreg:$0x1];
	p0 =	sne.s32 s2, $0x0  }
0x1a0: {  	s3 =	rddreg [dreg:$0x2];
	[bflag:$0x3] =	sbarrier.arrive $0xFFFF;
	s2 =	simm.s32 @!p0 $0x1C01  }
0x1a1: {  	[timem:s3], [sflag:s2] =	dma.local @!p0 [hbm:s0], s1  }
0x1a2: {  	s0 =	simm.s32 @!p0 $0x1  }
0x1a3: {  	_ =	swait.ge @!p0 [sflag:s0], s1  }
0x1a4: {  	s1 =	ssub.s32 @!p0 $0x0, s1;
	[sflag:s0] =	ssyncset.done @!p0 $0x0  }
0x1a5: {  	[sflag:s0] =	ssyncadd.s32 @!p0 s1  }
0x1a6: {  	[bflag:$0x3] =	sbarrier.arrive $0xFFFF  }
0x1a7: {  	_ =	shalt  }

</sc_bundles>
